<compile_context>
chip_gen: v7x
topology: tpu7x:2x2x1
jax: 0.10.2.dev20260603
libtpu: 0.0.44.dev20260713+nightly
codegen_flags: <defaults>
</compile_context>

<pallas_src>
import jax
import jax.numpy as jnp
from jax import lax
from jax.experimental import pallas as pl
from jax.experimental.pallas import tpu as pltpu
from jax.experimental.pallas import tpu_sc as plsc

_N = 10000
_E = 320000
_D = 128
_CHUNK = 64
_NC = 2
_NS = 16
_NW = _NC * _NS
_E_PAD = 327680
_EPW = _E_PAD // _NW
_NACC = 10112
_RPT = _NACC // _NS


_EPH = _EPW // 2
_CPH = _EPH // _CHUNK
_G = 4
_DEPTH = 3
_NGRP = _CPH // _G


def _spmm_body(z_hbm, src_hbm, dst_hbm, zeros_hbm, out_hbm,
               src_v, dst_v, didx0, didx1, didx2, didx3,
               rows0, rows1, rows2, rows3, acc,
               gsem0, gsem1, gsem2, gsem3, ssem0, ssem1, ssem2, ssem3):
    rows = (rows0, rows1, rows2, rows3)
    didx = (didx0, didx1, didx2, didx3)
    gsem = (gsem0, gsem1, gsem2, gsem3)
    ssem = (ssem0, ssem1, ssem2, ssem3)
    c = lax.axis_index("c")
    s = lax.axis_index("s")
    wid = s * _NC + c

    def stage(h):
        pltpu.sync_copy(src_hbm.at[pl.ds(wid * _EPW + h * _EPH, _EPH)],
                        src_v)
        pltpu.sync_copy(dst_hbm.at[pl.ds(wid * _EPW + h * _EPH, _EPH)],
                        dst_v)

    pltpu.sync_copy(zeros_hbm, acc.at[pl.ds(s * _RPT, _RPT)])
    stage(0)
    plsc.subcore_barrier()

    def copy_didx(lch, b):
        for k in range(_CHUNK // 16):
            didx[b][pl.ds(k * 16, 16)] = dst_v[pl.ds(lch * _CHUNK + k * 16,
                                                     16)]

    def fire_gather(lch, b):
        pltpu.async_copy(z_hbm.at[src_v.at[pl.ds(lch * _CHUNK, _CHUNK)]],
                         rows[b], gsem[b])

    def wait_gather(lch, b):
        pltpu.make_async_copy(z_hbm.at[src_v.at[pl.ds(lch * _CHUNK,
                                                      _CHUNK)]],
                              rows[b], gsem[b]).wait()

    def fire_scatter(b):
        pltpu.async_copy(rows[b], acc.at[didx[b]], ssem[b], add=True)

    def wait_scatter(b):
        pltpu.make_async_copy(rows[b], acc.at[didx[b]], ssem[b]).wait()

    def run_half(first):
        for j in range(_G):
            if not first:
                wait_scatter(j)
            copy_didx(j, j)
            fire_gather(j, j)
            if j >= _DEPTH:
                wait_gather(j - _DEPTH, j - _DEPTH)
                fire_scatter(j - _DEPTH)

        @pl.loop(1, _NGRP)
        def _(g):
            for b in range(_G):
                k = g * _G + b
                wait_scatter(b)
                copy_didx(k, b)
                fire_gather(k, b)
                bd = (b + _G - _DEPTH) % _G
                wait_gather(k - _DEPTH, bd)
                fire_scatter(bd)

        for j in range(_CPH - _DEPTH, _CPH):
            bd = j % _G
            wait_gather(j, bd)
            fire_scatter(bd)

    run_half(True)
    stage(1)
    run_half(False)

    for b in range(_G):
        wait_scatter(b)

    plsc.subcore_barrier()
    pltpu.sync_copy(acc.at[pl.ds(s * _RPT, _RPT)],
                    out_hbm.at[c, pl.ds(s * _RPT, _RPT)])


_spmm = pl.kernel(
    _spmm_body,
    out_type=jax.ShapeDtypeStruct((_NC, _NACC, _D), jnp.float32),
    mesh=plsc.VectorSubcoreMesh(core_axis_name="c", subcore_axis_name="s",
                                num_cores=_NC, num_subcores=_NS),
    scratch_types=[
        pltpu.VMEM((_EPH,), jnp.int32),
        pltpu.VMEM((_EPH,), jnp.int32),
        pltpu.VMEM((_CHUNK,), jnp.int32),
        pltpu.VMEM((_CHUNK,), jnp.int32),
        pltpu.VMEM((_CHUNK,), jnp.int32),
        pltpu.VMEM((_CHUNK,), jnp.int32),
        pltpu.VMEM((_CHUNK, _D), jnp.float32),
        pltpu.VMEM((_CHUNK, _D), jnp.float32),
        pltpu.VMEM((_CHUNK, _D), jnp.float32),
        pltpu.VMEM((_CHUNK, _D), jnp.float32),
        pltpu.VMEM_SHARED((_NACC, _D), jnp.float32),
    ] + [pltpu.SemaphoreType.DMA] * (2 * _G),
)


def _mm_first_body(y_ref, w_ref, b_ref, o_ref):
    o_ref[...] = lax.dot_general(
        y_ref[...], w_ref[...], (((1,), (1,)), ((), ())),
        preferred_element_type=jnp.float32) + b_ref[...]


_mm_first = pl.pallas_call(
    _mm_first_body,
    out_shape=jax.ShapeDtypeStruct((_N, _D), jnp.float32),
)


def _mm_mid_body(p_ref, w_ref, b_ref, o_ref):
    x = jnp.maximum(p_ref[0, :_N] + p_ref[1, :_N], 0.0)
    o_ref[...] = lax.dot_general(
        x, w_ref[...], (((1,), (1,)), ((), ())),
        preferred_element_type=jnp.float32) + b_ref[...]


_mm_mid = pl.pallas_call(
    _mm_mid_body,
    out_shape=jax.ShapeDtypeStruct((_N, _D), jnp.float32),
)


def _sum_body(p_ref, o_ref):
    o_ref[...] = p_ref[0, :_N] + p_ref[1, :_N]


_sum_partials = pl.pallas_call(
    _sum_body,
    out_shape=jax.ShapeDtypeStruct((_N, _D), jnp.float32),
)


def kernel(t, y, edge_index, W1, b1, W2, b2, W3, b3):
    epw_real = _E // _NW
    npad = _EPW - epw_real
    w = jnp.arange(_NW, dtype=jnp.int32)[:, None]
    i = jnp.arange(npad, dtype=jnp.int32)[None, :]
    pad_s = (w * 313 + i * 41) % _N
    pad_d = _N + (w % _NS) * 7 + i % 7
    src = jnp.concatenate(
        [edge_index[0].reshape(_NW, epw_real), pad_s], axis=1).reshape(-1)
    dst = jnp.concatenate(
        [edge_index[1].reshape(_NW, epw_real), pad_d], axis=1).reshape(-1)
    zeros = jnp.zeros((_RPT, _D), jnp.float32)

    z = _mm_first(y, W1, b1.reshape(1, _D))
    p = _spmm(z, src, dst, zeros)
    z = _mm_mid(p, W2, b2.reshape(1, _D))
    p = _spmm(z, src, dst, zeros)
    z = _mm_mid(p, W3, b3.reshape(1, _D))
    p = _spmm(z, src, dst, zeros)
    return _sum_partials(p)

# --- scband reference (transcript-rebuilt; emitter-appended) ---
"""Pipeline reference for scband-gnn-maker-16707422781847 (READ-ONLY COPY).

The authoritative reference and input builder live on the scoring server;
editing this copy changes nothing except your own understanding.
"""

import jax, jax.numpy as jnp
import numpy as np

N = 10000
E = 320000
D = 128
HID = 128
OUT = 128


def setup_inputs(seed: int = 0) -> dict:
    key = jax.random.key(seed)
    ks = jax.random.split(key, 8)
    t = jnp.zeros((1,), dtype=jnp.float32)
    y = jax.random.normal(ks[0], (N, D), dtype=jnp.float32)
    edge_index = jax.random.randint(ks[1], (2, E), 0, N, dtype=jnp.int32)
    # GNNlayer params: nn.Linear weight init normal(0, 0.1), bias zeros
    W1 = 0.1 * jax.random.normal(ks[2], (HID, D), dtype=jnp.float32)
    b1 = jnp.zeros((HID,), dtype=jnp.float32)
    W2 = 0.1 * jax.random.normal(ks[3], (HID, HID), dtype=jnp.float32)
    b2 = jnp.zeros((HID,), dtype=jnp.float32)
    W3 = 0.1 * jax.random.normal(ks[4], (OUT, HID), dtype=jnp.float32)
    b3 = jnp.zeros((OUT,), dtype=jnp.float32)
    return {"t": t, "y": y, "edge_index": edge_index,
            "W1": W1, "b1": b1, "W2": W2, "b2": b2, "W3": W3, "b3": b3}


def reference(t, y, edge_index, W1, b1, W2, b2, W3, b3):
    # GNN_maker with type='GCN', acts=['relu','relu','relu']:
    #   GNNlayer(in,hid) -> ReLU -> GNNlayer(hid,hid) -> ReLU -> GNNlayer(hid,out)
    # GNNlayer: h = Linear(feat); update_all(copy_u('h','m'), sum('m','h'))
    # i.e. out[v] = sum over edges (u->v) of h[u]; isolated nodes get 0.
    src = edge_index[0]
    dst = edge_index[1]

    def gnn_layer(feat, W, b):
        h = feat @ W.T + b
        msgs = jnp.take(h, src, axis=0)          # gather per-edge source features
        return jax.ops.segment_sum(msgs, dst, num_segments=N)  # scatter-add to dst

    h = gnn_layer(y.astype(jnp.float32), W1, b1)
    h = jax.nn.relu(h)
    h = gnn_layer(h, W2, b2)
    h = jax.nn.relu(h)
    h = gnn_layer(h, W3, b3)
    return h

if __name__ == "__main__":
    import jax
    _d = setup_inputs()
    print(jax.jit(kernel)(*tuple(_d.values())))

</pallas_src>

<mosaic_0001>
#map = affine_map<(d0, d1) -> (0, 0)>
#map1 = affine_map<(d0, d1) -> (0)>
#map2 = affine_map<(d0, d1) -> (0, 0, 0)>
module attributes {stable_mosaic.version = 14 : i64} {
  func.func @_spmm_body(%arg0: i32, %arg1: i32, %arg2: memref<10000x128xf32, #tpu.memory_space<hbm>>, %arg3: memref<327680xi32, #tpu.memory_space<hbm>>, %arg4: memref<327680xi32, #tpu.memory_space<hbm>>, %arg5: memref<632x128xf32, #tpu.memory_space<hbm>>, %arg6: memref<2x10112x128xf32, #tpu.memory_space<hbm>>, %arg7: memref<5120xi32, #tpu.memory_space<vmem>>, %arg8: memref<5120xi32, #tpu.memory_space<vmem>>, %arg9: memref<64xi32, #tpu.memory_space<vmem>>, %arg10: memref<64xi32, #tpu.memory_space<vmem>>, %arg11: memref<64xi32, #tpu.memory_space<vmem>>, %arg12: memref<64xi32, #tpu.memory_space<vmem>>, %arg13: memref<64x128xf32, #tpu.memory_space<vmem>>, %arg14: memref<64x128xf32, #tpu.memory_space<vmem>>, %arg15: memref<64x128xf32, #tpu.memory_space<vmem>>, %arg16: memref<64x128xf32, #tpu.memory_space<vmem>>, %arg17: memref<10112x128xf32, #tpu.memory_space<vmem_shared>>, %arg18: memref<!tpu.dma_semaphore, #tpu.memory_space<semaphore_mem>>, %arg19: memref<!tpu.dma_semaphore, #tpu.memory_space<semaphore_mem>>, %arg20: memref<!tpu.dma_semaphore, #tpu.memory_space<semaphore_mem>>, %arg21: memref<!tpu.dma_semaphore, #tpu.memory_space<semaphore_mem>>, %arg22: memref<!tpu.dma_semaphore, #tpu.memory_space<semaphore_mem>>, %arg23: memref<!tpu.dma_semaphore, #tpu.memory_space<semaphore_mem>>, %arg24: memref<!tpu.dma_semaphore, #tpu.memory_space<semaphore_mem>>, %arg25: memref<!tpu.dma_semaphore, #tpu.memory_space<semaphore_mem>>) attributes {dimension_semantics = [#tpu.dimension_semantics<core_parallel>, #tpu.dimension_semantics<subcore_parallel>], iteration_bounds = array<i64: 2, 16>, scalar_prefetch = 0 : i64, scratch_operands = 19 : i64, tpu.core_type = #tpu.core_type<sc_vector_subcore>, window_params = [{transform_indices = #map}, {transform_indices = #map1}, {transform_indices = #map1}, {transform_indices = #map}, {transform_indices = #map2}]} {
    %mul3A = arith.constant 2 : i32
    %mul3A_0 = arith.muli %arg1, %mul3A : i32
    %add3A = arith.addi %mul3A_0, %arg0 : i32
    %mul3A_1 = arith.constant 632 : i32
    %mul3A_2 = arith.muli %arg1, %mul3A_1 : i32
    "tpu.region"() ({
      %run_scoped3A = tpu.sem_alloc : memref<!tpu.dma_semaphore, #tpu.memory_space<semaphore_mem>>
      %dma_start3A_381 = arith.constant 0 : i32
      %dma_start3A_382 = tpu.memref_slice %arg17[%mul3A_2, %dma_start3A_381] : memref<10112x128xf32, #tpu.memory_space<vmem_shared>> -> memref<632x128xf32, #tpu.memory_space<vmem_shared>>
      tpu.enqueue_dma source(%arg5 : memref<632x128xf32, #tpu.memory_space<hbm>>) target(%dma_start3A_382 : memref<632x128xf32, #tpu.memory_space<vmem_shared>>) target_semaphore(%run_scoped3A : memref<!tpu.dma_semaphore, #tpu.memory_space<semaphore_mem>>)
      %dma_wait3A_383 = arith.constant 0 : i32
      %dma_wait3A_384 = tpu.memref_slice %arg17[%mul3A_2, %dma_wait3A_383] : memref<10112x128xf32, #tpu.memory_space<vmem_shared>> -> memref<632x128xf32, #tpu.memory_space<vmem_shared>>
      tpu.wait_dma2 semaphore(%run_scoped3A : memref<!tpu.dma_semaphore, #tpu.memory_space<semaphore_mem>>) src(%arg5 : memref<632x128xf32, #tpu.memory_space<hbm>>) dst(%dma_wait3A_384 : memref<632x128xf32, #tpu.memory_space<vmem_shared>>)
      tpu.yield
    }) : () -> ()
    %mul3A_3 = arith.constant 10240 : i32
    %mul3A_4 = arith.muli %add3A, %mul3A_3 : i32
    %add3A_5 = arith.constant 0 : i32
    %add3A_6 = arith.addi %mul3A_4, %add3A_5 : i32
    "tpu.region"() ({
      %run_scoped3A = tpu.sem_alloc : memref<!tpu.dma_semaphore, #tpu.memory_space<semaphore_mem>>
      %dma_start3A_381 = tpu.memref_slice %arg3[%add3A_6] : memref<327680xi32, #tpu.memory_space<hbm>> -> memref<5120xi32, #tpu.memory_space<hbm>>
      %dma_start3A_382 = tpu.memref_slice %arg3[%add3A_6] : memref<327680xi32, #tpu.memory_space<hbm>> -> memref<5120xi32, #tpu.memory_space<hbm>>
      tpu.enqueue_dma source(%dma_start3A_382 : memref<5120xi32, #tpu.memory_space<hbm>>) target(%arg7 : memref<5120xi32, #tpu.memory_space<vmem>>) target_semaphore(%run_scoped3A : memref<!tpu.dma_semaphore, #tpu.memory_space<semaphore_mem>>)
      %dma_wait3A_383 = tpu.memref_slice %arg3[%add3A_6] : memref<327680xi32, #tpu.memory_space<hbm>> -> memref<5120xi32, #tpu.memory_space<hbm>>
      %dma_wait3A_384 = tpu.memref_slice %arg3[%add3A_6] : memref<327680xi32, #tpu.memory_space<hbm>> -> memref<5120xi32, #tpu.memory_space<hbm>>
      tpu.wait_dma2 semaphore(%run_scoped3A : memref<!tpu.dma_semaphore, #tpu.memory_space<semaphore_mem>>) src(%dma_wait3A_384 : memref<5120xi32, #tpu.memory_space<hbm>>) dst(%arg7 : memref<5120xi32, #tpu.memory_space<vmem>>)
      tpu.yield
    }) : () -> ()
    %mul3A_7 = arith.constant 10240 : i32
    %mul3A_8 = arith.muli %add3A, %mul3A_7 : i32
    %add3A_9 = arith.constant 0 : i32
    %add3A_10 = arith.addi %mul3A_8, %add3A_9 : i32
    "tpu.region"() ({
      %run_scoped3A = tpu.sem_alloc : memref<!tpu.dma_semaphore, #tpu.memory_space<semaphore_mem>>
      %dma_start3A_381 = tpu.memref_slice %arg4[%add3A_10] : memref<327680xi32, #tpu.memory_space<hbm>> -> memref<5120xi32, #tpu.memory_space<hbm>>
      %dma_start3A_382 = tpu.memref_slice %arg4[%add3A_10] : memref<327680xi32, #tpu.memory_space<hbm>> -> memref<5120xi32, #tpu.memory_space<hbm>>
      tpu.enqueue_dma source(%dma_start3A_382 : memref<5120xi32, #tpu.memory_space<hbm>>) target(%arg8 : memref<5120xi32, #tpu.memory_space<vmem>>) target_semaphore(%run_scoped3A : memref<!tpu.dma_semaphore, #tpu.memory_space<semaphore_mem>>)
      %dma_wait3A_383 = tpu.memref_slice %arg4[%add3A_10] : memref<327680xi32, #tpu.memory_space<hbm>> -> memref<5120xi32, #tpu.memory_space<hbm>>
      %dma_wait3A_384 = tpu.memref_slice %arg4[%add3A_10] : memref<327680xi32, #tpu.memory_space<hbm>> -> memref<5120xi32, #tpu.memory_space<hbm>>
      tpu.wait_dma2 semaphore(%run_scoped3A : memref<!tpu.dma_semaphore, #tpu.memory_space<semaphore_mem>>) src(%dma_wait3A_384 : memref<5120xi32, #tpu.memory_space<hbm>>) dst(%arg8 : memref<5120xi32, #tpu.memory_space<vmem>>)
      tpu.yield
    }) : () -> ()
    %barrier3A = arith.constant 0 : index
    tpu.barrier barrier_id(%barrier3A)
    %get3A = arith.constant 0 : index
    %get3A_11 = tpu.vector_load %arg8[%get3A] {strides = array<i32>} : memref<5120xi32, #tpu.memory_space<vmem>>, vector<16xi32>,
    %get3A_12 = vector.shape_cast %get3A_11 : vector<16xi32> to vector<16xi32>
    %swap3A = arith.constant 0 : index
    %swap3A_13 = tpu.vector_load %arg9[%swap3A] {strides = array<i32>} : memref<64xi32, #tpu.memory_space<vmem>>, vector<16xi32>,
    %swap3A_14 = vector.shape_cast %swap3A_13 : vector<16xi32> to vector<16xi32>
    %swap3A_15 = vector.shape_cast %get3A_12 : vector<16xi32> to vector<16xi32>
    tpu.vector_store %arg9[%swap3A], %swap3A_15 {strides = array<i32>} : memref<64xi32, #tpu.memory_space<vmem>>, vector<16xi32>,
    %get3A_16 = arith.constant 16 : index
    %get3A_17 = tpu.vector_load %arg8[%get3A_16] {strides = array<i32>} : memref<5120xi32, #tpu.memory_space<vmem>>, vector<16xi32>,
    %get3A_18 = vector.shape_cast %get3A_17 : vector<16xi32> to vector<16xi32>
    %swap3A_19 = arith.constant 16 : index
    %swap3A_20 = tpu.vector_load %arg9[%swap3A_19] {strides = array<i32>} : memref<64xi32, #tpu.memory_space<vmem>>, vector<16xi32>,
    %swap3A_21 = vector.shape_cast %swap3A_20 : vector<16xi32> to vector<16xi32>
    %swap3A_22 = vector.shape_cast %get3A_18 : vector<16xi32> to vector<16xi32>
    tpu.vector_store %arg9[%swap3A_19], %swap3A_22 {strides = array<i32>} : memref<64xi32, #tpu.memory_space<vmem>>, vector<16xi32>,
    %get3A_23 = arith.constant 32 : index
    %get3A_24 = tpu.vector_load %arg8[%get3A_23] {strides = array<i32>} : memref<5120xi32, #tpu.memory_space<vmem>>, vector<16xi32>,
    %get3A_25 = vector.shape_cast %get3A_24 : vector<16xi32> to vector<16xi32>
    %swap3A_26 = arith.constant 32 : index
    %swap3A_27 = tpu.vector_load %arg9[%swap3A_26] {strides = array<i32>} : memref<64xi32, #tpu.memory_space<vmem>>, vector<16xi32>,
    %swap3A_28 = vector.shape_cast %swap3A_27 : vector<16xi32> to vector<16xi32>
    %swap3A_29 = vector.shape_cast %get3A_25 : vector<16xi32> to vector<16xi32>
    tpu.vector_store %arg9[%swap3A_26], %swap3A_29 {strides = array<i32>} : memref<64xi32, #tpu.memory_space<vmem>>, vector<16xi32>,
    %get3A_30 = arith.constant 48 : index
    %get3A_31 = tpu.vector_load %arg8[%get3A_30] {strides = array<i32>} : memref<5120xi32, #tpu.memory_space<vmem>>, vector<16xi32>,
    %get3A_32 = vector.shape_cast %get3A_31 : vector<16xi32> to vector<16xi32>
    %swap3A_33 = arith.constant 48 : index
    %swap3A_34 = tpu.vector_load %arg9[%swap3A_33] {strides = array<i32>} : memref<64xi32, #tpu.memory_space<vmem>>, vector<16xi32>,
    %swap3A_35 = vector.shape_cast %swap3A_34 : vector<16xi32> to vector<16xi32>
    %swap3A_36 = vector.shape_cast %get3A_32 : vector<16xi32> to vector<16xi32>
    tpu.vector_store %arg9[%swap3A_33], %swap3A_36 {strides = array<i32>} : memref<64xi32, #tpu.memory_space<vmem>>, vector<16xi32>,
    %dma_start3A = arith.constant 0 : i32
    %dma_start3A_37 = tpu.memref_slice %arg7[%dma_start3A] : memref<5120xi32, #tpu.memory_space<vmem>> -> memref<64xi32, #tpu.memory_space<vmem>>
    %dma_start3A_38 = arith.constant 0 : i32
    %dma_start3A_39 = arith.constant 0 : i32
    %dma_start3A_40 = tpu.memref_slice %arg2[%dma_start3A_38, %dma_start3A_39] : memref<10000x128xf32, #tpu.memory_space<hbm>> -> memref<10000x128xf32, #tpu.memory_space<hbm>>
    tpu.enqueue_indirect_dma source(%dma_start3A_40 : memref<10000x128xf32, #tpu.memory_space<hbm>>) target(%arg13 : memref<64x128xf32, #tpu.memory_space<vmem>>) offsets(%dma_start3A_37 : memref<64xi32, #tpu.memory_space<vmem>>) semaphore(%arg18 : memref<!tpu.dma_semaphore, #tpu.memory_space<semaphore_mem>>)
    %get3A_41 = arith.constant 64 : index
    %get3A_42 = tpu.vector_load %arg8[%get3A_41] {strides = array<i32>} : memref<5120xi32, #tpu.memory_space<vmem>>, vector<16xi32>,
    %get3A_43 = vector.shape_cast %get3A_42 : vector<16xi32> to vector<16xi32>
    %swap3A_44 = arith.constant 0 : index
    %swap3A_45 = tpu.vector_load %arg10[%swap3A_44] {strides = array<i32>} : memref<64xi32, #tpu.memory_space<vmem>>, vector<16xi32>,
    %swap3A_46 = vector.shape_cast %swap3A_45 : vector<16xi32> to vector<16xi32>
    %swap3A_47 = vector.shape_cast %get3A_43 : vector<16xi32> to vector<16xi32>
    tpu.vector_store %arg10[%swap3A_44], %swap3A_47 {strides = array<i32>} : memref<64xi32, #tpu.memory_space<vmem>>, vector<16xi32>,
    %get3A_48 = arith.constant 80 : index
    %get3A_49 = tpu.vector_load %arg8[%get3A_48] {strides = array<i32>} : memref<5120xi32, #tpu.memory_space<vmem>>, vector<16xi32>,
    %get3A_50 = vector.shape_cast %get3A_49 : vector<16xi32> to vector<16xi32>
    %swap3A_51 = arith.constant 16 : index
    %swap3A_52 = tpu.vector_load %arg10[%swap3A_51] {strides = array<i32>} : memref<64xi32, #tpu.memory_space<vmem>>, vector<16xi32>,
    %swap3A_53 = vector.shape_cast %swap3A_52 : vector<16xi32> to vector<16xi32>
    %swap3A_54 = vector.shape_cast %get3A_50 : vector<16xi32> to vector<16xi32>
    tpu.vector_store %arg10[%swap3A_51], %swap3A_54 {strides = array<i32>} : memref<64xi32, #tpu.memory_space<vmem>>, vector<16xi32>,
    %get3A_55 = arith.constant 96 : index
    %get3A_56 = tpu.vector_load %arg8[%get3A_55] {strides = array<i32>} : memref<5120xi32, #tpu.memory_space<vmem>>, vector<16xi32>,
    %get3A_57 = vector.shape_cast %get3A_56 : vector<16xi32> to vector<16xi32>
    %swap3A_58 = arith.constant 32 : index
    %swap3A_59 = tpu.vector_load %arg10[%swap3A_58] {strides = array<i32>} : memref<64xi32, #tpu.memory_space<vmem>>, vector<16xi32>,
    %swap3A_60 = vector.shape_cast %swap3A_59 : vector<16xi32> to vector<16xi32>
    %swap3A_61 = vector.shape_cast %get3A_57 : vector<16xi32> to vector<16xi32>
    tpu.vector_store %arg10[%swap3A_58], %swap3A_61 {strides = array<i32>} : memref<64xi32, #tpu.memory_space<vmem>>, vector<16xi32>,
    %get3A_62 = arith.constant 112 : index
    %get3A_63 = tpu.vector_load %arg8[%get3A_62] {strides = array<i32>} : memref<5120xi32, #tpu.memory_space<vmem>>, vector<16xi32>,
    %get3A_64 = vector.shape_cast %get3A_63 : vector<16xi32> to vector<16xi32>
    %swap3A_65 = arith.constant 48 : index
    %swap3A_66 = tpu.vector_load %arg10[%swap3A_65] {strides = array<i32>} : memref<64xi32, #tpu.memory_space<vmem>>, vector<16xi32>,
    %swap3A_67 = vector.shape_cast %swap3A_66 : vector<16xi32> to vector<16xi32>
    %swap3A_68 = vector.shape_cast %get3A_64 : vector<16xi32> to vector<16xi32>
    tpu.vector_store %arg10[%swap3A_65], %swap3A_68 {strides = array<i32>} : memref<64xi32, #tpu.memory_space<vmem>>, vector<16xi32>,
    %dma_start3A_69 = arith.constant 64 : i32
    %dma_start3A_70 = tpu.memref_slice %arg7[%dma_start3A_69] : memref<5120xi32, #tpu.memory_space<vmem>> -> memref<64xi32, #tpu.memory_space<vmem>>
    %dma_start3A_71 = arith.constant 0 : i32
    %dma_start3A_72 = arith.constant 0 : i32
    %dma_start3A_73 = tpu.memref_slice %arg2[%dma_start3A_71, %dma_start3A_72] : memref<10000x128xf32, #tpu.memory_space<hbm>> -> memref<10000x128xf32, #tpu.memory_space<hbm>>
    tpu.enqueue_indirect_dma source(%dma_start3A_73 : memref<10000x128xf32, #tpu.memory_space<hbm>>) target(%arg14 : memref<64x128xf32, #tpu.memory_space<vmem>>) offsets(%dma_start3A_70 : memref<64xi32, #tpu.memory_space<vmem>>) semaphore(%arg19 : memref<!tpu.dma_semaphore, #tpu.memory_space<semaphore_mem>>)
    %get3A_74 = arith.constant 128 : index
    %get3A_75 = tpu.vector_load %arg8[%get3A_74] {strides = array<i32>} : memref<5120xi32, #tpu.memory_space<vmem>>, vector<16xi32>,
    %get3A_76 = vector.shape_cast %get3A_75 : vector<16xi32> to vector<16xi32>
    %swap3A_77 = arith.constant 0 : index
    %swap3A_78 = tpu.vector_load %arg11[%swap3A_77] {strides = array<i32>} : memref<64xi32, #tpu.memory_space<vmem>>, vector<16xi32>,
    %swap3A_79 = vector.shape_cast %swap3A_78 : vector<16xi32> to vector<16xi32>
    %swap3A_80 = vector.shape_cast %get3A_76 : vector<16xi32> to vector<16xi32>
    tpu.vector_store %arg11[%swap3A_77], %swap3A_80 {strides = array<i32>} : memref<64xi32, #tpu.memory_space<vmem>>, vector<16xi32>,
    %get3A_81 = arith.constant 144 : index
    %get3A_82 = tpu.vector_load %arg8[%get3A_81] {strides = array<i32>} : memref<5120xi32, #tpu.memory_space<vmem>>, vector<16xi32>,
    %get3A_83 = vector.shape_cast %get3A_82 : vector<16xi32> to vector<16xi32>
    %swap3A_84 = arith.constant 16 : index
    %swap3A_85 = tpu.vector_load %arg11[%swap3A_84] {strides = array<i32>} : memref<64xi32, #tpu.memory_space<vmem>>, vector<16xi32>,
    %swap3A_86 = vector.shape_cast %swap3A_85 : vector<16xi32> to vector<16xi32>
    %swap3A_87 = vector.shape_cast %get3A_83 : vector<16xi32> to vector<16xi32>
    tpu.vector_store %arg11[%swap3A_84], %swap3A_87 {strides = array<i32>} : memref<64xi32, #tpu.memory_space<vmem>>, vector<16xi32>,
    %get3A_88 = arith.constant 160 : index
    %get3A_89 = tpu.vector_load %arg8[%get3A_88] {strides = array<i32>} : memref<5120xi32, #tpu.memory_space<vmem>>, vector<16xi32>,
    %get3A_90 = vector.shape_cast %get3A_89 : vector<16xi32> to vector<16xi32>
    %swap3A_91 = arith.constant 32 : index
    %swap3A_92 = tpu.vector_load %arg11[%swap3A_91] {strides = array<i32>} : memref<64xi32, #tpu.memory_space<vmem>>, vector<16xi32>,
    %swap3A_93 = vector.shape_cast %swap3A_92 : vector<16xi32> to vector<16xi32>
    %swap3A_94 = vector.shape_cast %get3A_90 : vector<16xi32> to vector<16xi32>
    tpu.vector_store %arg11[%swap3A_91], %swap3A_94 {strides = array<i32>} : memref<64xi32, #tpu.memory_space<vmem>>, vector<16xi32>,
    %get3A_95 = arith.constant 176 : index
    %get3A_96 = tpu.vector_load %arg8[%get3A_95] {strides = array<i32>} : memref<5120xi32, #tpu.memory_space<vmem>>, vector<16xi32>,
    %get3A_97 = vector.shape_cast %get3A_96 : vector<16xi32> to vector<16xi32>
    %swap3A_98 = arith.constant 48 : index
    %swap3A_99 = tpu.vector_load %arg11[%swap3A_98] {strides = array<i32>} : memref<64xi32, #tpu.memory_space<vmem>>, vector<16xi32>,
    %swap3A_100 = vector.shape_cast %swap3A_99 : vector<16xi32> to vector<16xi32>
    %swap3A_101 = vector.shape_cast %get3A_97 : vector<16xi32> to vector<16xi32>
    tpu.vector_store %arg11[%swap3A_98], %swap3A_101 {strides = array<i32>} : memref<64xi32, #tpu.memory_space<vmem>>, vector<16xi32>,
    %dma_start3A_102 = arith.constant 128 : i32
    %dma_start3A_103 = tpu.memref_slice %arg7[%dma_start3A_102] : memref<5120xi32, #tpu.memory_space<vmem>> -> memref<64xi32, #tpu.memory_space<vmem>>
    %dma_start3A_104 = arith.constant 0 : i32
    %dma_start3A_105 = arith.constant 0 : i32
    %dma_start3A_106 = tpu.memref_slice %arg2[%dma_start3A_104, %dma_start3A_105] : memref<10000x128xf32, #tpu.memory_space<hbm>> -> memref<10000x128xf32, #tpu.memory_space<hbm>>
    tpu.enqueue_indirect_dma source(%dma_start3A_106 : memref<10000x128xf32, #tpu.memory_space<hbm>>) target(%arg15 : memref<64x128xf32, #tpu.memory_space<vmem>>) offsets(%dma_start3A_103 : memref<64xi32, #tpu.memory_space<vmem>>) semaphore(%arg20 : memref<!tpu.dma_semaphore, #tpu.memory_space<semaphore_mem>>)
    %get3A_107 = arith.constant 192 : index
    %get3A_108 = tpu.vector_load %arg8[%get3A_107] {strides = array<i32>} : memref<5120xi32, #tpu.memory_space<vmem>>, vector<16xi32>,
    %get3A_109 = vector.shape_cast %get3A_108 : vector<16xi32> to vector<16xi32>
    %swap3A_110 = arith.constant 0 : index
    %swap3A_111 = tpu.vector_load %arg12[%swap3A_110] {strides = array<i32>} : memref<64xi32, #tpu.memory_space<vmem>>, vector<16xi32>,
    %swap3A_112 = vector.shape_cast %swap3A_111 : vector<16xi32> to vector<16xi32>
    %swap3A_113 = vector.shape_cast %get3A_109 : vector<16xi32> to vector<16xi32>
    tpu.vector_store %arg12[%swap3A_110], %swap3A_113 {strides = array<i32>} : memref<64xi32, #tpu.memory_space<vmem>>, vector<16xi32>,
    %get3A_114 = arith.constant 208 : index
    %get3A_115 = tpu.vector_load %arg8[%get3A_114] {strides = array<i32>} : memref<5120xi32, #tpu.memory_space<vmem>>, vector<16xi32>,
    %get3A_116 = vector.shape_cast %get3A_115 : vector<16xi32> to vector<16xi32>
    %swap3A_117 = arith.constant 16 : index
    %swap3A_118 = tpu.vector_load %arg12[%swap3A_117] {strides = array<i32>} : memref<64xi32, #tpu.memory_space<vmem>>, vector<16xi32>,
    %swap3A_119 = vector.shape_cast %swap3A_118 : vector<16xi32> to vector<16xi32>
    %swap3A_120 = vector.shape_cast %get3A_116 : vector<16xi32> to vector<16xi32>
    tpu.vector_store %arg12[%swap3A_117], %swap3A_120 {strides = array<i32>} : memref<64xi32, #tpu.memory_space<vmem>>, vector<16xi32>,
    %get3A_121 = arith.constant 224 : index
    %get3A_122 = tpu.vector_load %arg8[%get3A_121] {strides = array<i32>} : memref<5120xi32, #tpu.memory_space<vmem>>, vector<16xi32>,
    %get3A_123 = vector.shape_cast %get3A_122 : vector<16xi32> to vector<16xi32>
    %swap3A_124 = arith.constant 32 : index
    %swap3A_125 = tpu.vector_load %arg12[%swap3A_124] {strides = array<i32>} : memref<64xi32, #tpu.memory_space<vmem>>, vector<16xi32>,
    %swap3A_126 = vector.shape_cast %swap3A_125 : vector<16xi32> to vector<16xi32>
    %swap3A_127 = vector.shape_cast %get3A_123 : vector<16xi32> to vector<16xi32>
    tpu.vector_store %arg12[%swap3A_124], %swap3A_127 {strides = array<i32>} : memref<64xi32, #tpu.memory_space<vmem>>, vector<16xi32>,
    %get3A_128 = arith.constant 240 : index
    %get3A_129 = tpu.vector_load %arg8[%get3A_128] {strides = array<i32>} : memref<5120xi32, #tpu.memory_space<vmem>>, vector<16xi32>,
    %get3A_130 = vector.shape_cast %get3A_129 : vector<16xi32> to vector<16xi32>
    %swap3A_131 = arith.constant 48 : index
    %swap3A_132 = tpu.vector_load %arg12[%swap3A_131] {strides = array<i32>} : memref<64xi32, #tpu.memory_space<vmem>>, vector<16xi32>,
    %swap3A_133 = vector.shape_cast %swap3A_132 : vector<16xi32> to vector<16xi32>
    %swap3A_134 = vector.shape_cast %get3A_130 : vector<16xi32> to vector<16xi32>
    tpu.vector_store %arg12[%swap3A_131], %swap3A_134 {strides = array<i32>} : memref<64xi32, #tpu.memory_space<vmem>>, vector<16xi32>,
    %dma_start3A_135 = arith.constant 192 : i32
    %dma_start3A_136 = tpu.memref_slice %arg7[%dma_start3A_135] : memref<5120xi32, #tpu.memory_space<vmem>> -> memref<64xi32, #tpu.memory_space<vmem>>
    %dma_start3A_137 = arith.constant 0 : i32
    %dma_start3A_138 = arith.constant 0 : i32
    %dma_start3A_139 = tpu.memref_slice %arg2[%dma_start3A_137, %dma_start3A_138] : memref<10000x128xf32, #tpu.memory_space<hbm>> -> memref<10000x128xf32, #tpu.memory_space<hbm>>
    tpu.enqueue_indirect_dma source(%dma_start3A_139 : memref<10000x128xf32, #tpu.memory_space<hbm>>) target(%arg16 : memref<64x128xf32, #tpu.memory_space<vmem>>) offsets(%dma_start3A_136 : memref<64xi32, #tpu.memory_space<vmem>>) semaphore(%arg21 : memref<!tpu.dma_semaphore, #tpu.memory_space<semaphore_mem>>)
    %dma_wait3A = arith.constant 0 : i32
    %dma_wait3A_140 = tpu.memref_slice %arg7[%dma_wait3A] : memref<5120xi32, #tpu.memory_space<vmem>> -> memref<64xi32, #tpu.memory_space<vmem>>
    %dma_wait3A_141 = arith.constant 0 : i32
    %dma_wait3A_142 = arith.constant 0 : i32
    %dma_wait3A_143 = tpu.memref_slice %arg2[%dma_wait3A_141, %dma_wait3A_142] : memref<10000x128xf32, #tpu.memory_space<hbm>> -> memref<10000x128xf32, #tpu.memory_space<hbm>>
    tpu.wait_indirect_dma semaphore(%arg18 : memref<!tpu.dma_semaphore, #tpu.memory_space<semaphore_mem>>) src(%dma_wait3A_143 : memref<10000x128xf32, #tpu.memory_space<hbm>>) dst(%arg13 : memref<64x128xf32, #tpu.memory_space<vmem>>)
    %dma_start3A_144 = arith.constant 0 : i32
    %dma_start3A_145 = arith.constant 0 : i32
    %dma_start3A_146 = tpu.memref_slice %arg17[%dma_start3A_144, %dma_start3A_145] : memref<10112x128xf32, #tpu.memory_space<vmem_shared>> -> memref<10112x128xf32, #tpu.memory_space<vmem_shared>>
    tpu.enqueue_indirect_dma source(%arg13 : memref<64x128xf32, #tpu.memory_space<vmem>>) target(%dma_start3A_146 : memref<10112x128xf32, #tpu.memory_space<vmem_shared>>) offsets(%arg9 : memref<64xi32, #tpu.memory_space<vmem>>) semaphore(%arg22 : memref<!tpu.dma_semaphore, #tpu.memory_space<semaphore_mem>>) {add = true}
    %scan3A = arith.constant 0 : i32
    %scan3A_147 = arith.constant 19 : i32
    %scan3A_148 = arith.addi %scan3A, %scan3A_147 : i32
    %scan3A_149 = arith.constant 1 : i32
    scf.for %scan3A_381 = %scan3A to %scan3A_148 step %scan3A_149  : i32 {
      %mul3A_382 = arith.constant 1 : i32
      %mul3A_383 = arith.muli %scan3A_381, %mul3A_382 : i32
      %add3A_384 = arith.constant 1 : i32
      %add3A_385 = arith.addi %add3A_384, %mul3A_383 : i32
      %mul3A_386 = arith.constant 4 : i32
      %mul3A_387 = arith.muli %add3A_385, %mul3A_386 : i32
      %add3A_388 = arith.constant 0 : i32
      %add3A_389 = arith.addi %mul3A_387, %add3A_388 : i32
      %dma_wait3A_390 = arith.constant 0 : i32
      %dma_wait3A_391 = arith.constant 0 : i32
      %dma_wait3A_392 = tpu.memref_slice %arg17[%dma_wait3A_390, %dma_wait3A_391] : memref<10112x128xf32, #tpu.memory_space<vmem_shared>> -> memref<10112x128xf32, #tpu.memory_space<vmem_shared>>
      tpu.wait_indirect_dma semaphore(%arg22 : memref<!tpu.dma_semaphore, #tpu.memory_space<semaphore_mem>>) src(%arg13 : memref<64x128xf32, #tpu.memory_space<vmem>>) dst(%dma_wait3A_392 : memref<10112x128xf32, #tpu.memory_space<vmem_shared>>)
      %mul3A_393 = arith.constant 64 : i32
      %mul3A_394 = arith.muli %add3A_389, %mul3A_393 : i32
      %add3A_395 = arith.constant 0 : i32
      %add3A_396 = arith.addi %mul3A_394, %add3A_395 : i32
      %get3A_397 = arith.index_cast %add3A_396 : i32 to index
      %get3A_398 = tpu.vector_load %arg8[%get3A_397] {strides = array<i32>} : memref<5120xi32, #tpu.memory_space<vmem>>, vector<16xi32>,
      %get3A_399 = vector.shape_cast %get3A_398 : vector<16xi32> to vector<16xi32>
      %swap3A_400 = arith.constant 0 : index
      %swap3A_401 = tpu.vector_load %arg9[%swap3A_400] {strides = array<i32>} : memref<64xi32, #tpu.memory_space<vmem>>, vector<16xi32>,
      %swap3A_402 = vector.shape_cast %swap3A_401 : vector<16xi32> to vector<16xi32>
      %swap3A_403 = vector.shape_cast %get3A_399 : vector<16xi32> to vector<16xi32>
      tpu.vector_store %arg9[%swap3A_400], %swap3A_403 {strides = array<i32>} : memref<64xi32, #tpu.memory_space<vmem>>, vector<16xi32>,
      %mul3A_404 = arith.constant 64 : i32
      %mul3A_405 = arith.muli %add3A_389, %mul3A_404 : i32
      %add3A_406 = arith.constant 16 : i32
      %add3A_407 = arith.addi %mul3A_405, %add3A_406 : i32
      %get3A_408 = arith.index_cast %add3A_407 : i32 to index
      %get3A_409 = tpu.vector_load %arg8[%get3A_408] {strides = array<i32>} : memref<5120xi32, #tpu.memory_space<vmem>>, vector<16xi32>,
      %get3A_410 = vector.shape_cast %get3A_409 : vector<16xi32> to vector<16xi32>
      %swap3A_411 = arith.constant 16 : index
      %swap3A_412 = tpu.vector_load %arg9[%swap3A_411] {strides = array<i32>} : memref<64xi32, #tpu.memory_space<vmem>>, vector<16xi32>,
      %swap3A_413 = vector.shape_cast %swap3A_412 : vector<16xi32> to vector<16xi32>
      %swap3A_414 = vector.shape_cast %get3A_410 : vector<16xi32> to vector<16xi32>
      tpu.vector_store %arg9[%swap3A_411], %swap3A_414 {strides = array<i32>} : memref<64xi32, #tpu.memory_space<vmem>>, vector<16xi32>,
      %mul3A_415 = arith.constant 64 : i32
      %mul3A_416 = arith.muli %add3A_389, %mul3A_415 : i32
      %add3A_417 = arith.constant 32 : i32
      %add3A_418 = arith.addi %mul3A_416, %add3A_417 : i32
      %get3A_419 = arith.index_cast %add3A_418 : i32 to index
      %get3A_420 = tpu.vector_load %arg8[%get3A_419] {strides = array<i32>} : memref<5120xi32, #tpu.memory_space<vmem>>, vector<16xi32>,
      %get3A_421 = vector.shape_cast %get3A_420 : vector<16xi32> to vector<16xi32>
      %swap3A_422 = arith.constant 32 : index
      %swap3A_423 = tpu.vector_load %arg9[%swap3A_422] {strides = array<i32>} : memref<64xi32, #tpu.memory_space<vmem>>, vector<16xi32>,
      %swap3A_424 = vector.shape_cast %swap3A_423 : vector<16xi32> to vector<16xi32>
      %swap3A_425 = vector.shape_cast %get3A_421 : vector<16xi32> to vector<16xi32>
      tpu.vector_store %arg9[%swap3A_422], %swap3A_425 {strides = array<i32>} : memref<64xi32, #tpu.memory_space<vmem>>, vector<16xi32>,
      %mul3A_426 = arith.constant 64 : i32
      %mul3A_427 = arith.muli %add3A_389, %mul3A_426 : i32
      %add3A_428 = arith.constant 48 : i32
      %add3A_429 = arith.addi %mul3A_427, %add3A_428 : i32
      %get3A_430 = arith.index_cast %add3A_429 : i32 to index
      %get3A_431 = tpu.vector_load %arg8[%get3A_430] {strides = array<i32>} : memref<5120xi32, #tpu.memory_space<vmem>>, vector<16xi32>,
      %get3A_432 = vector.shape_cast %get3A_431 : vector<16xi32> to vector<16xi32>
      %swap3A_433 = arith.constant 48 : index
      %swap3A_434 = tpu.vector_load %arg9[%swap3A_433] {strides = array<i32>} : memref<64xi32, #tpu.memory_space<vmem>>, vector<16xi32>,
      %swap3A_435 = vector.shape_cast %swap3A_434 : vector<16xi32> to vector<16xi32>
      %swap3A_436 = vector.shape_cast %get3A_432 : vector<16xi32> to vector<16xi32>
      tpu.vector_store %arg9[%swap3A_433], %swap3A_436 {strides = array<i32>} : memref<64xi32, #tpu.memory_space<vmem>>, vector<16xi32>,
      %mul3A_437 = arith.constant 64 : i32
      %mul3A_438 = arith.muli %add3A_389, %mul3A_437 : i32
      %dma_start3A_439 = tpu.memref_slice %arg7[%mul3A_438] : memref<5120xi32, #tpu.memory_space<vmem>> -> memref<64xi32, #tpu.memory_space<vmem>>
      %dma_start3A_440 = arith.constant 0 : i32
      %dma_start3A_441 = arith.constant 0 : i32
      %dma_start3A_442 = tpu.memref_slice %arg2[%dma_start3A_440, %dma_start3A_441] : memref<10000x128xf32, #tpu.memory_space<hbm>> -> memref<10000x128xf32, #tpu.memory_space<hbm>>
      tpu.enqueue_indirect_dma source(%dma_start3A_442 : memref<10000x128xf32, #tpu.memory_space<hbm>>) target(%arg13 : memref<64x128xf32, #tpu.memory_space<vmem>>) offsets(%dma_start3A_439 : memref<64xi32, #tpu.memory_space<vmem>>) semaphore(%arg18 : memref<!tpu.dma_semaphore, #tpu.memory_space<semaphore_mem>>)
      %sub3A = arith.constant 3 : i32
      %sub3A_443 = arith.subi %add3A_389, %sub3A : i32
      %mul3A_444 = arith.constant 64 : i32
      %mul3A_445 = arith.muli %sub3A_443, %mul3A_444 : i32
      %dma_wait3A_446 = tpu.memref_slice %arg7[%mul3A_445] : memref<5120xi32, #tpu.memory_space<vmem>> -> memref<64xi32, #tpu.memory_space<vmem>>
      %dma_wait3A_447 = arith.constant 0 : i32
      %dma_wait3A_448 = arith.constant 0 : i32
      %dma_wait3A_449 = tpu.memref_slice %arg2[%dma_wait3A_447, %dma_wait3A_448] : memref<10000x128xf32, #tpu.memory_space<hbm>> -> memref<10000x128xf32, #tpu.memory_space<hbm>>
      tpu.wait_indirect_dma semaphore(%arg19 : memref<!tpu.dma_semaphore, #tpu.memory_space<semaphore_mem>>) src(%dma_wait3A_449 : memref<10000x128xf32, #tpu.memory_space<hbm>>) dst(%arg14 : memref<64x128xf32, #tpu.memory_space<vmem>>)
      %dma_start3A_450 = arith.constant 0 : i32
      %dma_start3A_451 = arith.constant 0 : i32
      %dma_start3A_452 = tpu.memref_slice %arg17[%dma_start3A_450, %dma_start3A_451] : memref<10112x128xf32, #tpu.memory_space<vmem_shared>> -> memref<10112x128xf32, #tpu.memory_space<vmem_shared>>
      tpu.enqueue_indirect_dma source(%arg14 : memref<64x128xf32, #tpu.memory_space<vmem>>) target(%dma_start3A_452 : memref<10112x128xf32, #tpu.memory_space<vmem_shared>>) offsets(%arg10 : memref<64xi32, #tpu.memory_space<vmem>>) semaphore(%arg23 : memref<!tpu.dma_semaphore, #tpu.memory_space<semaphore_mem>>) {add = true}
      %mul3A_453 = arith.constant 4 : i32
      %mul3A_454 = arith.muli %add3A_385, %mul3A_453 : i32
      %add3A_455 = arith.constant 1 : i32
      %add3A_456 = arith.addi %mul3A_454, %add3A_455 : i32
      %dma_wait3A_457 = arith.constant 0 : i32
      %dma_wait3A_458 = arith.constant 0 : i32
      %dma_wait3A_459 = tpu.memref_slice %arg17[%dma_wait3A_457, %dma_wait3A_458] : memref<10112x128xf32, #tpu.memory_space<vmem_shared>> -> memref<10112x128xf32, #tpu.memory_space<vmem_shared>>
      tpu.wait_indirect_dma semaphore(%arg23 : memref<!tpu.dma_semaphore, #tpu.memory_space<semaphore_mem>>) src(%arg14 : memref<64x128xf32, #tpu.memory_space<vmem>>) dst(%dma_wait3A_459 : memref<10112x128xf32, #tpu.memory_space<vmem_shared>>)
      %mul3A_460 = arith.constant 64 : i32
      %mul3A_461 = arith.muli %add3A_456, %mul3A_460 : i32
      %add3A_462 = arith.constant 0 : i32
      %add3A_463 = arith.addi %mul3A_461, %add3A_462 : i32
      %get3A_464 = arith.index_cast %add3A_463 : i32 to index
      %get3A_465 = tpu.vector_load %arg8[%get3A_464] {strides = array<i32>} : memref<5120xi32, #tpu.memory_space<vmem>>, vector<16xi32>,
      %get3A_466 = vector.shape_cast %get3A_465 : vector<16xi32> to vector<16xi32>
      %swap3A_467 = arith.constant 0 : index
      %swap3A_468 = tpu.vector_load %arg10[%swap3A_467] {strides = array<i32>} : memref<64xi32, #tpu.memory_space<vmem>>, vector<16xi32>,
      %swap3A_469 = vector.shape_cast %swap3A_468 : vector<16xi32> to vector<16xi32>
      %swap3A_470 = vector.shape_cast %get3A_466 : vector<16xi32> to vector<16xi32>
      tpu.vector_store %arg10[%swap3A_467], %swap3A_470 {strides = array<i32>} : memref<64xi32, #tpu.memory_space<vmem>>, vector<16xi32>,
      %mul3A_471 = arith.constant 64 : i32
      %mul3A_472 = arith.muli %add3A_456, %mul3A_471 : i32
      %add3A_473 = arith.constant 16 : i32
      %add3A_474 = arith.addi %mul3A_472, %add3A_473 : i32
      %get3A_475 = arith.index_cast %add3A_474 : i32 to index
      %get3A_476 = tpu.vector_load %arg8[%get3A_475] {strides = array<i32>} : memref<5120xi32, #tpu.memory_space<vmem>>, vector<16xi32>,
      %get3A_477 = vector.shape_cast %get3A_476 : vector<16xi32> to vector<16xi32>
      %swap3A_478 = arith.constant 16 : index
      %swap3A_479 = tpu.vector_load %arg10[%swap3A_478] {strides = array<i32>} : memref<64xi32, #tpu.memory_space<vmem>>, vector<16xi32>,
      %swap3A_480 = vector.shape_cast %swap3A_479 : vector<16xi32> to vector<16xi32>
      %swap3A_481 = vector.shape_cast %get3A_477 : vector<16xi32> to vector<16xi32>
      tpu.vector_store %arg10[%swap3A_478], %swap3A_481 {strides = array<i32>} : memref<64xi32, #tpu.memory_space<vmem>>, vector<16xi32>,
      %mul3A_482 = arith.constant 64 : i32
      %mul3A_483 = arith.muli %add3A_456, %mul3A_482 : i32
      %add3A_484 = arith.constant 32 : i32
      %add3A_485 = arith.addi %mul3A_483, %add3A_484 : i32
      %get3A_486 = arith.index_cast %add3A_485 : i32 to index
      %get3A_487 = tpu.vector_load %arg8[%get3A_486] {strides = array<i32>} : memref<5120xi32, #tpu.memory_space<vmem>>, vector<16xi32>,
      %get3A_488 = vector.shape_cast %get3A_487 : vector<16xi32> to vector<16xi32>
      %swap3A_489 = arith.constant 32 : index
      %swap3A_490 = tpu.vector_load %arg10[%swap3A_489] {strides = array<i32>} : memref<64xi32, #tpu.memory_space<vmem>>, vector<16xi32>,
      %swap3A_491 = vector.shape_cast %swap3A_490 : vector<16xi32> to vector<16xi32>
      %swap3A_492 = vector.shape_cast %get3A_488 : vector<16xi32> to vector<16xi32>
      tpu.vector_store %arg10[%swap3A_489], %swap3A_492 {strides = array<i32>} : memref<64xi32, #tpu.memory_space<vmem>>, vector<16xi32>,
      %mul3A_493 = arith.constant 64 : i32
      %mul3A_494 = arith.muli %add3A_456, %mul3A_493 : i32
      %add3A_495 = arith.constant 48 : i32
      %add3A_496 = arith.addi %mul3A_494, %add3A_495 : i32
      %get3A_497 = arith.index_cast %add3A_496 : i32 to index
      %get3A_498 = tpu.vector_load %arg8[%get3A_497] {strides = array<i32>} : memref<5120xi32, #tpu.memory_space<vmem>>, vector<16xi32>,
      %get3A_499 = vector.shape_cast %get3A_498 : vector<16xi32> to vector<16xi32>
      %swap3A_500 = arith.constant 48 : index
      %swap3A_501 = tpu.vector_load %arg10[%swap3A_500] {strides = array<i32>} : memref<64xi32, #tpu.memory_space<vmem>>, vector<16xi32>,
      %swap3A_502 = vector.shape_cast %swap3A_501 : vector<16xi32> to vector<16xi32>
      %swap3A_503 = vector.shape_cast %get3A_499 : vector<16xi32> to vector<16xi32>
      tpu.vector_store %arg10[%swap3A_500], %swap3A_503 {strides = array<i32>} : memref<64xi32, #tpu.memory_space<vmem>>, vector<16xi32>,
      %mul3A_504 = arith.constant 64 : i32
      %mul3A_505 = arith.muli %add3A_456, %mul3A_504 : i32
      %dma_start3A_506 = tpu.memref_slice %arg7[%mul3A_505] : memref<5120xi32, #tpu.memory_space<vmem>> -> memref<64xi32, #tpu.memory_space<vmem>>
      %dma_start3A_507 = arith.constant 0 : i32
      %dma_start3A_508 = arith.constant 0 : i32
      %dma_start3A_509 = tpu.memref_slice %arg2[%dma_start3A_507, %dma_start3A_508] : memref<10000x128xf32, #tpu.memory_space<hbm>> -> memref<10000x128xf32, #tpu.memory_space<hbm>>
      tpu.enqueue_indirect_dma source(%dma_start3A_509 : memref<10000x128xf32, #tpu.memory_space<hbm>>) target(%arg14 : memref<64x128xf32, #tpu.memory_space<vmem>>) offsets(%dma_start3A_506 : memref<64xi32, #tpu.memory_space<vmem>>) semaphore(%arg19 : memref<!tpu.dma_semaphore, #tpu.memory_space<semaphore_mem>>)
      %sub3A_510 = arith.constant 3 : i32
      %sub3A_511 = arith.subi %add3A_456, %sub3A_510 : i32
      %mul3A_512 = arith.constant 64 : i32
      %mul3A_513 = arith.muli %sub3A_511, %mul3A_512 : i32
      %dma_wait3A_514 = tpu.memref_slice %arg7[%mul3A_513] : memref<5120xi32, #tpu.memory_space<vmem>> -> memref<64xi32, #tpu.memory_space<vmem>>
      %dma_wait3A_515 = arith.constant 0 : i32
      %dma_wait3A_516 = arith.constant 0 : i32
      %dma_wait3A_517 = tpu.memref_slice %arg2[%dma_wait3A_515, %dma_wait3A_516] : memref<10000x128xf32, #tpu.memory_space<hbm>> -> memref<10000x128xf32, #tpu.memory_space<hbm>>
      tpu.wait_indirect_dma semaphore(%arg20 : memref<!tpu.dma_semaphore, #tpu.memory_space<semaphore_mem>>) src(%dma_wait3A_517 : memref<10000x128xf32, #tpu.memory_space<hbm>>) dst(%arg15 : memref<64x128xf32, #tpu.memory_space<vmem>>)
      %dma_start3A_518 = arith.constant 0 : i32
      %dma_start3A_519 = arith.constant 0 : i32
      %dma_start3A_520 = tpu.memref_slice %arg17[%dma_start3A_518, %dma_start3A_519] : memref<10112x128xf32, #tpu.memory_space<vmem_shared>> -> memref<10112x128xf32, #tpu.memory_space<vmem_shared>>
      tpu.enqueue_indirect_dma source(%arg15 : memref<64x128xf32, #tpu.memory_space<vmem>>) target(%dma_start3A_520 : memref<10112x128xf32, #tpu.memory_space<vmem_shared>>) offsets(%arg11 : memref<64xi32, #tpu.memory_space<vmem>>) semaphore(%arg24 : memref<!tpu.dma_semaphore, #tpu.memory_space<semaphore_mem>>) {add = true}
      %mul3A_521 = arith.constant 4 : i32
      %mul3A_522 = arith.muli %add3A_385, %mul3A_521 : i32
      %add3A_523 = arith.constant 2 : i32
      %add3A_524 = arith.addi %mul3A_522, %add3A_523 : i32
      %dma_wait3A_525 = arith.constant 0 : i32
      %dma_wait3A_526 = arith.constant 0 : i32
      %dma_wait3A_527 = tpu.memref_slice %arg17[%dma_wait3A_525, %dma_wait3A_526] : memref<10112x128xf32, #tpu.memory_space<vmem_shared>> -> memref<10112x128xf32, #tpu.memory_space<vmem_shared>>
      tpu.wait_indirect_dma semaphore(%arg24 : memref<!tpu.dma_semaphore, #tpu.memory_space<semaphore_mem>>) src(%arg15 : memref<64x128xf32, #tpu.memory_space<vmem>>) dst(%dma_wait3A_527 : memref<10112x128xf32, #tpu.memory_space<vmem_shared>>)
      %mul3A_528 = arith.constant 64 : i32
      %mul3A_529 = arith.muli %add3A_524, %mul3A_528 : i32
      %add3A_530 = arith.constant 0 : i32
      %add3A_531 = arith.addi %mul3A_529, %add3A_530 : i32
      %get3A_532 = arith.index_cast %add3A_531 : i32 to index
      %get3A_533 = tpu.vector_load %arg8[%get3A_532] {strides = array<i32>} : memref<5120xi32, #tpu.memory_space<vmem>>, vector<16xi32>,
      %get3A_534 = vector.shape_cast %get3A_533 : vector<16xi32> to vector<16xi32>
      %swap3A_535 = arith.constant 0 : index
      %swap3A_536 = tpu.vector_load %arg11[%swap3A_535] {strides = array<i32>} : memref<64xi32, #tpu.memory_space<vmem>>, vector<16xi32>,
      %swap3A_537 = vector.shape_cast %swap3A_536 : vector<16xi32> to vector<16xi32>
      %swap3A_538 = vector.shape_cast %get3A_534 : vector<16xi32> to vector<16xi32>
      tpu.vector_store %arg11[%swap3A_535], %swap3A_538 {strides = array<i32>} : memref<64xi32, #tpu.memory_space<vmem>>, vector<16xi32>,
      %mul3A_539 = arith.constant 64 : i32
      %mul3A_540 = arith.muli %add3A_524, %mul3A_539 : i32
      %add3A_541 = arith.constant 16 : i32
      %add3A_542 = arith.addi %mul3A_540, %add3A_541 : i32
      %get3A_543 = arith.index_cast %add3A_542 : i32 to index
      %get3A_544 = tpu.vector_load %arg8[%get3A_543] {strides = array<i32>} : memref<5120xi32, #tpu.memory_space<vmem>>, vector<16xi32>,
      %get3A_545 = vector.shape_cast %get3A_544 : vector<16xi32> to vector<16xi32>
      %swap3A_546 = arith.constant 16 : index
      %swap3A_547 = tpu.vector_load %arg11[%swap3A_546] {strides = array<i32>} : memref<64xi32, #tpu.memory_space<vmem>>, vector<16xi32>,
      %swap3A_548 = vector.shape_cast %swap3A_547 : vector<16xi32> to vector<16xi32>
      %swap3A_549 = vector.shape_cast %get3A_545 : vector<16xi32> to vector<16xi32>
      tpu.vector_store %arg11[%swap3A_546], %swap3A_549 {strides = array<i32>} : memref<64xi32, #tpu.memory_space<vmem>>, vector<16xi32>,
      %mul3A_550 = arith.constant 64 : i32
      %mul3A_551 = arith.muli %add3A_524, %mul3A_550 : i32
      %add3A_552 = arith.constant 32 : i32
      %add3A_553 = arith.addi %mul3A_551, %add3A_552 : i32
      %get3A_554 = arith.index_cast %add3A_553 : i32 to index
      %get3A_555 = tpu.vector_load %arg8[%get3A_554] {strides = array<i32>} : memref<5120xi32, #tpu.memory_space<vmem>>, vector<16xi32>,
      %get3A_556 = vector.shape_cast %get3A_555 : vector<16xi32> to vector<16xi32>
      %swap3A_557 = arith.constant 32 : index
      %swap3A_558 = tpu.vector_load %arg11[%swap3A_557] {strides = array<i32>} : memref<64xi32, #tpu.memory_space<vmem>>, vector<16xi32>,
      %swap3A_559 = vector.shape_cast %swap3A_558 : vector<16xi32> to vector<16xi32>
      %swap3A_560 = vector.shape_cast %get3A_556 : vector<16xi32> to vector<16xi32>
      tpu.vector_store %arg11[%swap3A_557], %swap3A_560 {strides = array<i32>} : memref<64xi32, #tpu.memory_space<vmem>>, vector<16xi32>,
      %mul3A_561 = arith.constant 64 : i32
      %mul3A_562 = arith.muli %add3A_524, %mul3A_561 : i32
      %add3A_563 = arith.constant 48 : i32
      %add3A_564 = arith.addi %mul3A_562, %add3A_563 : i32
      %get3A_565 = arith.index_cast %add3A_564 : i32 to index
      %get3A_566 = tpu.vector_load %arg8[%get3A_565] {strides = array<i32>} : memref<5120xi32, #tpu.memory_space<vmem>>, vector<16xi32>,
      %get3A_567 = vector.shape_cast %get3A_566 : vector<16xi32> to vector<16xi32>
      %swap3A_568 = arith.constant 48 : index
      %swap3A_569 = tpu.vector_load %arg11[%swap3A_568] {strides = array<i32>} : memref<64xi32, #tpu.memory_space<vmem>>, vector<16xi32>,
      %swap3A_570 = vector.shape_cast %swap3A_569 : vector<16xi32> to vector<16xi32>
      %swap3A_571 = vector.shape_cast %get3A_567 : vector<16xi32> to vector<16xi32>
      tpu.vector_store %arg11[%swap3A_568], %swap3A_571 {strides = array<i32>} : memref<64xi32, #tpu.memory_space<vmem>>, vector<16xi32>,
      %mul3A_572 = arith.constant 64 : i32
      %mul3A_573 = arith.muli %add3A_524, %mul3A_572 : i32
      %dma_start3A_574 = tpu.memref_slice %arg7[%mul3A_573] : memref<5120xi32, #tpu.memory_space<vmem>> -> memref<64xi32, #tpu.memory_space<vmem>>
      %dma_start3A_575 = arith.constant 0 : i32
      %dma_start3A_576 = arith.constant 0 : i32
      %dma_start3A_577 = tpu.memref_slice %arg2[%dma_start3A_575, %dma_start3A_576] : memref<10000x128xf32, #tpu.memory_space<hbm>> -> memref<10000x128xf32, #tpu.memory_space<hbm>>
      tpu.enqueue_indirect_dma source(%dma_start3A_577 : memref<10000x128xf32, #tpu.memory_space<hbm>>) target(%arg15 : memref<64x128xf32, #tpu.memory_space<vmem>>) offsets(%dma_start3A_574 : memref<64xi32, #tpu.memory_space<vmem>>) semaphore(%arg20 : memref<!tpu.dma_semaphore, #tpu.memory_space<semaphore_mem>>)
      %sub3A_578 = arith.constant 3 : i32
      %sub3A_579 = arith.subi %add3A_524, %sub3A_578 : i32
      %mul3A_580 = arith.constant 64 : i32
      %mul3A_581 = arith.muli %sub3A_579, %mul3A_580 : i32
      %dma_wait3A_582 = tpu.memref_slice %arg7[%mul3A_581] : memref<5120xi32, #tpu.memory_space<vmem>> -> memref<64xi32, #tpu.memory_space<vmem>>
      %dma_wait3A_583 = arith.constant 0 : i32
      %dma_wait3A_584 = arith.constant 0 : i32
      %dma_wait3A_585 = tpu.memref_slice %arg2[%dma_wait3A_583, %dma_wait3A_584] : memref<10000x128xf32, #tpu.memory_space<hbm>> -> memref<10000x128xf32, #tpu.memory_space<hbm>>
      tpu.wait_indirect_dma semaphore(%arg21 : memref<!tpu.dma_semaphore, #tpu.memory_space<semaphore_mem>>) src(%dma_wait3A_585 : memref<10000x128xf32, #tpu.memory_space<hbm>>) dst(%arg16 : memref<64x128xf32, #tpu.memory_space<vmem>>)
      %dma_start3A_586 = arith.constant 0 : i32
      %dma_start3A_587 = arith.constant 0 : i32
      %dma_start3A_588 = tpu.memref_slice %arg17[%dma_start3A_586, %dma_start3A_587] : memref<10112x128xf32, #tpu.memory_space<vmem_shared>> -> memref<10112x128xf32, #tpu.memory_space<vmem_shared>>
      tpu.enqueue_indirect_dma source(%arg16 : memref<64x128xf32, #tpu.memory_space<vmem>>) target(%dma_start3A_588 : memref<10112x128xf32, #tpu.memory_space<vmem_shared>>) offsets(%arg12 : memref<64xi32, #tpu.memory_space<vmem>>) semaphore(%arg25 : memref<!tpu.dma_semaphore, #tpu.memory_space<semaphore_mem>>) {add = true}
      %mul3A_589 = arith.constant 4 : i32
      %mul3A_590 = arith.muli %add3A_385, %mul3A_589 : i32
      %add3A_591 = arith.constant 3 : i32
      %add3A_592 = arith.addi %mul3A_590, %add3A_591 : i32
      %dma_wait3A_593 = arith.constant 0 : i32
      %dma_wait3A_594 = arith.constant 0 : i32
      %dma_wait3A_595 = tpu.memref_slice %arg17[%dma_wait3A_593, %dma_wait3A_594] : memref<10112x128xf32, #tpu.memory_space<vmem_shared>> -> memref<10112x128xf32, #tpu.memory_space<vmem_shared>>
      tpu.wait_indirect_dma semaphore(%arg25 : memref<!tpu.dma_semaphore, #tpu.memory_space<semaphore_mem>>) src(%arg16 : memref<64x128xf32, #tpu.memory_space<vmem>>) dst(%dma_wait3A_595 : memref<10112x128xf32, #tpu.memory_space<vmem_shared>>)
      %mul3A_596 = arith.constant 64 : i32
      %mul3A_597 = arith.muli %add3A_592, %mul3A_596 : i32
      %add3A_598 = arith.constant 0 : i32
      %add3A_599 = arith.addi %mul3A_597, %add3A_598 : i32
      %get3A_600 = arith.index_cast %add3A_599 : i32 to index
      %get3A_601 = tpu.vector_load %arg8[%get3A_600] {strides = array<i32>} : memref<5120xi32, #tpu.memory_space<vmem>>, vector<16xi32>,
      %get3A_602 = vector.shape_cast %get3A_601 : vector<16xi32> to vector<16xi32>
      %swap3A_603 = arith.constant 0 : index
      %swap3A_604 = tpu.vector_load %arg12[%swap3A_603] {strides = array<i32>} : memref<64xi32, #tpu.memory_space<vmem>>, vector<16xi32>,
      %swap3A_605 = vector.shape_cast %swap3A_604 : vector<16xi32> to vector<16xi32>
      %swap3A_606 = vector.shape_cast %get3A_602 : vector<16xi32> to vector<16xi32>
      tpu.vector_store %arg12[%swap3A_603], %swap3A_606 {strides = array<i32>} : memref<64xi32, #tpu.memory_space<vmem>>, vector<16xi32>,
      %mul3A_607 = arith.constant 64 : i32
      %mul3A_608 = arith.muli %add3A_592, %mul3A_607 : i32
      %add3A_609 = arith.constant 16 : i32
      %add3A_610 = arith.addi %mul3A_608, %add3A_609 : i32
      %get3A_611 = arith.index_cast %add3A_610 : i32 to index
      %get3A_612 = tpu.vector_load %arg8[%get3A_611] {strides = array<i32>} : memref<5120xi32, #tpu.memory_space<vmem>>, vector<16xi32>,
      %get3A_613 = vector.shape_cast %get3A_612 : vector<16xi32> to vector<16xi32>
      %swap3A_614 = arith.constant 16 : index
      %swap3A_615 = tpu.vector_load %arg12[%swap3A_614] {strides = array<i32>} : memref<64xi32, #tpu.memory_space<vmem>>, vector<16xi32>,
      %swap3A_616 = vector.shape_cast %swap3A_615 : vector<16xi32> to vector<16xi32>
      %swap3A_617 = vector.shape_cast %get3A_613 : vector<16xi32> to vector<16xi32>
      tpu.vector_store %arg12[%swap3A_614], %swap3A_617 {strides = array<i32>} : memref<64xi32, #tpu.memory_space<vmem>>, vector<16xi32>,
      %mul3A_618 = arith.constant 64 : i32
      %mul3A_619 = arith.muli %add3A_592, %mul3A_618 : i32
      %add3A_620 = arith.constant 32 : i32
      %add3A_621 = arith.addi %mul3A_619, %add3A_620 : i32
      %get3A_622 = arith.index_cast %add3A_621 : i32 to index
      %get3A_623 = tpu.vector_load %arg8[%get3A_622] {strides = array<i32>} : memref<5120xi32, #tpu.memory_space<vmem>>, vector<16xi32>,
      %get3A_624 = vector.shape_cast %get3A_623 : vector<16xi32> to vector<16xi32>
      %swap3A_625 = arith.constant 32 : index
      %swap3A_626 = tpu.vector_load %arg12[%swap3A_625] {strides = array<i32>} : memref<64xi32, #tpu.memory_space<vmem>>, vector<16xi32>,
      %swap3A_627 = vector.shape_cast %swap3A_626 : vector<16xi32> to vector<16xi32>
      %swap3A_628 = vector.shape_cast %get3A_624 : vector<16xi32> to vector<16xi32>
      tpu.vector_store %arg12[%swap3A_625], %swap3A_628 {strides = array<i32>} : memref<64xi32, #tpu.memory_space<vmem>>, vector<16xi32>,
      %mul3A_629 = arith.constant 64 : i32
      %mul3A_630 = arith.muli %add3A_592, %mul3A_629 : i32
      %add3A_631 = arith.constant 48 : i32
      %add3A_632 = arith.addi %mul3A_630, %add3A_631 : i32
      %get3A_633 = arith.index_cast %add3A_632 : i32 to index
      %get3A_634 = tpu.vector_load %arg8[%get3A_633] {strides = array<i32>} : memref<5120xi32, #tpu.memory_space<vmem>>, vector<16xi32>,
      %get3A_635 = vector.shape_cast %get3A_634 : vector<16xi32> to vector<16xi32>
      %swap3A_636 = arith.constant 48 : index
      %swap3A_637 = tpu.vector_load %arg12[%swap3A_636] {strides = array<i32>} : memref<64xi32, #tpu.memory_space<vmem>>, vector<16xi32>,
      %swap3A_638 = vector.shape_cast %swap3A_637 : vector<16xi32> to vector<16xi32>
      %swap3A_639 = vector.shape_cast %get3A_635 : vector<16xi32> to vector<16xi32>
      tpu.vector_store %arg12[%swap3A_636], %swap3A_639 {strides = array<i32>} : memref<64xi32, #tpu.memory_space<vmem>>, vector<16xi32>,
      %mul3A_640 = arith.constant 64 : i32
      %mul3A_641 = arith.muli %add3A_592, %mul3A_640 : i32
      %dma_start3A_642 = tpu.memref_slice %arg7[%mul3A_641] : memref<5120xi32, #tpu.memory_space<vmem>> -> memref<64xi32, #tpu.memory_space<vmem>>
      %dma_start3A_643 = arith.constant 0 : i32
      %dma_start3A_644 = arith.constant 0 : i32
      %dma_start3A_645 = tpu.memref_slice %arg2[%dma_start3A_643, %dma_start3A_644] : memref<10000x128xf32, #tpu.memory_space<hbm>> -> memref<10000x128xf32, #tpu.memory_space<hbm>>
      tpu.enqueue_indirect_dma source(%dma_start3A_645 : memref<10000x128xf32, #tpu.memory_space<hbm>>) target(%arg16 : memref<64x128xf32, #tpu.memory_space<vmem>>) offsets(%dma_start3A_642 : memref<64xi32, #tpu.memory_space<vmem>>) semaphore(%arg21 : memref<!tpu.dma_semaphore, #tpu.memory_space<semaphore_mem>>)
      %sub3A_646 = arith.constant 3 : i32
      %sub3A_647 = arith.subi %add3A_592, %sub3A_646 : i32
      %mul3A_648 = arith.constant 64 : i32
      %mul3A_649 = arith.muli %sub3A_647, %mul3A_648 : i32
      %dma_wait3A_650 = tpu.memref_slice %arg7[%mul3A_649] : memref<5120xi32, #tpu.memory_space<vmem>> -> memref<64xi32, #tpu.memory_space<vmem>>
      %dma_wait3A_651 = arith.constant 0 : i32
      %dma_wait3A_652 = arith.constant 0 : i32
      %dma_wait3A_653 = tpu.memref_slice %arg2[%dma_wait3A_651, %dma_wait3A_652] : memref<10000x128xf32, #tpu.memory_space<hbm>> -> memref<10000x128xf32, #tpu.memory_space<hbm>>
      tpu.wait_indirect_dma semaphore(%arg18 : memref<!tpu.dma_semaphore, #tpu.memory_space<semaphore_mem>>) src(%dma_wait3A_653 : memref<10000x128xf32, #tpu.memory_space<hbm>>) dst(%arg13 : memref<64x128xf32, #tpu.memory_space<vmem>>)
      %dma_start3A_654 = arith.constant 0 : i32
      %dma_start3A_655 = arith.constant 0 : i32
      %dma_start3A_656 = tpu.memref_slice %arg17[%dma_start3A_654, %dma_start3A_655] : memref<10112x128xf32, #tpu.memory_space<vmem_shared>> -> memref<10112x128xf32, #tpu.memory_space<vmem_shared>>
      tpu.enqueue_indirect_dma source(%arg13 : memref<64x128xf32, #tpu.memory_space<vmem>>) target(%dma_start3A_656 : memref<10112x128xf32, #tpu.memory_space<vmem_shared>>) offsets(%arg9 : memref<64xi32, #tpu.memory_space<vmem>>) semaphore(%arg22 : memref<!tpu.dma_semaphore, #tpu.memory_space<semaphore_mem>>) {add = true}
    }
    %scan3A_150 = arith.constant 19 : i32
    %dma_wait3A_151 = arith.constant 4928 : i32
    %dma_wait3A_152 = tpu.memref_slice %arg7[%dma_wait3A_151] : memref<5120xi32, #tpu.memory_space<vmem>> -> memref<64xi32, #tpu.memory_space<vmem>>
    %dma_wait3A_153 = arith.constant 0 : i32
    %dma_wait3A_154 = arith.constant 0 : i32
    %dma_wait3A_155 = tpu.memref_slice %arg2[%dma_wait3A_153, %dma_wait3A_154] : memref<10000x128xf32, #tpu.memory_space<hbm>> -> memref<10000x128xf32, #tpu.memory_space<hbm>>
    tpu.wait_indirect_dma semaphore(%arg19 : memref<!tpu.dma_semaphore, #tpu.memory_space<semaphore_mem>>) src(%dma_wait3A_155 : memref<10000x128xf32, #tpu.memory_space<hbm>>) dst(%arg14 : memref<64x128xf32, #tpu.memory_space<vmem>>)
    %dma_start3A_156 = arith.constant 0 : i32
    %dma_start3A_157 = arith.constant 0 : i32
    %dma_start3A_158 = tpu.memref_slice %arg17[%dma_start3A_156, %dma_start3A_157] : memref<10112x128xf32, #tpu.memory_space<vmem_shared>> -> memref<10112x128xf32, #tpu.memory_space<vmem_shared>>
    tpu.enqueue_indirect_dma source(%arg14 : memref<64x128xf32, #tpu.memory_space<vmem>>) target(%dma_start3A_158 : memref<10112x128xf32, #tpu.memory_space<vmem_shared>>) offsets(%arg10 : memref<64xi32, #tpu.memory_space<vmem>>) semaphore(%arg23 : memref<!tpu.dma_semaphore, #tpu.memory_space<semaphore_mem>>) {add = true}
    %dma_wait3A_159 = arith.constant 4992 : i32
    %dma_wait3A_160 = tpu.memref_slice %arg7[%dma_wait3A_159] : memref<5120xi32, #tpu.memory_space<vmem>> -> memref<64xi32, #tpu.memory_space<vmem>>
    %dma_wait3A_161 = arith.constant 0 : i32
    %dma_wait3A_162 = arith.constant 0 : i32
    %dma_wait3A_163 = tpu.memref_slice %arg2[%dma_wait3A_161, %dma_wait3A_162] : memref<10000x128xf32, #tpu.memory_space<hbm>> -> memref<10000x128xf32, #tpu.memory_space<hbm>>
    tpu.wait_indirect_dma semaphore(%arg20 : memref<!tpu.dma_semaphore, #tpu.memory_space<semaphore_mem>>) src(%dma_wait3A_163 : memref<10000x128xf32, #tpu.memory_space<hbm>>) dst(%arg15 : memref<64x128xf32, #tpu.memory_space<vmem>>)
    %dma_start3A_164 = arith.constant 0 : i32
    %dma_start3A_165 = arith.constant 0 : i32
    %dma_start3A_166 = tpu.memref_slice %arg17[%dma_start3A_164, %dma_start3A_165] : memref<10112x128xf32, #tpu.memory_space<vmem_shared>> -> memref<10112x128xf32, #tpu.memory_space<vmem_shared>>
    tpu.enqueue_indirect_dma source(%arg15 : memref<64x128xf32, #tpu.memory_space<vmem>>) target(%dma_start3A_166 : memref<10112x128xf32, #tpu.memory_space<vmem_shared>>) offsets(%arg11 : memref<64xi32, #tpu.memory_space<vmem>>) semaphore(%arg24 : memref<!tpu.dma_semaphore, #tpu.memory_space<semaphore_mem>>) {add = true}
    %dma_wait3A_167 = arith.constant 5056 : i32
    %dma_wait3A_168 = tpu.memref_slice %arg7[%dma_wait3A_167] : memref<5120xi32, #tpu.memory_space<vmem>> -> memref<64xi32, #tpu.memory_space<vmem>>
    %dma_wait3A_169 = arith.constant 0 : i32
    %dma_wait3A_170 = arith.constant 0 : i32
    %dma_wait3A_171 = tpu.memref_slice %arg2[%dma_wait3A_169, %dma_wait3A_170] : memref<10000x128xf32, #tpu.memory_space<hbm>> -> memref<10000x128xf32, #tpu.memory_space<hbm>>
    tpu.wait_indirect_dma semaphore(%arg21 : memref<!tpu.dma_semaphore, #tpu.memory_space<semaphore_mem>>) src(%dma_wait3A_171 : memref<10000x128xf32, #tpu.memory_space<hbm>>) dst(%arg16 : memref<64x128xf32, #tpu.memory_space<vmem>>)
    %dma_start3A_172 = arith.constant 0 : i32
    %dma_start3A_173 = arith.constant 0 : i32
    %dma_start3A_174 = tpu.memref_slice %arg17[%dma_start3A_172, %dma_start3A_173] : memref<10112x128xf32, #tpu.memory_space<vmem_shared>> -> memref<10112x128xf32, #tpu.memory_space<vmem_shared>>
    tpu.enqueue_indirect_dma source(%arg16 : memref<64x128xf32, #tpu.memory_space<vmem>>) target(%dma_start3A_174 : memref<10112x128xf32, #tpu.memory_space<vmem_shared>>) offsets(%arg12 : memref<64xi32, #tpu.memory_space<vmem>>) semaphore(%arg25 : memref<!tpu.dma_semaphore, #tpu.memory_space<semaphore_mem>>) {add = true}
    %mul3A_175 = arith.constant 10240 : i32
    %mul3A_176 = arith.muli %add3A, %mul3A_175 : i32
    %add3A_177 = arith.constant 5120 : i32
    %add3A_178 = arith.addi %mul3A_176, %add3A_177 : i32
    "tpu.region"() ({
      %run_scoped3A = tpu.sem_alloc : memref<!tpu.dma_semaphore, #tpu.memory_space<semaphore_mem>>
      %dma_start3A_381 = tpu.memref_slice %arg3[%add3A_178] : memref<327680xi32, #tpu.memory_space<hbm>> -> memref<5120xi32, #tpu.memory_space<hbm>>
      %dma_start3A_382 = tpu.memref_slice %arg3[%add3A_178] : memref<327680xi32, #tpu.memory_space<hbm>> -> memref<5120xi32, #tpu.memory_space<hbm>>
      tpu.enqueue_dma source(%dma_start3A_382 : memref<5120xi32, #tpu.memory_space<hbm>>) target(%arg7 : memref<5120xi32, #tpu.memory_space<vmem>>) target_semaphore(%run_scoped3A : memref<!tpu.dma_semaphore, #tpu.memory_space<semaphore_mem>>)
      %dma_wait3A_383 = tpu.memref_slice %arg3[%add3A_178] : memref<327680xi32, #tpu.memory_space<hbm>> -> memref<5120xi32, #tpu.memory_space<hbm>>
      %dma_wait3A_384 = tpu.memref_slice %arg3[%add3A_178] : memref<327680xi32, #tpu.memory_space<hbm>> -> memref<5120xi32, #tpu.memory_space<hbm>>
      tpu.wait_dma2 semaphore(%run_scoped3A : memref<!tpu.dma_semaphore, #tpu.memory_space<semaphore_mem>>) src(%dma_wait3A_384 : memref<5120xi32, #tpu.memory_space<hbm>>) dst(%arg7 : memref<5120xi32, #tpu.memory_space<vmem>>)
      tpu.yield
    }) : () -> ()
    %mul3A_179 = arith.constant 10240 : i32
    %mul3A_180 = arith.muli %add3A, %mul3A_179 : i32
    %add3A_181 = arith.constant 5120 : i32
    %add3A_182 = arith.addi %mul3A_180, %add3A_181 : i32
    "tpu.region"() ({
      %run_scoped3A = tpu.sem_alloc : memref<!tpu.dma_semaphore, #tpu.memory_space<semaphore_mem>>
      %dma_start3A_381 = tpu.memref_slice %arg4[%add3A_182] : memref<327680xi32, #tpu.memory_space<hbm>> -> memref<5120xi32, #tpu.memory_space<hbm>>
      %dma_start3A_382 = tpu.memref_slice %arg4[%add3A_182] : memref<327680xi32, #tpu.memory_space<hbm>> -> memref<5120xi32, #tpu.memory_space<hbm>>
      tpu.enqueue_dma source(%dma_start3A_382 : memref<5120xi32, #tpu.memory_space<hbm>>) target(%arg8 : memref<5120xi32, #tpu.memory_space<vmem>>) target_semaphore(%run_scoped3A : memref<!tpu.dma_semaphore, #tpu.memory_space<semaphore_mem>>)
      %dma_wait3A_383 = tpu.memref_slice %arg4[%add3A_182] : memref<327680xi32, #tpu.memory_space<hbm>> -> memref<5120xi32, #tpu.memory_space<hbm>>
      %dma_wait3A_384 = tpu.memref_slice %arg4[%add3A_182] : memref<327680xi32, #tpu.memory_space<hbm>> -> memref<5120xi32, #tpu.memory_space<hbm>>
      tpu.wait_dma2 semaphore(%run_scoped3A : memref<!tpu.dma_semaphore, #tpu.memory_space<semaphore_mem>>) src(%dma_wait3A_384 : memref<5120xi32, #tpu.memory_space<hbm>>) dst(%arg8 : memref<5120xi32, #tpu.memory_space<vmem>>)
      tpu.yield
    }) : () -> ()
    %dma_wait3A_183 = arith.constant 0 : i32
    %dma_wait3A_184 = arith.constant 0 : i32
    %dma_wait3A_185 = tpu.memref_slice %arg17[%dma_wait3A_183, %dma_wait3A_184] : memref<10112x128xf32, #tpu.memory_space<vmem_shared>> -> memref<10112x128xf32, #tpu.memory_space<vmem_shared>>
    tpu.wait_indirect_dma semaphore(%arg22 : memref<!tpu.dma_semaphore, #tpu.memory_space<semaphore_mem>>) src(%arg13 : memref<64x128xf32, #tpu.memory_space<vmem>>) dst(%dma_wait3A_185 : memref<10112x128xf32, #tpu.memory_space<vmem_shared>>)
    %get3A_186 = arith.constant 0 : index
    %get3A_187 = tpu.vector_load %arg8[%get3A_186] {strides = array<i32>} : memref<5120xi32, #tpu.memory_space<vmem>>, vector<16xi32>,
    %get3A_188 = vector.shape_cast %get3A_187 : vector<16xi32> to vector<16xi32>
    %swap3A_189 = arith.constant 0 : index
    %swap3A_190 = tpu.vector_load %arg9[%swap3A_189] {strides = array<i32>} : memref<64xi32, #tpu.memory_space<vmem>>, vector<16xi32>,
    %swap3A_191 = vector.shape_cast %swap3A_190 : vector<16xi32> to vector<16xi32>
    %swap3A_192 = vector.shape_cast %get3A_188 : vector<16xi32> to vector<16xi32>
    tpu.vector_store %arg9[%swap3A_189], %swap3A_192 {strides = array<i32>} : memref<64xi32, #tpu.memory_space<vmem>>, vector<16xi32>,
    %get3A_193 = arith.constant 16 : index
    %get3A_194 = tpu.vector_load %arg8[%get3A_193] {strides = array<i32>} : memref<5120xi32, #tpu.memory_space<vmem>>, vector<16xi32>,
    %get3A_195 = vector.shape_cast %get3A_194 : vector<16xi32> to vector<16xi32>
    %swap3A_196 = arith.constant 16 : index
    %swap3A_197 = tpu.vector_load %arg9[%swap3A_196] {strides = array<i32>} : memref<64xi32, #tpu.memory_space<vmem>>, vector<16xi32>,
    %swap3A_198 = vector.shape_cast %swap3A_197 : vector<16xi32> to vector<16xi32>
    %swap3A_199 = vector.shape_cast %get3A_195 : vector<16xi32> to vector<16xi32>
    tpu.vector_store %arg9[%swap3A_196], %swap3A_199 {strides = array<i32>} : memref<64xi32, #tpu.memory_space<vmem>>, vector<16xi32>,
    %get3A_200 = arith.constant 32 : index
    %get3A_201 = tpu.vector_load %arg8[%get3A_200] {strides = array<i32>} : memref<5120xi32, #tpu.memory_space<vmem>>, vector<16xi32>,
    %get3A_202 = vector.shape_cast %get3A_201 : vector<16xi32> to vector<16xi32>
    %swap3A_203 = arith.constant 32 : index
    %swap3A_204 = tpu.vector_load %arg9[%swap3A_203] {strides = array<i32>} : memref<64xi32, #tpu.memory_space<vmem>>, vector<16xi32>,
    %swap3A_205 = vector.shape_cast %swap3A_204 : vector<16xi32> to vector<16xi32>
    %swap3A_206 = vector.shape_cast %get3A_202 : vector<16xi32> to vector<16xi32>
    tpu.vector_store %arg9[%swap3A_203], %swap3A_206 {strides = array<i32>} : memref<64xi32, #tpu.memory_space<vmem>>, vector<16xi32>,
    %get3A_207 = arith.constant 48 : index
    %get3A_208 = tpu.vector_load %arg8[%get3A_207] {strides = array<i32>} : memref<5120xi32, #tpu.memory_space<vmem>>, vector<16xi32>,
    %get3A_209 = vector.shape_cast %get3A_208 : vector<16xi32> to vector<16xi32>
    %swap3A_210 = arith.constant 48 : index
    %swap3A_211 = tpu.vector_load %arg9[%swap3A_210] {strides = array<i32>} : memref<64xi32, #tpu.memory_space<vmem>>, vector<16xi32>,
    %swap3A_212 = vector.shape_cast %swap3A_211 : vector<16xi32> to vector<16xi32>
    %swap3A_213 = vector.shape_cast %get3A_209 : vector<16xi32> to vector<16xi32>
    tpu.vector_store %arg9[%swap3A_210], %swap3A_213 {strides = array<i32>} : memref<64xi32, #tpu.memory_space<vmem>>, vector<16xi32>,
    %dma_start3A_214 = arith.constant 0 : i32
    %dma_start3A_215 = tpu.memref_slice %arg7[%dma_start3A_214] : memref<5120xi32, #tpu.memory_space<vmem>> -> memref<64xi32, #tpu.memory_space<vmem>>
    %dma_start3A_216 = arith.constant 0 : i32
    %dma_start3A_217 = arith.constant 0 : i32
    %dma_start3A_218 = tpu.memref_slice %arg2[%dma_start3A_216, %dma_start3A_217] : memref<10000x128xf32, #tpu.memory_space<hbm>> -> memref<10000x128xf32, #tpu.memory_space<hbm>>
    tpu.enqueue_indirect_dma source(%dma_start3A_218 : memref<10000x128xf32, #tpu.memory_space<hbm>>) target(%arg13 : memref<64x128xf32, #tpu.memory_space<vmem>>) offsets(%dma_start3A_215 : memref<64xi32, #tpu.memory_space<vmem>>) semaphore(%arg18 : memref<!tpu.dma_semaphore, #tpu.memory_space<semaphore_mem>>)
    %dma_wait3A_219 = arith.constant 0 : i32
    %dma_wait3A_220 = arith.constant 0 : i32
    %dma_wait3A_221 = tpu.memref_slice %arg17[%dma_wait3A_219, %dma_wait3A_220] : memref<10112x128xf32, #tpu.memory_space<vmem_shared>> -> memref<10112x128xf32, #tpu.memory_space<vmem_shared>>
    tpu.wait_indirect_dma semaphore(%arg23 : memref<!tpu.dma_semaphore, #tpu.memory_space<semaphore_mem>>) src(%arg14 : memref<64x128xf32, #tpu.memory_space<vmem>>) dst(%dma_wait3A_221 : memref<10112x128xf32, #tpu.memory_space<vmem_shared>>)
    %get3A_222 = arith.constant 64 : index
    %get3A_223 = tpu.vector_load %arg8[%get3A_222] {strides = array<i32>} : memref<5120xi32, #tpu.memory_space<vmem>>, vector<16xi32>,
    %get3A_224 = vector.shape_cast %get3A_223 : vector<16xi32> to vector<16xi32>
    %swap3A_225 = arith.constant 0 : index
    %swap3A_226 = tpu.vector_load %arg10[%swap3A_225] {strides = array<i32>} : memref<64xi32, #tpu.memory_space<vmem>>, vector<16xi32>,
    %swap3A_227 = vector.shape_cast %swap3A_226 : vector<16xi32> to vector<16xi32>
    %swap3A_228 = vector.shape_cast %get3A_224 : vector<16xi32> to vector<16xi32>
    tpu.vector_store %arg10[%swap3A_225], %swap3A_228 {strides = array<i32>} : memref<64xi32, #tpu.memory_space<vmem>>, vector<16xi32>,
    %get3A_229 = arith.constant 80 : index
    %get3A_230 = tpu.vector_load %arg8[%get3A_229] {strides = array<i32>} : memref<5120xi32, #tpu.memory_space<vmem>>, vector<16xi32>,
    %get3A_231 = vector.shape_cast %get3A_230 : vector<16xi32> to vector<16xi32>
    %swap3A_232 = arith.constant 16 : index
    %swap3A_233 = tpu.vector_load %arg10[%swap3A_232] {strides = array<i32>} : memref<64xi32, #tpu.memory_space<vmem>>, vector<16xi32>,
    %swap3A_234 = vector.shape_cast %swap3A_233 : vector<16xi32> to vector<16xi32>
    %swap3A_235 = vector.shape_cast %get3A_231 : vector<16xi32> to vector<16xi32>
    tpu.vector_store %arg10[%swap3A_232], %swap3A_235 {strides = array<i32>} : memref<64xi32, #tpu.memory_space<vmem>>, vector<16xi32>,
    %get3A_236 = arith.constant 96 : index
    %get3A_237 = tpu.vector_load %arg8[%get3A_236] {strides = array<i32>} : memref<5120xi32, #tpu.memory_space<vmem>>, vector<16xi32>,
    %get3A_238 = vector.shape_cast %get3A_237 : vector<16xi32> to vector<16xi32>
    %swap3A_239 = arith.constant 32 : index
    %swap3A_240 = tpu.vector_load %arg10[%swap3A_239] {strides = array<i32>} : memref<64xi32, #tpu.memory_space<vmem>>, vector<16xi32>,
    %swap3A_241 = vector.shape_cast %swap3A_240 : vector<16xi32> to vector<16xi32>
    %swap3A_242 = vector.shape_cast %get3A_238 : vector<16xi32> to vector<16xi32>
    tpu.vector_store %arg10[%swap3A_239], %swap3A_242 {strides = array<i32>} : memref<64xi32, #tpu.memory_space<vmem>>, vector<16xi32>,
    %get3A_243 = arith.constant 112 : index
    %get3A_244 = tpu.vector_load %arg8[%get3A_243] {strides = array<i32>} : memref<5120xi32, #tpu.memory_space<vmem>>, vector<16xi32>,
    %get3A_245 = vector.shape_cast %get3A_244 : vector<16xi32> to vector<16xi32>
    %swap3A_246 = arith.constant 48 : index
    %swap3A_247 = tpu.vector_load %arg10[%swap3A_246] {strides = array<i32>} : memref<64xi32, #tpu.memory_space<vmem>>, vector<16xi32>,
    %swap3A_248 = vector.shape_cast %swap3A_247 : vector<16xi32> to vector<16xi32>
    %swap3A_249 = vector.shape_cast %get3A_245 : vector<16xi32> to vector<16xi32>
    tpu.vector_store %arg10[%swap3A_246], %swap3A_249 {strides = array<i32>} : memref<64xi32, #tpu.memory_space<vmem>>, vector<16xi32>,
    %dma_start3A_250 = arith.constant 64 : i32
    %dma_start3A_251 = tpu.memref_slice %arg7[%dma_start3A_250] : memref<5120xi32, #tpu.memory_space<vmem>> -> memref<64xi32, #tpu.memory_space<vmem>>
    %dma_start3A_252 = arith.constant 0 : i32
    %dma_start3A_253 = arith.constant 0 : i32
    %dma_start3A_254 = tpu.memref_slice %arg2[%dma_start3A_252, %dma_start3A_253] : memref<10000x128xf32, #tpu.memory_space<hbm>> -> memref<10000x128xf32, #tpu.memory_space<hbm>>
    tpu.enqueue_indirect_dma source(%dma_start3A_254 : memref<10000x128xf32, #tpu.memory_space<hbm>>) target(%arg14 : memref<64x128xf32, #tpu.memory_space<vmem>>) offsets(%dma_start3A_251 : memref<64xi32, #tpu.memory_space<vmem>>) semaphore(%arg19 : memref<!tpu.dma_semaphore, #tpu.memory_space<semaphore_mem>>)
    %dma_wait3A_255 = arith.constant 0 : i32
    %dma_wait3A_256 = arith.constant 0 : i32
    %dma_wait3A_257 = tpu.memref_slice %arg17[%dma_wait3A_255, %dma_wait3A_256] : memref<10112x128xf32, #tpu.memory_space<vmem_shared>> -> memref<10112x128xf32, #tpu.memory_space<vmem_shared>>
    tpu.wait_indirect_dma semaphore(%arg24 : memref<!tpu.dma_semaphore, #tpu.memory_space<semaphore_mem>>) src(%arg15 : memref<64x128xf32, #tpu.memory_space<vmem>>) dst(%dma_wait3A_257 : memref<10112x128xf32, #tpu.memory_space<vmem_shared>>)
    %get3A_258 = arith.constant 128 : index
    %get3A_259 = tpu.vector_load %arg8[%get3A_258] {strides = array<i32>} : memref<5120xi32, #tpu.memory_space<vmem>>, vector<16xi32>,
    %get3A_260 = vector.shape_cast %get3A_259 : vector<16xi32> to vector<16xi32>
    %swap3A_261 = arith.constant 0 : index
    %swap3A_262 = tpu.vector_load %arg11[%swap3A_261] {strides = array<i32>} : memref<64xi32, #tpu.memory_space<vmem>>, vector<16xi32>,
    %swap3A_263 = vector.shape_cast %swap3A_262 : vector<16xi32> to vector<16xi32>
    %swap3A_264 = vector.shape_cast %get3A_260 : vector<16xi32> to vector<16xi32>
    tpu.vector_store %arg11[%swap3A_261], %swap3A_264 {strides = array<i32>} : memref<64xi32, #tpu.memory_space<vmem>>, vector<16xi32>,
    %get3A_265 = arith.constant 144 : index
    %get3A_266 = tpu.vector_load %arg8[%get3A_265] {strides = array<i32>} : memref<5120xi32, #tpu.memory_space<vmem>>, vector<16xi32>,
    %get3A_267 = vector.shape_cast %get3A_266 : vector<16xi32> to vector<16xi32>
    %swap3A_268 = arith.constant 16 : index
    %swap3A_269 = tpu.vector_load %arg11[%swap3A_268] {strides = array<i32>} : memref<64xi32, #tpu.memory_space<vmem>>, vector<16xi32>,
    %swap3A_270 = vector.shape_cast %swap3A_269 : vector<16xi32> to vector<16xi32>
    %swap3A_271 = vector.shape_cast %get3A_267 : vector<16xi32> to vector<16xi32>
    tpu.vector_store %arg11[%swap3A_268], %swap3A_271 {strides = array<i32>} : memref<64xi32, #tpu.memory_space<vmem>>, vector<16xi32>,
    %get3A_272 = arith.constant 160 : index
    %get3A_273 = tpu.vector_load %arg8[%get3A_272] {strides = array<i32>} : memref<5120xi32, #tpu.memory_space<vmem>>, vector<16xi32>,
    %get3A_274 = vector.shape_cast %get3A_273 : vector<16xi32> to vector<16xi32>
    %swap3A_275 = arith.constant 32 : index
    %swap3A_276 = tpu.vector_load %arg11[%swap3A_275] {strides = array<i32>} : memref<64xi32, #tpu.memory_space<vmem>>, vector<16xi32>,
    %swap3A_277 = vector.shape_cast %swap3A_276 : vector<16xi32> to vector<16xi32>
    %swap3A_278 = vector.shape_cast %get3A_274 : vector<16xi32> to vector<16xi32>
    tpu.vector_store %arg11[%swap3A_275], %swap3A_278 {strides = array<i32>} : memref<64xi32, #tpu.memory_space<vmem>>, vector<16xi32>,
    %get3A_279 = arith.constant 176 : index
    %get3A_280 = tpu.vector_load %arg8[%get3A_279] {strides = array<i32>} : memref<5120xi32, #tpu.memory_space<vmem>>, vector<16xi32>,
    %get3A_281 = vector.shape_cast %get3A_280 : vector<16xi32> to vector<16xi32>
    %swap3A_282 = arith.constant 48 : index
    %swap3A_283 = tpu.vector_load %arg11[%swap3A_282] {strides = array<i32>} : memref<64xi32, #tpu.memory_space<vmem>>, vector<16xi32>,
    %swap3A_284 = vector.shape_cast %swap3A_283 : vector<16xi32> to vector<16xi32>
    %swap3A_285 = vector.shape_cast %get3A_281 : vector<16xi32> to vector<16xi32>
    tpu.vector_store %arg11[%swap3A_282], %swap3A_285 {strides = array<i32>} : memref<64xi32, #tpu.memory_space<vmem>>, vector<16xi32>,
    %dma_start3A_286 = arith.constant 128 : i32
    %dma_start3A_287 = tpu.memref_slice %arg7[%dma_start3A_286] : memref<5120xi32, #tpu.memory_space<vmem>> -> memref<64xi32, #tpu.memory_space<vmem>>
    %dma_start3A_288 = arith.constant 0 : i32
    %dma_start3A_289 = arith.constant 0 : i32
    %dma_start3A_290 = tpu.memref_slice %arg2[%dma_start3A_288, %dma_start3A_289] : memref<10000x128xf32, #tpu.memory_space<hbm>> -> memref<10000x128xf32, #tpu.memory_space<hbm>>
    tpu.enqueue_indirect_dma source(%dma_start3A_290 : memref<10000x128xf32, #tpu.memory_space<hbm>>) target(%arg15 : memref<64x128xf32, #tpu.memory_space<vmem>>) offsets(%dma_start3A_287 : memref<64xi32, #tpu.memory_space<vmem>>) semaphore(%arg20 : memref<!tpu.dma_semaphore, #tpu.memory_space<semaphore_mem>>)
    %dma_wait3A_291 = arith.constant 0 : i32
    %dma_wait3A_292 = arith.constant 0 : i32
    %dma_wait3A_293 = tpu.memref_slice %arg17[%dma_wait3A_291, %dma_wait3A_292] : memref<10112x128xf32, #tpu.memory_space<vmem_shared>> -> memref<10112x128xf32, #tpu.memory_space<vmem_shared>>
    tpu.wait_indirect_dma semaphore(%arg25 : memref<!tpu.dma_semaphore, #tpu.memory_space<semaphore_mem>>) src(%arg16 : memref<64x128xf32, #tpu.memory_space<vmem>>) dst(%dma_wait3A_293 : memref<10112x128xf32, #tpu.memory_space<vmem_shared>>)
    %get3A_294 = arith.constant 192 : index
    %get3A_295 = tpu.vector_load %arg8[%get3A_294] {strides = array<i32>} : memref<5120xi32, #tpu.memory_space<vmem>>, vector<16xi32>,
    %get3A_296 = vector.shape_cast %get3A_295 : vector<16xi32> to vector<16xi32>
    %swap3A_297 = arith.constant 0 : index
    %swap3A_298 = tpu.vector_load %arg12[%swap3A_297] {strides = array<i32>} : memref<64xi32, #tpu.memory_space<vmem>>, vector<16xi32>,
    %swap3A_299 = vector.shape_cast %swap3A_298 : vector<16xi32> to vector<16xi32>
    %swap3A_300 = vector.shape_cast %get3A_296 : vector<16xi32> to vector<16xi32>
    tpu.vector_store %arg12[%swap3A_297], %swap3A_300 {strides = array<i32>} : memref<64xi32, #tpu.memory_space<vmem>>, vector<16xi32>,
    %get3A_301 = arith.constant 208 : index
    %get3A_302 = tpu.vector_load %arg8[%get3A_301] {strides = array<i32>} : memref<5120xi32, #tpu.memory_space<vmem>>, vector<16xi32>,
    %get3A_303 = vector.shape_cast %get3A_302 : vector<16xi32> to vector<16xi32>
    %swap3A_304 = arith.constant 16 : index
    %swap3A_305 = tpu.vector_load %arg12[%swap3A_304] {strides = array<i32>} : memref<64xi32, #tpu.memory_space<vmem>>, vector<16xi32>,
    %swap3A_306 = vector.shape_cast %swap3A_305 : vector<16xi32> to vector<16xi32>
    %swap3A_307 = vector.shape_cast %get3A_303 : vector<16xi32> to vector<16xi32>
    tpu.vector_store %arg12[%swap3A_304], %swap3A_307 {strides = array<i32>} : memref<64xi32, #tpu.memory_space<vmem>>, vector<16xi32>,
    %get3A_308 = arith.constant 224 : index
    %get3A_309 = tpu.vector_load %arg8[%get3A_308] {strides = array<i32>} : memref<5120xi32, #tpu.memory_space<vmem>>, vector<16xi32>,
    %get3A_310 = vector.shape_cast %get3A_309 : vector<16xi32> to vector<16xi32>
    %swap3A_311 = arith.constant 32 : index
    %swap3A_312 = tpu.vector_load %arg12[%swap3A_311] {strides = array<i32>} : memref<64xi32, #tpu.memory_space<vmem>>, vector<16xi32>,
    %swap3A_313 = vector.shape_cast %swap3A_312 : vector<16xi32> to vector<16xi32>
    %swap3A_314 = vector.shape_cast %get3A_310 : vector<16xi32> to vector<16xi32>
    tpu.vector_store %arg12[%swap3A_311], %swap3A_314 {strides = array<i32>} : memref<64xi32, #tpu.memory_space<vmem>>, vector<16xi32>,
    %get3A_315 = arith.constant 240 : index
    %get3A_316 = tpu.vector_load %arg8[%get3A_315] {strides = array<i32>} : memref<5120xi32, #tpu.memory_space<vmem>>, vector<16xi32>,
    %get3A_317 = vector.shape_cast %get3A_316 : vector<16xi32> to vector<16xi32>
    %swap3A_318 = arith.constant 48 : index
    %swap3A_319 = tpu.vector_load %arg12[%swap3A_318] {strides = array<i32>} : memref<64xi32, #tpu.memory_space<vmem>>, vector<16xi32>,
    %swap3A_320 = vector.shape_cast %swap3A_319 : vector<16xi32> to vector<16xi32>
    %swap3A_321 = vector.shape_cast %get3A_317 : vector<16xi32> to vector<16xi32>
    tpu.vector_store %arg12[%swap3A_318], %swap3A_321 {strides = array<i32>} : memref<64xi32, #tpu.memory_space<vmem>>, vector<16xi32>,
    %dma_start3A_322 = arith.constant 192 : i32
    %dma_start3A_323 = tpu.memref_slice %arg7[%dma_start3A_322] : memref<5120xi32, #tpu.memory_space<vmem>> -> memref<64xi32, #tpu.memory_space<vmem>>
    %dma_start3A_324 = arith.constant 0 : i32
    %dma_start3A_325 = arith.constant 0 : i32
    %dma_start3A_326 = tpu.memref_slice %arg2[%dma_start3A_324, %dma_start3A_325] : memref<10000x128xf32, #tpu.memory_space<hbm>> -> memref<10000x128xf32, #tpu.memory_space<hbm>>
    tpu.enqueue_indirect_dma source(%dma_start3A_326 : memref<10000x128xf32, #tpu.memory_space<hbm>>) target(%arg16 : memref<64x128xf32, #tpu.memory_space<vmem>>) offsets(%dma_start3A_323 : memref<64xi32, #tpu.memory_space<vmem>>) semaphore(%arg21 : memref<!tpu.dma_semaphore, #tpu.memory_space<semaphore_mem>>)
    %dma_wait3A_327 = arith.constant 0 : i32
    %dma_wait3A_328 = tpu.memref_slice %arg7[%dma_wait3A_327] : memref<5120xi32, #tpu.memory_space<vmem>> -> memref<64xi32, #tpu.memory_space<vmem>>
    %dma_wait3A_329 = arith.constant 0 : i32
    %dma_wait3A_330 = arith.constant 0 : i32
    %dma_wait3A_331 = tpu.memref_slice %arg2[%dma_wait3A_329, %dma_wait3A_330] : memref<10000x128xf32, #tpu.memory_space<hbm>> -> memref<10000x128xf32, #tpu.memory_space<hbm>>
    tpu.wait_indirect_dma semaphore(%arg18 : memref<!tpu.dma_semaphore, #tpu.memory_space<semaphore_mem>>) src(%dma_wait3A_331 : memref<10000x128xf32, #tpu.memory_space<hbm>>) dst(%arg13 : memref<64x128xf32, #tpu.memory_space<vmem>>)
    %dma_start3A_332 = arith.constant 0 : i32
    %dma_start3A_333 = arith.constant 0 : i32
    %dma_start3A_334 = tpu.memref_slice %arg17[%dma_start3A_332, %dma_start3A_333] : memref<10112x128xf32, #tpu.memory_space<vmem_shared>> -> memref<10112x128xf32, #tpu.memory_space<vmem_shared>>
    tpu.enqueue_indirect_dma source(%arg13 : memref<64x128xf32, #tpu.memory_space<vmem>>) target(%dma_start3A_334 : memref<10112x128xf32, #tpu.memory_space<vmem_shared>>) offsets(%arg9 : memref<64xi32, #tpu.memory_space<vmem>>) semaphore(%arg22 : memref<!tpu.dma_semaphore, #tpu.memory_space<semaphore_mem>>) {add = true}
    %scan3A_335 = arith.constant 0 : i32
    %scan3A_336 = arith.constant 19 : i32
    %scan3A_337 = arith.addi %scan3A_335, %scan3A_336 : i32
    %scan3A_338 = arith.constant 1 : i32
    scf.for %scan3A_381 = %scan3A_335 to %scan3A_337 step %scan3A_338  : i32 {
      %mul3A_382 = arith.constant 1 : i32
      %mul3A_383 = arith.muli %scan3A_381, %mul3A_382 : i32
      %add3A_384 = arith.constant 1 : i32
      %add3A_385 = arith.addi %add3A_384, %mul3A_383 : i32
      %mul3A_386 = arith.constant 4 : i32
      %mul3A_387 = arith.muli %add3A_385, %mul3A_386 : i32
      %add3A_388 = arith.constant 0 : i32
      %add3A_389 = arith.addi %mul3A_387, %add3A_388 : i32
      %dma_wait3A_390 = arith.constant 0 : i32
      %dma_wait3A_391 = arith.constant 0 : i32
      %dma_wait3A_392 = tpu.memref_slice %arg17[%dma_wait3A_390, %dma_wait3A_391] : memref<10112x128xf32, #tpu.memory_space<vmem_shared>> -> memref<10112x128xf32, #tpu.memory_space<vmem_shared>>
      tpu.wait_indirect_dma semaphore(%arg22 : memref<!tpu.dma_semaphore, #tpu.memory_space<semaphore_mem>>) src(%arg13 : memref<64x128xf32, #tpu.memory_space<vmem>>) dst(%dma_wait3A_392 : memref<10112x128xf32, #tpu.memory_space<vmem_shared>>)
      %mul3A_393 = arith.constant 64 : i32
      %mul3A_394 = arith.muli %add3A_389, %mul3A_393 : i32
      %add3A_395 = arith.constant 0 : i32
      %add3A_396 = arith.addi %mul3A_394, %add3A_395 : i32
      %get3A_397 = arith.index_cast %add3A_396 : i32 to index
      %get3A_398 = tpu.vector_load %arg8[%get3A_397] {strides = array<i32>} : memref<5120xi32, #tpu.memory_space<vmem>>, vector<16xi32>,
      %get3A_399 = vector.shape_cast %get3A_398 : vector<16xi32> to vector<16xi32>
      %swap3A_400 = arith.constant 0 : index
      %swap3A_401 = tpu.vector_load %arg9[%swap3A_400] {strides = array<i32>} : memref<64xi32, #tpu.memory_space<vmem>>, vector<16xi32>,
      %swap3A_402 = vector.shape_cast %swap3A_401 : vector<16xi32> to vector<16xi32>
      %swap3A_403 = vector.shape_cast %get3A_399 : vector<16xi32> to vector<16xi32>
      tpu.vector_store %arg9[%swap3A_400], %swap3A_403 {strides = array<i32>} : memref<64xi32, #tpu.memory_space<vmem>>, vector<16xi32>,
      %mul3A_404 = arith.constant 64 : i32
      %mul3A_405 = arith.muli %add3A_389, %mul3A_404 : i32
      %add3A_406 = arith.constant 16 : i32
      %add3A_407 = arith.addi %mul3A_405, %add3A_406 : i32
      %get3A_408 = arith.index_cast %add3A_407 : i32 to index
      %get3A_409 = tpu.vector_load %arg8[%get3A_408] {strides = array<i32>} : memref<5120xi32, #tpu.memory_space<vmem>>, vector<16xi32>,
      %get3A_410 = vector.shape_cast %get3A_409 : vector<16xi32> to vector<16xi32>
      %swap3A_411 = arith.constant 16 : index
      %swap3A_412 = tpu.vector_load %arg9[%swap3A_411] {strides = array<i32>} : memref<64xi32, #tpu.memory_space<vmem>>, vector<16xi32>,
      %swap3A_413 = vector.shape_cast %swap3A_412 : vector<16xi32> to vector<16xi32>
      %swap3A_414 = vector.shape_cast %get3A_410 : vector<16xi32> to vector<16xi32>
      tpu.vector_store %arg9[%swap3A_411], %swap3A_414 {strides = array<i32>} : memref<64xi32, #tpu.memory_space<vmem>>, vector<16xi32>,
      %mul3A_415 = arith.constant 64 : i32
      %mul3A_416 = arith.muli %add3A_389, %mul3A_415 : i32
      %add3A_417 = arith.constant 32 : i32
      %add3A_418 = arith.addi %mul3A_416, %add3A_417 : i32
      %get3A_419 = arith.index_cast %add3A_418 : i32 to index
      %get3A_420 = tpu.vector_load %arg8[%get3A_419] {strides = array<i32>} : memref<5120xi32, #tpu.memory_space<vmem>>, vector<16xi32>,
      %get3A_421 = vector.shape_cast %get3A_420 : vector<16xi32> to vector<16xi32>
      %swap3A_422 = arith.constant 32 : index
      %swap3A_423 = tpu.vector_load %arg9[%swap3A_422] {strides = array<i32>} : memref<64xi32, #tpu.memory_space<vmem>>, vector<16xi32>,
      %swap3A_424 = vector.shape_cast %swap3A_423 : vector<16xi32> to vector<16xi32>
      %swap3A_425 = vector.shape_cast %get3A_421 : vector<16xi32> to vector<16xi32>
      tpu.vector_store %arg9[%swap3A_422], %swap3A_425 {strides = array<i32>} : memref<64xi32, #tpu.memory_space<vmem>>, vector<16xi32>,
      %mul3A_426 = arith.constant 64 : i32
      %mul3A_427 = arith.muli %add3A_389, %mul3A_426 : i32
      %add3A_428 = arith.constant 48 : i32
      %add3A_429 = arith.addi %mul3A_427, %add3A_428 : i32
      %get3A_430 = arith.index_cast %add3A_429 : i32 to index
      %get3A_431 = tpu.vector_load %arg8[%get3A_430] {strides = array<i32>} : memref<5120xi32, #tpu.memory_space<vmem>>, vector<16xi32>,
      %get3A_432 = vector.shape_cast %get3A_431 : vector<16xi32> to vector<16xi32>
      %swap3A_433 = arith.constant 48 : index
      %swap3A_434 = tpu.vector_load %arg9[%swap3A_433] {strides = array<i32>} : memref<64xi32, #tpu.memory_space<vmem>>, vector<16xi32>,
      %swap3A_435 = vector.shape_cast %swap3A_434 : vector<16xi32> to vector<16xi32>
      %swap3A_436 = vector.shape_cast %get3A_432 : vector<16xi32> to vector<16xi32>
      tpu.vector_store %arg9[%swap3A_433], %swap3A_436 {strides = array<i32>} : memref<64xi32, #tpu.memory_space<vmem>>, vector<16xi32>,
      %mul3A_437 = arith.constant 64 : i32
      %mul3A_438 = arith.muli %add3A_389, %mul3A_437 : i32
      %dma_start3A_439 = tpu.memref_slice %arg7[%mul3A_438] : memref<5120xi32, #tpu.memory_space<vmem>> -> memref<64xi32, #tpu.memory_space<vmem>>
      %dma_start3A_440 = arith.constant 0 : i32
      %dma_start3A_441 = arith.constant 0 : i32
      %dma_start3A_442 = tpu.memref_slice %arg2[%dma_start3A_440, %dma_start3A_441] : memref<10000x128xf32, #tpu.memory_space<hbm>> -> memref<10000x128xf32, #tpu.memory_space<hbm>>
      tpu.enqueue_indirect_dma source(%dma_start3A_442 : memref<10000x128xf32, #tpu.memory_space<hbm>>) target(%arg13 : memref<64x128xf32, #tpu.memory_space<vmem>>) offsets(%dma_start3A_439 : memref<64xi32, #tpu.memory_space<vmem>>) semaphore(%arg18 : memref<!tpu.dma_semaphore, #tpu.memory_space<semaphore_mem>>)
      %sub3A = arith.constant 3 : i32
      %sub3A_443 = arith.subi %add3A_389, %sub3A : i32
      %mul3A_444 = arith.constant 64 : i32
      %mul3A_445 = arith.muli %sub3A_443, %mul3A_444 : i32
      %dma_wait3A_446 = tpu.memref_slice %arg7[%mul3A_445] : memref<5120xi32, #tpu.memory_space<vmem>> -> memref<64xi32, #tpu.memory_space<vmem>>
      %dma_wait3A_447 = arith.constant 0 : i32
      %dma_wait3A_448 = arith.constant 0 : i32
      %dma_wait3A_449 = tpu.memref_slice %arg2[%dma_wait3A_447, %dma_wait3A_448] : memref<10000x128xf32, #tpu.memory_space<hbm>> -> memref<10000x128xf32, #tpu.memory_space<hbm>>
      tpu.wait_indirect_dma semaphore(%arg19 : memref<!tpu.dma_semaphore, #tpu.memory_space<semaphore_mem>>) src(%dma_wait3A_449 : memref<10000x128xf32, #tpu.memory_space<hbm>>) dst(%arg14 : memref<64x128xf32, #tpu.memory_space<vmem>>)
      %dma_start3A_450 = arith.constant 0 : i32
      %dma_start3A_451 = arith.constant 0 : i32
      %dma_start3A_452 = tpu.memref_slice %arg17[%dma_start3A_450, %dma_start3A_451] : memref<10112x128xf32, #tpu.memory_space<vmem_shared>> -> memref<10112x128xf32, #tpu.memory_space<vmem_shared>>
      tpu.enqueue_indirect_dma source(%arg14 : memref<64x128xf32, #tpu.memory_space<vmem>>) target(%dma_start3A_452 : memref<10112x128xf32, #tpu.memory_space<vmem_shared>>) offsets(%arg10 : memref<64xi32, #tpu.memory_space<vmem>>) semaphore(%arg23 : memref<!tpu.dma_semaphore, #tpu.memory_space<semaphore_mem>>) {add = true}
      %mul3A_453 = arith.constant 4 : i32
      %mul3A_454 = arith.muli %add3A_385, %mul3A_453 : i32
      %add3A_455 = arith.constant 1 : i32
      %add3A_456 = arith.addi %mul3A_454, %add3A_455 : i32
      %dma_wait3A_457 = arith.constant 0 : i32
      %dma_wait3A_458 = arith.constant 0 : i32
      %dma_wait3A_459 = tpu.memref_slice %arg17[%dma_wait3A_457, %dma_wait3A_458] : memref<10112x128xf32, #tpu.memory_space<vmem_shared>> -> memref<10112x128xf32, #tpu.memory_space<vmem_shared>>
      tpu.wait_indirect_dma semaphore(%arg23 : memref<!tpu.dma_semaphore, #tpu.memory_space<semaphore_mem>>) src(%arg14 : memref<64x128xf32, #tpu.memory_space<vmem>>) dst(%dma_wait3A_459 : memref<10112x128xf32, #tpu.memory_space<vmem_shared>>)
      %mul3A_460 = arith.constant 64 : i32
      %mul3A_461 = arith.muli %add3A_456, %mul3A_460 : i32
      %add3A_462 = arith.constant 0 : i32
      %add3A_463 = arith.addi %mul3A_461, %add3A_462 : i32
      %get3A_464 = arith.index_cast %add3A_463 : i32 to index
      %get3A_465 = tpu.vector_load %arg8[%get3A_464] {strides = array<i32>} : memref<5120xi32, #tpu.memory_space<vmem>>, vector<16xi32>,
      %get3A_466 = vector.shape_cast %get3A_465 : vector<16xi32> to vector<16xi32>
      %swap3A_467 = arith.constant 0 : index
      %swap3A_468 = tpu.vector_load %arg10[%swap3A_467] {strides = array<i32>} : memref<64xi32, #tpu.memory_space<vmem>>, vector<16xi32>,
      %swap3A_469 = vector.shape_cast %swap3A_468 : vector<16xi32> to vector<16xi32>
      %swap3A_470 = vector.shape_cast %get3A_466 : vector<16xi32> to vector<16xi32>
      tpu.vector_store %arg10[%swap3A_467], %swap3A_470 {strides = array<i32>} : memref<64xi32, #tpu.memory_space<vmem>>, vector<16xi32>,
      %mul3A_471 = arith.constant 64 : i32
      %mul3A_472 = arith.muli %add3A_456, %mul3A_471 : i32
      %add3A_473 = arith.constant 16 : i32
      %add3A_474 = arith.addi %mul3A_472, %add3A_473 : i32
      %get3A_475 = arith.index_cast %add3A_474 : i32 to index
      %get3A_476 = tpu.vector_load %arg8[%get3A_475] {strides = array<i32>} : memref<5120xi32, #tpu.memory_space<vmem>>, vector<16xi32>,
      %get3A_477 = vector.shape_cast %get3A_476 : vector<16xi32> to vector<16xi32>
      %swap3A_478 = arith.constant 16 : index
      %swap3A_479 = tpu.vector_load %arg10[%swap3A_478] {strides = array<i32>} : memref<64xi32, #tpu.memory_space<vmem>>, vector<16xi32>,
      %swap3A_480 = vector.shape_cast %swap3A_479 : vector<16xi32> to vector<16xi32>
      %swap3A_481 = vector.shape_cast %get3A_477 : vector<16xi32> to vector<16xi32>
      tpu.vector_store %arg10[%swap3A_478], %swap3A_481 {strides = array<i32>} : memref<64xi32, #tpu.memory_space<vmem>>, vector<16xi32>,
      %mul3A_482 = arith.constant 64 : i32
      %mul3A_483 = arith.muli %add3A_456, %mul3A_482 : i32
      %add3A_484 = arith.constant 32 : i32
      %add3A_485 = arith.addi %mul3A_483, %add3A_484 : i32
      %get3A_486 = arith.index_cast %add3A_485 : i32 to index
      %get3A_487 = tpu.vector_load %arg8[%get3A_486] {strides = array<i32>} : memref<5120xi32, #tpu.memory_space<vmem>>, vector<16xi32>,
      %get3A_488 = vector.shape_cast %get3A_487 : vector<16xi32> to vector<16xi32>
      %swap3A_489 = arith.constant 32 : index
      %swap3A_490 = tpu.vector_load %arg10[%swap3A_489] {strides = array<i32>} : memref<64xi32, #tpu.memory_space<vmem>>, vector<16xi32>,
      %swap3A_491 = vector.shape_cast %swap3A_490 : vector<16xi32> to vector<16xi32>
      %swap3A_492 = vector.shape_cast %get3A_488 : vector<16xi32> to vector<16xi32>
      tpu.vector_store %arg10[%swap3A_489], %swap3A_492 {strides = array<i32>} : memref<64xi32, #tpu.memory_space<vmem>>, vector<16xi32>,
      %mul3A_493 = arith.constant 64 : i32
      %mul3A_494 = arith.muli %add3A_456, %mul3A_493 : i32
      %add3A_495 = arith.constant 48 : i32
      %add3A_496 = arith.addi %mul3A_494, %add3A_495 : i32
      %get3A_497 = arith.index_cast %add3A_496 : i32 to index
      %get3A_498 = tpu.vector_load %arg8[%get3A_497] {strides = array<i32>} : memref<5120xi32, #tpu.memory_space<vmem>>, vector<16xi32>,
      %get3A_499 = vector.shape_cast %get3A_498 : vector<16xi32> to vector<16xi32>
      %swap3A_500 = arith.constant 48 : index
      %swap3A_501 = tpu.vector_load %arg10[%swap3A_500] {strides = array<i32>} : memref<64xi32, #tpu.memory_space<vmem>>, vector<16xi32>,
      %swap3A_502 = vector.shape_cast %swap3A_501 : vector<16xi32> to vector<16xi32>
      %swap3A_503 = vector.shape_cast %get3A_499 : vector<16xi32> to vector<16xi32>
      tpu.vector_store %arg10[%swap3A_500], %swap3A_503 {strides = array<i32>} : memref<64xi32, #tpu.memory_space<vmem>>, vector<16xi32>,
      %mul3A_504 = arith.constant 64 : i32
      %mul3A_505 = arith.muli %add3A_456, %mul3A_504 : i32
      %dma_start3A_506 = tpu.memref_slice %arg7[%mul3A_505] : memref<5120xi32, #tpu.memory_space<vmem>> -> memref<64xi32, #tpu.memory_space<vmem>>
      %dma_start3A_507 = arith.constant 0 : i32
      %dma_start3A_508 = arith.constant 0 : i32
      %dma_start3A_509 = tpu.memref_slice %arg2[%dma_start3A_507, %dma_start3A_508] : memref<10000x128xf32, #tpu.memory_space<hbm>> -> memref<10000x128xf32, #tpu.memory_space<hbm>>
      tpu.enqueue_indirect_dma source(%dma_start3A_509 : memref<10000x128xf32, #tpu.memory_space<hbm>>) target(%arg14 : memref<64x128xf32, #tpu.memory_space<vmem>>) offsets(%dma_start3A_506 : memref<64xi32, #tpu.memory_space<vmem>>) semaphore(%arg19 : memref<!tpu.dma_semaphore, #tpu.memory_space<semaphore_mem>>)
      %sub3A_510 = arith.constant 3 : i32
      %sub3A_511 = arith.subi %add3A_456, %sub3A_510 : i32
      %mul3A_512 = arith.constant 64 : i32
      %mul3A_513 = arith.muli %sub3A_511, %mul3A_512 : i32
      %dma_wait3A_514 = tpu.memref_slice %arg7[%mul3A_513] : memref<5120xi32, #tpu.memory_space<vmem>> -> memref<64xi32, #tpu.memory_space<vmem>>
      %dma_wait3A_515 = arith.constant 0 : i32
      %dma_wait3A_516 = arith.constant 0 : i32
      %dma_wait3A_517 = tpu.memref_slice %arg2[%dma_wait3A_515, %dma_wait3A_516] : memref<10000x128xf32, #tpu.memory_space<hbm>> -> memref<10000x128xf32, #tpu.memory_space<hbm>>
      tpu.wait_indirect_dma semaphore(%arg20 : memref<!tpu.dma_semaphore, #tpu.memory_space<semaphore_mem>>) src(%dma_wait3A_517 : memref<10000x128xf32, #tpu.memory_space<hbm>>) dst(%arg15 : memref<64x128xf32, #tpu.memory_space<vmem>>)
      %dma_start3A_518 = arith.constant 0 : i32
      %dma_start3A_519 = arith.constant 0 : i32
      %dma_start3A_520 = tpu.memref_slice %arg17[%dma_start3A_518, %dma_start3A_519] : memref<10112x128xf32, #tpu.memory_space<vmem_shared>> -> memref<10112x128xf32, #tpu.memory_space<vmem_shared>>
      tpu.enqueue_indirect_dma source(%arg15 : memref<64x128xf32, #tpu.memory_space<vmem>>) target(%dma_start3A_520 : memref<10112x128xf32, #tpu.memory_space<vmem_shared>>) offsets(%arg11 : memref<64xi32, #tpu.memory_space<vmem>>) semaphore(%arg24 : memref<!tpu.dma_semaphore, #tpu.memory_space<semaphore_mem>>) {add = true}
      %mul3A_521 = arith.constant 4 : i32
      %mul3A_522 = arith.muli %add3A_385, %mul3A_521 : i32
      %add3A_523 = arith.constant 2 : i32
      %add3A_524 = arith.addi %mul3A_522, %add3A_523 : i32
      %dma_wait3A_525 = arith.constant 0 : i32
      %dma_wait3A_526 = arith.constant 0 : i32
      %dma_wait3A_527 = tpu.memref_slice %arg17[%dma_wait3A_525, %dma_wait3A_526] : memref<10112x128xf32, #tpu.memory_space<vmem_shared>> -> memref<10112x128xf32, #tpu.memory_space<vmem_shared>>
      tpu.wait_indirect_dma semaphore(%arg24 : memref<!tpu.dma_semaphore, #tpu.memory_space<semaphore_mem>>) src(%arg15 : memref<64x128xf32, #tpu.memory_space<vmem>>) dst(%dma_wait3A_527 : memref<10112x128xf32, #tpu.memory_space<vmem_shared>>)
      %mul3A_528 = arith.constant 64 : i32
      %mul3A_529 = arith.muli %add3A_524, %mul3A_528 : i32
      %add3A_530 = arith.constant 0 : i32
      %add3A_531 = arith.addi %mul3A_529, %add3A_530 : i32
      %get3A_532 = arith.index_cast %add3A_531 : i32 to index
      %get3A_533 = tpu.vector_load %arg8[%get3A_532] {strides = array<i32>} : memref<5120xi32, #tpu.memory_space<vmem>>, vector<16xi32>,
      %get3A_534 = vector.shape_cast %get3A_533 : vector<16xi32> to vector<16xi32>
      %swap3A_535 = arith.constant 0 : index
      %swap3A_536 = tpu.vector_load %arg11[%swap3A_535] {strides = array<i32>} : memref<64xi32, #tpu.memory_space<vmem>>, vector<16xi32>,
      %swap3A_537 = vector.shape_cast %swap3A_536 : vector<16xi32> to vector<16xi32>
      %swap3A_538 = vector.shape_cast %get3A_534 : vector<16xi32> to vector<16xi32>
      tpu.vector_store %arg11[%swap3A_535], %swap3A_538 {strides = array<i32>} : memref<64xi32, #tpu.memory_space<vmem>>, vector<16xi32>,
      %mul3A_539 = arith.constant 64 : i32
      %mul3A_540 = arith.muli %add3A_524, %mul3A_539 : i32
      %add3A_541 = arith.constant 16 : i32
      %add3A_542 = arith.addi %mul3A_540, %add3A_541 : i32
      %get3A_543 = arith.index_cast %add3A_542 : i32 to index
      %get3A_544 = tpu.vector_load %arg8[%get3A_543] {strides = array<i32>} : memref<5120xi32, #tpu.memory_space<vmem>>, vector<16xi32>,
      %get3A_545 = vector.shape_cast %get3A_544 : vector<16xi32> to vector<16xi32>
      %swap3A_546 = arith.constant 16 : index
      %swap3A_547 = tpu.vector_load %arg11[%swap3A_546] {strides = array<i32>} : memref<64xi32, #tpu.memory_space<vmem>>, vector<16xi32>,
      %swap3A_548 = vector.shape_cast %swap3A_547 : vector<16xi32> to vector<16xi32>
      %swap3A_549 = vector.shape_cast %get3A_545 : vector<16xi32> to vector<16xi32>
      tpu.vector_store %arg11[%swap3A_546], %swap3A_549 {strides = array<i32>} : memref<64xi32, #tpu.memory_space<vmem>>, vector<16xi32>,
      %mul3A_550 = arith.constant 64 : i32
      %mul3A_551 = arith.muli %add3A_524, %mul3A_550 : i32
      %add3A_552 = arith.constant 32 : i32
      %add3A_553 = arith.addi %mul3A_551, %add3A_552 : i32
      %get3A_554 = arith.index_cast %add3A_553 : i32 to index
      %get3A_555 = tpu.vector_load %arg8[%get3A_554] {strides = array<i32>} : memref<5120xi32, #tpu.memory_space<vmem>>, vector<16xi32>,
      %get3A_556 = vector.shape_cast %get3A_555 : vector<16xi32> to vector<16xi32>
      %swap3A_557 = arith.constant 32 : index
      %swap3A_558 = tpu.vector_load %arg11[%swap3A_557] {strides = array<i32>} : memref<64xi32, #tpu.memory_space<vmem>>, vector<16xi32>,
      %swap3A_559 = vector.shape_cast %swap3A_558 : vector<16xi32> to vector<16xi32>
      %swap3A_560 = vector.shape_cast %get3A_556 : vector<16xi32> to vector<16xi32>
      tpu.vector_store %arg11[%swap3A_557], %swap3A_560 {strides = array<i32>} : memref<64xi32, #tpu.memory_space<vmem>>, vector<16xi32>,
      %mul3A_561 = arith.constant 64 : i32
      %mul3A_562 = arith.muli %add3A_524, %mul3A_561 : i32
      %add3A_563 = arith.constant 48 : i32
      %add3A_564 = arith.addi %mul3A_562, %add3A_563 : i32
      %get3A_565 = arith.index_cast %add3A_564 : i32 to index
      %get3A_566 = tpu.vector_load %arg8[%get3A_565] {strides = array<i32>} : memref<5120xi32, #tpu.memory_space<vmem>>, vector<16xi32>,
      %get3A_567 = vector.shape_cast %get3A_566 : vector<16xi32> to vector<16xi32>
      %swap3A_568 = arith.constant 48 : index
      %swap3A_569 = tpu.vector_load %arg11[%swap3A_568] {strides = array<i32>} : memref<64xi32, #tpu.memory_space<vmem>>, vector<16xi32>,
      %swap3A_570 = vector.shape_cast %swap3A_569 : vector<16xi32> to vector<16xi32>
      %swap3A_571 = vector.shape_cast %get3A_567 : vector<16xi32> to vector<16xi32>
      tpu.vector_store %arg11[%swap3A_568], %swap3A_571 {strides = array<i32>} : memref<64xi32, #tpu.memory_space<vmem>>, vector<16xi32>,
      %mul3A_572 = arith.constant 64 : i32
      %mul3A_573 = arith.muli %add3A_524, %mul3A_572 : i32
      %dma_start3A_574 = tpu.memref_slice %arg7[%mul3A_573] : memref<5120xi32, #tpu.memory_space<vmem>> -> memref<64xi32, #tpu.memory_space<vmem>>
      %dma_start3A_575 = arith.constant 0 : i32
      %dma_start3A_576 = arith.constant 0 : i32
      %dma_start3A_577 = tpu.memref_slice %arg2[%dma_start3A_575, %dma_start3A_576] : memref<10000x128xf32, #tpu.memory_space<hbm>> -> memref<10000x128xf32, #tpu.memory_space<hbm>>
      tpu.enqueue_indirect_dma source(%dma_start3A_577 : memref<10000x128xf32, #tpu.memory_space<hbm>>) target(%arg15 : memref<64x128xf32, #tpu.memory_space<vmem>>) offsets(%dma_start3A_574 : memref<64xi32, #tpu.memory_space<vmem>>) semaphore(%arg20 : memref<!tpu.dma_semaphore, #tpu.memory_space<semaphore_mem>>)
      %sub3A_578 = arith.constant 3 : i32
      %sub3A_579 = arith.subi %add3A_524, %sub3A_578 : i32
      %mul3A_580 = arith.constant 64 : i32
      %mul3A_581 = arith.muli %sub3A_579, %mul3A_580 : i32
      %dma_wait3A_582 = tpu.memref_slice %arg7[%mul3A_581] : memref<5120xi32, #tpu.memory_space<vmem>> -> memref<64xi32, #tpu.memory_space<vmem>>
      %dma_wait3A_583 = arith.constant 0 : i32
      %dma_wait3A_584 = arith.constant 0 : i32
      %dma_wait3A_585 = tpu.memref_slice %arg2[%dma_wait3A_583, %dma_wait3A_584] : memref<10000x128xf32, #tpu.memory_space<hbm>> -> memref<10000x128xf32, #tpu.memory_space<hbm>>
      tpu.wait_indirect_dma semaphore(%arg21 : memref<!tpu.dma_semaphore, #tpu.memory_space<semaphore_mem>>) src(%dma_wait3A_585 : memref<10000x128xf32, #tpu.memory_space<hbm>>) dst(%arg16 : memref<64x128xf32, #tpu.memory_space<vmem>>)
      %dma_start3A_586 = arith.constant 0 : i32
      %dma_start3A_587 = arith.constant 0 : i32
      %dma_start3A_588 = tpu.memref_slice %arg17[%dma_start3A_586, %dma_start3A_587] : memref<10112x128xf32, #tpu.memory_space<vmem_shared>> -> memref<10112x128xf32, #tpu.memory_space<vmem_shared>>
      tpu.enqueue_indirect_dma source(%arg16 : memref<64x128xf32, #tpu.memory_space<vmem>>) target(%dma_start3A_588 : memref<10112x128xf32, #tpu.memory_space<vmem_shared>>) offsets(%arg12 : memref<64xi32, #tpu.memory_space<vmem>>) semaphore(%arg25 : memref<!tpu.dma_semaphore, #tpu.memory_space<semaphore_mem>>) {add = true}
      %mul3A_589 = arith.constant 4 : i32
      %mul3A_590 = arith.muli %add3A_385, %mul3A_589 : i32
      %add3A_591 = arith.constant 3 : i32
      %add3A_592 = arith.addi %mul3A_590, %add3A_591 : i32
      %dma_wait3A_593 = arith.constant 0 : i32
      %dma_wait3A_594 = arith.constant 0 : i32
      %dma_wait3A_595 = tpu.memref_slice %arg17[%dma_wait3A_593, %dma_wait3A_594] : memref<10112x128xf32, #tpu.memory_space<vmem_shared>> -> memref<10112x128xf32, #tpu.memory_space<vmem_shared>>
      tpu.wait_indirect_dma semaphore(%arg25 : memref<!tpu.dma_semaphore, #tpu.memory_space<semaphore_mem>>) src(%arg16 : memref<64x128xf32, #tpu.memory_space<vmem>>) dst(%dma_wait3A_595 : memref<10112x128xf32, #tpu.memory_space<vmem_shared>>)
      %mul3A_596 = arith.constant 64 : i32
      %mul3A_597 = arith.muli %add3A_592, %mul3A_596 : i32
      %add3A_598 = arith.constant 0 : i32
      %add3A_599 = arith.addi %mul3A_597, %add3A_598 : i32
      %get3A_600 = arith.index_cast %add3A_599 : i32 to index
      %get3A_601 = tpu.vector_load %arg8[%get3A_600] {strides = array<i32>} : memref<5120xi32, #tpu.memory_space<vmem>>, vector<16xi32>,
      %get3A_602 = vector.shape_cast %get3A_601 : vector<16xi32> to vector<16xi32>
      %swap3A_603 = arith.constant 0 : index
      %swap3A_604 = tpu.vector_load %arg12[%swap3A_603] {strides = array<i32>} : memref<64xi32, #tpu.memory_space<vmem>>, vector<16xi32>,
      %swap3A_605 = vector.shape_cast %swap3A_604 : vector<16xi32> to vector<16xi32>
      %swap3A_606 = vector.shape_cast %get3A_602 : vector<16xi32> to vector<16xi32>
      tpu.vector_store %arg12[%swap3A_603], %swap3A_606 {strides = array<i32>} : memref<64xi32, #tpu.memory_space<vmem>>, vector<16xi32>,
      %mul3A_607 = arith.constant 64 : i32
      %mul3A_608 = arith.muli %add3A_592, %mul3A_607 : i32
      %add3A_609 = arith.constant 16 : i32
      %add3A_610 = arith.addi %mul3A_608, %add3A_609 : i32
      %get3A_611 = arith.index_cast %add3A_610 : i32 to index
      %get3A_612 = tpu.vector_load %arg8[%get3A_611] {strides = array<i32>} : memref<5120xi32, #tpu.memory_space<vmem>>, vector<16xi32>,
      %get3A_613 = vector.shape_cast %get3A_612 : vector<16xi32> to vector<16xi32>
      %swap3A_614 = arith.constant 16 : index
      %swap3A_615 = tpu.vector_load %arg12[%swap3A_614] {strides = array<i32>} : memref<64xi32, #tpu.memory_space<vmem>>, vector<16xi32>,
      %swap3A_616 = vector.shape_cast %swap3A_615 : vector<16xi32> to vector<16xi32>
      %swap3A_617 = vector.shape_cast %get3A_613 : vector<16xi32> to vector<16xi32>
      tpu.vector_store %arg12[%swap3A_614], %swap3A_617 {strides = array<i32>} : memref<64xi32, #tpu.memory_space<vmem>>, vector<16xi32>,
      %mul3A_618 = arith.constant 64 : i32
      %mul3A_619 = arith.muli %add3A_592, %mul3A_618 : i32
      %add3A_620 = arith.constant 32 : i32
      %add3A_621 = arith.addi %mul3A_619, %add3A_620 : i32
      %get3A_622 = arith.index_cast %add3A_621 : i32 to index
      %get3A_623 = tpu.vector_load %arg8[%get3A_622] {strides = array<i32>} : memref<5120xi32, #tpu.memory_space<vmem>>, vector<16xi32>,
      %get3A_624 = vector.shape_cast %get3A_623 : vector<16xi32> to vector<16xi32>
      %swap3A_625 = arith.constant 32 : index
      %swap3A_626 = tpu.vector_load %arg12[%swap3A_625] {strides = array<i32>} : memref<64xi32, #tpu.memory_space<vmem>>, vector<16xi32>,
      %swap3A_627 = vector.shape_cast %swap3A_626 : vector<16xi32> to vector<16xi32>
      %swap3A_628 = vector.shape_cast %get3A_624 : vector<16xi32> to vector<16xi32>
      tpu.vector_store %arg12[%swap3A_625], %swap3A_628 {strides = array<i32>} : memref<64xi32, #tpu.memory_space<vmem>>, vector<16xi32>,
      %mul3A_629 = arith.constant 64 : i32
      %mul3A_630 = arith.muli %add3A_592, %mul3A_629 : i32
      %add3A_631 = arith.constant 48 : i32
      %add3A_632 = arith.addi %mul3A_630, %add3A_631 : i32
      %get3A_633 = arith.index_cast %add3A_632 : i32 to index
      %get3A_634 = tpu.vector_load %arg8[%get3A_633] {strides = array<i32>} : memref<5120xi32, #tpu.memory_space<vmem>>, vector<16xi32>,
      %get3A_635 = vector.shape_cast %get3A_634 : vector<16xi32> to vector<16xi32>
      %swap3A_636 = arith.constant 48 : index
      %swap3A_637 = tpu.vector_load %arg12[%swap3A_636] {strides = array<i32>} : memref<64xi32, #tpu.memory_space<vmem>>, vector<16xi32>,
      %swap3A_638 = vector.shape_cast %swap3A_637 : vector<16xi32> to vector<16xi32>
      %swap3A_639 = vector.shape_cast %get3A_635 : vector<16xi32> to vector<16xi32>
      tpu.vector_store %arg12[%swap3A_636], %swap3A_639 {strides = array<i32>} : memref<64xi32, #tpu.memory_space<vmem>>, vector<16xi32>,
      %mul3A_640 = arith.constant 64 : i32
      %mul3A_641 = arith.muli %add3A_592, %mul3A_640 : i32
      %dma_start3A_642 = tpu.memref_slice %arg7[%mul3A_641] : memref<5120xi32, #tpu.memory_space<vmem>> -> memref<64xi32, #tpu.memory_space<vmem>>
      %dma_start3A_643 = arith.constant 0 : i32
      %dma_start3A_644 = arith.constant 0 : i32
      %dma_start3A_645 = tpu.memref_slice %arg2[%dma_start3A_643, %dma_start3A_644] : memref<10000x128xf32, #tpu.memory_space<hbm>> -> memref<10000x128xf32, #tpu.memory_space<hbm>>
      tpu.enqueue_indirect_dma source(%dma_start3A_645 : memref<10000x128xf32, #tpu.memory_space<hbm>>) target(%arg16 : memref<64x128xf32, #tpu.memory_space<vmem>>) offsets(%dma_start3A_642 : memref<64xi32, #tpu.memory_space<vmem>>) semaphore(%arg21 : memref<!tpu.dma_semaphore, #tpu.memory_space<semaphore_mem>>)
      %sub3A_646 = arith.constant 3 : i32
      %sub3A_647 = arith.subi %add3A_592, %sub3A_646 : i32
      %mul3A_648 = arith.constant 64 : i32
      %mul3A_649 = arith.muli %sub3A_647, %mul3A_648 : i32
      %dma_wait3A_650 = tpu.memref_slice %arg7[%mul3A_649] : memref<5120xi32, #tpu.memory_space<vmem>> -> memref<64xi32, #tpu.memory_space<vmem>>
      %dma_wait3A_651 = arith.constant 0 : i32
      %dma_wait3A_652 = arith.constant 0 : i32
      %dma_wait3A_653 = tpu.memref_slice %arg2[%dma_wait3A_651, %dma_wait3A_652] : memref<10000x128xf32, #tpu.memory_space<hbm>> -> memref<10000x128xf32, #tpu.memory_space<hbm>>
      tpu.wait_indirect_dma semaphore(%arg18 : memref<!tpu.dma_semaphore, #tpu.memory_space<semaphore_mem>>) src(%dma_wait3A_653 : memref<10000x128xf32, #tpu.memory_space<hbm>>) dst(%arg13 : memref<64x128xf32, #tpu.memory_space<vmem>>)
      %dma_start3A_654 = arith.constant 0 : i32
      %dma_start3A_655 = arith.constant 0 : i32
      %dma_start3A_656 = tpu.memref_slice %arg17[%dma_start3A_654, %dma_start3A_655] : memref<10112x128xf32, #tpu.memory_space<vmem_shared>> -> memref<10112x128xf32, #tpu.memory_space<vmem_shared>>
      tpu.enqueue_indirect_dma source(%arg13 : memref<64x128xf32, #tpu.memory_space<vmem>>) target(%dma_start3A_656 : memref<10112x128xf32, #tpu.memory_space<vmem_shared>>) offsets(%arg9 : memref<64xi32, #tpu.memory_space<vmem>>) semaphore(%arg22 : memref<!tpu.dma_semaphore, #tpu.memory_space<semaphore_mem>>) {add = true}
    }
    %scan3A_339 = arith.constant 19 : i32
    %dma_wait3A_340 = arith.constant 4928 : i32
    %dma_wait3A_341 = tpu.memref_slice %arg7[%dma_wait3A_340] : memref<5120xi32, #tpu.memory_space<vmem>> -> memref<64xi32, #tpu.memory_space<vmem>>
    %dma_wait3A_342 = arith.constant 0 : i32
    %dma_wait3A_343 = arith.constant 0 : i32
    %dma_wait3A_344 = tpu.memref_slice %arg2[%dma_wait3A_342, %dma_wait3A_343] : memref<10000x128xf32, #tpu.memory_space<hbm>> -> memref<10000x128xf32, #tpu.memory_space<hbm>>
    tpu.wait_indirect_dma semaphore(%arg19 : memref<!tpu.dma_semaphore, #tpu.memory_space<semaphore_mem>>) src(%dma_wait3A_344 : memref<10000x128xf32, #tpu.memory_space<hbm>>) dst(%arg14 : memref<64x128xf32, #tpu.memory_space<vmem>>)
    %dma_start3A_345 = arith.constant 0 : i32
    %dma_start3A_346 = arith.constant 0 : i32
    %dma_start3A_347 = tpu.memref_slice %arg17[%dma_start3A_345, %dma_start3A_346] : memref<10112x128xf32, #tpu.memory_space<vmem_shared>> -> memref<10112x128xf32, #tpu.memory_space<vmem_shared>>
    tpu.enqueue_indirect_dma source(%arg14 : memref<64x128xf32, #tpu.memory_space<vmem>>) target(%dma_start3A_347 : memref<10112x128xf32, #tpu.memory_space<vmem_shared>>) offsets(%arg10 : memref<64xi32, #tpu.memory_space<vmem>>) semaphore(%arg23 : memref<!tpu.dma_semaphore, #tpu.memory_space<semaphore_mem>>) {add = true}
    %dma_wait3A_348 = arith.constant 4992 : i32
    %dma_wait3A_349 = tpu.memref_slice %arg7[%dma_wait3A_348] : memref<5120xi32, #tpu.memory_space<vmem>> -> memref<64xi32, #tpu.memory_space<vmem>>
    %dma_wait3A_350 = arith.constant 0 : i32
    %dma_wait3A_351 = arith.constant 0 : i32
    %dma_wait3A_352 = tpu.memref_slice %arg2[%dma_wait3A_350, %dma_wait3A_351] : memref<10000x128xf32, #tpu.memory_space<hbm>> -> memref<10000x128xf32, #tpu.memory_space<hbm>>
    tpu.wait_indirect_dma semaphore(%arg20 : memref<!tpu.dma_semaphore, #tpu.memory_space<semaphore_mem>>) src(%dma_wait3A_352 : memref<10000x128xf32, #tpu.memory_space<hbm>>) dst(%arg15 : memref<64x128xf32, #tpu.memory_space<vmem>>)
    %dma_start3A_353 = arith.constant 0 : i32
    %dma_start3A_354 = arith.constant 0 : i32
    %dma_start3A_355 = tpu.memref_slice %arg17[%dma_start3A_353, %dma_start3A_354] : memref<10112x128xf32, #tpu.memory_space<vmem_shared>> -> memref<10112x128xf32, #tpu.memory_space<vmem_shared>>
    tpu.enqueue_indirect_dma source(%arg15 : memref<64x128xf32, #tpu.memory_space<vmem>>) target(%dma_start3A_355 : memref<10112x128xf32, #tpu.memory_space<vmem_shared>>) offsets(%arg11 : memref<64xi32, #tpu.memory_space<vmem>>) semaphore(%arg24 : memref<!tpu.dma_semaphore, #tpu.memory_space<semaphore_mem>>) {add = true}
    %dma_wait3A_356 = arith.constant 5056 : i32
    %dma_wait3A_357 = tpu.memref_slice %arg7[%dma_wait3A_356] : memref<5120xi32, #tpu.memory_space<vmem>> -> memref<64xi32, #tpu.memory_space<vmem>>
    %dma_wait3A_358 = arith.constant 0 : i32
    %dma_wait3A_359 = arith.constant 0 : i32
    %dma_wait3A_360 = tpu.memref_slice %arg2[%dma_wait3A_358, %dma_wait3A_359] : memref<10000x128xf32, #tpu.memory_space<hbm>> -> memref<10000x128xf32, #tpu.memory_space<hbm>>
    tpu.wait_indirect_dma semaphore(%arg21 : memref<!tpu.dma_semaphore, #tpu.memory_space<semaphore_mem>>) src(%dma_wait3A_360 : memref<10000x128xf32, #tpu.memory_space<hbm>>) dst(%arg16 : memref<64x128xf32, #tpu.memory_space<vmem>>)
    %dma_start3A_361 = arith.constant 0 : i32
    %dma_start3A_362 = arith.constant 0 : i32
    %dma_start3A_363 = tpu.memref_slice %arg17[%dma_start3A_361, %dma_start3A_362] : memref<10112x128xf32, #tpu.memory_space<vmem_shared>> -> memref<10112x128xf32, #tpu.memory_space<vmem_shared>>
    tpu.enqueue_indirect_dma source(%arg16 : memref<64x128xf32, #tpu.memory_space<vmem>>) target(%dma_start3A_363 : memref<10112x128xf32, #tpu.memory_space<vmem_shared>>) offsets(%arg12 : memref<64xi32, #tpu.memory_space<vmem>>) semaphore(%arg25 : memref<!tpu.dma_semaphore, #tpu.memory_space<semaphore_mem>>) {add = true}
    %dma_wait3A_364 = arith.constant 0 : i32
    %dma_wait3A_365 = arith.constant 0 : i32
    %dma_wait3A_366 = tpu.memref_slice %arg17[%dma_wait3A_364, %dma_wait3A_365] : memref<10112x128xf32, #tpu.memory_space<vmem_shared>> -> memref<10112x128xf32, #tpu.memory_space<vmem_shared>>
    tpu.wait_indirect_dma semaphore(%arg22 : memref<!tpu.dma_semaphore, #tpu.memory_space<semaphore_mem>>) src(%arg13 : memref<64x128xf32, #tpu.memory_space<vmem>>) dst(%dma_wait3A_366 : memref<10112x128xf32, #tpu.memory_space<vmem_shared>>)
    %dma_wait3A_367 = arith.constant 0 : i32
    %dma_wait3A_368 = arith.constant 0 : i32
    %dma_wait3A_369 = tpu.memref_slice %arg17[%dma_wait3A_367, %dma_wait3A_368] : memref<10112x128xf32, #tpu.memory_space<vmem_shared>> -> memref<10112x128xf32, #tpu.memory_space<vmem_shared>>
    tpu.wait_indirect_dma semaphore(%arg23 : memref<!tpu.dma_semaphore, #tpu.memory_space<semaphore_mem>>) src(%arg14 : memref<64x128xf32, #tpu.memory_space<vmem>>) dst(%dma_wait3A_369 : memref<10112x128xf32, #tpu.memory_space<vmem_shared>>)
    %dma_wait3A_370 = arith.constant 0 : i32
    %dma_wait3A_371 = arith.constant 0 : i32
    %dma_wait3A_372 = tpu.memref_slice %arg17[%dma_wait3A_370, %dma_wait3A_371] : memref<10112x128xf32, #tpu.memory_space<vmem_shared>> -> memref<10112x128xf32, #tpu.memory_space<vmem_shared>>
    tpu.wait_indirect_dma semaphore(%arg24 : memref<!tpu.dma_semaphore, #tpu.memory_space<semaphore_mem>>) src(%arg15 : memref<64x128xf32, #tpu.memory_space<vmem>>) dst(%dma_wait3A_372 : memref<10112x128xf32, #tpu.memory_space<vmem_shared>>)
    %dma_wait3A_373 = arith.constant 0 : i32
    %dma_wait3A_374 = arith.constant 0 : i32
    %dma_wait3A_375 = tpu.memref_slice %arg17[%dma_wait3A_373, %dma_wait3A_374] : memref<10112x128xf32, #tpu.memory_space<vmem_shared>> -> memref<10112x128xf32, #tpu.memory_space<vmem_shared>>
    tpu.wait_indirect_dma semaphore(%arg25 : memref<!tpu.dma_semaphore, #tpu.memory_space<semaphore_mem>>) src(%arg16 : memref<64x128xf32, #tpu.memory_space<vmem>>) dst(%dma_wait3A_375 : memref<10112x128xf32, #tpu.memory_space<vmem_shared>>)
    %barrier3A_376 = arith.constant 0 : index
    tpu.barrier barrier_id(%barrier3A_376)
    %mul3A_377 = arith.constant 632 : i32
    %mul3A_378 = arith.muli %arg1, %mul3A_377 : i32
    %mul3A_379 = arith.constant 632 : i32
    %mul3A_380 = arith.muli %arg1, %mul3A_379 : i32
    "tpu.region"() ({
      %run_scoped3A = tpu.sem_alloc : memref<!tpu.dma_semaphore, #tpu.memory_space<semaphore_mem>>
      %dma_start3A_381 = arith.constant 0 : i32
      %dma_start3A_382 = tpu.memref_slice %arg6[%arg0, %mul3A_380, %dma_start3A_381] : memref<2x10112x128xf32, #tpu.memory_space<hbm>> -> memref<1x632x128xf32, #tpu.memory_space<hbm>>
      %dma_start3A_383 = tpu.memref_squeeze %dma_start3A_382 : memref<1x632x128xf32, #tpu.memory_space<hbm>> -> memref<632x128xf32, #tpu.memory_space<hbm>>
      %dma_start3A_384 = arith.constant 0 : i32
      %dma_start3A_385 = tpu.memref_slice %arg17[%mul3A_378, %dma_start3A_384] : memref<10112x128xf32, #tpu.memory_space<vmem_shared>> -> memref<632x128xf32, #tpu.memory_space<vmem_shared>>
      tpu.enqueue_dma source(%dma_start3A_385 : memref<632x128xf32, #tpu.memory_space<vmem_shared>>) target(%dma_start3A_383 : memref<632x128xf32, #tpu.memory_space<hbm>>) target_semaphore(%run_scoped3A : memref<!tpu.dma_semaphore, #tpu.memory_space<semaphore_mem>>)
      %dma_wait3A_386 = arith.constant 0 : i32
      %dma_wait3A_387 = tpu.memref_slice %arg6[%arg0, %mul3A_380, %dma_wait3A_386] : memref<2x10112x128xf32, #tpu.memory_space<hbm>> -> memref<1x632x128xf32, #tpu.memory_space<hbm>>
      %dma_wait3A_388 = tpu.memref_squeeze %dma_wait3A_387 : memref<1x632x128xf32, #tpu.memory_space<hbm>> -> memref<632x128xf32, #tpu.memory_space<hbm>>
      %dma_wait3A_389 = arith.constant 0 : i32
      %dma_wait3A_390 = tpu.memref_slice %arg17[%mul3A_378, %dma_wait3A_389] : memref<10112x128xf32, #tpu.memory_space<vmem_shared>> -> memref<632x128xf32, #tpu.memory_space<vmem_shared>>
      tpu.wait_dma2 semaphore(%run_scoped3A : memref<!tpu.dma_semaphore, #tpu.memory_space<semaphore_mem>>) src(%dma_wait3A_390 : memref<632x128xf32, #tpu.memory_space<vmem_shared>>) dst(%dma_wait3A_388 : memref<632x128xf32, #tpu.memory_space<hbm>>)
      tpu.yield
    }) : () -> ()
    return
  }
}

#map = affine_map<(d0, d1) -> (0, 0)>
#map1 = affine_map<(d0, d1) -> (0)>
#map2 = affine_map<(d0, d1) -> (0, 0, 0)>
module attributes {stable_mosaic.version = 14 : i64} {
  func.func @_spmm_body(%arg0: i32, %arg1: i32, %arg2: memref<10000x128xf32, #tpu.memory_space<hbm>>, %arg3: memref<327680xi32, #tpu.memory_space<hbm>>, %arg4: memref<327680xi32, #tpu.memory_space<hbm>>, %arg5: memref<632x128xf32, #tpu.memory_space<hbm>>, %arg6: memref<2x10112x128xf32, #tpu.memory_space<hbm>>, %arg7: memref<5120xi32, #tpu.memory_space<vmem>>, %arg8: memref<5120xi32, #tpu.memory_space<vmem>>, %arg9: memref<64xi32, #tpu.memory_space<vmem>>, %arg10: memref<64xi32, #tpu.memory_space<vmem>>, %arg11: memref<64xi32, #tpu.memory_space<vmem>>, %arg12: memref<64xi32, #tpu.memory_space<vmem>>, %arg13: memref<64x128xf32, #tpu.memory_space<vmem>>, %arg14: memref<64x128xf32, #tpu.memory_space<vmem>>, %arg15: memref<64x128xf32, #tpu.memory_space<vmem>>, %arg16: memref<64x128xf32, #tpu.memory_space<vmem>>, %arg17: memref<10112x128xf32, #tpu.memory_space<vmem_shared>>, %arg18: memref<!tpu.dma_semaphore, #tpu.memory_space<semaphore_mem>>, %arg19: memref<!tpu.dma_semaphore, #tpu.memory_space<semaphore_mem>>, %arg20: memref<!tpu.dma_semaphore, #tpu.memory_space<semaphore_mem>>, %arg21: memref<!tpu.dma_semaphore, #tpu.memory_space<semaphore_mem>>, %arg22: memref<!tpu.dma_semaphore, #tpu.memory_space<semaphore_mem>>, %arg23: memref<!tpu.dma_semaphore, #tpu.memory_space<semaphore_mem>>, %arg24: memref<!tpu.dma_semaphore, #tpu.memory_space<semaphore_mem>>, %arg25: memref<!tpu.dma_semaphore, #tpu.memory_space<semaphore_mem>>) attributes {dimension_semantics = [#tpu.dimension_semantics<core_parallel>, #tpu.dimension_semantics<subcore_parallel>], iteration_bounds = array<i64: 2, 16>, scalar_prefetch = 0 : i64, scratch_operands = 19 : i64, tpu.core_type = #tpu.core_type<sc_vector_subcore>, window_params = [{transform_indices = #map}, {transform_indices = #map1}, {transform_indices = #map1}, {transform_indices = #map}, {transform_indices = #map2}]} {
    %mul3A = arith.constant 2 : i32
    %mul3A_0 = arith.muli %arg1, %mul3A : i32
    %add3A = arith.addi %mul3A_0, %arg0 : i32
    %mul3A_1 = arith.constant 632 : i32
    %mul3A_2 = arith.muli %arg1, %mul3A_1 : i32
    "tpu.region"() ({
      %run_scoped3A = tpu.sem_alloc : memref<!tpu.dma_semaphore, #tpu.memory_space<semaphore_mem>>
      %dma_start3A_381 = arith.constant 0 : i32
      %dma_start3A_382 = tpu.memref_slice %arg17[%mul3A_2, %dma_start3A_381] : memref<10112x128xf32, #tpu.memory_space<vmem_shared>> -> memref<632x128xf32, #tpu.memory_space<vmem_shared>>
      tpu.enqueue_dma source(%arg5 : memref<632x128xf32, #tpu.memory_space<hbm>>) target(%dma_start3A_382 : memref<632x128xf32, #tpu.memory_space<vmem_shared>>) target_semaphore(%run_scoped3A : memref<!tpu.dma_semaphore, #tpu.memory_space<semaphore_mem>>)
      %dma_wait3A_383 = arith.constant 0 : i32
      %dma_wait3A_384 = tpu.memref_slice %arg17[%mul3A_2, %dma_wait3A_383] : memref<10112x128xf32, #tpu.memory_space<vmem_shared>> -> memref<632x128xf32, #tpu.memory_space<vmem_shared>>
      tpu.wait_dma2 semaphore(%run_scoped3A : memref<!tpu.dma_semaphore, #tpu.memory_space<semaphore_mem>>) src(%arg5 : memref<632x128xf32, #tpu.memory_space<hbm>>) dst(%dma_wait3A_384 : memref<632x128xf32, #tpu.memory_space<vmem_shared>>)
      tpu.yield
    }) : () -> ()
    %mul3A_3 = arith.constant 10240 : i32
    %mul3A_4 = arith.muli %add3A, %mul3A_3 : i32
    %add3A_5 = arith.constant 0 : i32
    %add3A_6 = arith.addi %mul3A_4, %add3A_5 : i32
    "tpu.region"() ({
      %run_scoped3A = tpu.sem_alloc : memref<!tpu.dma_semaphore, #tpu.memory_space<semaphore_mem>>
      %dma_start3A_381 = tpu.memref_slice %arg3[%add3A_6] : memref<327680xi32, #tpu.memory_space<hbm>> -> memref<5120xi32, #tpu.memory_space<hbm>>
      %dma_start3A_382 = tpu.memref_slice %arg3[%add3A_6] : memref<327680xi32, #tpu.memory_space<hbm>> -> memref<5120xi32, #tpu.memory_space<hbm>>
      tpu.enqueue_dma source(%dma_start3A_382 : memref<5120xi32, #tpu.memory_space<hbm>>) target(%arg7 : memref<5120xi32, #tpu.memory_space<vmem>>) target_semaphore(%run_scoped3A : memref<!tpu.dma_semaphore, #tpu.memory_space<semaphore_mem>>)
      %dma_wait3A_383 = tpu.memref_slice %arg3[%add3A_6] : memref<327680xi32, #tpu.memory_space<hbm>> -> memref<5120xi32, #tpu.memory_space<hbm>>
      %dma_wait3A_384 = tpu.memref_slice %arg3[%add3A_6] : memref<327680xi32, #tpu.memory_space<hbm>> -> memref<5120xi32, #tpu.memory_space<hbm>>
      tpu.wait_dma2 semaphore(%run_scoped3A : memref<!tpu.dma_semaphore, #tpu.memory_space<semaphore_mem>>) src(%dma_wait3A_384 : memref<5120xi32, #tpu.memory_space<hbm>>) dst(%arg7 : memref<5120xi32, #tpu.memory_space<vmem>>)
      tpu.yield
    }) : () -> ()
    %mul3A_7 = arith.constant 10240 : i32
    %mul3A_8 = arith.muli %add3A, %mul3A_7 : i32
    %add3A_9 = arith.constant 0 : i32
    %add3A_10 = arith.addi %mul3A_8, %add3A_9 : i32
    "tpu.region"() ({
      %run_scoped3A = tpu.sem_alloc : memref<!tpu.dma_semaphore, #tpu.memory_space<semaphore_mem>>
      %dma_start3A_381 = tpu.memref_slice %arg4[%add3A_10] : memref<327680xi32, #tpu.memory_space<hbm>> -> memref<5120xi32, #tpu.memory_space<hbm>>
      %dma_start3A_382 = tpu.memref_slice %arg4[%add3A_10] : memref<327680xi32, #tpu.memory_space<hbm>> -> memref<5120xi32, #tpu.memory_space<hbm>>
      tpu.enqueue_dma source(%dma_start3A_382 : memref<5120xi32, #tpu.memory_space<hbm>>) target(%arg8 : memref<5120xi32, #tpu.memory_space<vmem>>) target_semaphore(%run_scoped3A : memref<!tpu.dma_semaphore, #tpu.memory_space<semaphore_mem>>)
      %dma_wait3A_383 = tpu.memref_slice %arg4[%add3A_10] : memref<327680xi32, #tpu.memory_space<hbm>> -> memref<5120xi32, #tpu.memory_space<hbm>>
      %dma_wait3A_384 = tpu.memref_slice %arg4[%add3A_10] : memref<327680xi32, #tpu.memory_space<hbm>> -> memref<5120xi32, #tpu.memory_space<hbm>>
      tpu.wait_dma2 semaphore(%run_scoped3A : memref<!tpu.dma_semaphore, #tpu.memory_space<semaphore_mem>>) src(%dma_wait3A_384 : memref<5120xi32, #tpu.memory_space<hbm>>) dst(%arg8 : memref<5120xi32, #tpu.memory_space<vmem>>)
      tpu.yield
    }) : () -> ()
    %barrier3A = arith.constant 0 : index
    tpu.barrier barrier_id(%barrier3A)
    %get3A = arith.constant 0 : index
    %get3A_11 = tpu.vector_load %arg8[%get3A] {strides = array<i32>} : memref<5120xi32, #tpu.memory_space<vmem>>, vector<16xi32>,
    %get3A_12 = vector.shape_cast %get3A_11 : vector<16xi32> to vector<16xi32>
    %swap3A = arith.constant 0 : index
    %swap3A_13 = tpu.vector_load %arg9[%swap3A] {strides = array<i32>} : memref<64xi32, #tpu.memory_space<vmem>>, vector<16xi32>,
    %swap3A_14 = vector.shape_cast %swap3A_13 : vector<16xi32> to vector<16xi32>
    %swap3A_15 = vector.shape_cast %get3A_12 : vector<16xi32> to vector<16xi32>
    tpu.vector_store %arg9[%swap3A], %swap3A_15 {strides = array<i32>} : memref<64xi32, #tpu.memory_space<vmem>>, vector<16xi32>,
    %get3A_16 = arith.constant 16 : index
    %get3A_17 = tpu.vector_load %arg8[%get3A_16] {strides = array<i32>} : memref<5120xi32, #tpu.memory_space<vmem>>, vector<16xi32>,
    %get3A_18 = vector.shape_cast %get3A_17 : vector<16xi32> to vector<16xi32>
    %swap3A_19 = arith.constant 16 : index
    %swap3A_20 = tpu.vector_load %arg9[%swap3A_19] {strides = array<i32>} : memref<64xi32, #tpu.memory_space<vmem>>, vector<16xi32>,
    %swap3A_21 = vector.shape_cast %swap3A_20 : vector<16xi32> to vector<16xi32>
    %swap3A_22 = vector.shape_cast %get3A_18 : vector<16xi32> to vector<16xi32>
    tpu.vector_store %arg9[%swap3A_19], %swap3A_22 {strides = array<i32>} : memref<64xi32, #tpu.memory_space<vmem>>, vector<16xi32>,
    %get3A_23 = arith.constant 32 : index
    %get3A_24 = tpu.vector_load %arg8[%get3A_23] {strides = array<i32>} : memref<5120xi32, #tpu.memory_space<vmem>>, vector<16xi32>,
    %get3A_25 = vector.shape_cast %get3A_24 : vector<16xi32> to vector<16xi32>
    %swap3A_26 = arith.constant 32 : index
    %swap3A_27 = tpu.vector_load %arg9[%swap3A_26] {strides = array<i32>} : memref<64xi32, #tpu.memory_space<vmem>>, vector<16xi32>,
    %swap3A_28 = vector.shape_cast %swap3A_27 : vector<16xi32> to vector<16xi32>
    %swap3A_29 = vector.shape_cast %get3A_25 : vector<16xi32> to vector<16xi32>
    tpu.vector_store %arg9[%swap3A_26], %swap3A_29 {strides = array<i32>} : memref<64xi32, #tpu.memory_space<vmem>>, vector<16xi32>,
    %get3A_30 = arith.constant 48 : index
    %get3A_31 = tpu.vector_load %arg8[%get3A_30] {strides = array<i32>} : memref<5120xi32, #tpu.memory_space<vmem>>, vector<16xi32>,
    %get3A_32 = vector.shape_cast %get3A_31 : vector<16xi32> to vector<16xi32>
    %swap3A_33 = arith.constant 48 : index
    %swap3A_34 = tpu.vector_load %arg9[%swap3A_33] {strides = array<i32>} : memref<64xi32, #tpu.memory_space<vmem>>, vector<16xi32>,
    %swap3A_35 = vector.shape_cast %swap3A_34 : vector<16xi32> to vector<16xi32>
    %swap3A_36 = vector.shape_cast %get3A_32 : vector<16xi32> to vector<16xi32>
    tpu.vector_store %arg9[%swap3A_33], %swap3A_36 {strides = array<i32>} : memref<64xi32, #tpu.memory_space<vmem>>, vector<16xi32>,
    %dma_start3A = arith.constant 0 : i32
    %dma_start3A_37 = tpu.memref_slice %arg7[%dma_start3A] : memref<5120xi32, #tpu.memory_space<vmem>> -> memref<64xi32, #tpu.memory_space<vmem>>
    %dma_start3A_38 = arith.constant 0 : i32
    %dma_start3A_39 = arith.constant 0 : i32
    %dma_start3A_40 = tpu.memref_slice %arg2[%dma_start3A_38, %dma_start3A_39] : memref<10000x128xf32, #tpu.memory_space<hbm>> -> memref<10000x128xf32, #tpu.memory_space<hbm>>
    tpu.enqueue_indirect_dma source(%dma_start3A_40 : memref<10000x128xf32, #tpu.memory_space<hbm>>) target(%arg13 : memref<64x128xf32, #tpu.memory_space<vmem>>) offsets(%dma_start3A_37 : memref<64xi32, #tpu.memory_space<vmem>>) semaphore(%arg18 : memref<!tpu.dma_semaphore, #tpu.memory_space<semaphore_mem>>)
    %get3A_41 = arith.constant 64 : index
    %get3A_42 = tpu.vector_load %arg8[%get3A_41] {strides = array<i32>} : memref<5120xi32, #tpu.memory_space<vmem>>, vector<16xi32>,
    %get3A_43 = vector.shape_cast %get3A_42 : vector<16xi32> to vector<16xi32>
    %swap3A_44 = arith.constant 0 : index
    %swap3A_45 = tpu.vector_load %arg10[%swap3A_44] {strides = array<i32>} : memref<64xi32, #tpu.memory_space<vmem>>, vector<16xi32>,
    %swap3A_46 = vector.shape_cast %swap3A_45 : vector<16xi32> to vector<16xi32>
    %swap3A_47 = vector.shape_cast %get3A_43 : vector<16xi32> to vector<16xi32>
    tpu.vector_store %arg10[%swap3A_44], %swap3A_47 {strides = array<i32>} : memref<64xi32, #tpu.memory_space<vmem>>, vector<16xi32>,
    %get3A_48 = arith.constant 80 : index
    %get3A_49 = tpu.vector_load %arg8[%get3A_48] {strides = array<i32>} : memref<5120xi32, #tpu.memory_space<vmem>>, vector<16xi32>,
    %get3A_50 = vector.shape_cast %get3A_49 : vector<16xi32> to vector<16xi32>
    %swap3A_51 = arith.constant 16 : index
    %swap3A_52 = tpu.vector_load %arg10[%swap3A_51] {strides = array<i32>} : memref<64xi32, #tpu.memory_space<vmem>>, vector<16xi32>,
    %swap3A_53 = vector.shape_cast %swap3A_52 : vector<16xi32> to vector<16xi32>
    %swap3A_54 = vector.shape_cast %get3A_50 : vector<16xi32> to vector<16xi32>
    tpu.vector_store %arg10[%swap3A_51], %swap3A_54 {strides = array<i32>} : memref<64xi32, #tpu.memory_space<vmem>>, vector<16xi32>,
    %get3A_55 = arith.constant 96 : index
    %get3A_56 = tpu.vector_load %arg8[%get3A_55] {strides = array<i32>} : memref<5120xi32, #tpu.memory_space<vmem>>, vector<16xi32>,
    %get3A_57 = vector.shape_cast %get3A_56 : vector<16xi32> to vector<16xi32>
    %swap3A_58 = arith.constant 32 : index
    %swap3A_59 = tpu.vector_load %arg10[%swap3A_58] {strides = array<i32>} : memref<64xi32, #tpu.memory_space<vmem>>, vector<16xi32>,
    %swap3A_60 = vector.shape_cast %swap3A_59 : vector<16xi32> to vector<16xi32>
    %swap3A_61 = vector.shape_cast %get3A_57 : vector<16xi32> to vector<16xi32>
    tpu.vector_store %arg10[%swap3A_58], %swap3A_61 {strides = array<i32>} : memref<64xi32, #tpu.memory_space<vmem>>, vector<16xi32>,
    %get3A_62 = arith.constant 112 : index
    %get3A_63 = tpu.vector_load %arg8[%get3A_62] {strides = array<i32>} : memref<5120xi32, #tpu.memory_space<vmem>>, vector<16xi32>,
    %get3A_64 = vector.shape_cast %get3A_63 : vector<16xi32> to vector<16xi32>
    %swap3A_65 = arith.constant 48 : index
    %swap3A_66 = tpu.vector_load %arg10[%swap3A_65] {strides = array<i32>} : memref<64xi32, #tpu.memory_space<vmem>>, vector<16xi32>,
    %swap3A_67 = vector.shape_cast %swap3A_66 : vector<16xi32> to vector<16xi32>
    %swap3A_68 = vector.shape_cast %get3A_64 : vector<16xi32> to vector<16xi32>
    tpu.vector_store %arg10[%swap3A_65], %swap3A_68 {strides = array<i32>} : memref<64xi32, #tpu.memory_space<vmem>>, vector<16xi32>,
    %dma_start3A_69 = arith.constant 64 : i32
    %dma_start3A_70 = tpu.memref_slice %arg7[%dma_start3A_69] : memref<5120xi32, #tpu.memory_space<vmem>> -> memref<64xi32, #tpu.memory_space<vmem>>
    %dma_start3A_71 = arith.constant 0 : i32
    %dma_start3A_72 = arith.constant 0 : i32
    %dma_start3A_73 = tpu.memref_slice %arg2[%dma_start3A_71, %dma_start3A_72] : memref<10000x128xf32, #tpu.memory_space<hbm>> -> memref<10000x128xf32, #tpu.memory_space<hbm>>
    tpu.enqueue_indirect_dma source(%dma_start3A_73 : memref<10000x128xf32, #tpu.memory_space<hbm>>) target(%arg14 : memref<64x128xf32, #tpu.memory_space<vmem>>) offsets(%dma_start3A_70 : memref<64xi32, #tpu.memory_space<vmem>>) semaphore(%arg19 : memref<!tpu.dma_semaphore, #tpu.memory_space<semaphore_mem>>)
    %get3A_74 = arith.constant 128 : index
    %get3A_75 = tpu.vector_load %arg8[%get3A_74] {strides = array<i32>} : memref<5120xi32, #tpu.memory_space<vmem>>, vector<16xi32>,
    %get3A_76 = vector.shape_cast %get3A_75 : vector<16xi32> to vector<16xi32>
    %swap3A_77 = arith.constant 0 : index
    %swap3A_78 = tpu.vector_load %arg11[%swap3A_77] {strides = array<i32>} : memref<64xi32, #tpu.memory_space<vmem>>, vector<16xi32>,
    %swap3A_79 = vector.shape_cast %swap3A_78 : vector<16xi32> to vector<16xi32>
    %swap3A_80 = vector.shape_cast %get3A_76 : vector<16xi32> to vector<16xi32>
    tpu.vector_store %arg11[%swap3A_77], %swap3A_80 {strides = array<i32>} : memref<64xi32, #tpu.memory_space<vmem>>, vector<16xi32>,
    %get3A_81 = arith.constant 144 : index
    %get3A_82 = tpu.vector_load %arg8[%get3A_81] {strides = array<i32>} : memref<5120xi32, #tpu.memory_space<vmem>>, vector<16xi32>,
    %get3A_83 = vector.shape_cast %get3A_82 : vector<16xi32> to vector<16xi32>
    %swap3A_84 = arith.constant 16 : index
    %swap3A_85 = tpu.vector_load %arg11[%swap3A_84] {strides = array<i32>} : memref<64xi32, #tpu.memory_space<vmem>>, vector<16xi32>,
    %swap3A_86 = vector.shape_cast %swap3A_85 : vector<16xi32> to vector<16xi32>
    %swap3A_87 = vector.shape_cast %get3A_83 : vector<16xi32> to vector<16xi32>
    tpu.vector_store %arg11[%swap3A_84], %swap3A_87 {strides = array<i32>} : memref<64xi32, #tpu.memory_space<vmem>>, vector<16xi32>,
    %get3A_88 = arith.constant 160 : index
    %get3A_89 = tpu.vector_load %arg8[%get3A_88] {strides = array<i32>} : memref<5120xi32, #tpu.memory_space<vmem>>, vector<16xi32>,
    %get3A_90 = vector.shape_cast %get3A_89 : vector<16xi32> to vector<16xi32>
    %swap3A_91 = arith.constant 32 : index
    %swap3A_92 = tpu.vector_load %arg11[%swap3A_91] {strides = array<i32>} : memref<64xi32, #tpu.memory_space<vmem>>, vector<16xi32>,
    %swap3A_93 = vector.shape_cast %swap3A_92 : vector<16xi32> to vector<16xi32>
    %swap3A_94 = vector.shape_cast %get3A_90 : vector<16xi32> to vector<16xi32>
    tpu.vector_store %arg11[%swap3A_91], %swap3A_94 {strides = array<i32>} : memref<64xi32, #tpu.memory_space<vmem>>, vector<16xi32>,
    %get3A_95 = arith.constant 176 : index
    %get3A_96 = tpu.vector_load %arg8[%get3A_95] {strides = array<i32>} : memref<5120xi32, #tpu.memory_space<vmem>>, vector<16xi32>,
    %get3A_97 = vector.shape_cast %get3A_96 : vector<16xi32> to vector<16xi32>
    %swap3A_98 = arith.constant 48 : index
    %swap3A_99 = tpu.vector_load %arg11[%swap3A_98] {strides = array<i32>} : memref<64xi32, #tpu.memory_space<vmem>>, vector<16xi32>,
    %swap3A_100 = vector.shape_cast %swap3A_99 : vector<16xi32> to vector<16xi32>
    %swap3A_101 = vector.shape_cast %get3A_97 : vector<16xi32> to vector<16xi32>
    tpu.vector_store %arg11[%swap3A_98], %swap3A_101 {strides = array<i32>} : memref<64xi32, #tpu.memory_space<vmem>>, vector<16xi32>,
    %dma_start3A_102 = arith.constant 128 : i32
    %dma_start3A_103 = tpu.memref_slice %arg7[%dma_start3A_102] : memref<5120xi32, #tpu.memory_space<vmem>> -> memref<64xi32, #tpu.memory_space<vmem>>
    %dma_start3A_104 = arith.constant 0 : i32
    %dma_start3A_105 = arith.constant 0 : i32
    %dma_start3A_106 = tpu.memref_slice %arg2[%dma_start3A_104, %dma_start3A_105] : memref<10000x128xf32, #tpu.memory_space<hbm>> -> memref<10000x128xf32, #tpu.memory_space<hbm>>
    tpu.enqueue_indirect_dma source(%dma_start3A_106 : memref<10000x128xf32, #tpu.memory_space<hbm>>) target(%arg15 : memref<64x128xf32, #tpu.memory_space<vmem>>) offsets(%dma_start3A_103 : memref<64xi32, #tpu.memory_space<vmem>>) semaphore(%arg20 : memref<!tpu.dma_semaphore, #tpu.memory_space<semaphore_mem>>)
    %get3A_107 = arith.constant 192 : index
    %get3A_108 = tpu.vector_load %arg8[%get3A_107] {strides = array<i32>} : memref<5120xi32, #tpu.memory_space<vmem>>, vector<16xi32>,
    %get3A_109 = vector.shape_cast %get3A_108 : vector<16xi32> to vector<16xi32>
    %swap3A_110 = arith.constant 0 : index
    %swap3A_111 = tpu.vector_load %arg12[%swap3A_110] {strides = array<i32>} : memref<64xi32, #tpu.memory_space<vmem>>, vector<16xi32>,
    %swap3A_112 = vector.shape_cast %swap3A_111 : vector<16xi32> to vector<16xi32>
    %swap3A_113 = vector.shape_cast %get3A_109 : vector<16xi32> to vector<16xi32>
    tpu.vector_store %arg12[%swap3A_110], %swap3A_113 {strides = array<i32>} : memref<64xi32, #tpu.memory_space<vmem>>, vector<16xi32>,
    %get3A_114 = arith.constant 208 : index
    %get3A_115 = tpu.vector_load %arg8[%get3A_114] {strides = array<i32>} : memref<5120xi32, #tpu.memory_space<vmem>>, vector<16xi32>,
    %get3A_116 = vector.shape_cast %get3A_115 : vector<16xi32> to vector<16xi32>
    %swap3A_117 = arith.constant 16 : index
    %swap3A_118 = tpu.vector_load %arg12[%swap3A_117] {strides = array<i32>} : memref<64xi32, #tpu.memory_space<vmem>>, vector<16xi32>,
    %swap3A_119 = vector.shape_cast %swap3A_118 : vector<16xi32> to vector<16xi32>
    %swap3A_120 = vector.shape_cast %get3A_116 : vector<16xi32> to vector<16xi32>
    tpu.vector_store %arg12[%swap3A_117], %swap3A_120 {strides = array<i32>} : memref<64xi32, #tpu.memory_space<vmem>>, vector<16xi32>,
    %get3A_121 = arith.constant 224 : index
    %get3A_122 = tpu.vector_load %arg8[%get3A_121] {strides = array<i32>} : memref<5120xi32, #tpu.memory_space<vmem>>, vector<16xi32>,
    %get3A_123 = vector.shape_cast %get3A_122 : vector<16xi32> to vector<16xi32>
    %swap3A_124 = arith.constant 32 : index
    %swap3A_125 = tpu.vector_load %arg12[%swap3A_124] {strides = array<i32>} : memref<64xi32, #tpu.memory_space<vmem>>, vector<16xi32>,
    %swap3A_126 = vector.shape_cast %swap3A_125 : vector<16xi32> to vector<16xi32>
    %swap3A_127 = vector.shape_cast %get3A_123 : vector<16xi32> to vector<16xi32>
    tpu.vector_store %arg12[%swap3A_124], %swap3A_127 {strides = array<i32>} : memref<64xi32, #tpu.memory_space<vmem>>, vector<16xi32>,
    %get3A_128 = arith.constant 240 : index
    %get3A_129 = tpu.vector_load %arg8[%get3A_128] {strides = array<i32>} : memref<5120xi32, #tpu.memory_space<vmem>>, vector<16xi32>,
    %get3A_130 = vector.shape_cast %get3A_129 : vector<16xi32> to vector<16xi32>
    %swap3A_131 = arith.constant 48 : index
    %swap3A_132 = tpu.vector_load %arg12[%swap3A_131] {strides = array<i32>} : memref<64xi32, #tpu.memory_space<vmem>>, vector<16xi32>,
    %swap3A_133 = vector.shape_cast %swap3A_132 : vector<16xi32> to vector<16xi32>
    %swap3A_134 = vector.shape_cast %get3A_130 : vector<16xi32> to vector<16xi32>
    tpu.vector_store %arg12[%swap3A_131], %swap3A_134 {strides = array<i32>} : memref<64xi32, #tpu.memory_space<vmem>>, vector<16xi32>,
    %dma_start3A_135 = arith.constant 192 : i32
    %dma_start3A_136 = tpu.memref_slice %arg7[%dma_start3A_135] : memref<5120xi32, #tpu.memory_space<vmem>> -> memref<64xi32, #tpu.memory_space<vmem>>
    %dma_start3A_137 = arith.constant 0 : i32
    %dma_start3A_138 = arith.constant 0 : i32
    %dma_start3A_139 = tpu.memref_slice %arg2[%dma_start3A_137, %dma_start3A_138] : memref<10000x128xf32, #tpu.memory_space<hbm>> -> memref<10000x128xf32, #tpu.memory_space<hbm>>
    tpu.enqueue_indirect_dma source(%dma_start3A_139 : memref<10000x128xf32, #tpu.memory_space<hbm>>) target(%arg16 : memref<64x128xf32, #tpu.memory_space<vmem>>) offsets(%dma_start3A_136 : memref<64xi32, #tpu.memory_space<vmem>>) semaphore(%arg21 : memref<!tpu.dma_semaphore, #tpu.memory_space<semaphore_mem>>)
    %dma_wait3A = arith.constant 0 : i32
    %dma_wait3A_140 = tpu.memref_slice %arg7[%dma_wait3A] : memref<5120xi32, #tpu.memory_space<vmem>> -> memref<64xi32, #tpu.memory_space<vmem>>
    %dma_wait3A_141 = arith.constant 0 : i32
    %dma_wait3A_142 = arith.constant 0 : i32
    %dma_wait3A_143 = tpu.memref_slice %arg2[%dma_wait3A_141, %dma_wait3A_142] : memref<10000x128xf32, #tpu.memory_space<hbm>> -> memref<10000x128xf32, #tpu.memory_space<hbm>>
    tpu.wait_indirect_dma semaphore(%arg18 : memref<!tpu.dma_semaphore, #tpu.memory_space<semaphore_mem>>) src(%dma_wait3A_143 : memref<10000x128xf32, #tpu.memory_space<hbm>>) dst(%arg13 : memref<64x128xf32, #tpu.memory_space<vmem>>)
    %dma_start3A_144 = arith.constant 0 : i32
    %dma_start3A_145 = arith.constant 0 : i32
    %dma_start3A_146 = tpu.memref_slice %arg17[%dma_start3A_144, %dma_start3A_145] : memref<10112x128xf32, #tpu.memory_space<vmem_shared>> -> memref<10112x128xf32, #tpu.memory_space<vmem_shared>>
    tpu.enqueue_indirect_dma source(%arg13 : memref<64x128xf32, #tpu.memory_space<vmem>>) target(%dma_start3A_146 : memref<10112x128xf32, #tpu.memory_space<vmem_shared>>) offsets(%arg9 : memref<64xi32, #tpu.memory_space<vmem>>) semaphore(%arg22 : memref<!tpu.dma_semaphore, #tpu.memory_space<semaphore_mem>>) {add = true}
    %scan3A = arith.constant 0 : i32
    %scan3A_147 = arith.constant 19 : i32
    %scan3A_148 = arith.addi %scan3A, %scan3A_147 : i32
    %scan3A_149 = arith.constant 1 : i32
    scf.for %scan3A_381 = %scan3A to %scan3A_148 step %scan3A_149  : i32 {
      %mul3A_382 = arith.constant 1 : i32
      %mul3A_383 = arith.muli %scan3A_381, %mul3A_382 : i32
      %add3A_384 = arith.constant 1 : i32
      %add3A_385 = arith.addi %add3A_384, %mul3A_383 : i32
      %mul3A_386 = arith.constant 4 : i32
      %mul3A_387 = arith.muli %add3A_385, %mul3A_386 : i32
      %add3A_388 = arith.constant 0 : i32
      %add3A_389 = arith.addi %mul3A_387, %add3A_388 : i32
      %dma_wait3A_390 = arith.constant 0 : i32
      %dma_wait3A_391 = arith.constant 0 : i32
      %dma_wait3A_392 = tpu.memref_slice %arg17[%dma_wait3A_390, %dma_wait3A_391] : memref<10112x128xf32, #tpu.memory_space<vmem_shared>> -> memref<10112x128xf32, #tpu.memory_space<vmem_shared>>
      tpu.wait_indirect_dma semaphore(%arg22 : memref<!tpu.dma_semaphore, #tpu.memory_space<semaphore_mem>>) src(%arg13 : memref<64x128xf32, #tpu.memory_space<vmem>>) dst(%dma_wait3A_392 : memref<10112x128xf32, #tpu.memory_space<vmem_shared>>)
      %mul3A_393 = arith.constant 64 : i32
      %mul3A_394 = arith.muli %add3A_389, %mul3A_393 : i32
      %add3A_395 = arith.constant 0 : i32
      %add3A_396 = arith.addi %mul3A_394, %add3A_395 : i32
      %get3A_397 = arith.index_cast %add3A_396 : i32 to index
      %get3A_398 = tpu.vector_load %arg8[%get3A_397] {strides = array<i32>} : memref<5120xi32, #tpu.memory_space<vmem>>, vector<16xi32>,
      %get3A_399 = vector.shape_cast %get3A_398 : vector<16xi32> to vector<16xi32>
      %swap3A_400 = arith.constant 0 : index
      %swap3A_401 = tpu.vector_load %arg9[%swap3A_400] {strides = array<i32>} : memref<64xi32, #tpu.memory_space<vmem>>, vector<16xi32>,
      %swap3A_402 = vector.shape_cast %swap3A_401 : vector<16xi32> to vector<16xi32>
      %swap3A_403 = vector.shape_cast %get3A_399 : vector<16xi32> to vector<16xi32>
      tpu.vector_store %arg9[%swap3A_400], %swap3A_403 {strides = array<i32>} : memref<64xi32, #tpu.memory_space<vmem>>, vector<16xi32>,
      %mul3A_404 = arith.constant 64 : i32
      %mul3A_405 = arith.muli %add3A_389, %mul3A_404 : i32
      %add3A_406 = arith.constant 16 : i32
      %add3A_407 = arith.addi %mul3A_405, %add3A_406 : i32
      %get3A_408 = arith.index_cast %add3A_407 : i32 to index
      %get3A_409 = tpu.vector_load %arg8[%get3A_408] {strides = array<i32>} : memref<5120xi32, #tpu.memory_space<vmem>>, vector<16xi32>,
      %get3A_410 = vector.shape_cast %get3A_409 : vector<16xi32> to vector<16xi32>
      %swap3A_411 = arith.constant 16 : index
      %swap3A_412 = tpu.vector_load %arg9[%swap3A_411] {strides = array<i32>} : memref<64xi32, #tpu.memory_space<vmem>>, vector<16xi32>,
      %swap3A_413 = vector.shape_cast %swap3A_412 : vector<16xi32> to vector<16xi32>
      %swap3A_414 = vector.shape_cast %get3A_410 : vector<16xi32> to vector<16xi32>
      tpu.vector_store %arg9[%swap3A_411], %swap3A_414 {strides = array<i32>} : memref<64xi32, #tpu.memory_space<vmem>>, vector<16xi32>,
      %mul3A_415 = arith.constant 64 : i32
      %mul3A_416 = arith.muli %add3A_389, %mul3A_415 : i32
      %add3A_417 = arith.constant 32 : i32
      %add3A_418 = arith.addi %mul3A_416, %add3A_417 : i32
      %get3A_419 = arith.index_cast %add3A_418 : i32 to index
      %get3A_420 = tpu.vector_load %arg8[%get3A_419] {strides = array<i32>} : memref<5120xi32, #tpu.memory_space<vmem>>, vector<16xi32>,
      %get3A_421 = vector.shape_cast %get3A_420 : vector<16xi32> to vector<16xi32>
      %swap3A_422 = arith.constant 32 : index
      %swap3A_423 = tpu.vector_load %arg9[%swap3A_422] {strides = array<i32>} : memref<64xi32, #tpu.memory_space<vmem>>, vector<16xi32>,
      %swap3A_424 = vector.shape_cast %swap3A_423 : vector<16xi32> to vector<16xi32>
      %swap3A_425 = vector.shape_cast %get3A_421 : vector<16xi32> to vector<16xi32>
      tpu.vector_store %arg9[%swap3A_422], %swap3A_425 {strides = array<i32>} : memref<64xi32, #tpu.memory_space<vmem>>, vector<16xi32>,
      %mul3A_426 = arith.constant 64 : i32
      %mul3A_427 = arith.muli %add3A_389, %mul3A_426 : i32
      %add3A_428 = arith.constant 48 : i32
      %add3A_429 = arith.addi %mul3A_427, %add3A_428 : i32
      %get3A_430 = arith.index_cast %add3A_429 : i32 to index
      %get3A_431 = tpu.vector_load %arg8[%get3A_430] {strides = array<i32>} : memref<5120xi32, #tpu.memory_space<vmem>>, vector<16xi32>,
      %get3A_432 = vector.shape_cast %get3A_431 : vector<16xi32> to vector<16xi32>
      %swap3A_433 = arith.constant 48 : index
      %swap3A_434 = tpu.vector_load %arg9[%swap3A_433] {strides = array<i32>} : memref<64xi32, #tpu.memory_space<vmem>>, vector<16xi32>,
      %swap3A_435 = vector.shape_cast %swap3A_434 : vector<16xi32> to vector<16xi32>
      %swap3A_436 = vector.shape_cast %get3A_432 : vector<16xi32> to vector<16xi32>
      tpu.vector_store %arg9[%swap3A_433], %swap3A_436 {strides = array<i32>} : memref<64xi32, #tpu.memory_space<vmem>>, vector<16xi32>,
      %mul3A_437 = arith.constant 64 : i32
      %mul3A_438 = arith.muli %add3A_389, %mul3A_437 : i32
      %dma_start3A_439 = tpu.memref_slice %arg7[%mul3A_438] : memref<5120xi32, #tpu.memory_space<vmem>> -> memref<64xi32, #tpu.memory_space<vmem>>
      %dma_start3A_440 = arith.constant 0 : i32
      %dma_start3A_441 = arith.constant 0 : i32
      %dma_start3A_442 = tpu.memref_slice %arg2[%dma_start3A_440, %dma_start3A_441] : memref<10000x128xf32, #tpu.memory_space<hbm>> -> memref<10000x128xf32, #tpu.memory_space<hbm>>
      tpu.enqueue_indirect_dma source(%dma_start3A_442 : memref<10000x128xf32, #tpu.memory_space<hbm>>) target(%arg13 : memref<64x128xf32, #tpu.memory_space<vmem>>) offsets(%dma_start3A_439 : memref<64xi32, #tpu.memory_space<vmem>>) semaphore(%arg18 : memref<!tpu.dma_semaphore, #tpu.memory_space<semaphore_mem>>)
      %sub3A = arith.constant 3 : i32
      %sub3A_443 = arith.subi %add3A_389, %sub3A : i32
      %mul3A_444 = arith.constant 64 : i32
      %mul3A_445 = arith.muli %sub3A_443, %mul3A_444 : i32
      %dma_wait3A_446 = tpu.memref_slice %arg7[%mul3A_445] : memref<5120xi32, #tpu.memory_space<vmem>> -> memref<64xi32, #tpu.memory_space<vmem>>
      %dma_wait3A_447 = arith.constant 0 : i32
      %dma_wait3A_448 = arith.constant 0 : i32
      %dma_wait3A_449 = tpu.memref_slice %arg2[%dma_wait3A_447, %dma_wait3A_448] : memref<10000x128xf32, #tpu.memory_space<hbm>> -> memref<10000x128xf32, #tpu.memory_space<hbm>>
      tpu.wait_indirect_dma semaphore(%arg19 : memref<!tpu.dma_semaphore, #tpu.memory_space<semaphore_mem>>) src(%dma_wait3A_449 : memref<10000x128xf32, #tpu.memory_space<hbm>>) dst(%arg14 : memref<64x128xf32, #tpu.memory_space<vmem>>)
      %dma_start3A_450 = arith.constant 0 : i32
      %dma_start3A_451 = arith.constant 0 : i32
      %dma_start3A_452 = tpu.memref_slice %arg17[%dma_start3A_450, %dma_start3A_451] : memref<10112x128xf32, #tpu.memory_space<vmem_shared>> -> memref<10112x128xf32, #tpu.memory_space<vmem_shared>>
      tpu.enqueue_indirect_dma source(%arg14 : memref<64x128xf32, #tpu.memory_space<vmem>>) target(%dma_start3A_452 : memref<10112x128xf32, #tpu.memory_space<vmem_shared>>) offsets(%arg10 : memref<64xi32, #tpu.memory_space<vmem>>) semaphore(%arg23 : memref<!tpu.dma_semaphore, #tpu.memory_space<semaphore_mem>>) {add = true}
      %mul3A_453 = arith.constant 4 : i32
      %mul3A_454 = arith.muli %add3A_385, %mul3A_453 : i32
      %add3A_455 = arith.constant 1 : i32
      %add3A_456 = arith.addi %mul3A_454, %add3A_455 : i32
      %dma_wait3A_457 = arith.constant 0 : i32
      %dma_wait3A_458 = arith.constant 0 : i32
      %dma_wait3A_459 = tpu.memref_slice %arg17[%dma_wait3A_457, %dma_wait3A_458] : memref<10112x128xf32, #tpu.memory_space<vmem_shared>> -> memref<10112x128xf32, #tpu.memory_space<vmem_shared>>
      tpu.wait_indirect_dma semaphore(%arg23 : memref<!tpu.dma_semaphore, #tpu.memory_space<semaphore_mem>>) src(%arg14 : memref<64x128xf32, #tpu.memory_space<vmem>>) dst(%dma_wait3A_459 : memref<10112x128xf32, #tpu.memory_space<vmem_shared>>)
      %mul3A_460 = arith.constant 64 : i32
      %mul3A_461 = arith.muli %add3A_456, %mul3A_460 : i32
      %add3A_462 = arith.constant 0 : i32
      %add3A_463 = arith.addi %mul3A_461, %add3A_462 : i32
      %get3A_464 = arith.index_cast %add3A_463 : i32 to index
      %get3A_465 = tpu.vector_load %arg8[%get3A_464] {strides = array<i32>} : memref<5120xi32, #tpu.memory_space<vmem>>, vector<16xi32>,
      %get3A_466 = vector.shape_cast %get3A_465 : vector<16xi32> to vector<16xi32>
      %swap3A_467 = arith.constant 0 : index
      %swap3A_468 = tpu.vector_load %arg10[%swap3A_467] {strides = array<i32>} : memref<64xi32, #tpu.memory_space<vmem>>, vector<16xi32>,
      %swap3A_469 = vector.shape_cast %swap3A_468 : vector<16xi32> to vector<16xi32>
      %swap3A_470 = vector.shape_cast %get3A_466 : vector<16xi32> to vector<16xi32>
      tpu.vector_store %arg10[%swap3A_467], %swap3A_470 {strides = array<i32>} : memref<64xi32, #tpu.memory_space<vmem>>, vector<16xi32>,
      %mul3A_471 = arith.constant 64 : i32
      %mul3A_472 = arith.muli %add3A_456, %mul3A_471 : i32
      %add3A_473 = arith.constant 16 : i32
      %add3A_474 = arith.addi %mul3A_472, %add3A_473 : i32
      %get3A_475 = arith.index_cast %add3A_474 : i32 to index
      %get3A_476 = tpu.vector_load %arg8[%get3A_475] {strides = array<i32>} : memref<5120xi32, #tpu.memory_space<vmem>>, vector<16xi32>,
      %get3A_477 = vector.shape_cast %get3A_476 : vector<16xi32> to vector<16xi32>
      %swap3A_478 = arith.constant 16 : index
      %swap3A_479 = tpu.vector_load %arg10[%swap3A_478] {strides = array<i32>} : memref<64xi32, #tpu.memory_space<vmem>>, vector<16xi32>,
      %swap3A_480 = vector.shape_cast %swap3A_479 : vector<16xi32> to vector<16xi32>
      %swap3A_481 = vector.shape_cast %get3A_477 : vector<16xi32> to vector<16xi32>
      tpu.vector_store %arg10[%swap3A_478], %swap3A_481 {strides = array<i32>} : memref<64xi32, #tpu.memory_space<vmem>>, vector<16xi32>,
      %mul3A_482 = arith.constant 64 : i32
      %mul3A_483 = arith.muli %add3A_456, %mul3A_482 : i32
      %add3A_484 = arith.constant 32 : i32
      %add3A_485 = arith.addi %mul3A_483, %add3A_484 : i32
      %get3A_486 = arith.index_cast %add3A_485 : i32 to index
      %get3A_487 = tpu.vector_load %arg8[%get3A_486] {strides = array<i32>} : memref<5120xi32, #tpu.memory_space<vmem>>, vector<16xi32>,
      %get3A_488 = vector.shape_cast %get3A_487 : vector<16xi32> to vector<16xi32>
      %swap3A_489 = arith.constant 32 : index
      %swap3A_490 = tpu.vector_load %arg10[%swap3A_489] {strides = array<i32>} : memref<64xi32, #tpu.memory_space<vmem>>, vector<16xi32>,
      %swap3A_491 = vector.shape_cast %swap3A_490 : vector<16xi32> to vector<16xi32>
      %swap3A_492 = vector.shape_cast %get3A_488 : vector<16xi32> to vector<16xi32>
      tpu.vector_store %arg10[%swap3A_489], %swap3A_492 {strides = array<i32>} : memref<64xi32, #tpu.memory_space<vmem>>, vector<16xi32>,
      %mul3A_493 = arith.constant 64 : i32
      %mul3A_494 = arith.muli %add3A_456, %mul3A_493 : i32
      %add3A_495 = arith.constant 48 : i32
      %add3A_496 = arith.addi %mul3A_494, %add3A_495 : i32
      %get3A_497 = arith.index_cast %add3A_496 : i32 to index
      %get3A_498 = tpu.vector_load %arg8[%get3A_497] {strides = array<i32>} : memref<5120xi32, #tpu.memory_space<vmem>>, vector<16xi32>,
      %get3A_499 = vector.shape_cast %get3A_498 : vector<16xi32> to vector<16xi32>
      %swap3A_500 = arith.constant 48 : index
      %swap3A_501 = tpu.vector_load %arg10[%swap3A_500] {strides = array<i32>} : memref<64xi32, #tpu.memory_space<vmem>>, vector<16xi32>,
      %swap3A_502 = vector.shape_cast %swap3A_501 : vector<16xi32> to vector<16xi32>
      %swap3A_503 = vector.shape_cast %get3A_499 : vector<16xi32> to vector<16xi32>
      tpu.vector_store %arg10[%swap3A_500], %swap3A_503 {strides = array<i32>} : memref<64xi32, #tpu.memory_space<vmem>>, vector<16xi32>,
      %mul3A_504 = arith.constant 64 : i32
      %mul3A_505 = arith.muli %add3A_456, %mul3A_504 : i32
      %dma_start3A_506 = tpu.memref_slice %arg7[%mul3A_505] : memref<5120xi32, #tpu.memory_space<vmem>> -> memref<64xi32, #tpu.memory_space<vmem>>
      %dma_start3A_507 = arith.constant 0 : i32
      %dma_start3A_508 = arith.constant 0 : i32
      %dma_start3A_509 = tpu.memref_slice %arg2[%dma_start3A_507, %dma_start3A_508] : memref<10000x128xf32, #tpu.memory_space<hbm>> -> memref<10000x128xf32, #tpu.memory_space<hbm>>
      tpu.enqueue_indirect_dma source(%dma_start3A_509 : memref<10000x128xf32, #tpu.memory_space<hbm>>) target(%arg14 : memref<64x128xf32, #tpu.memory_space<vmem>>) offsets(%dma_start3A_506 : memref<64xi32, #tpu.memory_space<vmem>>) semaphore(%arg19 : memref<!tpu.dma_semaphore, #tpu.memory_space<semaphore_mem>>)
      %sub3A_510 = arith.constant 3 : i32
      %sub3A_511 = arith.subi %add3A_456, %sub3A_510 : i32
      %mul3A_512 = arith.constant 64 : i32
      %mul3A_513 = arith.muli %sub3A_511, %mul3A_512 : i32
      %dma_wait3A_514 = tpu.memref_slice %arg7[%mul3A_513] : memref<5120xi32, #tpu.memory_space<vmem>> -> memref<64xi32, #tpu.memory_space<vmem>>
      %dma_wait3A_515 = arith.constant 0 : i32
      %dma_wait3A_516 = arith.constant 0 : i32
      %dma_wait3A_517 = tpu.memref_slice %arg2[%dma_wait3A_515, %dma_wait3A_516] : memref<10000x128xf32, #tpu.memory_space<hbm>> -> memref<10000x128xf32, #tpu.memory_space<hbm>>
      tpu.wait_indirect_dma semaphore(%arg20 : memref<!tpu.dma_semaphore, #tpu.memory_space<semaphore_mem>>) src(%dma_wait3A_517 : memref<10000x128xf32, #tpu.memory_space<hbm>>) dst(%arg15 : memref<64x128xf32, #tpu.memory_space<vmem>>)
      %dma_start3A_518 = arith.constant 0 : i32
      %dma_start3A_519 = arith.constant 0 : i32
      %dma_start3A_520 = tpu.memref_slice %arg17[%dma_start3A_518, %dma_start3A_519] : memref<10112x128xf32, #tpu.memory_space<vmem_shared>> -> memref<10112x128xf32, #tpu.memory_space<vmem_shared>>
      tpu.enqueue_indirect_dma source(%arg15 : memref<64x128xf32, #tpu.memory_space<vmem>>) target(%dma_start3A_520 : memref<10112x128xf32, #tpu.memory_space<vmem_shared>>) offsets(%arg11 : memref<64xi32, #tpu.memory_space<vmem>>) semaphore(%arg24 : memref<!tpu.dma_semaphore, #tpu.memory_space<semaphore_mem>>) {add = true}
      %mul3A_521 = arith.constant 4 : i32
      %mul3A_522 = arith.muli %add3A_385, %mul3A_521 : i32
      %add3A_523 = arith.constant 2 : i32
      %add3A_524 = arith.addi %mul3A_522, %add3A_523 : i32
      %dma_wait3A_525 = arith.constant 0 : i32
      %dma_wait3A_526 = arith.constant 0 : i32
      %dma_wait3A_527 = tpu.memref_slice %arg17[%dma_wait3A_525, %dma_wait3A_526] : memref<10112x128xf32, #tpu.memory_space<vmem_shared>> -> memref<10112x128xf32, #tpu.memory_space<vmem_shared>>
      tpu.wait_indirect_dma semaphore(%arg24 : memref<!tpu.dma_semaphore, #tpu.memory_space<semaphore_mem>>) src(%arg15 : memref<64x128xf32, #tpu.memory_space<vmem>>) dst(%dma_wait3A_527 : memref<10112x128xf32, #tpu.memory_space<vmem_shared>>)
      %mul3A_528 = arith.constant 64 : i32
      %mul3A_529 = arith.muli %add3A_524, %mul3A_528 : i32
      %add3A_530 = arith.constant 0 : i32
      %add3A_531 = arith.addi %mul3A_529, %add3A_530 : i32
      %get3A_532 = arith.index_cast %add3A_531 : i32 to index
      %get3A_533 = tpu.vector_load %arg8[%get3A_532] {strides = array<i32>} : memref<5120xi32, #tpu.memory_space<vmem>>, vector<16xi32>,
      %get3A_534 = vector.shape_cast %get3A_533 : vector<16xi32> to vector<16xi32>
      %swap3A_535 = arith.constant 0 : index
      %swap3A_536 = tpu.vector_load %arg11[%swap3A_535] {strides = array<i32>} : memref<64xi32, #tpu.memory_space<vmem>>, vector<16xi32>,
      %swap3A_537 = vector.shape_cast %swap3A_536 : vector<16xi32> to vector<16xi32>
      %swap3A_538 = vector.shape_cast %get3A_534 : vector<16xi32> to vector<16xi32>
      tpu.vector_store %arg11[%swap3A_535], %swap3A_538 {strides = array<i32>} : memref<64xi32, #tpu.memory_space<vmem>>, vector<16xi32>,
      %mul3A_539 = arith.constant 64 : i32
      %mul3A_540 = arith.muli %add3A_524, %mul3A_539 : i32
      %add3A_541 = arith.constant 16 : i32
      %add3A_542 = arith.addi %mul3A_540, %add3A_541 : i32
      %get3A_543 = arith.index_cast %add3A_542 : i32 to index
      %get3A_544 = tpu.vector_load %arg8[%get3A_543] {strides = array<i32>} : memref<5120xi32, #tpu.memory_space<vmem>>, vector<16xi32>,
      %get3A_545 = vector.shape_cast %get3A_544 : vector<16xi32> to vector<16xi32>
      %swap3A_546 = arith.constant 16 : index
      %swap3A_547 = tpu.vector_load %arg11[%swap3A_546] {strides = array<i32>} : memref<64xi32, #tpu.memory_space<vmem>>, vector<16xi32>,
      %swap3A_548 = vector.shape_cast %swap3A_547 : vector<16xi32> to vector<16xi32>
      %swap3A_549 = vector.shape_cast %get3A_545 : vector<16xi32> to vector<16xi32>
      tpu.vector_store %arg11[%swap3A_546], %swap3A_549 {strides = array<i32>} : memref<64xi32, #tpu.memory_space<vmem>>, vector<16xi32>,
      %mul3A_550 = arith.constant 64 : i32
      %mul3A_551 = arith.muli %add3A_524, %mul3A_550 : i32
      %add3A_552 = arith.constant 32 : i32
      %add3A_553 = arith.addi %mul3A_551, %add3A_552 : i32
      %get3A_554 = arith.index_cast %add3A_553 : i32 to index
      %get3A_555 = tpu.vector_load %arg8[%get3A_554] {strides = array<i32>} : memref<5120xi32, #tpu.memory_space<vmem>>, vector<16xi32>,
      %get3A_556 = vector.shape_cast %get3A_555 : vector<16xi32> to vector<16xi32>
      %swap3A_557 = arith.constant 32 : index
      %swap3A_558 = tpu.vector_load %arg11[%swap3A_557] {strides = array<i32>} : memref<64xi32, #tpu.memory_space<vmem>>, vector<16xi32>,
      %swap3A_559 = vector.shape_cast %swap3A_558 : vector<16xi32> to vector<16xi32>
      %swap3A_560 = vector.shape_cast %get3A_556 : vector<16xi32> to vector<16xi32>
      tpu.vector_store %arg11[%swap3A_557], %swap3A_560 {strides = array<i32>} : memref<64xi32, #tpu.memory_space<vmem>>, vector<16xi32>,
      %mul3A_561 = arith.constant 64 : i32
      %mul3A_562 = arith.muli %add3A_524, %mul3A_561 : i32
      %add3A_563 = arith.constant 48 : i32
      %add3A_564 = arith.addi %mul3A_562, %add3A_563 : i32
      %get3A_565 = arith.index_cast %add3A_564 : i32 to index
      %get3A_566 = tpu.vector_load %arg8[%get3A_565] {strides = array<i32>} : memref<5120xi32, #tpu.memory_space<vmem>>, vector<16xi32>,
      %get3A_567 = vector.shape_cast %get3A_566 : vector<16xi32> to vector<16xi32>
      %swap3A_568 = arith.constant 48 : index
      %swap3A_569 = tpu.vector_load %arg11[%swap3A_568] {strides = array<i32>} : memref<64xi32, #tpu.memory_space<vmem>>, vector<16xi32>,
      %swap3A_570 = vector.shape_cast %swap3A_569 : vector<16xi32> to vector<16xi32>
      %swap3A_571 = vector.shape_cast %get3A_567 : vector<16xi32> to vector<16xi32>
      tpu.vector_store %arg11[%swap3A_568], %swap3A_571 {strides = array<i32>} : memref<64xi32, #tpu.memory_space<vmem>>, vector<16xi32>,
      %mul3A_572 = arith.constant 64 : i32
      %mul3A_573 = arith.muli %add3A_524, %mul3A_572 : i32
      %dma_start3A_574 = tpu.memref_slice %arg7[%mul3A_573] : memref<5120xi32, #tpu.memory_space<vmem>> -> memref<64xi32, #tpu.memory_space<vmem>>
      %dma_start3A_575 = arith.constant 0 : i32
      %dma_start3A_576 = arith.constant 0 : i32
      %dma_start3A_577 = tpu.memref_slice %arg2[%dma_start3A_575, %dma_start3A_576] : memref<10000x128xf32, #tpu.memory_space<hbm>> -> memref<10000x128xf32, #tpu.memory_space<hbm>>
      tpu.enqueue_indirect_dma source(%dma_start3A_577 : memref<10000x128xf32, #tpu.memory_space<hbm>>) target(%arg15 : memref<64x128xf32, #tpu.memory_space<vmem>>) offsets(%dma_start3A_574 : memref<64xi32, #tpu.memory_space<vmem>>) semaphore(%arg20 : memref<!tpu.dma_semaphore, #tpu.memory_space<semaphore_mem>>)
      %sub3A_578 = arith.constant 3 : i32
      %sub3A_579 = arith.subi %add3A_524, %sub3A_578 : i32
      %mul3A_580 = arith.constant 64 : i32
      %mul3A_581 = arith.muli %sub3A_579, %mul3A_580 : i32
      %dma_wait3A_582 = tpu.memref_slice %arg7[%mul3A_581] : memref<5120xi32, #tpu.memory_space<vmem>> -> memref<64xi32, #tpu.memory_space<vmem>>
      %dma_wait3A_583 = arith.constant 0 : i32
      %dma_wait3A_584 = arith.constant 0 : i32
      %dma_wait3A_585 = tpu.memref_slice %arg2[%dma_wait3A_583, %dma_wait3A_584] : memref<10000x128xf32, #tpu.memory_space<hbm>> -> memref<10000x128xf32, #tpu.memory_space<hbm>>
      tpu.wait_indirect_dma semaphore(%arg21 : memref<!tpu.dma_semaphore, #tpu.memory_space<semaphore_mem>>) src(%dma_wait3A_585 : memref<10000x128xf32, #tpu.memory_space<hbm>>) dst(%arg16 : memref<64x128xf32, #tpu.memory_space<vmem>>)
      %dma_start3A_586 = arith.constant 0 : i32
      %dma_start3A_587 = arith.constant 0 : i32
      %dma_start3A_588 = tpu.memref_slice %arg17[%dma_start3A_586, %dma_start3A_587] : memref<10112x128xf32, #tpu.memory_space<vmem_shared>> -> memref<10112x128xf32, #tpu.memory_space<vmem_shared>>
      tpu.enqueue_indirect_dma source(%arg16 : memref<64x128xf32, #tpu.memory_space<vmem>>) target(%dma_start3A_588 : memref<10112x128xf32, #tpu.memory_space<vmem_shared>>) offsets(%arg12 : memref<64xi32, #tpu.memory_space<vmem>>) semaphore(%arg25 : memref<!tpu.dma_semaphore, #tpu.memory_space<semaphore_mem>>) {add = true}
      %mul3A_589 = arith.constant 4 : i32
      %mul3A_590 = arith.muli %add3A_385, %mul3A_589 : i32
      %add3A_591 = arith.constant 3 : i32
      %add3A_592 = arith.addi %mul3A_590, %add3A_591 : i32
      %dma_wait3A_593 = arith.constant 0 : i32
      %dma_wait3A_594 = arith.constant 0 : i32
      %dma_wait3A_595 = tpu.memref_slice %arg17[%dma_wait3A_593, %dma_wait3A_594] : memref<10112x128xf32, #tpu.memory_space<vmem_shared>> -> memref<10112x128xf32, #tpu.memory_space<vmem_shared>>
      tpu.wait_indirect_dma semaphore(%arg25 : memref<!tpu.dma_semaphore, #tpu.memory_space<semaphore_mem>>) src(%arg16 : memref<64x128xf32, #tpu.memory_space<vmem>>) dst(%dma_wait3A_595 : memref<10112x128xf32, #tpu.memory_space<vmem_shared>>)
      %mul3A_596 = arith.constant 64 : i32
      %mul3A_597 = arith.muli %add3A_592, %mul3A_596 : i32
      %add3A_598 = arith.constant 0 : i32
      %add3A_599 = arith.addi %mul3A_597, %add3A_598 : i32
      %get3A_600 = arith.index_cast %add3A_599 : i32 to index
      %get3A_601 = tpu.vector_load %arg8[%get3A_600] {strides = array<i32>} : memref<5120xi32, #tpu.memory_space<vmem>>, vector<16xi32>,
      %get3A_602 = vector.shape_cast %get3A_601 : vector<16xi32> to vector<16xi32>
      %swap3A_603 = arith.constant 0 : index
      %swap3A_604 = tpu.vector_load %arg12[%swap3A_603] {strides = array<i32>} : memref<64xi32, #tpu.memory_space<vmem>>, vector<16xi32>,
      %swap3A_605 = vector.shape_cast %swap3A_604 : vector<16xi32> to vector<16xi32>
      %swap3A_606 = vector.shape_cast %get3A_602 : vector<16xi32> to vector<16xi32>
      tpu.vector_store %arg12[%swap3A_603], %swap3A_606 {strides = array<i32>} : memref<64xi32, #tpu.memory_space<vmem>>, vector<16xi32>,
      %mul3A_607 = arith.constant 64 : i32
      %mul3A_608 = arith.muli %add3A_592, %mul3A_607 : i32
      %add3A_609 = arith.constant 16 : i32
      %add3A_610 = arith.addi %mul3A_608, %add3A_609 : i32
      %get3A_611 = arith.index_cast %add3A_610 : i32 to index
      %get3A_612 = tpu.vector_load %arg8[%get3A_611] {strides = array<i32>} : memref<5120xi32, #tpu.memory_space<vmem>>, vector<16xi32>,
      %get3A_613 = vector.shape_cast %get3A_612 : vector<16xi32> to vector<16xi32>
      %swap3A_614 = arith.constant 16 : index
      %swap3A_615 = tpu.vector_load %arg12[%swap3A_614] {strides = array<i32>} : memref<64xi32, #tpu.memory_space<vmem>>, vector<16xi32>,
      %swap3A_616 = vector.shape_cast %swap3A_615 : vector<16xi32> to vector<16xi32>
      %swap3A_617 = vector.shape_cast %get3A_613 : vector<16xi32> to vector<16xi32>
      tpu.vector_store %arg12[%swap3A_614], %swap3A_617 {strides = array<i32>} : memref<64xi32, #tpu.memory_space<vmem>>, vector<16xi32>,
      %mul3A_618 = arith.constant 64 : i32
      %mul3A_619 = arith.muli %add3A_592, %mul3A_618 : i32
      %add3A_620 = arith.constant 32 : i32
      %add3A_621 = arith.addi %mul3A_619, %add3A_620 : i32
      %get3A_622 = arith.index_cast %add3A_621 : i32 to index
      %get3A_623 = tpu.vector_load %arg8[%get3A_622] {strides = array<i32>} : memref<5120xi32, #tpu.memory_space<vmem>>, vector<16xi32>,
      %get3A_624 = vector.shape_cast %get3A_623 : vector<16xi32> to vector<16xi32>
      %swap3A_625 = arith.constant 32 : index
      %swap3A_626 = tpu.vector_load %arg12[%swap3A_625] {strides = array<i32>} : memref<64xi32, #tpu.memory_space<vmem>>, vector<16xi32>,
      %swap3A_627 = vector.shape_cast %swap3A_626 : vector<16xi32> to vector<16xi32>
      %swap3A_628 = vector.shape_cast %get3A_624 : vector<16xi32> to vector<16xi32>
      tpu.vector_store %arg12[%swap3A_625], %swap3A_628 {strides = array<i32>} : memref<64xi32, #tpu.memory_space<vmem>>, vector<16xi32>,
      %mul3A_629 = arith.constant 64 : i32
      %mul3A_630 = arith.muli %add3A_592, %mul3A_629 : i32
      %add3A_631 = arith.constant 48 : i32
      %add3A_632 = arith.addi %mul3A_630, %add3A_631 : i32
      %get3A_633 = arith.index_cast %add3A_632 : i32 to index
      %get3A_634 = tpu.vector_load %arg8[%get3A_633] {strides = array<i32>} : memref<5120xi32, #tpu.memory_space<vmem>>, vector<16xi32>,
      %get3A_635 = vector.shape_cast %get3A_634 : vector<16xi32> to vector<16xi32>
      %swap3A_636 = arith.constant 48 : index
      %swap3A_637 = tpu.vector_load %arg12[%swap3A_636] {strides = array<i32>} : memref<64xi32, #tpu.memory_space<vmem>>, vector<16xi32>,
      %swap3A_638 = vector.shape_cast %swap3A_637 : vector<16xi32> to vector<16xi32>
      %swap3A_639 = vector.shape_cast %get3A_635 : vector<16xi32> to vector<16xi32>
      tpu.vector_store %arg12[%swap3A_636], %swap3A_639 {strides = array<i32>} : memref<64xi32, #tpu.memory_space<vmem>>, vector<16xi32>,
      %mul3A_640 = arith.constant 64 : i32
      %mul3A_641 = arith.muli %add3A_592, %mul3A_640 : i32
      %dma_start3A_642 = tpu.memref_slice %arg7[%mul3A_641] : memref<5120xi32, #tpu.memory_space<vmem>> -> memref<64xi32, #tpu.memory_space<vmem>>
      %dma_start3A_643 = arith.constant 0 : i32
      %dma_start3A_644 = arith.constant 0 : i32
      %dma_start3A_645 = tpu.memref_slice %arg2[%dma_start3A_643, %dma_start3A_644] : memref<10000x128xf32, #tpu.memory_space<hbm>> -> memref<10000x128xf32, #tpu.memory_space<hbm>>
      tpu.enqueue_indirect_dma source(%dma_start3A_645 : memref<10000x128xf32, #tpu.memory_space<hbm>>) target(%arg16 : memref<64x128xf32, #tpu.memory_space<vmem>>) offsets(%dma_start3A_642 : memref<64xi32, #tpu.memory_space<vmem>>) semaphore(%arg21 : memref<!tpu.dma_semaphore, #tpu.memory_space<semaphore_mem>>)
      %sub3A_646 = arith.constant 3 : i32
      %sub3A_647 = arith.subi %add3A_592, %sub3A_646 : i32
      %mul3A_648 = arith.constant 64 : i32
      %mul3A_649 = arith.muli %sub3A_647, %mul3A_648 : i32
      %dma_wait3A_650 = tpu.memref_slice %arg7[%mul3A_649] : memref<5120xi32, #tpu.memory_space<vmem>> -> memref<64xi32, #tpu.memory_space<vmem>>
      %dma_wait3A_651 = arith.constant 0 : i32
      %dma_wait3A_652 = arith.constant 0 : i32
      %dma_wait3A_653 = tpu.memref_slice %arg2[%dma_wait3A_651, %dma_wait3A_652] : memref<10000x128xf32, #tpu.memory_space<hbm>> -> memref<10000x128xf32, #tpu.memory_space<hbm>>
      tpu.wait_indirect_dma semaphore(%arg18 : memref<!tpu.dma_semaphore, #tpu.memory_space<semaphore_mem>>) src(%dma_wait3A_653 : memref<10000x128xf32, #tpu.memory_space<hbm>>) dst(%arg13 : memref<64x128xf32, #tpu.memory_space<vmem>>)
      %dma_start3A_654 = arith.constant 0 : i32
      %dma_start3A_655 = arith.constant 0 : i32
      %dma_start3A_656 = tpu.memref_slice %arg17[%dma_start3A_654, %dma_start3A_655] : memref<10112x128xf32, #tpu.memory_space<vmem_shared>> -> memref<10112x128xf32, #tpu.memory_space<vmem_shared>>
      tpu.enqueue_indirect_dma source(%arg13 : memref<64x128xf32, #tpu.memory_space<vmem>>) target(%dma_start3A_656 : memref<10112x128xf32, #tpu.memory_space<vmem_shared>>) offsets(%arg9 : memref<64xi32, #tpu.memory_space<vmem>>) semaphore(%arg22 : memref<!tpu.dma_semaphore, #tpu.memory_space<semaphore_mem>>) {add = true}
    }
    %scan3A_150 = arith.constant 19 : i32
    %dma_wait3A_151 = arith.constant 4928 : i32
    %dma_wait3A_152 = tpu.memref_slice %arg7[%dma_wait3A_151] : memref<5120xi32, #tpu.memory_space<vmem>> -> memref<64xi32, #tpu.memory_space<vmem>>
    %dma_wait3A_153 = arith.constant 0 : i32
    %dma_wait3A_154 = arith.constant 0 : i32
    %dma_wait3A_155 = tpu.memref_slice %arg2[%dma_wait3A_153, %dma_wait3A_154] : memref<10000x128xf32, #tpu.memory_space<hbm>> -> memref<10000x128xf32, #tpu.memory_space<hbm>>
    tpu.wait_indirect_dma semaphore(%arg19 : memref<!tpu.dma_semaphore, #tpu.memory_space<semaphore_mem>>) src(%dma_wait3A_155 : memref<10000x128xf32, #tpu.memory_space<hbm>>) dst(%arg14 : memref<64x128xf32, #tpu.memory_space<vmem>>)
    %dma_start3A_156 = arith.constant 0 : i32
    %dma_start3A_157 = arith.constant 0 : i32
    %dma_start3A_158 = tpu.memref_slice %arg17[%dma_start3A_156, %dma_start3A_157] : memref<10112x128xf32, #tpu.memory_space<vmem_shared>> -> memref<10112x128xf32, #tpu.memory_space<vmem_shared>>
    tpu.enqueue_indirect_dma source(%arg14 : memref<64x128xf32, #tpu.memory_space<vmem>>) target(%dma_start3A_158 : memref<10112x128xf32, #tpu.memory_space<vmem_shared>>) offsets(%arg10 : memref<64xi32, #tpu.memory_space<vmem>>) semaphore(%arg23 : memref<!tpu.dma_semaphore, #tpu.memory_space<semaphore_mem>>) {add = true}
    %dma_wait3A_159 = arith.constant 4992 : i32
    %dma_wait3A_160 = tpu.memref_slice %arg7[%dma_wait3A_159] : memref<5120xi32, #tpu.memory_space<vmem>> -> memref<64xi32, #tpu.memory_space<vmem>>
    %dma_wait3A_161 = arith.constant 0 : i32
    %dma_wait3A_162 = arith.constant 0 : i32
    %dma_wait3A_163 = tpu.memref_slice %arg2[%dma_wait3A_161, %dma_wait3A_162] : memref<10000x128xf32, #tpu.memory_space<hbm>> -> memref<10000x128xf32, #tpu.memory_space<hbm>>
    tpu.wait_indirect_dma semaphore(%arg20 : memref<!tpu.dma_semaphore, #tpu.memory_space<semaphore_mem>>) src(%dma_wait3A_163 : memref<10000x128xf32, #tpu.memory_space<hbm>>) dst(%arg15 : memref<64x128xf32, #tpu.memory_space<vmem>>)
    %dma_start3A_164 = arith.constant 0 : i32
    %dma_start3A_165 = arith.constant 0 : i32
    %dma_start3A_166 = tpu.memref_slice %arg17[%dma_start3A_164, %dma_start3A_165] : memref<10112x128xf32, #tpu.memory_space<vmem_shared>> -> memref<10112x128xf32, #tpu.memory_space<vmem_shared>>
    tpu.enqueue_indirect_dma source(%arg15 : memref<64x128xf32, #tpu.memory_space<vmem>>) target(%dma_start3A_166 : memref<10112x128xf32, #tpu.memory_space<vmem_shared>>) offsets(%arg11 : memref<64xi32, #tpu.memory_space<vmem>>) semaphore(%arg24 : memref<!tpu.dma_semaphore, #tpu.memory_space<semaphore_mem>>) {add = true}
    %dma_wait3A_167 = arith.constant 5056 : i32
    %dma_wait3A_168 = tpu.memref_slice %arg7[%dma_wait3A_167] : memref<5120xi32, #tpu.memory_space<vmem>> -> memref<64xi32, #tpu.memory_space<vmem>>
    %dma_wait3A_169 = arith.constant 0 : i32
    %dma_wait3A_170 = arith.constant 0 : i32
    %dma_wait3A_171 = tpu.memref_slice %arg2[%dma_wait3A_169, %dma_wait3A_170] : memref<10000x128xf32, #tpu.memory_space<hbm>> -> memref<10000x128xf32, #tpu.memory_space<hbm>>
    tpu.wait_indirect_dma semaphore(%arg21 : memref<!tpu.dma_semaphore, #tpu.memory_space<semaphore_mem>>) src(%dma_wait3A_171 : memref<10000x128xf32, #tpu.memory_space<hbm>>) dst(%arg16 : memref<64x128xf32, #tpu.memory_space<vmem>>)
    %dma_start3A_172 = arith.constant 0 : i32
    %dma_start3A_173 = arith.constant 0 : i32
    %dma_start3A_174 = tpu.memref_slice %arg17[%dma_start3A_172, %dma_start3A_173] : memref<10112x128xf32, #tpu.memory_space<vmem_shared>> -> memref<10112x128xf32, #tpu.memory_space<vmem_shared>>
    tpu.enqueue_indirect_dma source(%arg16 : memref<64x128xf32, #tpu.memory_space<vmem>>) target(%dma_start3A_174 : memref<10112x128xf32, #tpu.memory_space<vmem_shared>>) offsets(%arg12 : memref<64xi32, #tpu.memory_space<vmem>>) semaphore(%arg25 : memref<!tpu.dma_semaphore, #tpu.memory_space<semaphore_mem>>) {add = true}
    %mul3A_175 = arith.constant 10240 : i32
    %mul3A_176 = arith.muli %add3A, %mul3A_175 : i32
    %add3A_177 = arith.constant 5120 : i32
    %add3A_178 = arith.addi %mul3A_176, %add3A_177 : i32
    "tpu.region"() ({
      %run_scoped3A = tpu.sem_alloc : memref<!tpu.dma_semaphore, #tpu.memory_space<semaphore_mem>>
      %dma_start3A_381 = tpu.memref_slice %arg3[%add3A_178] : memref<327680xi32, #tpu.memory_space<hbm>> -> memref<5120xi32, #tpu.memory_space<hbm>>
      %dma_start3A_382 = tpu.memref_slice %arg3[%add3A_178] : memref<327680xi32, #tpu.memory_space<hbm>> -> memref<5120xi32, #tpu.memory_space<hbm>>
      tpu.enqueue_dma source(%dma_start3A_382 : memref<5120xi32, #tpu.memory_space<hbm>>) target(%arg7 : memref<5120xi32, #tpu.memory_space<vmem>>) target_semaphore(%run_scoped3A : memref<!tpu.dma_semaphore, #tpu.memory_space<semaphore_mem>>)
      %dma_wait3A_383 = tpu.memref_slice %arg3[%add3A_178] : memref<327680xi32, #tpu.memory_space<hbm>> -> memref<5120xi32, #tpu.memory_space<hbm>>
      %dma_wait3A_384 = tpu.memref_slice %arg3[%add3A_178] : memref<327680xi32, #tpu.memory_space<hbm>> -> memref<5120xi32, #tpu.memory_space<hbm>>
      tpu.wait_dma2 semaphore(%run_scoped3A : memref<!tpu.dma_semaphore, #tpu.memory_space<semaphore_mem>>) src(%dma_wait3A_384 : memref<5120xi32, #tpu.memory_space<hbm>>) dst(%arg7 : memref<5120xi32, #tpu.memory_space<vmem>>)
      tpu.yield
    }) : () -> ()
    %mul3A_179 = arith.constant 10240 : i32
    %mul3A_180 = arith.muli %add3A, %mul3A_179 : i32
    %add3A_181 = arith.constant 5120 : i32
    %add3A_182 = arith.addi %mul3A_180, %add3A_181 : i32
    "tpu.region"() ({
      %run_scoped3A = tpu.sem_alloc : memref<!tpu.dma_semaphore, #tpu.memory_space<semaphore_mem>>
      %dma_start3A_381 = tpu.memref_slice %arg4[%add3A_182] : memref<327680xi32, #tpu.memory_space<hbm>> -> memref<5120xi32, #tpu.memory_space<hbm>>
      %dma_start3A_382 = tpu.memref_slice %arg4[%add3A_182] : memref<327680xi32, #tpu.memory_space<hbm>> -> memref<5120xi32, #tpu.memory_space<hbm>>
      tpu.enqueue_dma source(%dma_start3A_382 : memref<5120xi32, #tpu.memory_space<hbm>>) target(%arg8 : memref<5120xi32, #tpu.memory_space<vmem>>) target_semaphore(%run_scoped3A : memref<!tpu.dma_semaphore, #tpu.memory_space<semaphore_mem>>)
      %dma_wait3A_383 = tpu.memref_slice %arg4[%add3A_182] : memref<327680xi32, #tpu.memory_space<hbm>> -> memref<5120xi32, #tpu.memory_space<hbm>>
      %dma_wait3A_384 = tpu.memref_slice %arg4[%add3A_182] : memref<327680xi32, #tpu.memory_space<hbm>> -> memref<5120xi32, #tpu.memory_space<hbm>>
      tpu.wait_dma2 semaphore(%run_scoped3A : memref<!tpu.dma_semaphore, #tpu.memory_space<semaphore_mem>>) src(%dma_wait3A_384 : memref<5120xi32, #tpu.memory_space<hbm>>) dst(%arg8 : memref<5120xi32, #tpu.memory_space<vmem>>)
      tpu.yield
    }) : () -> ()
    %dma_wait3A_183 = arith.constant 0 : i32
    %dma_wait3A_184 = arith.constant 0 : i32
    %dma_wait3A_185 = tpu.memref_slice %arg17[%dma_wait3A_183, %dma_wait3A_184] : memref<10112x128xf32, #tpu.memory_space<vmem_shared>> -> memref<10112x128xf32, #tpu.memory_space<vmem_shared>>
    tpu.wait_indirect_dma semaphore(%arg22 : memref<!tpu.dma_semaphore, #tpu.memory_space<semaphore_mem>>) src(%arg13 : memref<64x128xf32, #tpu.memory_space<vmem>>) dst(%dma_wait3A_185 : memref<10112x128xf32, #tpu.memory_space<vmem_shared>>)
    %get3A_186 = arith.constant 0 : index
    %get3A_187 = tpu.vector_load %arg8[%get3A_186] {strides = array<i32>} : memref<5120xi32, #tpu.memory_space<vmem>>, vector<16xi32>,
    %get3A_188 = vector.shape_cast %get3A_187 : vector<16xi32> to vector<16xi32>
    %swap3A_189 = arith.constant 0 : index
    %swap3A_190 = tpu.vector_load %arg9[%swap3A_189] {strides = array<i32>} : memref<64xi32, #tpu.memory_space<vmem>>, vector<16xi32>,
    %swap3A_191 = vector.shape_cast %swap3A_190 : vector<16xi32> to vector<16xi32>
    %swap3A_192 = vector.shape_cast %get3A_188 : vector<16xi32> to vector<16xi32>
    tpu.vector_store %arg9[%swap3A_189], %swap3A_192 {strides = array<i32>} : memref<64xi32, #tpu.memory_space<vmem>>, vector<16xi32>,
    %get3A_193 = arith.constant 16 : index
    %get3A_194 = tpu.vector_load %arg8[%get3A_193] {strides = array<i32>} : memref<5120xi32, #tpu.memory_space<vmem>>, vector<16xi32>,
    %get3A_195 = vector.shape_cast %get3A_194 : vector<16xi32> to vector<16xi32>
    %swap3A_196 = arith.constant 16 : index
    %swap3A_197 = tpu.vector_load %arg9[%swap3A_196] {strides = array<i32>} : memref<64xi32, #tpu.memory_space<vmem>>, vector<16xi32>,
    %swap3A_198 = vector.shape_cast %swap3A_197 : vector<16xi32> to vector<16xi32>
    %swap3A_199 = vector.shape_cast %get3A_195 : vector<16xi32> to vector<16xi32>
    tpu.vector_store %arg9[%swap3A_196], %swap3A_199 {strides = array<i32>} : memref<64xi32, #tpu.memory_space<vmem>>, vector<16xi32>,
    %get3A_200 = arith.constant 32 : index
    %get3A_201 = tpu.vector_load %arg8[%get3A_200] {strides = array<i32>} : memref<5120xi32, #tpu.memory_space<vmem>>, vector<16xi32>,
    %get3A_202 = vector.shape_cast %get3A_201 : vector<16xi32> to vector<16xi32>
    %swap3A_203 = arith.constant 32 : index
    %swap3A_204 = tpu.vector_load %arg9[%swap3A_203] {strides = array<i32>} : memref<64xi32, #tpu.memory_space<vmem>>, vector<16xi32>,
    %swap3A_205 = vector.shape_cast %swap3A_204 : vector<16xi32> to vector<16xi32>
    %swap3A_206 = vector.shape_cast %get3A_202 : vector<16xi32> to vector<16xi32>
    tpu.vector_store %arg9[%swap3A_203], %swap3A_206 {strides = array<i32>} : memref<64xi32, #tpu.memory_space<vmem>>, vector<16xi32>,
    %get3A_207 = arith.constant 48 : index
    %get3A_208 = tpu.vector_load %arg8[%get3A_207] {strides = array<i32>} : memref<5120xi32, #tpu.memory_space<vmem>>, vector<16xi32>,
    %get3A_209 = vector.shape_cast %get3A_208 : vector<16xi32> to vector<16xi32>
    %swap3A_210 = arith.constant 48 : index
    %swap3A_211 = tpu.vector_load %arg9[%swap3A_210] {strides = array<i32>} : memref<64xi32, #tpu.memory_space<vmem>>, vector<16xi32>,
    %swap3A_212 = vector.shape_cast %swap3A_211 : vector<16xi32> to vector<16xi32>
    %swap3A_213 = vector.shape_cast %get3A_209 : vector<16xi32> to vector<16xi32>
    tpu.vector_store %arg9[%swap3A_210], %swap3A_213 {strides = array<i32>} : memref<64xi32, #tpu.memory_space<vmem>>, vector<16xi32>,
    %dma_start3A_214 = arith.constant 0 : i32
    %dma_start3A_215 = tpu.memref_slice %arg7[%dma_start3A_214] : memref<5120xi32, #tpu.memory_space<vmem>> -> memref<64xi32, #tpu.memory_space<vmem>>
    %dma_start3A_216 = arith.constant 0 : i32
    %dma_start3A_217 = arith.constant 0 : i32
    %dma_start3A_218 = tpu.memref_slice %arg2[%dma_start3A_216, %dma_start3A_217] : memref<10000x128xf32, #tpu.memory_space<hbm>> -> memref<10000x128xf32, #tpu.memory_space<hbm>>
    tpu.enqueue_indirect_dma source(%dma_start3A_218 : memref<10000x128xf32, #tpu.memory_space<hbm>>) target(%arg13 : memref<64x128xf32, #tpu.memory_space<vmem>>) offsets(%dma_start3A_215 : memref<64xi32, #tpu.memory_space<vmem>>) semaphore(%arg18 : memref<!tpu.dma_semaphore, #tpu.memory_space<semaphore_mem>>)
    %dma_wait3A_219 = arith.constant 0 : i32
    %dma_wait3A_220 = arith.constant 0 : i32
    %dma_wait3A_221 = tpu.memref_slice %arg17[%dma_wait3A_219, %dma_wait3A_220] : memref<10112x128xf32, #tpu.memory_space<vmem_shared>> -> memref<10112x128xf32, #tpu.memory_space<vmem_shared>>
    tpu.wait_indirect_dma semaphore(%arg23 : memref<!tpu.dma_semaphore, #tpu.memory_space<semaphore_mem>>) src(%arg14 : memref<64x128xf32, #tpu.memory_space<vmem>>) dst(%dma_wait3A_221 : memref<10112x128xf32, #tpu.memory_space<vmem_shared>>)
    %get3A_222 = arith.constant 64 : index
    %get3A_223 = tpu.vector_load %arg8[%get3A_222] {strides = array<i32>} : memref<5120xi32, #tpu.memory_space<vmem>>, vector<16xi32>,
    %get3A_224 = vector.shape_cast %get3A_223 : vector<16xi32> to vector<16xi32>
    %swap3A_225 = arith.constant 0 : index
    %swap3A_226 = tpu.vector_load %arg10[%swap3A_225] {strides = array<i32>} : memref<64xi32, #tpu.memory_space<vmem>>, vector<16xi32>,
    %swap3A_227 = vector.shape_cast %swap3A_226 : vector<16xi32> to vector<16xi32>
    %swap3A_228 = vector.shape_cast %get3A_224 : vector<16xi32> to vector<16xi32>
    tpu.vector_store %arg10[%swap3A_225], %swap3A_228 {strides = array<i32>} : memref<64xi32, #tpu.memory_space<vmem>>, vector<16xi32>,
    %get3A_229 = arith.constant 80 : index
    %get3A_230 = tpu.vector_load %arg8[%get3A_229] {strides = array<i32>} : memref<5120xi32, #tpu.memory_space<vmem>>, vector<16xi32>,
    %get3A_231 = vector.shape_cast %get3A_230 : vector<16xi32> to vector<16xi32>
    %swap3A_232 = arith.constant 16 : index
    %swap3A_233 = tpu.vector_load %arg10[%swap3A_232] {strides = array<i32>} : memref<64xi32, #tpu.memory_space<vmem>>, vector<16xi32>,
    %swap3A_234 = vector.shape_cast %swap3A_233 : vector<16xi32> to vector<16xi32>
    %swap3A_235 = vector.shape_cast %get3A_231 : vector<16xi32> to vector<16xi32>
    tpu.vector_store %arg10[%swap3A_232], %swap3A_235 {strides = array<i32>} : memref<64xi32, #tpu.memory_space<vmem>>, vector<16xi32>,
    %get3A_236 = arith.constant 96 : index
    %get3A_237 = tpu.vector_load %arg8[%get3A_236] {strides = array<i32>} : memref<5120xi32, #tpu.memory_space<vmem>>, vector<16xi32>,
    %get3A_238 = vector.shape_cast %get3A_237 : vector<16xi32> to vector<16xi32>
    %swap3A_239 = arith.constant 32 : index
    %swap3A_240 = tpu.vector_load %arg10[%swap3A_239] {strides = array<i32>} : memref<64xi32, #tpu.memory_space<vmem>>, vector<16xi32>,
    %swap3A_241 = vector.shape_cast %swap3A_240 : vector<16xi32> to vector<16xi32>
    %swap3A_242 = vector.shape_cast %get3A_238 : vector<16xi32> to vector<16xi32>
    tpu.vector_store %arg10[%swap3A_239], %swap3A_242 {strides = array<i32>} : memref<64xi32, #tpu.memory_space<vmem>>, vector<16xi32>,
    %get3A_243 = arith.constant 112 : index
    %get3A_244 = tpu.vector_load %arg8[%get3A_243] {strides = array<i32>} : memref<5120xi32, #tpu.memory_space<vmem>>, vector<16xi32>,
    %get3A_245 = vector.shape_cast %get3A_244 : vector<16xi32> to vector<16xi32>
    %swap3A_246 = arith.constant 48 : index
    %swap3A_247 = tpu.vector_load %arg10[%swap3A_246] {strides = array<i32>} : memref<64xi32, #tpu.memory_space<vmem>>, vector<16xi32>,
    %swap3A_248 = vector.shape_cast %swap3A_247 : vector<16xi32> to vector<16xi32>
    %swap3A_249 = vector.shape_cast %get3A_245 : vector<16xi32> to vector<16xi32>
    tpu.vector_store %arg10[%swap3A_246], %swap3A_249 {strides = array<i32>} : memref<64xi32, #tpu.memory_space<vmem>>, vector<16xi32>,
    %dma_start3A_250 = arith.constant 64 : i32
    %dma_start3A_251 = tpu.memref_slice %arg7[%dma_start3A_250] : memref<5120xi32, #tpu.memory_space<vmem>> -> memref<64xi32, #tpu.memory_space<vmem>>
    %dma_start3A_252 = arith.constant 0 : i32
    %dma_start3A_253 = arith.constant 0 : i32
    %dma_start3A_254 = tpu.memref_slice %arg2[%dma_start3A_252, %dma_start3A_253] : memref<10000x128xf32, #tpu.memory_space<hbm>> -> memref<10000x128xf32, #tpu.memory_space<hbm>>
    tpu.enqueue_indirect_dma source(%dma_start3A_254 : memref<10000x128xf32, #tpu.memory_space<hbm>>) target(%arg14 : memref<64x128xf32, #tpu.memory_space<vmem>>) offsets(%dma_start3A_251 : memref<64xi32, #tpu.memory_space<vmem>>) semaphore(%arg19 : memref<!tpu.dma_semaphore, #tpu.memory_space<semaphore_mem>>)
    %dma_wait3A_255 = arith.constant 0 : i32
    %dma_wait3A_256 = arith.constant 0 : i32
    %dma_wait3A_257 = tpu.memref_slice %arg17[%dma_wait3A_255, %dma_wait3A_256] : memref<10112x128xf32, #tpu.memory_space<vmem_shared>> -> memref<10112x128xf32, #tpu.memory_space<vmem_shared>>
    tpu.wait_indirect_dma semaphore(%arg24 : memref<!tpu.dma_semaphore, #tpu.memory_space<semaphore_mem>>) src(%arg15 : memref<64x128xf32, #tpu.memory_space<vmem>>) dst(%dma_wait3A_257 : memref<10112x128xf32, #tpu.memory_space<vmem_shared>>)
    %get3A_258 = arith.constant 128 : index
    %get3A_259 = tpu.vector_load %arg8[%get3A_258] {strides = array<i32>} : memref<5120xi32, #tpu.memory_space<vmem>>, vector<16xi32>,
    %get3A_260 = vector.shape_cast %get3A_259 : vector<16xi32> to vector<16xi32>
    %swap3A_261 = arith.constant 0 : index
    %swap3A_262 = tpu.vector_load %arg11[%swap3A_261] {strides = array<i32>} : memref<64xi32, #tpu.memory_space<vmem>>, vector<16xi32>,
    %swap3A_263 = vector.shape_cast %swap3A_262 : vector<16xi32> to vector<16xi32>
    %swap3A_264 = vector.shape_cast %get3A_260 : vector<16xi32> to vector<16xi32>
    tpu.vector_store %arg11[%swap3A_261], %swap3A_264 {strides = array<i32>} : memref<64xi32, #tpu.memory_space<vmem>>, vector<16xi32>,
    %get3A_265 = arith.constant 144 : index
    %get3A_266 = tpu.vector_load %arg8[%get3A_265] {strides = array<i32>} : memref<5120xi32, #tpu.memory_space<vmem>>, vector<16xi32>,
    %get3A_267 = vector.shape_cast %get3A_266 : vector<16xi32> to vector<16xi32>
    %swap3A_268 = arith.constant 16 : index
    %swap3A_269 = tpu.vector_load %arg11[%swap3A_268] {strides = array<i32>} : memref<64xi32, #tpu.memory_space<vmem>>, vector<16xi32>,
    %swap3A_270 = vector.shape_cast %swap3A_269 : vector<16xi32> to vector<16xi32>
    %swap3A_271 = vector.shape_cast %get3A_267 : vector<16xi32> to vector<16xi32>
    tpu.vector_store %arg11[%swap3A_268], %swap3A_271 {strides = array<i32>} : memref<64xi32, #tpu.memory_space<vmem>>, vector<16xi32>,
    %get3A_272 = arith.constant 160 : index
    %get3A_273 = tpu.vector_load %arg8[%get3A_272] {strides = array<i32>} : memref<5120xi32, #tpu.memory_space<vmem>>, vector<16xi32>,
    %get3A_274 = vector.shape_cast %get3A_273 : vector<16xi32> to vector<16xi32>
    %swap3A_275 = arith.constant 32 : index
    %swap3A_276 = tpu.vector_load %arg11[%swap3A_275] {strides = array<i32>} : memref<64xi32, #tpu.memory_space<vmem>>, vector<16xi32>,
    %swap3A_277 = vector.shape_cast %swap3A_276 : vector<16xi32> to vector<16xi32>
    %swap3A_278 = vector.shape_cast %get3A_274 : vector<16xi32> to vector<16xi32>
    tpu.vector_store %arg11[%swap3A_275], %swap3A_278 {strides = array<i32>} : memref<64xi32, #tpu.memory_space<vmem>>, vector<16xi32>,
    %get3A_279 = arith.constant 176 : index
    %get3A_280 = tpu.vector_load %arg8[%get3A_279] {strides = array<i32>} : memref<5120xi32, #tpu.memory_space<vmem>>, vector<16xi32>,
    %get3A_281 = vector.shape_cast %get3A_280 : vector<16xi32> to vector<16xi32>
    %swap3A_282 = arith.constant 48 : index
    %swap3A_283 = tpu.vector_load %arg11[%swap3A_282] {strides = array<i32>} : memref<64xi32, #tpu.memory_space<vmem>>, vector<16xi32>,
    %swap3A_284 = vector.shape_cast %swap3A_283 : vector<16xi32> to vector<16xi32>
    %swap3A_285 = vector.shape_cast %get3A_281 : vector<16xi32> to vector<16xi32>
    tpu.vector_store %arg11[%swap3A_282], %swap3A_285 {strides = array<i32>} : memref<64xi32, #tpu.memory_space<vmem>>, vector<16xi32>,
    %dma_start3A_286 = arith.constant 128 : i32
    %dma_start3A_287 = tpu.memref_slice %arg7[%dma_start3A_286] : memref<5120xi32, #tpu.memory_space<vmem>> -> memref<64xi32, #tpu.memory_space<vmem>>
    %dma_start3A_288 = arith.constant 0 : i32
    %dma_start3A_289 = arith.constant 0 : i32
    %dma_start3A_290 = tpu.memref_slice %arg2[%dma_start3A_288, %dma_start3A_289] : memref<10000x128xf32, #tpu.memory_space<hbm>> -> memref<10000x128xf32, #tpu.memory_space<hbm>>
    tpu.enqueue_indirect_dma source(%dma_start3A_290 : memref<10000x128xf32, #tpu.memory_space<hbm>>) target(%arg15 : memref<64x128xf32, #tpu.memory_space<vmem>>) offsets(%dma_start3A_287 : memref<64xi32, #tpu.memory_space<vmem>>) semaphore(%arg20 : memref<!tpu.dma_semaphore, #tpu.memory_space<semaphore_mem>>)
    %dma_wait3A_291 = arith.constant 0 : i32
    %dma_wait3A_292 = arith.constant 0 : i32
    %dma_wait3A_293 = tpu.memref_slice %arg17[%dma_wait3A_291, %dma_wait3A_292] : memref<10112x128xf32, #tpu.memory_space<vmem_shared>> -> memref<10112x128xf32, #tpu.memory_space<vmem_shared>>
    tpu.wait_indirect_dma semaphore(%arg25 : memref<!tpu.dma_semaphore, #tpu.memory_space<semaphore_mem>>) src(%arg16 : memref<64x128xf32, #tpu.memory_space<vmem>>) dst(%dma_wait3A_293 : memref<10112x128xf32, #tpu.memory_space<vmem_shared>>)
    %get3A_294 = arith.constant 192 : index
    %get3A_295 = tpu.vector_load %arg8[%get3A_294] {strides = array<i32>} : memref<5120xi32, #tpu.memory_space<vmem>>, vector<16xi32>,
    %get3A_296 = vector.shape_cast %get3A_295 : vector<16xi32> to vector<16xi32>
    %swap3A_297 = arith.constant 0 : index
    %swap3A_298 = tpu.vector_load %arg12[%swap3A_297] {strides = array<i32>} : memref<64xi32, #tpu.memory_space<vmem>>, vector<16xi32>,
    %swap3A_299 = vector.shape_cast %swap3A_298 : vector<16xi32> to vector<16xi32>
    %swap3A_300 = vector.shape_cast %get3A_296 : vector<16xi32> to vector<16xi32>
    tpu.vector_store %arg12[%swap3A_297], %swap3A_300 {strides = array<i32>} : memref<64xi32, #tpu.memory_space<vmem>>, vector<16xi32>,
    %get3A_301 = arith.constant 208 : index
    %get3A_302 = tpu.vector_load %arg8[%get3A_301] {strides = array<i32>} : memref<5120xi32, #tpu.memory_space<vmem>>, vector<16xi32>,
    %get3A_303 = vector.shape_cast %get3A_302 : vector<16xi32> to vector<16xi32>
    %swap3A_304 = arith.constant 16 : index
    %swap3A_305 = tpu.vector_load %arg12[%swap3A_304] {strides = array<i32>} : memref<64xi32, #tpu.memory_space<vmem>>, vector<16xi32>,
    %swap3A_306 = vector.shape_cast %swap3A_305 : vector<16xi32> to vector<16xi32>
    %swap3A_307 = vector.shape_cast %get3A_303 : vector<16xi32> to vector<16xi32>
    tpu.vector_store %arg12[%swap3A_304], %swap3A_307 {strides = array<i32>} : memref<64xi32, #tpu.memory_space<vmem>>, vector<16xi32>,
    %get3A_308 = arith.constant 224 : index
    %get3A_309 = tpu.vector_load %arg8[%get3A_308] {strides = array<i32>} : memref<5120xi32, #tpu.memory_space<vmem>>, vector<16xi32>,
    %get3A_310 = vector.shape_cast %get3A_309 : vector<16xi32> to vector<16xi32>
    %swap3A_311 = arith.constant 32 : index
    %swap3A_312 = tpu.vector_load %arg12[%swap3A_311] {strides = array<i32>} : memref<64xi32, #tpu.memory_space<vmem>>, vector<16xi32>,
    %swap3A_313 = vector.shape_cast %swap3A_312 : vector<16xi32> to vector<16xi32>
    %swap3A_314 = vector.shape_cast %get3A_310 : vector<16xi32> to vector<16xi32>
    tpu.vector_store %arg12[%swap3A_311], %swap3A_314 {strides = array<i32>} : memref<64xi32, #tpu.memory_space<vmem>>, vector<16xi32>,
    %get3A_315 = arith.constant 240 : index
    %get3A_316 = tpu.vector_load %arg8[%get3A_315] {strides = array<i32>} : memref<5120xi32, #tpu.memory_space<vmem>>, vector<16xi32>,
    %get3A_317 = vector.shape_cast %get3A_316 : vector<16xi32> to vector<16xi32>
    %swap3A_318 = arith.constant 48 : index
    %swap3A_319 = tpu.vector_load %arg12[%swap3A_318] {strides = array<i32>} : memref<64xi32, #tpu.memory_space<vmem>>, vector<16xi32>,
    %swap3A_320 = vector.shape_cast %swap3A_319 : vector<16xi32> to vector<16xi32>
    %swap3A_321 = vector.shape_cast %get3A_317 : vector<16xi32> to vector<16xi32>
    tpu.vector_store %arg12[%swap3A_318], %swap3A_321 {strides = array<i32>} : memref<64xi32, #tpu.memory_space<vmem>>, vector<16xi32>,
    %dma_start3A_322 = arith.constant 192 : i32
    %dma_start3A_323 = tpu.memref_slice %arg7[%dma_start3A_322] : memref<5120xi32, #tpu.memory_space<vmem>> -> memref<64xi32, #tpu.memory_space<vmem>>
    %dma_start3A_324 = arith.constant 0 : i32
    %dma_start3A_325 = arith.constant 0 : i32
    %dma_start3A_326 = tpu.memref_slice %arg2[%dma_start3A_324, %dma_start3A_325] : memref<10000x128xf32, #tpu.memory_space<hbm>> -> memref<10000x128xf32, #tpu.memory_space<hbm>>
    tpu.enqueue_indirect_dma source(%dma_start3A_326 : memref<10000x128xf32, #tpu.memory_space<hbm>>) target(%arg16 : memref<64x128xf32, #tpu.memory_space<vmem>>) offsets(%dma_start3A_323 : memref<64xi32, #tpu.memory_space<vmem>>) semaphore(%arg21 : memref<!tpu.dma_semaphore, #tpu.memory_space<semaphore_mem>>)
    %dma_wait3A_327 = arith.constant 0 : i32
    %dma_wait3A_328 = tpu.memref_slice %arg7[%dma_wait3A_327] : memref<5120xi32, #tpu.memory_space<vmem>> -> memref<64xi32, #tpu.memory_space<vmem>>
    %dma_wait3A_329 = arith.constant 0 : i32
    %dma_wait3A_330 = arith.constant 0 : i32
    %dma_wait3A_331 = tpu.memref_slice %arg2[%dma_wait3A_329, %dma_wait3A_330] : memref<10000x128xf32, #tpu.memory_space<hbm>> -> memref<10000x128xf32, #tpu.memory_space<hbm>>
    tpu.wait_indirect_dma semaphore(%arg18 : memref<!tpu.dma_semaphore, #tpu.memory_space<semaphore_mem>>) src(%dma_wait3A_331 : memref<10000x128xf32, #tpu.memory_space<hbm>>) dst(%arg13 : memref<64x128xf32, #tpu.memory_space<vmem>>)
    %dma_start3A_332 = arith.constant 0 : i32
    %dma_start3A_333 = arith.constant 0 : i32
    %dma_start3A_334 = tpu.memref_slice %arg17[%dma_start3A_332, %dma_start3A_333] : memref<10112x128xf32, #tpu.memory_space<vmem_shared>> -> memref<10112x128xf32, #tpu.memory_space<vmem_shared>>
    tpu.enqueue_indirect_dma source(%arg13 : memref<64x128xf32, #tpu.memory_space<vmem>>) target(%dma_start3A_334 : memref<10112x128xf32, #tpu.memory_space<vmem_shared>>) offsets(%arg9 : memref<64xi32, #tpu.memory_space<vmem>>) semaphore(%arg22 : memref<!tpu.dma_semaphore, #tpu.memory_space<semaphore_mem>>) {add = true}
    %scan3A_335 = arith.constant 0 : i32
    %scan3A_336 = arith.constant 19 : i32
    %scan3A_337 = arith.addi %scan3A_335, %scan3A_336 : i32
    %scan3A_338 = arith.constant 1 : i32
    scf.for %scan3A_381 = %scan3A_335 to %scan3A_337 step %scan3A_338  : i32 {
      %mul3A_382 = arith.constant 1 : i32
      %mul3A_383 = arith.muli %scan3A_381, %mul3A_382 : i32
      %add3A_384 = arith.constant 1 : i32
      %add3A_385 = arith.addi %add3A_384, %mul3A_383 : i32
      %mul3A_386 = arith.constant 4 : i32
      %mul3A_387 = arith.muli %add3A_385, %mul3A_386 : i32
      %add3A_388 = arith.constant 0 : i32
      %add3A_389 = arith.addi %mul3A_387, %add3A_388 : i32
      %dma_wait3A_390 = arith.constant 0 : i32
      %dma_wait3A_391 = arith.constant 0 : i32
      %dma_wait3A_392 = tpu.memref_slice %arg17[%dma_wait3A_390, %dma_wait3A_391] : memref<10112x128xf32, #tpu.memory_space<vmem_shared>> -> memref<10112x128xf32, #tpu.memory_space<vmem_shared>>
      tpu.wait_indirect_dma semaphore(%arg22 : memref<!tpu.dma_semaphore, #tpu.memory_space<semaphore_mem>>) src(%arg13 : memref<64x128xf32, #tpu.memory_space<vmem>>) dst(%dma_wait3A_392 : memref<10112x128xf32, #tpu.memory_space<vmem_shared>>)
      %mul3A_393 = arith.constant 64 : i32
      %mul3A_394 = arith.muli %add3A_389, %mul3A_393 : i32
      %add3A_395 = arith.constant 0 : i32
      %add3A_396 = arith.addi %mul3A_394, %add3A_395 : i32
      %get3A_397 = arith.index_cast %add3A_396 : i32 to index
      %get3A_398 = tpu.vector_load %arg8[%get3A_397] {strides = array<i32>} : memref<5120xi32, #tpu.memory_space<vmem>>, vector<16xi32>,
      %get3A_399 = vector.shape_cast %get3A_398 : vector<16xi32> to vector<16xi32>
      %swap3A_400 = arith.constant 0 : index
      %swap3A_401 = tpu.vector_load %arg9[%swap3A_400] {strides = array<i32>} : memref<64xi32, #tpu.memory_space<vmem>>, vector<16xi32>,
      %swap3A_402 = vector.shape_cast %swap3A_401 : vector<16xi32> to vector<16xi32>
      %swap3A_403 = vector.shape_cast %get3A_399 : vector<16xi32> to vector<16xi32>
      tpu.vector_store %arg9[%swap3A_400], %swap3A_403 {strides = array<i32>} : memref<64xi32, #tpu.memory_space<vmem>>, vector<16xi32>,
      %mul3A_404 = arith.constant 64 : i32
      %mul3A_405 = arith.muli %add3A_389, %mul3A_404 : i32
      %add3A_406 = arith.constant 16 : i32
      %add3A_407 = arith.addi %mul3A_405, %add3A_406 : i32
      %get3A_408 = arith.index_cast %add3A_407 : i32 to index
      %get3A_409 = tpu.vector_load %arg8[%get3A_408] {strides = array<i32>} : memref<5120xi32, #tpu.memory_space<vmem>>, vector<16xi32>,
      %get3A_410 = vector.shape_cast %get3A_409 : vector<16xi32> to vector<16xi32>
      %swap3A_411 = arith.constant 16 : index
      %swap3A_412 = tpu.vector_load %arg9[%swap3A_411] {strides = array<i32>} : memref<64xi32, #tpu.memory_space<vmem>>, vector<16xi32>,
      %swap3A_413 = vector.shape_cast %swap3A_412 : vector<16xi32> to vector<16xi32>
      %swap3A_414 = vector.shape_cast %get3A_410 : vector<16xi32> to vector<16xi32>
      tpu.vector_store %arg9[%swap3A_411], %swap3A_414 {strides = array<i32>} : memref<64xi32, #tpu.memory_space<vmem>>, vector<16xi32>,
      %mul3A_415 = arith.constant 64 : i32
      %mul3A_416 = arith.muli %add3A_389, %mul3A_415 : i32
      %add3A_417 = arith.constant 32 : i32
      %add3A_418 = arith.addi %mul3A_416, %add3A_417 : i32
      %get3A_419 = arith.index_cast %add3A_418 : i32 to index
      %get3A_420 = tpu.vector_load %arg8[%get3A_419] {strides = array<i32>} : memref<5120xi32, #tpu.memory_space<vmem>>, vector<16xi32>,
      %get3A_421 = vector.shape_cast %get3A_420 : vector<16xi32> to vector<16xi32>
      %swap3A_422 = arith.constant 32 : index
      %swap3A_423 = tpu.vector_load %arg9[%swap3A_422] {strides = array<i32>} : memref<64xi32, #tpu.memory_space<vmem>>, vector<16xi32>,
      %swap3A_424 = vector.shape_cast %swap3A_423 : vector<16xi32> to vector<16xi32>
      %swap3A_425 = vector.shape_cast %get3A_421 : vector<16xi32> to vector<16xi32>
      tpu.vector_store %arg9[%swap3A_422], %swap3A_425 {strides = array<i32>} : memref<64xi32, #tpu.memory_space<vmem>>, vector<16xi32>,
      %mul3A_426 = arith.constant 64 : i32
      %mul3A_427 = arith.muli %add3A_389, %mul3A_426 : i32
      %add3A_428 = arith.constant 48 : i32
      %add3A_429 = arith.addi %mul3A_427, %add3A_428 : i32
      %get3A_430 = arith.index_cast %add3A_429 : i32 to index
      %get3A_431 = tpu.vector_load %arg8[%get3A_430] {strides = array<i32>} : memref<5120xi32, #tpu.memory_space<vmem>>, vector<16xi32>,
      %get3A_432 = vector.shape_cast %get3A_431 : vector<16xi32> to vector<16xi32>
      %swap3A_433 = arith.constant 48 : index
      %swap3A_434 = tpu.vector_load %arg9[%swap3A_433] {strides = array<i32>} : memref<64xi32, #tpu.memory_space<vmem>>, vector<16xi32>,
      %swap3A_435 = vector.shape_cast %swap3A_434 : vector<16xi32> to vector<16xi32>
      %swap3A_436 = vector.shape_cast %get3A_432 : vector<16xi32> to vector<16xi32>
      tpu.vector_store %arg9[%swap3A_433], %swap3A_436 {strides = array<i32>} : memref<64xi32, #tpu.memory_space<vmem>>, vector<16xi32>,
      %mul3A_437 = arith.constant 64 : i32
      %mul3A_438 = arith.muli %add3A_389, %mul3A_437 : i32
      %dma_start3A_439 = tpu.memref_slice %arg7[%mul3A_438] : memref<5120xi32, #tpu.memory_space<vmem>> -> memref<64xi32, #tpu.memory_space<vmem>>
      %dma_start3A_440 = arith.constant 0 : i32
      %dma_start3A_441 = arith.constant 0 : i32
      %dma_start3A_442 = tpu.memref_slice %arg2[%dma_start3A_440, %dma_start3A_441] : memref<10000x128xf32, #tpu.memory_space<hbm>> -> memref<10000x128xf32, #tpu.memory_space<hbm>>
      tpu.enqueue_indirect_dma source(%dma_start3A_442 : memref<10000x128xf32, #tpu.memory_space<hbm>>) target(%arg13 : memref<64x128xf32, #tpu.memory_space<vmem>>) offsets(%dma_start3A_439 : memref<64xi32, #tpu.memory_space<vmem>>) semaphore(%arg18 : memref<!tpu.dma_semaphore, #tpu.memory_space<semaphore_mem>>)
      %sub3A = arith.constant 3 : i32
      %sub3A_443 = arith.subi %add3A_389, %sub3A : i32
      %mul3A_444 = arith.constant 64 : i32
      %mul3A_445 = arith.muli %sub3A_443, %mul3A_444 : i32
      %dma_wait3A_446 = tpu.memref_slice %arg7[%mul3A_445] : memref<5120xi32, #tpu.memory_space<vmem>> -> memref<64xi32, #tpu.memory_space<vmem>>
      %dma_wait3A_447 = arith.constant 0 : i32
      %dma_wait3A_448 = arith.constant 0 : i32
      %dma_wait3A_449 = tpu.memref_slice %arg2[%dma_wait3A_447, %dma_wait3A_448] : memref<10000x128xf32, #tpu.memory_space<hbm>> -> memref<10000x128xf32, #tpu.memory_space<hbm>>
      tpu.wait_indirect_dma semaphore(%arg19 : memref<!tpu.dma_semaphore, #tpu.memory_space<semaphore_mem>>) src(%dma_wait3A_449 : memref<10000x128xf32, #tpu.memory_space<hbm>>) dst(%arg14 : memref<64x128xf32, #tpu.memory_space<vmem>>)
      %dma_start3A_450 = arith.constant 0 : i32
      %dma_start3A_451 = arith.constant 0 : i32
      %dma_start3A_452 = tpu.memref_slice %arg17[%dma_start3A_450, %dma_start3A_451] : memref<10112x128xf32, #tpu.memory_space<vmem_shared>> -> memref<10112x128xf32, #tpu.memory_space<vmem_shared>>
      tpu.enqueue_indirect_dma source(%arg14 : memref<64x128xf32, #tpu.memory_space<vmem>>) target(%dma_start3A_452 : memref<10112x128xf32, #tpu.memory_space<vmem_shared>>) offsets(%arg10 : memref<64xi32, #tpu.memory_space<vmem>>) semaphore(%arg23 : memref<!tpu.dma_semaphore, #tpu.memory_space<semaphore_mem>>) {add = true}
      %mul3A_453 = arith.constant 4 : i32
      %mul3A_454 = arith.muli %add3A_385, %mul3A_453 : i32
      %add3A_455 = arith.constant 1 : i32
      %add3A_456 = arith.addi %mul3A_454, %add3A_455 : i32
      %dma_wait3A_457 = arith.constant 0 : i32
      %dma_wait3A_458 = arith.constant 0 : i32
      %dma_wait3A_459 = tpu.memref_slice %arg17[%dma_wait3A_457, %dma_wait3A_458] : memref<10112x128xf32, #tpu.memory_space<vmem_shared>> -> memref<10112x128xf32, #tpu.memory_space<vmem_shared>>
      tpu.wait_indirect_dma semaphore(%arg23 : memref<!tpu.dma_semaphore, #tpu.memory_space<semaphore_mem>>) src(%arg14 : memref<64x128xf32, #tpu.memory_space<vmem>>) dst(%dma_wait3A_459 : memref<10112x128xf32, #tpu.memory_space<vmem_shared>>)
      %mul3A_460 = arith.constant 64 : i32
      %mul3A_461 = arith.muli %add3A_456, %mul3A_460 : i32
      %add3A_462 = arith.constant 0 : i32
      %add3A_463 = arith.addi %mul3A_461, %add3A_462 : i32
      %get3A_464 = arith.index_cast %add3A_463 : i32 to index
      %get3A_465 = tpu.vector_load %arg8[%get3A_464] {strides = array<i32>} : memref<5120xi32, #tpu.memory_space<vmem>>, vector<16xi32>,
      %get3A_466 = vector.shape_cast %get3A_465 : vector<16xi32> to vector<16xi32>
      %swap3A_467 = arith.constant 0 : index
      %swap3A_468 = tpu.vector_load %arg10[%swap3A_467] {strides = array<i32>} : memref<64xi32, #tpu.memory_space<vmem>>, vector<16xi32>,
      %swap3A_469 = vector.shape_cast %swap3A_468 : vector<16xi32> to vector<16xi32>
      %swap3A_470 = vector.shape_cast %get3A_466 : vector<16xi32> to vector<16xi32>
      tpu.vector_store %arg10[%swap3A_467], %swap3A_470 {strides = array<i32>} : memref<64xi32, #tpu.memory_space<vmem>>, vector<16xi32>,
      %mul3A_471 = arith.constant 64 : i32
      %mul3A_472 = arith.muli %add3A_456, %mul3A_471 : i32
      %add3A_473 = arith.constant 16 : i32
      %add3A_474 = arith.addi %mul3A_472, %add3A_473 : i32
      %get3A_475 = arith.index_cast %add3A_474 : i32 to index
      %get3A_476 = tpu.vector_load %arg8[%get3A_475] {strides = array<i32>} : memref<5120xi32, #tpu.memory_space<vmem>>, vector<16xi32>,
      %get3A_477 = vector.shape_cast %get3A_476 : vector<16xi32> to vector<16xi32>
      %swap3A_478 = arith.constant 16 : index
      %swap3A_479 = tpu.vector_load %arg10[%swap3A_478] {strides = array<i32>} : memref<64xi32, #tpu.memory_space<vmem>>, vector<16xi32>,
      %swap3A_480 = vector.shape_cast %swap3A_479 : vector<16xi32> to vector<16xi32>
      %swap3A_481 = vector.shape_cast %get3A_477 : vector<16xi32> to vector<16xi32>
      tpu.vector_store %arg10[%swap3A_478], %swap3A_481 {strides = array<i32>} : memref<64xi32, #tpu.memory_space<vmem>>, vector<16xi32>,
      %mul3A_482 = arith.constant 64 : i32
      %mul3A_483 = arith.muli %add3A_456, %mul3A_482 : i32
      %add3A_484 = arith.constant 32 : i32
      %add3A_485 = arith.addi %mul3A_483, %add3A_484 : i32
      %get3A_486 = arith.index_cast %add3A_485 : i32 to index
      %get3A_487 = tpu.vector_load %arg8[%get3A_486] {strides = array<i32>} : memref<5120xi32, #tpu.memory_space<vmem>>, vector<16xi32>,
      %get3A_488 = vector.shape_cast %get3A_487 : vector<16xi32> to vector<16xi32>
      %swap3A_489 = arith.constant 32 : index
      %swap3A_490 = tpu.vector_load %arg10[%swap3A_489] {strides = array<i32>} : memref<64xi32, #tpu.memory_space<vmem>>, vector<16xi32>,
      %swap3A_491 = vector.shape_cast %swap3A_490 : vector<16xi32> to vector<16xi32>
      %swap3A_492 = vector.shape_cast %get3A_488 : vector<16xi32> to vector<16xi32>
      tpu.vector_store %arg10[%swap3A_489], %swap3A_492 {strides = array<i32>} : memref<64xi32, #tpu.memory_space<vmem>>, vector<16xi32>,
      %mul3A_493 = arith.constant 64 : i32
      %mul3A_494 = arith.muli %add3A_456, %mul3A_493 : i32
      %add3A_495 = arith.constant 48 : i32
      %add3A_496 = arith.addi %mul3A_494, %add3A_495 : i32
      %get3A_497 = arith.index_cast %add3A_496 : i32 to index
      %get3A_498 = tpu.vector_load %arg8[%get3A_497] {strides = array<i32>} : memref<5120xi32, #tpu.memory_space<vmem>>, vector<16xi32>,
      %get3A_499 = vector.shape_cast %get3A_498 : vector<16xi32> to vector<16xi32>
      %swap3A_500 = arith.constant 48 : index
      %swap3A_501 = tpu.vector_load %arg10[%swap3A_500] {strides = array<i32>} : memref<64xi32, #tpu.memory_space<vmem>>, vector<16xi32>,
      %swap3A_502 = vector.shape_cast %swap3A_501 : vector<16xi32> to vector<16xi32>
      %swap3A_503 = vector.shape_cast %get3A_499 : vector<16xi32> to vector<16xi32>
      tpu.vector_store %arg10[%swap3A_500], %swap3A_503 {strides = array<i32>} : memref<64xi32, #tpu.memory_space<vmem>>, vector<16xi32>,
      %mul3A_504 = arith.constant 64 : i32
      %mul3A_505 = arith.muli %add3A_456, %mul3A_504 : i32
      %dma_start3A_506 = tpu.memref_slice %arg7[%mul3A_505] : memref<5120xi32, #tpu.memory_space<vmem>> -> memref<64xi32, #tpu.memory_space<vmem>>
      %dma_start3A_507 = arith.constant 0 : i32
      %dma_start3A_508 = arith.constant 0 : i32
      %dma_start3A_509 = tpu.memref_slice %arg2[%dma_start3A_507, %dma_start3A_508] : memref<10000x128xf32, #tpu.memory_space<hbm>> -> memref<10000x128xf32, #tpu.memory_space<hbm>>
      tpu.enqueue_indirect_dma source(%dma_start3A_509 : memref<10000x128xf32, #tpu.memory_space<hbm>>) target(%arg14 : memref<64x128xf32, #tpu.memory_space<vmem>>) offsets(%dma_start3A_506 : memref<64xi32, #tpu.memory_space<vmem>>) semaphore(%arg19 : memref<!tpu.dma_semaphore, #tpu.memory_space<semaphore_mem>>)
      %sub3A_510 = arith.constant 3 : i32
      %sub3A_511 = arith.subi %add3A_456, %sub3A_510 : i32
      %mul3A_512 = arith.constant 64 : i32
      %mul3A_513 = arith.muli %sub3A_511, %mul3A_512 : i32
      %dma_wait3A_514 = tpu.memref_slice %arg7[%mul3A_513] : memref<5120xi32, #tpu.memory_space<vmem>> -> memref<64xi32, #tpu.memory_space<vmem>>
      %dma_wait3A_515 = arith.constant 0 : i32
      %dma_wait3A_516 = arith.constant 0 : i32
      %dma_wait3A_517 = tpu.memref_slice %arg2[%dma_wait3A_515, %dma_wait3A_516] : memref<10000x128xf32, #tpu.memory_space<hbm>> -> memref<10000x128xf32, #tpu.memory_space<hbm>>
      tpu.wait_indirect_dma semaphore(%arg20 : memref<!tpu.dma_semaphore, #tpu.memory_space<semaphore_mem>>) src(%dma_wait3A_517 : memref<10000x128xf32, #tpu.memory_space<hbm>>) dst(%arg15 : memref<64x128xf32, #tpu.memory_space<vmem>>)
      %dma_start3A_518 = arith.constant 0 : i32
      %dma_start3A_519 = arith.constant 0 : i32
      %dma_start3A_520 = tpu.memref_slice %arg17[%dma_start3A_518, %dma_start3A_519] : memref<10112x128xf32, #tpu.memory_space<vmem_shared>> -> memref<10112x128xf32, #tpu.memory_space<vmem_shared>>
      tpu.enqueue_indirect_dma source(%arg15 : memref<64x128xf32, #tpu.memory_space<vmem>>) target(%dma_start3A_520 : memref<10112x128xf32, #tpu.memory_space<vmem_shared>>) offsets(%arg11 : memref<64xi32, #tpu.memory_space<vmem>>) semaphore(%arg24 : memref<!tpu.dma_semaphore, #tpu.memory_space<semaphore_mem>>) {add = true}
      %mul3A_521 = arith.constant 4 : i32
      %mul3A_522 = arith.muli %add3A_385, %mul3A_521 : i32
      %add3A_523 = arith.constant 2 : i32
      %add3A_524 = arith.addi %mul3A_522, %add3A_523 : i32
      %dma_wait3A_525 = arith.constant 0 : i32
      %dma_wait3A_526 = arith.constant 0 : i32
      %dma_wait3A_527 = tpu.memref_slice %arg17[%dma_wait3A_525, %dma_wait3A_526] : memref<10112x128xf32, #tpu.memory_space<vmem_shared>> -> memref<10112x128xf32, #tpu.memory_space<vmem_shared>>
      tpu.wait_indirect_dma semaphore(%arg24 : memref<!tpu.dma_semaphore, #tpu.memory_space<semaphore_mem>>) src(%arg15 : memref<64x128xf32, #tpu.memory_space<vmem>>) dst(%dma_wait3A_527 : memref<10112x128xf32, #tpu.memory_space<vmem_shared>>)
      %mul3A_528 = arith.constant 64 : i32
      %mul3A_529 = arith.muli %add3A_524, %mul3A_528 : i32
      %add3A_530 = arith.constant 0 : i32
      %add3A_531 = arith.addi %mul3A_529, %add3A_530 : i32
      %get3A_532 = arith.index_cast %add3A_531 : i32 to index
      %get3A_533 = tpu.vector_load %arg8[%get3A_532] {strides = array<i32>} : memref<5120xi32, #tpu.memory_space<vmem>>, vector<16xi32>,
      %get3A_534 = vector.shape_cast %get3A_533 : vector<16xi32> to vector<16xi32>
      %swap3A_535 = arith.constant 0 : index
      %swap3A_536 = tpu.vector_load %arg11[%swap3A_535] {strides = array<i32>} : memref<64xi32, #tpu.memory_space<vmem>>, vector<16xi32>,
      %swap3A_537 = vector.shape_cast %swap3A_536 : vector<16xi32> to vector<16xi32>
      %swap3A_538 = vector.shape_cast %get3A_534 : vector<16xi32> to vector<16xi32>
      tpu.vector_store %arg11[%swap3A_535], %swap3A_538 {strides = array<i32>} : memref<64xi32, #tpu.memory_space<vmem>>, vector<16xi32>,
      %mul3A_539 = arith.constant 64 : i32
      %mul3A_540 = arith.muli %add3A_524, %mul3A_539 : i32
      %add3A_541 = arith.constant 16 : i32
      %add3A_542 = arith.addi %mul3A_540, %add3A_541 : i32
      %get3A_543 = arith.index_cast %add3A_542 : i32 to index
      %get3A_544 = tpu.vector_load %arg8[%get3A_543] {strides = array<i32>} : memref<5120xi32, #tpu.memory_space<vmem>>, vector<16xi32>,
      %get3A_545 = vector.shape_cast %get3A_544 : vector<16xi32> to vector<16xi32>
      %swap3A_546 = arith.constant 16 : index
      %swap3A_547 = tpu.vector_load %arg11[%swap3A_546] {strides = array<i32>} : memref<64xi32, #tpu.memory_space<vmem>>, vector<16xi32>,
      %swap3A_548 = vector.shape_cast %swap3A_547 : vector<16xi32> to vector<16xi32>
      %swap3A_549 = vector.shape_cast %get3A_545 : vector<16xi32> to vector<16xi32>
      tpu.vector_store %arg11[%swap3A_546], %swap3A_549 {strides = array<i32>} : memref<64xi32, #tpu.memory_space<vmem>>, vector<16xi32>,
      %mul3A_550 = arith.constant 64 : i32
      %mul3A_551 = arith.muli %add3A_524, %mul3A_550 : i32
      %add3A_552 = arith.constant 32 : i32
      %add3A_553 = arith.addi %mul3A_551, %add3A_552 : i32
      %get3A_554 = arith.index_cast %add3A_553 : i32 to index
      %get3A_555 = tpu.vector_load %arg8[%get3A_554] {strides = array<i32>} : memref<5120xi32, #tpu.memory_space<vmem>>, vector<16xi32>,
      %get3A_556 = vector.shape_cast %get3A_555 : vector<16xi32> to vector<16xi32>
      %swap3A_557 = arith.constant 32 : index
      %swap3A_558 = tpu.vector_load %arg11[%swap3A_557] {strides = array<i32>} : memref<64xi32, #tpu.memory_space<vmem>>, vector<16xi32>,
      %swap3A_559 = vector.shape_cast %swap3A_558 : vector<16xi32> to vector<16xi32>
      %swap3A_560 = vector.shape_cast %get3A_556 : vector<16xi32> to vector<16xi32>
      tpu.vector_store %arg11[%swap3A_557], %swap3A_560 {strides = array<i32>} : memref<64xi32, #tpu.memory_space<vmem>>, vector<16xi32>,
      %mul3A_561 = arith.constant 64 : i32
      %mul3A_562 = arith.muli %add3A_524, %mul3A_561 : i32
      %add3A_563 = arith.constant 48 : i32
      %add3A_564 = arith.addi %mul3A_562, %add3A_563 : i32
      %get3A_565 = arith.index_cast %add3A_564 : i32 to index
      %get3A_566 = tpu.vector_load %arg8[%get3A_565] {strides = array<i32>} : memref<5120xi32, #tpu.memory_space<vmem>>, vector<16xi32>,
      %get3A_567 = vector.shape_cast %get3A_566 : vector<16xi32> to vector<16xi32>
      %swap3A_568 = arith.constant 48 : index
      %swap3A_569 = tpu.vector_load %arg11[%swap3A_568] {strides = array<i32>} : memref<64xi32, #tpu.memory_space<vmem>>, vector<16xi32>,
      %swap3A_570 = vector.shape_cast %swap3A_569 : vector<16xi32> to vector<16xi32>
      %swap3A_571 = vector.shape_cast %get3A_567 : vector<16xi32> to vector<16xi32>
      tpu.vector_store %arg11[%swap3A_568], %swap3A_571 {strides = array<i32>} : memref<64xi32, #tpu.memory_space<vmem>>, vector<16xi32>,
      %mul3A_572 = arith.constant 64 : i32
      %mul3A_573 = arith.muli %add3A_524, %mul3A_572 : i32
      %dma_start3A_574 = tpu.memref_slice %arg7[%mul3A_573] : memref<5120xi32, #tpu.memory_space<vmem>> -> memref<64xi32, #tpu.memory_space<vmem>>
      %dma_start3A_575 = arith.constant 0 : i32
      %dma_start3A_576 = arith.constant 0 : i32
      %dma_start3A_577 = tpu.memref_slice %arg2[%dma_start3A_575, %dma_start3A_576] : memref<10000x128xf32, #tpu.memory_space<hbm>> -> memref<10000x128xf32, #tpu.memory_space<hbm>>
      tpu.enqueue_indirect_dma source(%dma_start3A_577 : memref<10000x128xf32, #tpu.memory_space<hbm>>) target(%arg15 : memref<64x128xf32, #tpu.memory_space<vmem>>) offsets(%dma_start3A_574 : memref<64xi32, #tpu.memory_space<vmem>>) semaphore(%arg20 : memref<!tpu.dma_semaphore, #tpu.memory_space<semaphore_mem>>)
      %sub3A_578 = arith.constant 3 : i32
      %sub3A_579 = arith.subi %add3A_524, %sub3A_578 : i32
      %mul3A_580 = arith.constant 64 : i32
      %mul3A_581 = arith.muli %sub3A_579, %mul3A_580 : i32
      %dma_wait3A_582 = tpu.memref_slice %arg7[%mul3A_581] : memref<5120xi32, #tpu.memory_space<vmem>> -> memref<64xi32, #tpu.memory_space<vmem>>
      %dma_wait3A_583 = arith.constant 0 : i32
      %dma_wait3A_584 = arith.constant 0 : i32
      %dma_wait3A_585 = tpu.memref_slice %arg2[%dma_wait3A_583, %dma_wait3A_584] : memref<10000x128xf32, #tpu.memory_space<hbm>> -> memref<10000x128xf32, #tpu.memory_space<hbm>>
      tpu.wait_indirect_dma semaphore(%arg21 : memref<!tpu.dma_semaphore, #tpu.memory_space<semaphore_mem>>) src(%dma_wait3A_585 : memref<10000x128xf32, #tpu.memory_space<hbm>>) dst(%arg16 : memref<64x128xf32, #tpu.memory_space<vmem>>)
      %dma_start3A_586 = arith.constant 0 : i32
      %dma_start3A_587 = arith.constant 0 : i32
      %dma_start3A_588 = tpu.memref_slice %arg17[%dma_start3A_586, %dma_start3A_587] : memref<10112x128xf32, #tpu.memory_space<vmem_shared>> -> memref<10112x128xf32, #tpu.memory_space<vmem_shared>>
      tpu.enqueue_indirect_dma source(%arg16 : memref<64x128xf32, #tpu.memory_space<vmem>>) target(%dma_start3A_588 : memref<10112x128xf32, #tpu.memory_space<vmem_shared>>) offsets(%arg12 : memref<64xi32, #tpu.memory_space<vmem>>) semaphore(%arg25 : memref<!tpu.dma_semaphore, #tpu.memory_space<semaphore_mem>>) {add = true}
      %mul3A_589 = arith.constant 4 : i32
      %mul3A_590 = arith.muli %add3A_385, %mul3A_589 : i32
      %add3A_591 = arith.constant 3 : i32
      %add3A_592 = arith.addi %mul3A_590, %add3A_591 : i32
      %dma_wait3A_593 = arith.constant 0 : i32
      %dma_wait3A_594 = arith.constant 0 : i32
      %dma_wait3A_595 = tpu.memref_slice %arg17[%dma_wait3A_593, %dma_wait3A_594] : memref<10112x128xf32, #tpu.memory_space<vmem_shared>> -> memref<10112x128xf32, #tpu.memory_space<vmem_shared>>
      tpu.wait_indirect_dma semaphore(%arg25 : memref<!tpu.dma_semaphore, #tpu.memory_space<semaphore_mem>>) src(%arg16 : memref<64x128xf32, #tpu.memory_space<vmem>>) dst(%dma_wait3A_595 : memref<10112x128xf32, #tpu.memory_space<vmem_shared>>)
      %mul3A_596 = arith.constant 64 : i32
      %mul3A_597 = arith.muli %add3A_592, %mul3A_596 : i32
      %add3A_598 = arith.constant 0 : i32
      %add3A_599 = arith.addi %mul3A_597, %add3A_598 : i32
      %get3A_600 = arith.index_cast %add3A_599 : i32 to index
      %get3A_601 = tpu.vector_load %arg8[%get3A_600] {strides = array<i32>} : memref<5120xi32, #tpu.memory_space<vmem>>, vector<16xi32>,
      %get3A_602 = vector.shape_cast %get3A_601 : vector<16xi32> to vector<16xi32>
      %swap3A_603 = arith.constant 0 : index
      %swap3A_604 = tpu.vector_load %arg12[%swap3A_603] {strides = array<i32>} : memref<64xi32, #tpu.memory_space<vmem>>, vector<16xi32>,
      %swap3A_605 = vector.shape_cast %swap3A_604 : vector<16xi32> to vector<16xi32>
      %swap3A_606 = vector.shape_cast %get3A_602 : vector<16xi32> to vector<16xi32>
      tpu.vector_store %arg12[%swap3A_603], %swap3A_606 {strides = array<i32>} : memref<64xi32, #tpu.memory_space<vmem>>, vector<16xi32>,
      %mul3A_607 = arith.constant 64 : i32
      %mul3A_608 = arith.muli %add3A_592, %mul3A_607 : i32
      %add3A_609 = arith.constant 16 : i32
      %add3A_610 = arith.addi %mul3A_608, %add3A_609 : i32
      %get3A_611 = arith.index_cast %add3A_610 : i32 to index
      %get3A_612 = tpu.vector_load %arg8[%get3A_611] {strides = array<i32>} : memref<5120xi32, #tpu.memory_space<vmem>>, vector<16xi32>,
      %get3A_613 = vector.shape_cast %get3A_612 : vector<16xi32> to vector<16xi32>
      %swap3A_614 = arith.constant 16 : index
      %swap3A_615 = tpu.vector_load %arg12[%swap3A_614] {strides = array<i32>} : memref<64xi32, #tpu.memory_space<vmem>>, vector<16xi32>,
      %swap3A_616 = vector.shape_cast %swap3A_615 : vector<16xi32> to vector<16xi32>
      %swap3A_617 = vector.shape_cast %get3A_613 : vector<16xi32> to vector<16xi32>
      tpu.vector_store %arg12[%swap3A_614], %swap3A_617 {strides = array<i32>} : memref<64xi32, #tpu.memory_space<vmem>>, vector<16xi32>,
      %mul3A_618 = arith.constant 64 : i32
      %mul3A_619 = arith.muli %add3A_592, %mul3A_618 : i32
      %add3A_620 = arith.constant 32 : i32
      %add3A_621 = arith.addi %mul3A_619, %add3A_620 : i32
      %get3A_622 = arith.index_cast %add3A_621 : i32 to index
      %get3A_623 = tpu.vector_load %arg8[%get3A_622] {strides = array<i32>} : memref<5120xi32, #tpu.memory_space<vmem>>, vector<16xi32>,
      %get3A_624 = vector.shape_cast %get3A_623 : vector<16xi32> to vector<16xi32>
      %swap3A_625 = arith.constant 32 : index
      %swap3A_626 = tpu.vector_load %arg12[%swap3A_625] {strides = array<i32>} : memref<64xi32, #tpu.memory_space<vmem>>, vector<16xi32>,
      %swap3A_627 = vector.shape_cast %swap3A_626 : vector<16xi32> to vector<16xi32>
      %swap3A_628 = vector.shape_cast %get3A_624 : vector<16xi32> to vector<16xi32>
      tpu.vector_store %arg12[%swap3A_625], %swap3A_628 {strides = array<i32>} : memref<64xi32, #tpu.memory_space<vmem>>, vector<16xi32>,
      %mul3A_629 = arith.constant 64 : i32
      %mul3A_630 = arith.muli %add3A_592, %mul3A_629 : i32
      %add3A_631 = arith.constant 48 : i32
      %add3A_632 = arith.addi %mul3A_630, %add3A_631 : i32
      %get3A_633 = arith.index_cast %add3A_632 : i32 to index
      %get3A_634 = tpu.vector_load %arg8[%get3A_633] {strides = array<i32>} : memref<5120xi32, #tpu.memory_space<vmem>>, vector<16xi32>,
      %get3A_635 = vector.shape_cast %get3A_634 : vector<16xi32> to vector<16xi32>
      %swap3A_636 = arith.constant 48 : index
      %swap3A_637 = tpu.vector_load %arg12[%swap3A_636] {strides = array<i32>} : memref<64xi32, #tpu.memory_space<vmem>>, vector<16xi32>,
      %swap3A_638 = vector.shape_cast %swap3A_637 : vector<16xi32> to vector<16xi32>
      %swap3A_639 = vector.shape_cast %get3A_635 : vector<16xi32> to vector<16xi32>
      tpu.vector_store %arg12[%swap3A_636], %swap3A_639 {strides = array<i32>} : memref<64xi32, #tpu.memory_space<vmem>>, vector<16xi32>,
      %mul3A_640 = arith.constant 64 : i32
      %mul3A_641 = arith.muli %add3A_592, %mul3A_640 : i32
      %dma_start3A_642 = tpu.memref_slice %arg7[%mul3A_641] : memref<5120xi32, #tpu.memory_space<vmem>> -> memref<64xi32, #tpu.memory_space<vmem>>
      %dma_start3A_643 = arith.constant 0 : i32
      %dma_start3A_644 = arith.constant 0 : i32
      %dma_start3A_645 = tpu.memref_slice %arg2[%dma_start3A_643, %dma_start3A_644] : memref<10000x128xf32, #tpu.memory_space<hbm>> -> memref<10000x128xf32, #tpu.memory_space<hbm>>
      tpu.enqueue_indirect_dma source(%dma_start3A_645 : memref<10000x128xf32, #tpu.memory_space<hbm>>) target(%arg16 : memref<64x128xf32, #tpu.memory_space<vmem>>) offsets(%dma_start3A_642 : memref<64xi32, #tpu.memory_space<vmem>>) semaphore(%arg21 : memref<!tpu.dma_semaphore, #tpu.memory_space<semaphore_mem>>)
      %sub3A_646 = arith.constant 3 : i32
      %sub3A_647 = arith.subi %add3A_592, %sub3A_646 : i32
      %mul3A_648 = arith.constant 64 : i32
      %mul3A_649 = arith.muli %sub3A_647, %mul3A_648 : i32
      %dma_wait3A_650 = tpu.memref_slice %arg7[%mul3A_649] : memref<5120xi32, #tpu.memory_space<vmem>> -> memref<64xi32, #tpu.memory_space<vmem>>
      %dma_wait3A_651 = arith.constant 0 : i32
      %dma_wait3A_652 = arith.constant 0 : i32
      %dma_wait3A_653 = tpu.memref_slice %arg2[%dma_wait3A_651, %dma_wait3A_652] : memref<10000x128xf32, #tpu.memory_space<hbm>> -> memref<10000x128xf32, #tpu.memory_space<hbm>>
      tpu.wait_indirect_dma semaphore(%arg18 : memref<!tpu.dma_semaphore, #tpu.memory_space<semaphore_mem>>) src(%dma_wait3A_653 : memref<10000x128xf32, #tpu.memory_space<hbm>>) dst(%arg13 : memref<64x128xf32, #tpu.memory_space<vmem>>)
      %dma_start3A_654 = arith.constant 0 : i32
      %dma_start3A_655 = arith.constant 0 : i32
      %dma_start3A_656 = tpu.memref_slice %arg17[%dma_start3A_654, %dma_start3A_655] : memref<10112x128xf32, #tpu.memory_space<vmem_shared>> -> memref<10112x128xf32, #tpu.memory_space<vmem_shared>>
      tpu.enqueue_indirect_dma source(%arg13 : memref<64x128xf32, #tpu.memory_space<vmem>>) target(%dma_start3A_656 : memref<10112x128xf32, #tpu.memory_space<vmem_shared>>) offsets(%arg9 : memref<64xi32, #tpu.memory_space<vmem>>) semaphore(%arg22 : memref<!tpu.dma_semaphore, #tpu.memory_space<semaphore_mem>>) {add = true}
    }
    %scan3A_339 = arith.constant 19 : i32
    %dma_wait3A_340 = arith.constant 4928 : i32
    %dma_wait3A_341 = tpu.memref_slice %arg7[%dma_wait3A_340] : memref<5120xi32, #tpu.memory_space<vmem>> -> memref<64xi32, #tpu.memory_space<vmem>>
    %dma_wait3A_342 = arith.constant 0 : i32
    %dma_wait3A_343 = arith.constant 0 : i32
    %dma_wait3A_344 = tpu.memref_slice %arg2[%dma_wait3A_342, %dma_wait3A_343] : memref<10000x128xf32, #tpu.memory_space<hbm>> -> memref<10000x128xf32, #tpu.memory_space<hbm>>
    tpu.wait_indirect_dma semaphore(%arg19 : memref<!tpu.dma_semaphore, #tpu.memory_space<semaphore_mem>>) src(%dma_wait3A_344 : memref<10000x128xf32, #tpu.memory_space<hbm>>) dst(%arg14 : memref<64x128xf32, #tpu.memory_space<vmem>>)
    %dma_start3A_345 = arith.constant 0 : i32
    %dma_start3A_346 = arith.constant 0 : i32
    %dma_start3A_347 = tpu.memref_slice %arg17[%dma_start3A_345, %dma_start3A_346] : memref<10112x128xf32, #tpu.memory_space<vmem_shared>> -> memref<10112x128xf32, #tpu.memory_space<vmem_shared>>
    tpu.enqueue_indirect_dma source(%arg14 : memref<64x128xf32, #tpu.memory_space<vmem>>) target(%dma_start3A_347 : memref<10112x128xf32, #tpu.memory_space<vmem_shared>>) offsets(%arg10 : memref<64xi32, #tpu.memory_space<vmem>>) semaphore(%arg23 : memref<!tpu.dma_semaphore, #tpu.memory_space<semaphore_mem>>) {add = true}
    %dma_wait3A_348 = arith.constant 4992 : i32
    %dma_wait3A_349 = tpu.memref_slice %arg7[%dma_wait3A_348] : memref<5120xi32, #tpu.memory_space<vmem>> -> memref<64xi32, #tpu.memory_space<vmem>>
    %dma_wait3A_350 = arith.constant 0 : i32
    %dma_wait3A_351 = arith.constant 0 : i32
    %dma_wait3A_352 = tpu.memref_slice %arg2[%dma_wait3A_350, %dma_wait3A_351] : memref<10000x128xf32, #tpu.memory_space<hbm>> -> memref<10000x128xf32, #tpu.memory_space<hbm>>
    tpu.wait_indirect_dma semaphore(%arg20 : memref<!tpu.dma_semaphore, #tpu.memory_space<semaphore_mem>>) src(%dma_wait3A_352 : memref<10000x128xf32, #tpu.memory_space<hbm>>) dst(%arg15 : memref<64x128xf32, #tpu.memory_space<vmem>>)
    %dma_start3A_353 = arith.constant 0 : i32
    %dma_start3A_354 = arith.constant 0 : i32
    %dma_start3A_355 = tpu.memref_slice %arg17[%dma_start3A_353, %dma_start3A_354] : memref<10112x128xf32, #tpu.memory_space<vmem_shared>> -> memref<10112x128xf32, #tpu.memory_space<vmem_shared>>
    tpu.enqueue_indirect_dma source(%arg15 : memref<64x128xf32, #tpu.memory_space<vmem>>) target(%dma_start3A_355 : memref<10112x128xf32, #tpu.memory_space<vmem_shared>>) offsets(%arg11 : memref<64xi32, #tpu.memory_space<vmem>>) semaphore(%arg24 : memref<!tpu.dma_semaphore, #tpu.memory_space<semaphore_mem>>) {add = true}
    %dma_wait3A_356 = arith.constant 5056 : i32
    %dma_wait3A_357 = tpu.memref_slice %arg7[%dma_wait3A_356] : memref<5120xi32, #tpu.memory_space<vmem>> -> memref<64xi32, #tpu.memory_space<vmem>>
    %dma_wait3A_358 = arith.constant 0 : i32
    %dma_wait3A_359 = arith.constant 0 : i32
    %dma_wait3A_360 = tpu.memref_slice %arg2[%dma_wait3A_358, %dma_wait3A_359] : memref<10000x128xf32, #tpu.memory_space<hbm>> -> memref<10000x128xf32, #tpu.memory_space<hbm>>
    tpu.wait_indirect_dma semaphore(%arg21 : memref<!tpu.dma_semaphore, #tpu.memory_space<semaphore_mem>>) src(%dma_wait3A_360 : memref<10000x128xf32, #tpu.memory_space<hbm>>) dst(%arg16 : memref<64x128xf32, #tpu.memory_space<vmem>>)
    %dma_start3A_361 = arith.constant 0 : i32
    %dma_start3A_362 = arith.constant 0 : i32
    %dma_start3A_363 = tpu.memref_slice %arg17[%dma_start3A_361, %dma_start3A_362] : memref<10112x128xf32, #tpu.memory_space<vmem_shared>> -> memref<10112x128xf32, #tpu.memory_space<vmem_shared>>
    tpu.enqueue_indirect_dma source(%arg16 : memref<64x128xf32, #tpu.memory_space<vmem>>) target(%dma_start3A_363 : memref<10112x128xf32, #tpu.memory_space<vmem_shared>>) offsets(%arg12 : memref<64xi32, #tpu.memory_space<vmem>>) semaphore(%arg25 : memref<!tpu.dma_semaphore, #tpu.memory_space<semaphore_mem>>) {add = true}
    %dma_wait3A_364 = arith.constant 0 : i32
    %dma_wait3A_365 = arith.constant 0 : i32
    %dma_wait3A_366 = tpu.memref_slice %arg17[%dma_wait3A_364, %dma_wait3A_365] : memref<10112x128xf32, #tpu.memory_space<vmem_shared>> -> memref<10112x128xf32, #tpu.memory_space<vmem_shared>>
    tpu.wait_indirect_dma semaphore(%arg22 : memref<!tpu.dma_semaphore, #tpu.memory_space<semaphore_mem>>) src(%arg13 : memref<64x128xf32, #tpu.memory_space<vmem>>) dst(%dma_wait3A_366 : memref<10112x128xf32, #tpu.memory_space<vmem_shared>>)
    %dma_wait3A_367 = arith.constant 0 : i32
    %dma_wait3A_368 = arith.constant 0 : i32
    %dma_wait3A_369 = tpu.memref_slice %arg17[%dma_wait3A_367, %dma_wait3A_368] : memref<10112x128xf32, #tpu.memory_space<vmem_shared>> -> memref<10112x128xf32, #tpu.memory_space<vmem_shared>>
    tpu.wait_indirect_dma semaphore(%arg23 : memref<!tpu.dma_semaphore, #tpu.memory_space<semaphore_mem>>) src(%arg14 : memref<64x128xf32, #tpu.memory_space<vmem>>) dst(%dma_wait3A_369 : memref<10112x128xf32, #tpu.memory_space<vmem_shared>>)
    %dma_wait3A_370 = arith.constant 0 : i32
    %dma_wait3A_371 = arith.constant 0 : i32
    %dma_wait3A_372 = tpu.memref_slice %arg17[%dma_wait3A_370, %dma_wait3A_371] : memref<10112x128xf32, #tpu.memory_space<vmem_shared>> -> memref<10112x128xf32, #tpu.memory_space<vmem_shared>>
    tpu.wait_indirect_dma semaphore(%arg24 : memref<!tpu.dma_semaphore, #tpu.memory_space<semaphore_mem>>) src(%arg15 : memref<64x128xf32, #tpu.memory_space<vmem>>) dst(%dma_wait3A_372 : memref<10112x128xf32, #tpu.memory_space<vmem_shared>>)
    %dma_wait3A_373 = arith.constant 0 : i32
    %dma_wait3A_374 = arith.constant 0 : i32
    %dma_wait3A_375 = tpu.memref_slice %arg17[%dma_wait3A_373, %dma_wait3A_374] : memref<10112x128xf32, #tpu.memory_space<vmem_shared>> -> memref<10112x128xf32, #tpu.memory_space<vmem_shared>>
    tpu.wait_indirect_dma semaphore(%arg25 : memref<!tpu.dma_semaphore, #tpu.memory_space<semaphore_mem>>) src(%arg16 : memref<64x128xf32, #tpu.memory_space<vmem>>) dst(%dma_wait3A_375 : memref<10112x128xf32, #tpu.memory_space<vmem_shared>>)
    %barrier3A_376 = arith.constant 0 : index
    tpu.barrier barrier_id(%barrier3A_376)
    %mul3A_377 = arith.constant 632 : i32
    %mul3A_378 = arith.muli %arg1, %mul3A_377 : i32
    %mul3A_379 = arith.constant 632 : i32
    %mul3A_380 = arith.muli %arg1, %mul3A_379 : i32
    "tpu.region"() ({
      %run_scoped3A = tpu.sem_alloc : memref<!tpu.dma_semaphore, #tpu.memory_space<semaphore_mem>>
      %dma_start3A_381 = arith.constant 0 : i32
      %dma_start3A_382 = tpu.memref_slice %arg6[%arg0, %mul3A_380, %dma_start3A_381] : memref<2x10112x128xf32, #tpu.memory_space<hbm>> -> memref<1x632x128xf32, #tpu.memory_space<hbm>>
      %dma_start3A_383 = tpu.memref_squeeze %dma_start3A_382 : memref<1x632x128xf32, #tpu.memory_space<hbm>> -> memref<632x128xf32, #tpu.memory_space<hbm>>
      %dma_start3A_384 = arith.constant 0 : i32
      %dma_start3A_385 = tpu.memref_slice %arg17[%mul3A_378, %dma_start3A_384] : memref<10112x128xf32, #tpu.memory_space<vmem_shared>> -> memref<632x128xf32, #tpu.memory_space<vmem_shared>>
      tpu.enqueue_dma source(%dma_start3A_385 : memref<632x128xf32, #tpu.memory_space<vmem_shared>>) target(%dma_start3A_383 : memref<632x128xf32, #tpu.memory_space<hbm>>) target_semaphore(%run_scoped3A : memref<!tpu.dma_semaphore, #tpu.memory_space<semaphore_mem>>)
      %dma_wait3A_386 = arith.constant 0 : i32
      %dma_wait3A_387 = tpu.memref_slice %arg6[%arg0, %mul3A_380, %dma_wait3A_386] : memref<2x10112x128xf32, #tpu.memory_space<hbm>> -> memref<1x632x128xf32, #tpu.memory_space<hbm>>
      %dma_wait3A_388 = tpu.memref_squeeze %dma_wait3A_387 : memref<1x632x128xf32, #tpu.memory_space<hbm>> -> memref<632x128xf32, #tpu.memory_space<hbm>>
      %dma_wait3A_389 = arith.constant 0 : i32
      %dma_wait3A_390 = tpu.memref_slice %arg17[%mul3A_378, %dma_wait3A_389] : memref<10112x128xf32, #tpu.memory_space<vmem_shared>> -> memref<632x128xf32, #tpu.memory_space<vmem_shared>>
      tpu.wait_dma2 semaphore(%run_scoped3A : memref<!tpu.dma_semaphore, #tpu.memory_space<semaphore_mem>>) src(%dma_wait3A_390 : memref<632x128xf32, #tpu.memory_space<vmem_shared>>) dst(%dma_wait3A_388 : memref<632x128xf32, #tpu.memory_space<hbm>>)
      tpu.yield
    }) : () -> ()
    return
  }
}

#map = affine_map<(d0, d1) -> (0, 0)>
#map1 = affine_map<(d0, d1) -> (0)>
#map2 = affine_map<(d0, d1) -> (0, 0, 0)>
module attributes {stable_mosaic.version = 14 : i64} {
  func.func @_spmm_body(%arg0: i32, %arg1: i32, %arg2: memref<10000x128xf32, #tpu.memory_space<hbm>>, %arg3: memref<327680xi32, #tpu.memory_space<hbm>>, %arg4: memref<327680xi32, #tpu.memory_space<hbm>>, %arg5: memref<632x128xf32, #tpu.memory_space<hbm>>, %arg6: memref<2x10112x128xf32, #tpu.memory_space<hbm>>, %arg7: memref<5120xi32, #tpu.memory_space<vmem>>, %arg8: memref<5120xi32, #tpu.memory_space<vmem>>, %arg9: memref<64xi32, #tpu.memory_space<vmem>>, %arg10: memref<64xi32, #tpu.memory_space<vmem>>, %arg11: memref<64xi32, #tpu.memory_space<vmem>>, %arg12: memref<64xi32, #tpu.memory_space<vmem>>, %arg13: memref<64x128xf32, #tpu.memory_space<vmem>>, %arg14: memref<64x128xf32, #tpu.memory_space<vmem>>, %arg15: memref<64x128xf32, #tpu.memory_space<vmem>>, %arg16: memref<64x128xf32, #tpu.memory_space<vmem>>, %arg17: memref<10112x128xf32, #tpu.memory_space<vmem_shared>>, %arg18: memref<!tpu.dma_semaphore, #tpu.memory_space<semaphore_mem>>, %arg19: memref<!tpu.dma_semaphore, #tpu.memory_space<semaphore_mem>>, %arg20: memref<!tpu.dma_semaphore, #tpu.memory_space<semaphore_mem>>, %arg21: memref<!tpu.dma_semaphore, #tpu.memory_space<semaphore_mem>>, %arg22: memref<!tpu.dma_semaphore, #tpu.memory_space<semaphore_mem>>, %arg23: memref<!tpu.dma_semaphore, #tpu.memory_space<semaphore_mem>>, %arg24: memref<!tpu.dma_semaphore, #tpu.memory_space<semaphore_mem>>, %arg25: memref<!tpu.dma_semaphore, #tpu.memory_space<semaphore_mem>>) attributes {dimension_semantics = [#tpu.dimension_semantics<core_parallel>, #tpu.dimension_semantics<subcore_parallel>], iteration_bounds = array<i64: 2, 16>, scalar_prefetch = 0 : i64, scratch_operands = 19 : i64, tpu.core_type = #tpu.core_type<sc_vector_subcore>, window_params = [{transform_indices = #map}, {transform_indices = #map1}, {transform_indices = #map1}, {transform_indices = #map}, {transform_indices = #map2}]} {
    %mul3A = arith.constant 2 : i32
    %mul3A_0 = arith.muli %arg1, %mul3A : i32
    %add3A = arith.addi %mul3A_0, %arg0 : i32
    %mul3A_1 = arith.constant 632 : i32
    %mul3A_2 = arith.muli %arg1, %mul3A_1 : i32
    "tpu.region"() ({
      %run_scoped3A = tpu.sem_alloc : memref<!tpu.dma_semaphore, #tpu.memory_space<semaphore_mem>>
      %dma_start3A_381 = arith.constant 0 : i32
      %dma_start3A_382 = tpu.memref_slice %arg17[%mul3A_2, %dma_start3A_381] : memref<10112x128xf32, #tpu.memory_space<vmem_shared>> -> memref<632x128xf32, #tpu.memory_space<vmem_shared>>
      tpu.enqueue_dma source(%arg5 : memref<632x128xf32, #tpu.memory_space<hbm>>) target(%dma_start3A_382 : memref<632x128xf32, #tpu.memory_space<vmem_shared>>) target_semaphore(%run_scoped3A : memref<!tpu.dma_semaphore, #tpu.memory_space<semaphore_mem>>)
      %dma_wait3A_383 = arith.constant 0 : i32
      %dma_wait3A_384 = tpu.memref_slice %arg17[%mul3A_2, %dma_wait3A_383] : memref<10112x128xf32, #tpu.memory_space<vmem_shared>> -> memref<632x128xf32, #tpu.memory_space<vmem_shared>>
      tpu.wait_dma2 semaphore(%run_scoped3A : memref<!tpu.dma_semaphore, #tpu.memory_space<semaphore_mem>>) src(%arg5 : memref<632x128xf32, #tpu.memory_space<hbm>>) dst(%dma_wait3A_384 : memref<632x128xf32, #tpu.memory_space<vmem_shared>>)
      tpu.yield
    }) : () -> ()
    %mul3A_3 = arith.constant 10240 : i32
    %mul3A_4 = arith.muli %add3A, %mul3A_3 : i32
    %add3A_5 = arith.constant 0 : i32
    %add3A_6 = arith.addi %mul3A_4, %add3A_5 : i32
    "tpu.region"() ({
      %run_scoped3A = tpu.sem_alloc : memref<!tpu.dma_semaphore, #tpu.memory_space<semaphore_mem>>
      %dma_start3A_381 = tpu.memref_slice %arg3[%add3A_6] : memref<327680xi32, #tpu.memory_space<hbm>> -> memref<5120xi32, #tpu.memory_space<hbm>>
      %dma_start3A_382 = tpu.memref_slice %arg3[%add3A_6] : memref<327680xi32, #tpu.memory_space<hbm>> -> memref<5120xi32, #tpu.memory_space<hbm>>
      tpu.enqueue_dma source(%dma_start3A_382 : memref<5120xi32, #tpu.memory_space<hbm>>) target(%arg7 : memref<5120xi32, #tpu.memory_space<vmem>>) target_semaphore(%run_scoped3A : memref<!tpu.dma_semaphore, #tpu.memory_space<semaphore_mem>>)
      %dma_wait3A_383 = tpu.memref_slice %arg3[%add3A_6] : memref<327680xi32, #tpu.memory_space<hbm>> -> memref<5120xi32, #tpu.memory_space<hbm>>
      %dma_wait3A_384 = tpu.memref_slice %arg3[%add3A_6] : memref<327680xi32, #tpu.memory_space<hbm>> -> memref<5120xi32, #tpu.memory_space<hbm>>
      tpu.wait_dma2 semaphore(%run_scoped3A : memref<!tpu.dma_semaphore, #tpu.memory_space<semaphore_mem>>) src(%dma_wait3A_384 : memref<5120xi32, #tpu.memory_space<hbm>>) dst(%arg7 : memref<5120xi32, #tpu.memory_space<vmem>>)
      tpu.yield
    }) : () -> ()
    %mul3A_7 = arith.constant 10240 : i32
    %mul3A_8 = arith.muli %add3A, %mul3A_7 : i32
    %add3A_9 = arith.constant 0 : i32
    %add3A_10 = arith.addi %mul3A_8, %add3A_9 : i32
    "tpu.region"() ({
      %run_scoped3A = tpu.sem_alloc : memref<!tpu.dma_semaphore, #tpu.memory_space<semaphore_mem>>
      %dma_start3A_381 = tpu.memref_slice %arg4[%add3A_10] : memref<327680xi32, #tpu.memory_space<hbm>> -> memref<5120xi32, #tpu.memory_space<hbm>>
      %dma_start3A_382 = tpu.memref_slice %arg4[%add3A_10] : memref<327680xi32, #tpu.memory_space<hbm>> -> memref<5120xi32, #tpu.memory_space<hbm>>
      tpu.enqueue_dma source(%dma_start3A_382 : memref<5120xi32, #tpu.memory_space<hbm>>) target(%arg8 : memref<5120xi32, #tpu.memory_space<vmem>>) target_semaphore(%run_scoped3A : memref<!tpu.dma_semaphore, #tpu.memory_space<semaphore_mem>>)
      %dma_wait3A_383 = tpu.memref_slice %arg4[%add3A_10] : memref<327680xi32, #tpu.memory_space<hbm>> -> memref<5120xi32, #tpu.memory_space<hbm>>
      %dma_wait3A_384 = tpu.memref_slice %arg4[%add3A_10] : memref<327680xi32, #tpu.memory_space<hbm>> -> memref<5120xi32, #tpu.memory_space<hbm>>
      tpu.wait_dma2 semaphore(%run_scoped3A : memref<!tpu.dma_semaphore, #tpu.memory_space<semaphore_mem>>) src(%dma_wait3A_384 : memref<5120xi32, #tpu.memory_space<hbm>>) dst(%arg8 : memref<5120xi32, #tpu.memory_space<vmem>>)
      tpu.yield
    }) : () -> ()
    %barrier3A = arith.constant 0 : index
    tpu.barrier barrier_id(%barrier3A)
    %get3A = arith.constant 0 : index
    %get3A_11 = tpu.vector_load %arg8[%get3A] {strides = array<i32>} : memref<5120xi32, #tpu.memory_space<vmem>>, vector<16xi32>,
    %get3A_12 = vector.shape_cast %get3A_11 : vector<16xi32> to vector<16xi32>
    %swap3A = arith.constant 0 : index
    %swap3A_13 = tpu.vector_load %arg9[%swap3A] {strides = array<i32>} : memref<64xi32, #tpu.memory_space<vmem>>, vector<16xi32>,
    %swap3A_14 = vector.shape_cast %swap3A_13 : vector<16xi32> to vector<16xi32>
    %swap3A_15 = vector.shape_cast %get3A_12 : vector<16xi32> to vector<16xi32>
    tpu.vector_store %arg9[%swap3A], %swap3A_15 {strides = array<i32>} : memref<64xi32, #tpu.memory_space<vmem>>, vector<16xi32>,
    %get3A_16 = arith.constant 16 : index
    %get3A_17 = tpu.vector_load %arg8[%get3A_16] {strides = array<i32>} : memref<5120xi32, #tpu.memory_space<vmem>>, vector<16xi32>,
    %get3A_18 = vector.shape_cast %get3A_17 : vector<16xi32> to vector<16xi32>
    %swap3A_19 = arith.constant 16 : index
    %swap3A_20 = tpu.vector_load %arg9[%swap3A_19] {strides = array<i32>} : memref<64xi32, #tpu.memory_space<vmem>>, vector<16xi32>,
    %swap3A_21 = vector.shape_cast %swap3A_20 : vector<16xi32> to vector<16xi32>
    %swap3A_22 = vector.shape_cast %get3A_18 : vector<16xi32> to vector<16xi32>
    tpu.vector_store %arg9[%swap3A_19], %swap3A_22 {strides = array<i32>} : memref<64xi32, #tpu.memory_space<vmem>>, vector<16xi32>,
    %get3A_23 = arith.constant 32 : index
    %get3A_24 = tpu.vector_load %arg8[%get3A_23] {strides = array<i32>} : memref<5120xi32, #tpu.memory_space<vmem>>, vector<16xi32>,
    %get3A_25 = vector.shape_cast %get3A_24 : vector<16xi32> to vector<16xi32>
    %swap3A_26 = arith.constant 32 : index
    %swap3A_27 = tpu.vector_load %arg9[%swap3A_26] {strides = array<i32>} : memref<64xi32, #tpu.memory_space<vmem>>, vector<16xi32>,
    %swap3A_28 = vector.shape_cast %swap3A_27 : vector<16xi32> to vector<16xi32>
    %swap3A_29 = vector.shape_cast %get3A_25 : vector<16xi32> to vector<16xi32>
    tpu.vector_store %arg9[%swap3A_26], %swap3A_29 {strides = array<i32>} : memref<64xi32, #tpu.memory_space<vmem>>, vector<16xi32>,
    %get3A_30 = arith.constant 48 : index
    %get3A_31 = tpu.vector_load %arg8[%get3A_30] {strides = array<i32>} : memref<5120xi32, #tpu.memory_space<vmem>>, vector<16xi32>,
    %get3A_32 = vector.shape_cast %get3A_31 : vector<16xi32> to vector<16xi32>
    %swap3A_33 = arith.constant 48 : index
    %swap3A_34 = tpu.vector_load %arg9[%swap3A_33] {strides = array<i32>} : memref<64xi32, #tpu.memory_space<vmem>>, vector<16xi32>,
    %swap3A_35 = vector.shape_cast %swap3A_34 : vector<16xi32> to vector<16xi32>
    %swap3A_36 = vector.shape_cast %get3A_32 : vector<16xi32> to vector<16xi32>
    tpu.vector_store %arg9[%swap3A_33], %swap3A_36 {strides = array<i32>} : memref<64xi32, #tpu.memory_space<vmem>>, vector<16xi32>,
    %dma_start3A = arith.constant 0 : i32
    %dma_start3A_37 = tpu.memref_slice %arg7[%dma_start3A] : memref<5120xi32, #tpu.memory_space<vmem>> -> memref<64xi32, #tpu.memory_space<vmem>>
    %dma_start3A_38 = arith.constant 0 : i32
    %dma_start3A_39 = arith.constant 0 : i32
    %dma_start3A_40 = tpu.memref_slice %arg2[%dma_start3A_38, %dma_start3A_39] : memref<10000x128xf32, #tpu.memory_space<hbm>> -> memref<10000x128xf32, #tpu.memory_space<hbm>>
    tpu.enqueue_indirect_dma source(%dma_start3A_40 : memref<10000x128xf32, #tpu.memory_space<hbm>>) target(%arg13 : memref<64x128xf32, #tpu.memory_space<vmem>>) offsets(%dma_start3A_37 : memref<64xi32, #tpu.memory_space<vmem>>) semaphore(%arg18 : memref<!tpu.dma_semaphore, #tpu.memory_space<semaphore_mem>>)
    %get3A_41 = arith.constant 64 : index
    %get3A_42 = tpu.vector_load %arg8[%get3A_41] {strides = array<i32>} : memref<5120xi32, #tpu.memory_space<vmem>>, vector<16xi32>,
    %get3A_43 = vector.shape_cast %get3A_42 : vector<16xi32> to vector<16xi32>
    %swap3A_44 = arith.constant 0 : index
    %swap3A_45 = tpu.vector_load %arg10[%swap3A_44] {strides = array<i32>} : memref<64xi32, #tpu.memory_space<vmem>>, vector<16xi32>,
    %swap3A_46 = vector.shape_cast %swap3A_45 : vector<16xi32> to vector<16xi32>
    %swap3A_47 = vector.shape_cast %get3A_43 : vector<16xi32> to vector<16xi32>
    tpu.vector_store %arg10[%swap3A_44], %swap3A_47 {strides = array<i32>} : memref<64xi32, #tpu.memory_space<vmem>>, vector<16xi32>,
    %get3A_48 = arith.constant 80 : index
    %get3A_49 = tpu.vector_load %arg8[%get3A_48] {strides = array<i32>} : memref<5120xi32, #tpu.memory_space<vmem>>, vector<16xi32>,
    %get3A_50 = vector.shape_cast %get3A_49 : vector<16xi32> to vector<16xi32>
    %swap3A_51 = arith.constant 16 : index
    %swap3A_52 = tpu.vector_load %arg10[%swap3A_51] {strides = array<i32>} : memref<64xi32, #tpu.memory_space<vmem>>, vector<16xi32>,
    %swap3A_53 = vector.shape_cast %swap3A_52 : vector<16xi32> to vector<16xi32>
    %swap3A_54 = vector.shape_cast %get3A_50 : vector<16xi32> to vector<16xi32>
    tpu.vector_store %arg10[%swap3A_51], %swap3A_54 {strides = array<i32>} : memref<64xi32, #tpu.memory_space<vmem>>, vector<16xi32>,
    %get3A_55 = arith.constant 96 : index
    %get3A_56 = tpu.vector_load %arg8[%get3A_55] {strides = array<i32>} : memref<5120xi32, #tpu.memory_space<vmem>>, vector<16xi32>,
    %get3A_57 = vector.shape_cast %get3A_56 : vector<16xi32> to vector<16xi32>
    %swap3A_58 = arith.constant 32 : index
    %swap3A_59 = tpu.vector_load %arg10[%swap3A_58] {strides = array<i32>} : memref<64xi32, #tpu.memory_space<vmem>>, vector<16xi32>,
    %swap3A_60 = vector.shape_cast %swap3A_59 : vector<16xi32> to vector<16xi32>
    %swap3A_61 = vector.shape_cast %get3A_57 : vector<16xi32> to vector<16xi32>
    tpu.vector_store %arg10[%swap3A_58], %swap3A_61 {strides = array<i32>} : memref<64xi32, #tpu.memory_space<vmem>>, vector<16xi32>,
    %get3A_62 = arith.constant 112 : index
    %get3A_63 = tpu.vector_load %arg8[%get3A_62] {strides = array<i32>} : memref<5120xi32, #tpu.memory_space<vmem>>, vector<16xi32>,
    %get3A_64 = vector.shape_cast %get3A_63 : vector<16xi32> to vector<16xi32>
    %swap3A_65 = arith.constant 48 : index
    %swap3A_66 = tpu.vector_load %arg10[%swap3A_65] {strides = array<i32>} : memref<64xi32, #tpu.memory_space<vmem>>, vector<16xi32>,
    %swap3A_67 = vector.shape_cast %swap3A_66 : vector<16xi32> to vector<16xi32>
    %swap3A_68 = vector.shape_cast %get3A_64 : vector<16xi32> to vector<16xi32>
    tpu.vector_store %arg10[%swap3A_65], %swap3A_68 {strides = array<i32>} : memref<64xi32, #tpu.memory_space<vmem>>, vector<16xi32>,
    %dma_start3A_69 = arith.constant 64 : i32
    %dma_start3A_70 = tpu.memref_slice %arg7[%dma_start3A_69] : memref<5120xi32, #tpu.memory_space<vmem>> -> memref<64xi32, #tpu.memory_space<vmem>>
    %dma_start3A_71 = arith.constant 0 : i32
    %dma_start3A_72 = arith.constant 0 : i32
    %dma_start3A_73 = tpu.memref_slice %arg2[%dma_start3A_71, %dma_start3A_72] : memref<10000x128xf32, #tpu.memory_space<hbm>> -> memref<10000x128xf32, #tpu.memory_space<hbm>>
    tpu.enqueue_indirect_dma source(%dma_start3A_73 : memref<10000x128xf32, #tpu.memory_space<hbm>>) target(%arg14 : memref<64x128xf32, #tpu.memory_space<vmem>>) offsets(%dma_start3A_70 : memref<64xi32, #tpu.memory_space<vmem>>) semaphore(%arg19 : memref<!tpu.dma_semaphore, #tpu.memory_space<semaphore_mem>>)
    %get3A_74 = arith.constant 128 : index
    %get3A_75 = tpu.vector_load %arg8[%get3A_74] {strides = array<i32>} : memref<5120xi32, #tpu.memory_space<vmem>>, vector<16xi32>,
    %get3A_76 = vector.shape_cast %get3A_75 : vector<16xi32> to vector<16xi32>
    %swap3A_77 = arith.constant 0 : index
    %swap3A_78 = tpu.vector_load %arg11[%swap3A_77] {strides = array<i32>} : memref<64xi32, #tpu.memory_space<vmem>>, vector<16xi32>,
    %swap3A_79 = vector.shape_cast %swap3A_78 : vector<16xi32> to vector<16xi32>
    %swap3A_80 = vector.shape_cast %get3A_76 : vector<16xi32> to vector<16xi32>
    tpu.vector_store %arg11[%swap3A_77], %swap3A_80 {strides = array<i32>} : memref<64xi32, #tpu.memory_space<vmem>>, vector<16xi32>,
    %get3A_81 = arith.constant 144 : index
    %get3A_82 = tpu.vector_load %arg8[%get3A_81] {strides = array<i32>} : memref<5120xi32, #tpu.memory_space<vmem>>, vector<16xi32>,
    %get3A_83 = vector.shape_cast %get3A_82 : vector<16xi32> to vector<16xi32>
    %swap3A_84 = arith.constant 16 : index
    %swap3A_85 = tpu.vector_load %arg11[%swap3A_84] {strides = array<i32>} : memref<64xi32, #tpu.memory_space<vmem>>, vector<16xi32>,
    %swap3A_86 = vector.shape_cast %swap3A_85 : vector<16xi32> to vector<16xi32>
    %swap3A_87 = vector.shape_cast %get3A_83 : vector<16xi32> to vector<16xi32>
    tpu.vector_store %arg11[%swap3A_84], %swap3A_87 {strides = array<i32>} : memref<64xi32, #tpu.memory_space<vmem>>, vector<16xi32>,
    %get3A_88 = arith.constant 160 : index
    %get3A_89 = tpu.vector_load %arg8[%get3A_88] {strides = array<i32>} : memref<5120xi32, #tpu.memory_space<vmem>>, vector<16xi32>,
    %get3A_90 = vector.shape_cast %get3A_89 : vector<16xi32> to vector<16xi32>
    %swap3A_91 = arith.constant 32 : index
    %swap3A_92 = tpu.vector_load %arg11[%swap3A_91] {strides = array<i32>} : memref<64xi32, #tpu.memory_space<vmem>>, vector<16xi32>,
    %swap3A_93 = vector.shape_cast %swap3A_92 : vector<16xi32> to vector<16xi32>
    %swap3A_94 = vector.shape_cast %get3A_90 : vector<16xi32> to vector<16xi32>
    tpu.vector_store %arg11[%swap3A_91], %swap3A_94 {strides = array<i32>} : memref<64xi32, #tpu.memory_space<vmem>>, vector<16xi32>,
    %get3A_95 = arith.constant 176 : index
    %get3A_96 = tpu.vector_load %arg8[%get3A_95] {strides = array<i32>} : memref<5120xi32, #tpu.memory_space<vmem>>, vector<16xi32>,
    %get3A_97 = vector.shape_cast %get3A_96 : vector<16xi32> to vector<16xi32>
    %swap3A_98 = arith.constant 48 : index
    %swap3A_99 = tpu.vector_load %arg11[%swap3A_98] {strides = array<i32>} : memref<64xi32, #tpu.memory_space<vmem>>, vector<16xi32>,
    %swap3A_100 = vector.shape_cast %swap3A_99 : vector<16xi32> to vector<16xi32>
    %swap3A_101 = vector.shape_cast %get3A_97 : vector<16xi32> to vector<16xi32>
    tpu.vector_store %arg11[%swap3A_98], %swap3A_101 {strides = array<i32>} : memref<64xi32, #tpu.memory_space<vmem>>, vector<16xi32>,
    %dma_start3A_102 = arith.constant 128 : i32
    %dma_start3A_103 = tpu.memref_slice %arg7[%dma_start3A_102] : memref<5120xi32, #tpu.memory_space<vmem>> -> memref<64xi32, #tpu.memory_space<vmem>>
    %dma_start3A_104 = arith.constant 0 : i32
    %dma_start3A_105 = arith.constant 0 : i32
    %dma_start3A_106 = tpu.memref_slice %arg2[%dma_start3A_104, %dma_start3A_105] : memref<10000x128xf32, #tpu.memory_space<hbm>> -> memref<10000x128xf32, #tpu.memory_space<hbm>>
    tpu.enqueue_indirect_dma source(%dma_start3A_106 : memref<10000x128xf32, #tpu.memory_space<hbm>>) target(%arg15 : memref<64x128xf32, #tpu.memory_space<vmem>>) offsets(%dma_start3A_103 : memref<64xi32, #tpu.memory_space<vmem>>) semaphore(%arg20 : memref<!tpu.dma_semaphore, #tpu.memory_space<semaphore_mem>>)
    %get3A_107 = arith.constant 192 : index
    %get3A_108 = tpu.vector_load %arg8[%get3A_107] {strides = array<i32>} : memref<5120xi32, #tpu.memory_space<vmem>>, vector<16xi32>,
    %get3A_109 = vector.shape_cast %get3A_108 : vector<16xi32> to vector<16xi32>
    %swap3A_110 = arith.constant 0 : index
    %swap3A_111 = tpu.vector_load %arg12[%swap3A_110] {strides = array<i32>} : memref<64xi32, #tpu.memory_space<vmem>>, vector<16xi32>,
    %swap3A_112 = vector.shape_cast %swap3A_111 : vector<16xi32> to vector<16xi32>
    %swap3A_113 = vector.shape_cast %get3A_109 : vector<16xi32> to vector<16xi32>
    tpu.vector_store %arg12[%swap3A_110], %swap3A_113 {strides = array<i32>} : memref<64xi32, #tpu.memory_space<vmem>>, vector<16xi32>,
    %get3A_114 = arith.constant 208 : index
    %get3A_115 = tpu.vector_load %arg8[%get3A_114] {strides = array<i32>} : memref<5120xi32, #tpu.memory_space<vmem>>, vector<16xi32>,
    %get3A_116 = vector.shape_cast %get3A_115 : vector<16xi32> to vector<16xi32>
    %swap3A_117 = arith.constant 16 : index
    %swap3A_118 = tpu.vector_load %arg12[%swap3A_117] {strides = array<i32>} : memref<64xi32, #tpu.memory_space<vmem>>, vector<16xi32>,
    %swap3A_119 = vector.shape_cast %swap3A_118 : vector<16xi32> to vector<16xi32>
    %swap3A_120 = vector.shape_cast %get3A_116 : vector<16xi32> to vector<16xi32>
    tpu.vector_store %arg12[%swap3A_117], %swap3A_120 {strides = array<i32>} : memref<64xi32, #tpu.memory_space<vmem>>, vector<16xi32>,
    %get3A_121 = arith.constant 224 : index
    %get3A_122 = tpu.vector_load %arg8[%get3A_121] {strides = array<i32>} : memref<5120xi32, #tpu.memory_space<vmem>>, vector<16xi32>,
    %get3A_123 = vector.shape_cast %get3A_122 : vector<16xi32> to vector<16xi32>
    %swap3A_124 = arith.constant 32 : index
    %swap3A_125 = tpu.vector_load %arg12[%swap3A_124] {strides = array<i32>} : memref<64xi32, #tpu.memory_space<vmem>>, vector<16xi32>,
    %swap3A_126 = vector.shape_cast %swap3A_125 : vector<16xi32> to vector<16xi32>
    %swap3A_127 = vector.shape_cast %get3A_123 : vector<16xi32> to vector<16xi32>
    tpu.vector_store %arg12[%swap3A_124], %swap3A_127 {strides = array<i32>} : memref<64xi32, #tpu.memory_space<vmem>>, vector<16xi32>,
    %get3A_128 = arith.constant 240 : index
    %get3A_129 = tpu.vector_load %arg8[%get3A_128] {strides = array<i32>} : memref<5120xi32, #tpu.memory_space<vmem>>, vector<16xi32>,
    %get3A_130 = vector.shape_cast %get3A_129 : vector<16xi32> to vector<16xi32>
    %swap3A_131 = arith.constant 48 : index
    %swap3A_132 = tpu.vector_load %arg12[%swap3A_131] {strides = array<i32>} : memref<64xi32, #tpu.memory_space<vmem>>, vector<16xi32>,
    %swap3A_133 = vector.shape_cast %swap3A_132 : vector<16xi32> to vector<16xi32>
    %swap3A_134 = vector.shape_cast %get3A_130 : vector<16xi32> to vector<16xi32>
    tpu.vector_store %arg12[%swap3A_131], %swap3A_134 {strides = array<i32>} : memref<64xi32, #tpu.memory_space<vmem>>, vector<16xi32>,
    %dma_start3A_135 = arith.constant 192 : i32
    %dma_start3A_136 = tpu.memref_slice %arg7[%dma_start3A_135] : memref<5120xi32, #tpu.memory_space<vmem>> -> memref<64xi32, #tpu.memory_space<vmem>>
    %dma_start3A_137 = arith.constant 0 : i32
    %dma_start3A_138 = arith.constant 0 : i32
    %dma_start3A_139 = tpu.memref_slice %arg2[%dma_start3A_137, %dma_start3A_138] : memref<10000x128xf32, #tpu.memory_space<hbm>> -> memref<10000x128xf32, #tpu.memory_space<hbm>>
    tpu.enqueue_indirect_dma source(%dma_start3A_139 : memref<10000x128xf32, #tpu.memory_space<hbm>>) target(%arg16 : memref<64x128xf32, #tpu.memory_space<vmem>>) offsets(%dma_start3A_136 : memref<64xi32, #tpu.memory_space<vmem>>) semaphore(%arg21 : memref<!tpu.dma_semaphore, #tpu.memory_space<semaphore_mem>>)
    %dma_wait3A = arith.constant 0 : i32
    %dma_wait3A_140 = tpu.memref_slice %arg7[%dma_wait3A] : memref<5120xi32, #tpu.memory_space<vmem>> -> memref<64xi32, #tpu.memory_space<vmem>>
    %dma_wait3A_141 = arith.constant 0 : i32
    %dma_wait3A_142 = arith.constant 0 : i32
    %dma_wait3A_143 = tpu.memref_slice %arg2[%dma_wait3A_141, %dma_wait3A_142] : memref<10000x128xf32, #tpu.memory_space<hbm>> -> memref<10000x128xf32, #tpu.memory_space<hbm>>
    tpu.wait_indirect_dma semaphore(%arg18 : memref<!tpu.dma_semaphore, #tpu.memory_space<semaphore_mem>>) src(%dma_wait3A_143 : memref<10000x128xf32, #tpu.memory_space<hbm>>) dst(%arg13 : memref<64x128xf32, #tpu.memory_space<vmem>>)
    %dma_start3A_144 = arith.constant 0 : i32
    %dma_start3A_145 = arith.constant 0 : i32
    %dma_start3A_146 = tpu.memref_slice %arg17[%dma_start3A_144, %dma_start3A_145] : memref<10112x128xf32, #tpu.memory_space<vmem_shared>> -> memref<10112x128xf32, #tpu.memory_space<vmem_shared>>
    tpu.enqueue_indirect_dma source(%arg13 : memref<64x128xf32, #tpu.memory_space<vmem>>) target(%dma_start3A_146 : memref<10112x128xf32, #tpu.memory_space<vmem_shared>>) offsets(%arg9 : memref<64xi32, #tpu.memory_space<vmem>>) semaphore(%arg22 : memref<!tpu.dma_semaphore, #tpu.memory_space<semaphore_mem>>) {add = true}
    %scan3A = arith.constant 0 : i32
    %scan3A_147 = arith.constant 19 : i32
    %scan3A_148 = arith.addi %scan3A, %scan3A_147 : i32
    %scan3A_149 = arith.constant 1 : i32
    scf.for %scan3A_381 = %scan3A to %scan3A_148 step %scan3A_149  : i32 {
      %mul3A_382 = arith.constant 1 : i32
      %mul3A_383 = arith.muli %scan3A_381, %mul3A_382 : i32
      %add3A_384 = arith.constant 1 : i32
      %add3A_385 = arith.addi %add3A_384, %mul3A_383 : i32
      %mul3A_386 = arith.constant 4 : i32
      %mul3A_387 = arith.muli %add3A_385, %mul3A_386 : i32
      %add3A_388 = arith.constant 0 : i32
      %add3A_389 = arith.addi %mul3A_387, %add3A_388 : i32
      %dma_wait3A_390 = arith.constant 0 : i32
      %dma_wait3A_391 = arith.constant 0 : i32
      %dma_wait3A_392 = tpu.memref_slice %arg17[%dma_wait3A_390, %dma_wait3A_391] : memref<10112x128xf32, #tpu.memory_space<vmem_shared>> -> memref<10112x128xf32, #tpu.memory_space<vmem_shared>>
      tpu.wait_indirect_dma semaphore(%arg22 : memref<!tpu.dma_semaphore, #tpu.memory_space<semaphore_mem>>) src(%arg13 : memref<64x128xf32, #tpu.memory_space<vmem>>) dst(%dma_wait3A_392 : memref<10112x128xf32, #tpu.memory_space<vmem_shared>>)
      %mul3A_393 = arith.constant 64 : i32
      %mul3A_394 = arith.muli %add3A_389, %mul3A_393 : i32
      %add3A_395 = arith.constant 0 : i32
      %add3A_396 = arith.addi %mul3A_394, %add3A_395 : i32
      %get3A_397 = arith.index_cast %add3A_396 : i32 to index
      %get3A_398 = tpu.vector_load %arg8[%get3A_397] {strides = array<i32>} : memref<5120xi32, #tpu.memory_space<vmem>>, vector<16xi32>,
      %get3A_399 = vector.shape_cast %get3A_398 : vector<16xi32> to vector<16xi32>
      %swap3A_400 = arith.constant 0 : index
      %swap3A_401 = tpu.vector_load %arg9[%swap3A_400] {strides = array<i32>} : memref<64xi32, #tpu.memory_space<vmem>>, vector<16xi32>,
      %swap3A_402 = vector.shape_cast %swap3A_401 : vector<16xi32> to vector<16xi32>
      %swap3A_403 = vector.shape_cast %get3A_399 : vector<16xi32> to vector<16xi32>
      tpu.vector_store %arg9[%swap3A_400], %swap3A_403 {strides = array<i32>} : memref<64xi32, #tpu.memory_space<vmem>>, vector<16xi32>,
      %mul3A_404 = arith.constant 64 : i32
      %mul3A_405 = arith.muli %add3A_389, %mul3A_404 : i32
      %add3A_406 = arith.constant 16 : i32
      %add3A_407 = arith.addi %mul3A_405, %add3A_406 : i32
      %get3A_408 = arith.index_cast %add3A_407 : i32 to index
      %get3A_409 = tpu.vector_load %arg8[%get3A_408] {strides = array<i32>} : memref<5120xi32, #tpu.memory_space<vmem>>, vector<16xi32>,
      %get3A_410 = vector.shape_cast %get3A_409 : vector<16xi32> to vector<16xi32>
      %swap3A_411 = arith.constant 16 : index
      %swap3A_412 = tpu.vector_load %arg9[%swap3A_411] {strides = array<i32>} : memref<64xi32, #tpu.memory_space<vmem>>, vector<16xi32>,
      %swap3A_413 = vector.shape_cast %swap3A_412 : vector<16xi32> to vector<16xi32>
      %swap3A_414 = vector.shape_cast %get3A_410 : vector<16xi32> to vector<16xi32>
      tpu.vector_store %arg9[%swap3A_411], %swap3A_414 {strides = array<i32>} : memref<64xi32, #tpu.memory_space<vmem>>, vector<16xi32>,
      %mul3A_415 = arith.constant 64 : i32
      %mul3A_416 = arith.muli %add3A_389, %mul3A_415 : i32
      %add3A_417 = arith.constant 32 : i32
      %add3A_418 = arith.addi %mul3A_416, %add3A_417 : i32
      %get3A_419 = arith.index_cast %add3A_418 : i32 to index
      %get3A_420 = tpu.vector_load %arg8[%get3A_419] {strides = array<i32>} : memref<5120xi32, #tpu.memory_space<vmem>>, vector<16xi32>,
      %get3A_421 = vector.shape_cast %get3A_420 : vector<16xi32> to vector<16xi32>
      %swap3A_422 = arith.constant 32 : index
      %swap3A_423 = tpu.vector_load %arg9[%swap3A_422] {strides = array<i32>} : memref<64xi32, #tpu.memory_space<vmem>>, vector<16xi32>,
      %swap3A_424 = vector.shape_cast %swap3A_423 : vector<16xi32> to vector<16xi32>
      %swap3A_425 = vector.shape_cast %get3A_421 : vector<16xi32> to vector<16xi32>
      tpu.vector_store %arg9[%swap3A_422], %swap3A_425 {strides = array<i32>} : memref<64xi32, #tpu.memory_space<vmem>>, vector<16xi32>,
      %mul3A_426 = arith.constant 64 : i32
      %mul3A_427 = arith.muli %add3A_389, %mul3A_426 : i32
      %add3A_428 = arith.constant 48 : i32
      %add3A_429 = arith.addi %mul3A_427, %add3A_428 : i32
      %get3A_430 = arith.index_cast %add3A_429 : i32 to index
      %get3A_431 = tpu.vector_load %arg8[%get3A_430] {strides = array<i32>} : memref<5120xi32, #tpu.memory_space<vmem>>, vector<16xi32>,
      %get3A_432 = vector.shape_cast %get3A_431 : vector<16xi32> to vector<16xi32>
      %swap3A_433 = arith.constant 48 : index
      %swap3A_434 = tpu.vector_load %arg9[%swap3A_433] {strides = array<i32>} : memref<64xi32, #tpu.memory_space<vmem>>, vector<16xi32>,
      %swap3A_435 = vector.shape_cast %swap3A_434 : vector<16xi32> to vector<16xi32>
      %swap3A_436 = vector.shape_cast %get3A_432 : vector<16xi32> to vector<16xi32>
      tpu.vector_store %arg9[%swap3A_433], %swap3A_436 {strides = array<i32>} : memref<64xi32, #tpu.memory_space<vmem>>, vector<16xi32>,
      %mul3A_437 = arith.constant 64 : i32
      %mul3A_438 = arith.muli %add3A_389, %mul3A_437 : i32
      %dma_start3A_439 = tpu.memref_slice %arg7[%mul3A_438] : memref<5120xi32, #tpu.memory_space<vmem>> -> memref<64xi32, #tpu.memory_space<vmem>>
      %dma_start3A_440 = arith.constant 0 : i32
      %dma_start3A_441 = arith.constant 0 : i32
      %dma_start3A_442 = tpu.memref_slice %arg2[%dma_start3A_440, %dma_start3A_441] : memref<10000x128xf32, #tpu.memory_space<hbm>> -> memref<10000x128xf32, #tpu.memory_space<hbm>>
      tpu.enqueue_indirect_dma source(%dma_start3A_442 : memref<10000x128xf32, #tpu.memory_space<hbm>>) target(%arg13 : memref<64x128xf32, #tpu.memory_space<vmem>>) offsets(%dma_start3A_439 : memref<64xi32, #tpu.memory_space<vmem>>) semaphore(%arg18 : memref<!tpu.dma_semaphore, #tpu.memory_space<semaphore_mem>>)
      %sub3A = arith.constant 3 : i32
      %sub3A_443 = arith.subi %add3A_389, %sub3A : i32
      %mul3A_444 = arith.constant 64 : i32
      %mul3A_445 = arith.muli %sub3A_443, %mul3A_444 : i32
      %dma_wait3A_446 = tpu.memref_slice %arg7[%mul3A_445] : memref<5120xi32, #tpu.memory_space<vmem>> -> memref<64xi32, #tpu.memory_space<vmem>>
      %dma_wait3A_447 = arith.constant 0 : i32
      %dma_wait3A_448 = arith.constant 0 : i32
      %dma_wait3A_449 = tpu.memref_slice %arg2[%dma_wait3A_447, %dma_wait3A_448] : memref<10000x128xf32, #tpu.memory_space<hbm>> -> memref<10000x128xf32, #tpu.memory_space<hbm>>
      tpu.wait_indirect_dma semaphore(%arg19 : memref<!tpu.dma_semaphore, #tpu.memory_space<semaphore_mem>>) src(%dma_wait3A_449 : memref<10000x128xf32, #tpu.memory_space<hbm>>) dst(%arg14 : memref<64x128xf32, #tpu.memory_space<vmem>>)
      %dma_start3A_450 = arith.constant 0 : i32
      %dma_start3A_451 = arith.constant 0 : i32
      %dma_start3A_452 = tpu.memref_slice %arg17[%dma_start3A_450, %dma_start3A_451] : memref<10112x128xf32, #tpu.memory_space<vmem_shared>> -> memref<10112x128xf32, #tpu.memory_space<vmem_shared>>
      tpu.enqueue_indirect_dma source(%arg14 : memref<64x128xf32, #tpu.memory_space<vmem>>) target(%dma_start3A_452 : memref<10112x128xf32, #tpu.memory_space<vmem_shared>>) offsets(%arg10 : memref<64xi32, #tpu.memory_space<vmem>>) semaphore(%arg23 : memref<!tpu.dma_semaphore, #tpu.memory_space<semaphore_mem>>) {add = true}
      %mul3A_453 = arith.constant 4 : i32
      %mul3A_454 = arith.muli %add3A_385, %mul3A_453 : i32
      %add3A_455 = arith.constant 1 : i32
      %add3A_456 = arith.addi %mul3A_454, %add3A_455 : i32
      %dma_wait3A_457 = arith.constant 0 : i32
      %dma_wait3A_458 = arith.constant 0 : i32
      %dma_wait3A_459 = tpu.memref_slice %arg17[%dma_wait3A_457, %dma_wait3A_458] : memref<10112x128xf32, #tpu.memory_space<vmem_shared>> -> memref<10112x128xf32, #tpu.memory_space<vmem_shared>>
      tpu.wait_indirect_dma semaphore(%arg23 : memref<!tpu.dma_semaphore, #tpu.memory_space<semaphore_mem>>) src(%arg14 : memref<64x128xf32, #tpu.memory_space<vmem>>) dst(%dma_wait3A_459 : memref<10112x128xf32, #tpu.memory_space<vmem_shared>>)
      %mul3A_460 = arith.constant 64 : i32
      %mul3A_461 = arith.muli %add3A_456, %mul3A_460 : i32
      %add3A_462 = arith.constant 0 : i32
      %add3A_463 = arith.addi %mul3A_461, %add3A_462 : i32
      %get3A_464 = arith.index_cast %add3A_463 : i32 to index
      %get3A_465 = tpu.vector_load %arg8[%get3A_464] {strides = array<i32>} : memref<5120xi32, #tpu.memory_space<vmem>>, vector<16xi32>,
      %get3A_466 = vector.shape_cast %get3A_465 : vector<16xi32> to vector<16xi32>
      %swap3A_467 = arith.constant 0 : index
      %swap3A_468 = tpu.vector_load %arg10[%swap3A_467] {strides = array<i32>} : memref<64xi32, #tpu.memory_space<vmem>>, vector<16xi32>,
      %swap3A_469 = vector.shape_cast %swap3A_468 : vector<16xi32> to vector<16xi32>
      %swap3A_470 = vector.shape_cast %get3A_466 : vector<16xi32> to vector<16xi32>
      tpu.vector_store %arg10[%swap3A_467], %swap3A_470 {strides = array<i32>} : memref<64xi32, #tpu.memory_space<vmem>>, vector<16xi32>,
      %mul3A_471 = arith.constant 64 : i32
      %mul3A_472 = arith.muli %add3A_456, %mul3A_471 : i32
      %add3A_473 = arith.constant 16 : i32
      %add3A_474 = arith.addi %mul3A_472, %add3A_473 : i32
      %get3A_475 = arith.index_cast %add3A_474 : i32 to index
      %get3A_476 = tpu.vector_load %arg8[%get3A_475] {strides = array<i32>} : memref<5120xi32, #tpu.memory_space<vmem>>, vector<16xi32>,
      %get3A_477 = vector.shape_cast %get3A_476 : vector<16xi32> to vector<16xi32>
      %swap3A_478 = arith.constant 16 : index
      %swap3A_479 = tpu.vector_load %arg10[%swap3A_478] {strides = array<i32>} : memref<64xi32, #tpu.memory_space<vmem>>, vector<16xi32>,
      %swap3A_480 = vector.shape_cast %swap3A_479 : vector<16xi32> to vector<16xi32>
      %swap3A_481 = vector.shape_cast %get3A_477 : vector<16xi32> to vector<16xi32>
      tpu.vector_store %arg10[%swap3A_478], %swap3A_481 {strides = array<i32>} : memref<64xi32, #tpu.memory_space<vmem>>, vector<16xi32>,
      %mul3A_482 = arith.constant 64 : i32
      %mul3A_483 = arith.muli %add3A_456, %mul3A_482 : i32
      %add3A_484 = arith.constant 32 : i32
      %add3A_485 = arith.addi %mul3A_483, %add3A_484 : i32
      %get3A_486 = arith.index_cast %add3A_485 : i32 to index
      %get3A_487 = tpu.vector_load %arg8[%get3A_486] {strides = array<i32>} : memref<5120xi32, #tpu.memory_space<vmem>>, vector<16xi32>,
      %get3A_488 = vector.shape_cast %get3A_487 : vector<16xi32> to vector<16xi32>
      %swap3A_489 = arith.constant 32 : index
      %swap3A_490 = tpu.vector_load %arg10[%swap3A_489] {strides = array<i32>} : memref<64xi32, #tpu.memory_space<vmem>>, vector<16xi32>,
      %swap3A_491 = vector.shape_cast %swap3A_490 : vector<16xi32> to vector<16xi32>
      %swap3A_492 = vector.shape_cast %get3A_488 : vector<16xi32> to vector<16xi32>
      tpu.vector_store %arg10[%swap3A_489], %swap3A_492 {strides = array<i32>} : memref<64xi32, #tpu.memory_space<vmem>>, vector<16xi32>,
      %mul3A_493 = arith.constant 64 : i32
      %mul3A_494 = arith.muli %add3A_456, %mul3A_493 : i32
      %add3A_495 = arith.constant 48 : i32
      %add3A_496 = arith.addi %mul3A_494, %add3A_495 : i32
      %get3A_497 = arith.index_cast %add3A_496 : i32 to index
      %get3A_498 = tpu.vector_load %arg8[%get3A_497] {strides = array<i32>} : memref<5120xi32, #tpu.memory_space<vmem>>, vector<16xi32>,
      %get3A_499 = vector.shape_cast %get3A_498 : vector<16xi32> to vector<16xi32>
      %swap3A_500 = arith.constant 48 : index
      %swap3A_501 = tpu.vector_load %arg10[%swap3A_500] {strides = array<i32>} : memref<64xi32, #tpu.memory_space<vmem>>, vector<16xi32>,
      %swap3A_502 = vector.shape_cast %swap3A_501 : vector<16xi32> to vector<16xi32>
      %swap3A_503 = vector.shape_cast %get3A_499 : vector<16xi32> to vector<16xi32>
      tpu.vector_store %arg10[%swap3A_500], %swap3A_503 {strides = array<i32>} : memref<64xi32, #tpu.memory_space<vmem>>, vector<16xi32>,
      %mul3A_504 = arith.constant 64 : i32
      %mul3A_505 = arith.muli %add3A_456, %mul3A_504 : i32
      %dma_start3A_506 = tpu.memref_slice %arg7[%mul3A_505] : memref<5120xi32, #tpu.memory_space<vmem>> -> memref<64xi32, #tpu.memory_space<vmem>>
      %dma_start3A_507 = arith.constant 0 : i32
      %dma_start3A_508 = arith.constant 0 : i32
      %dma_start3A_509 = tpu.memref_slice %arg2[%dma_start3A_507, %dma_start3A_508] : memref<10000x128xf32, #tpu.memory_space<hbm>> -> memref<10000x128xf32, #tpu.memory_space<hbm>>
      tpu.enqueue_indirect_dma source(%dma_start3A_509 : memref<10000x128xf32, #tpu.memory_space<hbm>>) target(%arg14 : memref<64x128xf32, #tpu.memory_space<vmem>>) offsets(%dma_start3A_506 : memref<64xi32, #tpu.memory_space<vmem>>) semaphore(%arg19 : memref<!tpu.dma_semaphore, #tpu.memory_space<semaphore_mem>>)
      %sub3A_510 = arith.constant 3 : i32
      %sub3A_511 = arith.subi %add3A_456, %sub3A_510 : i32
      %mul3A_512 = arith.constant 64 : i32
      %mul3A_513 = arith.muli %sub3A_511, %mul3A_512 : i32
      %dma_wait3A_514 = tpu.memref_slice %arg7[%mul3A_513] : memref<5120xi32, #tpu.memory_space<vmem>> -> memref<64xi32, #tpu.memory_space<vmem>>
      %dma_wait3A_515 = arith.constant 0 : i32
      %dma_wait3A_516 = arith.constant 0 : i32
      %dma_wait3A_517 = tpu.memref_slice %arg2[%dma_wait3A_515, %dma_wait3A_516] : memref<10000x128xf32, #tpu.memory_space<hbm>> -> memref<10000x128xf32, #tpu.memory_space<hbm>>
      tpu.wait_indirect_dma semaphore(%arg20 : memref<!tpu.dma_semaphore, #tpu.memory_space<semaphore_mem>>) src(%dma_wait3A_517 : memref<10000x128xf32, #tpu.memory_space<hbm>>) dst(%arg15 : memref<64x128xf32, #tpu.memory_space<vmem>>)
      %dma_start3A_518 = arith.constant 0 : i32
      %dma_start3A_519 = arith.constant 0 : i32
      %dma_start3A_520 = tpu.memref_slice %arg17[%dma_start3A_518, %dma_start3A_519] : memref<10112x128xf32, #tpu.memory_space<vmem_shared>> -> memref<10112x128xf32, #tpu.memory_space<vmem_shared>>
      tpu.enqueue_indirect_dma source(%arg15 : memref<64x128xf32, #tpu.memory_space<vmem>>) target(%dma_start3A_520 : memref<10112x128xf32, #tpu.memory_space<vmem_shared>>) offsets(%arg11 : memref<64xi32, #tpu.memory_space<vmem>>) semaphore(%arg24 : memref<!tpu.dma_semaphore, #tpu.memory_space<semaphore_mem>>) {add = true}
      %mul3A_521 = arith.constant 4 : i32
      %mul3A_522 = arith.muli %add3A_385, %mul3A_521 : i32
      %add3A_523 = arith.constant 2 : i32
      %add3A_524 = arith.addi %mul3A_522, %add3A_523 : i32
      %dma_wait3A_525 = arith.constant 0 : i32
      %dma_wait3A_526 = arith.constant 0 : i32
      %dma_wait3A_527 = tpu.memref_slice %arg17[%dma_wait3A_525, %dma_wait3A_526] : memref<10112x128xf32, #tpu.memory_space<vmem_shared>> -> memref<10112x128xf32, #tpu.memory_space<vmem_shared>>
      tpu.wait_indirect_dma semaphore(%arg24 : memref<!tpu.dma_semaphore, #tpu.memory_space<semaphore_mem>>) src(%arg15 : memref<64x128xf32, #tpu.memory_space<vmem>>) dst(%dma_wait3A_527 : memref<10112x128xf32, #tpu.memory_space<vmem_shared>>)
      %mul3A_528 = arith.constant 64 : i32
      %mul3A_529 = arith.muli %add3A_524, %mul3A_528 : i32
      %add3A_530 = arith.constant 0 : i32
      %add3A_531 = arith.addi %mul3A_529, %add3A_530 : i32
      %get3A_532 = arith.index_cast %add3A_531 : i32 to index
      %get3A_533 = tpu.vector_load %arg8[%get3A_532] {strides = array<i32>} : memref<5120xi32, #tpu.memory_space<vmem>>, vector<16xi32>,
      %get3A_534 = vector.shape_cast %get3A_533 : vector<16xi32> to vector<16xi32>
      %swap3A_535 = arith.constant 0 : index
      %swap3A_536 = tpu.vector_load %arg11[%swap3A_535] {strides = array<i32>} : memref<64xi32, #tpu.memory_space<vmem>>, vector<16xi32>,
      %swap3A_537 = vector.shape_cast %swap3A_536 : vector<16xi32> to vector<16xi32>
      %swap3A_538 = vector.shape_cast %get3A_534 : vector<16xi32> to vector<16xi32>
      tpu.vector_store %arg11[%swap3A_535], %swap3A_538 {strides = array<i32>} : memref<64xi32, #tpu.memory_space<vmem>>, vector<16xi32>,
      %mul3A_539 = arith.constant 64 : i32
      %mul3A_540 = arith.muli %add3A_524, %mul3A_539 : i32
      %add3A_541 = arith.constant 16 : i32
      %add3A_542 = arith.addi %mul3A_540, %add3A_541 : i32
      %get3A_543 = arith.index_cast %add3A_542 : i32 to index
      %get3A_544 = tpu.vector_load %arg8[%get3A_543] {strides = array<i32>} : memref<5120xi32, #tpu.memory_space<vmem>>, vector<16xi32>,
      %get3A_545 = vector.shape_cast %get3A_544 : vector<16xi32> to vector<16xi32>
      %swap3A_546 = arith.constant 16 : index
      %swap3A_547 = tpu.vector_load %arg11[%swap3A_546] {strides = array<i32>} : memref<64xi32, #tpu.memory_space<vmem>>, vector<16xi32>,
      %swap3A_548 = vector.shape_cast %swap3A_547 : vector<16xi32> to vector<16xi32>
      %swap3A_549 = vector.shape_cast %get3A_545 : vector<16xi32> to vector<16xi32>
      tpu.vector_store %arg11[%swap3A_546], %swap3A_549 {strides = array<i32>} : memref<64xi32, #tpu.memory_space<vmem>>, vector<16xi32>,
      %mul3A_550 = arith.constant 64 : i32
      %mul3A_551 = arith.muli %add3A_524, %mul3A_550 : i32
      %add3A_552 = arith.constant 32 : i32
      %add3A_553 = arith.addi %mul3A_551, %add3A_552 : i32
      %get3A_554 = arith.index_cast %add3A_553 : i32 to index
      %get3A_555 = tpu.vector_load %arg8[%get3A_554] {strides = array<i32>} : memref<5120xi32, #tpu.memory_space<vmem>>, vector<16xi32>,
      %get3A_556 = vector.shape_cast %get3A_555 : vector<16xi32> to vector<16xi32>
      %swap3A_557 = arith.constant 32 : index
      %swap3A_558 = tpu.vector_load %arg11[%swap3A_557] {strides = array<i32>} : memref<64xi32, #tpu.memory_space<vmem>>, vector<16xi32>,
      %swap3A_559 = vector.shape_cast %swap3A_558 : vector<16xi32> to vector<16xi32>
      %swap3A_560 = vector.shape_cast %get3A_556 : vector<16xi32> to vector<16xi32>
      tpu.vector_store %arg11[%swap3A_557], %swap3A_560 {strides = array<i32>} : memref<64xi32, #tpu.memory_space<vmem>>, vector<16xi32>,
      %mul3A_561 = arith.constant 64 : i32
      %mul3A_562 = arith.muli %add3A_524, %mul3A_561 : i32
      %add3A_563 = arith.constant 48 : i32
      %add3A_564 = arith.addi %mul3A_562, %add3A_563 : i32
      %get3A_565 = arith.index_cast %add3A_564 : i32 to index
      %get3A_566 = tpu.vector_load %arg8[%get3A_565] {strides = array<i32>} : memref<5120xi32, #tpu.memory_space<vmem>>, vector<16xi32>,
      %get3A_567 = vector.shape_cast %get3A_566 : vector<16xi32> to vector<16xi32>
      %swap3A_568 = arith.constant 48 : index
      %swap3A_569 = tpu.vector_load %arg11[%swap3A_568] {strides = array<i32>} : memref<64xi32, #tpu.memory_space<vmem>>, vector<16xi32>,
      %swap3A_570 = vector.shape_cast %swap3A_569 : vector<16xi32> to vector<16xi32>
      %swap3A_571 = vector.shape_cast %get3A_567 : vector<16xi32> to vector<16xi32>
      tpu.vector_store %arg11[%swap3A_568], %swap3A_571 {strides = array<i32>} : memref<64xi32, #tpu.memory_space<vmem>>, vector<16xi32>,
      %mul3A_572 = arith.constant 64 : i32
      %mul3A_573 = arith.muli %add3A_524, %mul3A_572 : i32
      %dma_start3A_574 = tpu.memref_slice %arg7[%mul3A_573] : memref<5120xi32, #tpu.memory_space<vmem>> -> memref<64xi32, #tpu.memory_space<vmem>>
      %dma_start3A_575 = arith.constant 0 : i32
      %dma_start3A_576 = arith.constant 0 : i32
      %dma_start3A_577 = tpu.memref_slice %arg2[%dma_start3A_575, %dma_start3A_576] : memref<10000x128xf32, #tpu.memory_space<hbm>> -> memref<10000x128xf32, #tpu.memory_space<hbm>>
      tpu.enqueue_indirect_dma source(%dma_start3A_577 : memref<10000x128xf32, #tpu.memory_space<hbm>>) target(%arg15 : memref<64x128xf32, #tpu.memory_space<vmem>>) offsets(%dma_start3A_574 : memref<64xi32, #tpu.memory_space<vmem>>) semaphore(%arg20 : memref<!tpu.dma_semaphore, #tpu.memory_space<semaphore_mem>>)
      %sub3A_578 = arith.constant 3 : i32
      %sub3A_579 = arith.subi %add3A_524, %sub3A_578 : i32
      %mul3A_580 = arith.constant 64 : i32
      %mul3A_581 = arith.muli %sub3A_579, %mul3A_580 : i32
      %dma_wait3A_582 = tpu.memref_slice %arg7[%mul3A_581] : memref<5120xi32, #tpu.memory_space<vmem>> -> memref<64xi32, #tpu.memory_space<vmem>>
      %dma_wait3A_583 = arith.constant 0 : i32
      %dma_wait3A_584 = arith.constant 0 : i32
      %dma_wait3A_585 = tpu.memref_slice %arg2[%dma_wait3A_583, %dma_wait3A_584] : memref<10000x128xf32, #tpu.memory_space<hbm>> -> memref<10000x128xf32, #tpu.memory_space<hbm>>
      tpu.wait_indirect_dma semaphore(%arg21 : memref<!tpu.dma_semaphore, #tpu.memory_space<semaphore_mem>>) src(%dma_wait3A_585 : memref<10000x128xf32, #tpu.memory_space<hbm>>) dst(%arg16 : memref<64x128xf32, #tpu.memory_space<vmem>>)
      %dma_start3A_586 = arith.constant 0 : i32
      %dma_start3A_587 = arith.constant 0 : i32
      %dma_start3A_588 = tpu.memref_slice %arg17[%dma_start3A_586, %dma_start3A_587] : memref<10112x128xf32, #tpu.memory_space<vmem_shared>> -> memref<10112x128xf32, #tpu.memory_space<vmem_shared>>
      tpu.enqueue_indirect_dma source(%arg16 : memref<64x128xf32, #tpu.memory_space<vmem>>) target(%dma_start3A_588 : memref<10112x128xf32, #tpu.memory_space<vmem_shared>>) offsets(%arg12 : memref<64xi32, #tpu.memory_space<vmem>>) semaphore(%arg25 : memref<!tpu.dma_semaphore, #tpu.memory_space<semaphore_mem>>) {add = true}
      %mul3A_589 = arith.constant 4 : i32
      %mul3A_590 = arith.muli %add3A_385, %mul3A_589 : i32
      %add3A_591 = arith.constant 3 : i32
      %add3A_592 = arith.addi %mul3A_590, %add3A_591 : i32
      %dma_wait3A_593 = arith.constant 0 : i32
      %dma_wait3A_594 = arith.constant 0 : i32
      %dma_wait3A_595 = tpu.memref_slice %arg17[%dma_wait3A_593, %dma_wait3A_594] : memref<10112x128xf32, #tpu.memory_space<vmem_shared>> -> memref<10112x128xf32, #tpu.memory_space<vmem_shared>>
      tpu.wait_indirect_dma semaphore(%arg25 : memref<!tpu.dma_semaphore, #tpu.memory_space<semaphore_mem>>) src(%arg16 : memref<64x128xf32, #tpu.memory_space<vmem>>) dst(%dma_wait3A_595 : memref<10112x128xf32, #tpu.memory_space<vmem_shared>>)
      %mul3A_596 = arith.constant 64 : i32
      %mul3A_597 = arith.muli %add3A_592, %mul3A_596 : i32
      %add3A_598 = arith.constant 0 : i32
      %add3A_599 = arith.addi %mul3A_597, %add3A_598 : i32
      %get3A_600 = arith.index_cast %add3A_599 : i32 to index
      %get3A_601 = tpu.vector_load %arg8[%get3A_600] {strides = array<i32>} : memref<5120xi32, #tpu.memory_space<vmem>>, vector<16xi32>,
      %get3A_602 = vector.shape_cast %get3A_601 : vector<16xi32> to vector<16xi32>
      %swap3A_603 = arith.constant 0 : index
      %swap3A_604 = tpu.vector_load %arg12[%swap3A_603] {strides = array<i32>} : memref<64xi32, #tpu.memory_space<vmem>>, vector<16xi32>,
      %swap3A_605 = vector.shape_cast %swap3A_604 : vector<16xi32> to vector<16xi32>
      %swap3A_606 = vector.shape_cast %get3A_602 : vector<16xi32> to vector<16xi32>
      tpu.vector_store %arg12[%swap3A_603], %swap3A_606 {strides = array<i32>} : memref<64xi32, #tpu.memory_space<vmem>>, vector<16xi32>,
      %mul3A_607 = arith.constant 64 : i32
      %mul3A_608 = arith.muli %add3A_592, %mul3A_607 : i32
      %add3A_609 = arith.constant 16 : i32
      %add3A_610 = arith.addi %mul3A_608, %add3A_609 : i32
      %get3A_611 = arith.index_cast %add3A_610 : i32 to index
      %get3A_612 = tpu.vector_load %arg8[%get3A_611] {strides = array<i32>} : memref<5120xi32, #tpu.memory_space<vmem>>, vector<16xi32>,
      %get3A_613 = vector.shape_cast %get3A_612 : vector<16xi32> to vector<16xi32>
      %swap3A_614 = arith.constant 16 : index
      %swap3A_615 = tpu.vector_load %arg12[%swap3A_614] {strides = array<i32>} : memref<64xi32, #tpu.memory_space<vmem>>, vector<16xi32>,
      %swap3A_616 = vector.shape_cast %swap3A_615 : vector<16xi32> to vector<16xi32>
      %swap3A_617 = vector.shape_cast %get3A_613 : vector<16xi32> to vector<16xi32>
      tpu.vector_store %arg12[%swap3A_614], %swap3A_617 {strides = array<i32>} : memref<64xi32, #tpu.memory_space<vmem>>, vector<16xi32>,
      %mul3A_618 = arith.constant 64 : i32
      %mul3A_619 = arith.muli %add3A_592, %mul3A_618 : i32
      %add3A_620 = arith.constant 32 : i32
      %add3A_621 = arith.addi %mul3A_619, %add3A_620 : i32
      %get3A_622 = arith.index_cast %add3A_621 : i32 to index
      %get3A_623 = tpu.vector_load %arg8[%get3A_622] {strides = array<i32>} : memref<5120xi32, #tpu.memory_space<vmem>>, vector<16xi32>,
      %get3A_624 = vector.shape_cast %get3A_623 : vector<16xi32> to vector<16xi32>
      %swap3A_625 = arith.constant 32 : index
      %swap3A_626 = tpu.vector_load %arg12[%swap3A_625] {strides = array<i32>} : memref<64xi32, #tpu.memory_space<vmem>>, vector<16xi32>,
      %swap3A_627 = vector.shape_cast %swap3A_626 : vector<16xi32> to vector<16xi32>
      %swap3A_628 = vector.shape_cast %get3A_624 : vector<16xi32> to vector<16xi32>
      tpu.vector_store %arg12[%swap3A_625], %swap3A_628 {strides = array<i32>} : memref<64xi32, #tpu.memory_space<vmem>>, vector<16xi32>,
      %mul3A_629 = arith.constant 64 : i32
      %mul3A_630 = arith.muli %add3A_592, %mul3A_629 : i32
      %add3A_631 = arith.constant 48 : i32
      %add3A_632 = arith.addi %mul3A_630, %add3A_631 : i32
      %get3A_633 = arith.index_cast %add3A_632 : i32 to index
      %get3A_634 = tpu.vector_load %arg8[%get3A_633] {strides = array<i32>} : memref<5120xi32, #tpu.memory_space<vmem>>, vector<16xi32>,
      %get3A_635 = vector.shape_cast %get3A_634 : vector<16xi32> to vector<16xi32>
      %swap3A_636 = arith.constant 48 : index
      %swap3A_637 = tpu.vector_load %arg12[%swap3A_636] {strides = array<i32>} : memref<64xi32, #tpu.memory_space<vmem>>, vector<16xi32>,
      %swap3A_638 = vector.shape_cast %swap3A_637 : vector<16xi32> to vector<16xi32>
      %swap3A_639 = vector.shape_cast %get3A_635 : vector<16xi32> to vector<16xi32>
      tpu.vector_store %arg12[%swap3A_636], %swap3A_639 {strides = array<i32>} : memref<64xi32, #tpu.memory_space<vmem>>, vector<16xi32>,
      %mul3A_640 = arith.constant 64 : i32
      %mul3A_641 = arith.muli %add3A_592, %mul3A_640 : i32
      %dma_start3A_642 = tpu.memref_slice %arg7[%mul3A_641] : memref<5120xi32, #tpu.memory_space<vmem>> -> memref<64xi32, #tpu.memory_space<vmem>>
      %dma_start3A_643 = arith.constant 0 : i32
      %dma_start3A_644 = arith.constant 0 : i32
      %dma_start3A_645 = tpu.memref_slice %arg2[%dma_start3A_643, %dma_start3A_644] : memref<10000x128xf32, #tpu.memory_space<hbm>> -> memref<10000x128xf32, #tpu.memory_space<hbm>>
      tpu.enqueue_indirect_dma source(%dma_start3A_645 : memref<10000x128xf32, #tpu.memory_space<hbm>>) target(%arg16 : memref<64x128xf32, #tpu.memory_space<vmem>>) offsets(%dma_start3A_642 : memref<64xi32, #tpu.memory_space<vmem>>) semaphore(%arg21 : memref<!tpu.dma_semaphore, #tpu.memory_space<semaphore_mem>>)
      %sub3A_646 = arith.constant 3 : i32
      %sub3A_647 = arith.subi %add3A_592, %sub3A_646 : i32
      %mul3A_648 = arith.constant 64 : i32
      %mul3A_649 = arith.muli %sub3A_647, %mul3A_648 : i32
      %dma_wait3A_650 = tpu.memref_slice %arg7[%mul3A_649] : memref<5120xi32, #tpu.memory_space<vmem>> -> memref<64xi32, #tpu.memory_space<vmem>>
      %dma_wait3A_651 = arith.constant 0 : i32
      %dma_wait3A_652 = arith.constant 0 : i32
      %dma_wait3A_653 = tpu.memref_slice %arg2[%dma_wait3A_651, %dma_wait3A_652] : memref<10000x128xf32, #tpu.memory_space<hbm>> -> memref<10000x128xf32, #tpu.memory_space<hbm>>
      tpu.wait_indirect_dma semaphore(%arg18 : memref<!tpu.dma_semaphore, #tpu.memory_space<semaphore_mem>>) src(%dma_wait3A_653 : memref<10000x128xf32, #tpu.memory_space<hbm>>) dst(%arg13 : memref<64x128xf32, #tpu.memory_space<vmem>>)
      %dma_start3A_654 = arith.constant 0 : i32
      %dma_start3A_655 = arith.constant 0 : i32
      %dma_start3A_656 = tpu.memref_slice %arg17[%dma_start3A_654, %dma_start3A_655] : memref<10112x128xf32, #tpu.memory_space<vmem_shared>> -> memref<10112x128xf32, #tpu.memory_space<vmem_shared>>
      tpu.enqueue_indirect_dma source(%arg13 : memref<64x128xf32, #tpu.memory_space<vmem>>) target(%dma_start3A_656 : memref<10112x128xf32, #tpu.memory_space<vmem_shared>>) offsets(%arg9 : memref<64xi32, #tpu.memory_space<vmem>>) semaphore(%arg22 : memref<!tpu.dma_semaphore, #tpu.memory_space<semaphore_mem>>) {add = true}
    }
    %scan3A_150 = arith.constant 19 : i32
    %dma_wait3A_151 = arith.constant 4928 : i32
    %dma_wait3A_152 = tpu.memref_slice %arg7[%dma_wait3A_151] : memref<5120xi32, #tpu.memory_space<vmem>> -> memref<64xi32, #tpu.memory_space<vmem>>
    %dma_wait3A_153 = arith.constant 0 : i32
    %dma_wait3A_154 = arith.constant 0 : i32
    %dma_wait3A_155 = tpu.memref_slice %arg2[%dma_wait3A_153, %dma_wait3A_154] : memref<10000x128xf32, #tpu.memory_space<hbm>> -> memref<10000x128xf32, #tpu.memory_space<hbm>>
    tpu.wait_indirect_dma semaphore(%arg19 : memref<!tpu.dma_semaphore, #tpu.memory_space<semaphore_mem>>) src(%dma_wait3A_155 : memref<10000x128xf32, #tpu.memory_space<hbm>>) dst(%arg14 : memref<64x128xf32, #tpu.memory_space<vmem>>)
    %dma_start3A_156 = arith.constant 0 : i32
    %dma_start3A_157 = arith.constant 0 : i32
    %dma_start3A_158 = tpu.memref_slice %arg17[%dma_start3A_156, %dma_start3A_157] : memref<10112x128xf32, #tpu.memory_space<vmem_shared>> -> memref<10112x128xf32, #tpu.memory_space<vmem_shared>>
    tpu.enqueue_indirect_dma source(%arg14 : memref<64x128xf32, #tpu.memory_space<vmem>>) target(%dma_start3A_158 : memref<10112x128xf32, #tpu.memory_space<vmem_shared>>) offsets(%arg10 : memref<64xi32, #tpu.memory_space<vmem>>) semaphore(%arg23 : memref<!tpu.dma_semaphore, #tpu.memory_space<semaphore_mem>>) {add = true}
    %dma_wait3A_159 = arith.constant 4992 : i32
    %dma_wait3A_160 = tpu.memref_slice %arg7[%dma_wait3A_159] : memref<5120xi32, #tpu.memory_space<vmem>> -> memref<64xi32, #tpu.memory_space<vmem>>
    %dma_wait3A_161 = arith.constant 0 : i32
    %dma_wait3A_162 = arith.constant 0 : i32
    %dma_wait3A_163 = tpu.memref_slice %arg2[%dma_wait3A_161, %dma_wait3A_162] : memref<10000x128xf32, #tpu.memory_space<hbm>> -> memref<10000x128xf32, #tpu.memory_space<hbm>>
    tpu.wait_indirect_dma semaphore(%arg20 : memref<!tpu.dma_semaphore, #tpu.memory_space<semaphore_mem>>) src(%dma_wait3A_163 : memref<10000x128xf32, #tpu.memory_space<hbm>>) dst(%arg15 : memref<64x128xf32, #tpu.memory_space<vmem>>)
    %dma_start3A_164 = arith.constant 0 : i32
    %dma_start3A_165 = arith.constant 0 : i32
    %dma_start3A_166 = tpu.memref_slice %arg17[%dma_start3A_164, %dma_start3A_165] : memref<10112x128xf32, #tpu.memory_space<vmem_shared>> -> memref<10112x128xf32, #tpu.memory_space<vmem_shared>>
    tpu.enqueue_indirect_dma source(%arg15 : memref<64x128xf32, #tpu.memory_space<vmem>>) target(%dma_start3A_166 : memref<10112x128xf32, #tpu.memory_space<vmem_shared>>) offsets(%arg11 : memref<64xi32, #tpu.memory_space<vmem>>) semaphore(%arg24 : memref<!tpu.dma_semaphore, #tpu.memory_space<semaphore_mem>>) {add = true}
    %dma_wait3A_167 = arith.constant 5056 : i32
    %dma_wait3A_168 = tpu.memref_slice %arg7[%dma_wait3A_167] : memref<5120xi32, #tpu.memory_space<vmem>> -> memref<64xi32, #tpu.memory_space<vmem>>
    %dma_wait3A_169 = arith.constant 0 : i32
    %dma_wait3A_170 = arith.constant 0 : i32
    %dma_wait3A_171 = tpu.memref_slice %arg2[%dma_wait3A_169, %dma_wait3A_170] : memref<10000x128xf32, #tpu.memory_space<hbm>> -> memref<10000x128xf32, #tpu.memory_space<hbm>>
    tpu.wait_indirect_dma semaphore(%arg21 : memref<!tpu.dma_semaphore, #tpu.memory_space<semaphore_mem>>) src(%dma_wait3A_171 : memref<10000x128xf32, #tpu.memory_space<hbm>>) dst(%arg16 : memref<64x128xf32, #tpu.memory_space<vmem>>)
    %dma_start3A_172 = arith.constant 0 : i32
    %dma_start3A_173 = arith.constant 0 : i32
    %dma_start3A_174 = tpu.memref_slice %arg17[%dma_start3A_172, %dma_start3A_173] : memref<10112x128xf32, #tpu.memory_space<vmem_shared>> -> memref<10112x128xf32, #tpu.memory_space<vmem_shared>>
    tpu.enqueue_indirect_dma source(%arg16 : memref<64x128xf32, #tpu.memory_space<vmem>>) target(%dma_start3A_174 : memref<10112x128xf32, #tpu.memory_space<vmem_shared>>) offsets(%arg12 : memref<64xi32, #tpu.memory_space<vmem>>) semaphore(%arg25 : memref<!tpu.dma_semaphore, #tpu.memory_space<semaphore_mem>>) {add = true}
    %mul3A_175 = arith.constant 10240 : i32
    %mul3A_176 = arith.muli %add3A, %mul3A_175 : i32
    %add3A_177 = arith.constant 5120 : i32
    %add3A_178 = arith.addi %mul3A_176, %add3A_177 : i32
    "tpu.region"() ({
      %run_scoped3A = tpu.sem_alloc : memref<!tpu.dma_semaphore, #tpu.memory_space<semaphore_mem>>
      %dma_start3A_381 = tpu.memref_slice %arg3[%add3A_178] : memref<327680xi32, #tpu.memory_space<hbm>> -> memref<5120xi32, #tpu.memory_space<hbm>>
      %dma_start3A_382 = tpu.memref_slice %arg3[%add3A_178] : memref<327680xi32, #tpu.memory_space<hbm>> -> memref<5120xi32, #tpu.memory_space<hbm>>
      tpu.enqueue_dma source(%dma_start3A_382 : memref<5120xi32, #tpu.memory_space<hbm>>) target(%arg7 : memref<5120xi32, #tpu.memory_space<vmem>>) target_semaphore(%run_scoped3A : memref<!tpu.dma_semaphore, #tpu.memory_space<semaphore_mem>>)
      %dma_wait3A_383 = tpu.memref_slice %arg3[%add3A_178] : memref<327680xi32, #tpu.memory_space<hbm>> -> memref<5120xi32, #tpu.memory_space<hbm>>
      %dma_wait3A_384 = tpu.memref_slice %arg3[%add3A_178] : memref<327680xi32, #tpu.memory_space<hbm>> -> memref<5120xi32, #tpu.memory_space<hbm>>
      tpu.wait_dma2 semaphore(%run_scoped3A : memref<!tpu.dma_semaphore, #tpu.memory_space<semaphore_mem>>) src(%dma_wait3A_384 : memref<5120xi32, #tpu.memory_space<hbm>>) dst(%arg7 : memref<5120xi32, #tpu.memory_space<vmem>>)
      tpu.yield
    }) : () -> ()
    %mul3A_179 = arith.constant 10240 : i32
    %mul3A_180 = arith.muli %add3A, %mul3A_179 : i32
    %add3A_181 = arith.constant 5120 : i32
    %add3A_182 = arith.addi %mul3A_180, %add3A_181 : i32
    "tpu.region"() ({
      %run_scoped3A = tpu.sem_alloc : memref<!tpu.dma_semaphore, #tpu.memory_space<semaphore_mem>>
      %dma_start3A_381 = tpu.memref_slice %arg4[%add3A_182] : memref<327680xi32, #tpu.memory_space<hbm>> -> memref<5120xi32, #tpu.memory_space<hbm>>
      %dma_start3A_382 = tpu.memref_slice %arg4[%add3A_182] : memref<327680xi32, #tpu.memory_space<hbm>> -> memref<5120xi32, #tpu.memory_space<hbm>>
      tpu.enqueue_dma source(%dma_start3A_382 : memref<5120xi32, #tpu.memory_space<hbm>>) target(%arg8 : memref<5120xi32, #tpu.memory_space<vmem>>) target_semaphore(%run_scoped3A : memref<!tpu.dma_semaphore, #tpu.memory_space<semaphore_mem>>)
      %dma_wait3A_383 = tpu.memref_slice %arg4[%add3A_182] : memref<327680xi32, #tpu.memory_space<hbm>> -> memref<5120xi32, #tpu.memory_space<hbm>>
      %dma_wait3A_384 = tpu.memref_slice %arg4[%add3A_182] : memref<327680xi32, #tpu.memory_space<hbm>> -> memref<5120xi32, #tpu.memory_space<hbm>>
      tpu.wait_dma2 semaphore(%run_scoped3A : memref<!tpu.dma_semaphore, #tpu.memory_space<semaphore_mem>>) src(%dma_wait3A_384 : memref<5120xi32, #tpu.memory_space<hbm>>) dst(%arg8 : memref<5120xi32, #tpu.memory_space<vmem>>)
      tpu.yield
    }) : () -> ()
    %dma_wait3A_183 = arith.constant 0 : i32
    %dma_wait3A_184 = arith.constant 0 : i32
    %dma_wait3A_185 = tpu.memref_slice %arg17[%dma_wait3A_183, %dma_wait3A_184] : memref<10112x128xf32, #tpu.memory_space<vmem_shared>> -> memref<10112x128xf32, #tpu.memory_space<vmem_shared>>
    tpu.wait_indirect_dma semaphore(%arg22 : memref<!tpu.dma_semaphore, #tpu.memory_space<semaphore_mem>>) src(%arg13 : memref<64x128xf32, #tpu.memory_space<vmem>>) dst(%dma_wait3A_185 : memref<10112x128xf32, #tpu.memory_space<vmem_shared>>)
    %get3A_186 = arith.constant 0 : index
    %get3A_187 = tpu.vector_load %arg8[%get3A_186] {strides = array<i32>} : memref<5120xi32, #tpu.memory_space<vmem>>, vector<16xi32>,
    %get3A_188 = vector.shape_cast %get3A_187 : vector<16xi32> to vector<16xi32>
    %swap3A_189 = arith.constant 0 : index
    %swap3A_190 = tpu.vector_load %arg9[%swap3A_189] {strides = array<i32>} : memref<64xi32, #tpu.memory_space<vmem>>, vector<16xi32>,
    %swap3A_191 = vector.shape_cast %swap3A_190 : vector<16xi32> to vector<16xi32>
    %swap3A_192 = vector.shape_cast %get3A_188 : vector<16xi32> to vector<16xi32>
    tpu.vector_store %arg9[%swap3A_189], %swap3A_192 {strides = array<i32>} : memref<64xi32, #tpu.memory_space<vmem>>, vector<16xi32>,
    %get3A_193 = arith.constant 16 : index
    %get3A_194 = tpu.vector_load %arg8[%get3A_193] {strides = array<i32>} : memref<5120xi32, #tpu.memory_space<vmem>>, vector<16xi32>,
    %get3A_195 = vector.shape_cast %get3A_194 : vector<16xi32> to vector<16xi32>
    %swap3A_196 = arith.constant 16 : index
    %swap3A_197 = tpu.vector_load %arg9[%swap3A_196] {strides = array<i32>} : memref<64xi32, #tpu.memory_space<vmem>>, vector<16xi32>,
    %swap3A_198 = vector.shape_cast %swap3A_197 : vector<16xi32> to vector<16xi32>
    %swap3A_199 = vector.shape_cast %get3A_195 : vector<16xi32> to vector<16xi32>
    tpu.vector_store %arg9[%swap3A_196], %swap3A_199 {strides = array<i32>} : memref<64xi32, #tpu.memory_space<vmem>>, vector<16xi32>,
    %get3A_200 = arith.constant 32 : index
    %get3A_201 = tpu.vector_load %arg8[%get3A_200] {strides = array<i32>} : memref<5120xi32, #tpu.memory_space<vmem>>, vector<16xi32>,
    %get3A_202 = vector.shape_cast %get3A_201 : vector<16xi32> to vector<16xi32>
    %swap3A_203 = arith.constant 32 : index
    %swap3A_204 = tpu.vector_load %arg9[%swap3A_203] {strides = array<i32>} : memref<64xi32, #tpu.memory_space<vmem>>, vector<16xi32>,
    %swap3A_205 = vector.shape_cast %swap3A_204 : vector<16xi32> to vector<16xi32>
    %swap3A_206 = vector.shape_cast %get3A_202 : vector<16xi32> to vector<16xi32>
    tpu.vector_store %arg9[%swap3A_203], %swap3A_206 {strides = array<i32>} : memref<64xi32, #tpu.memory_space<vmem>>, vector<16xi32>,
    %get3A_207 = arith.constant 48 : index
    %get3A_208 = tpu.vector_load %arg8[%get3A_207] {strides = array<i32>} : memref<5120xi32, #tpu.memory_space<vmem>>, vector<16xi32>,
    %get3A_209 = vector.shape_cast %get3A_208 : vector<16xi32> to vector<16xi32>
    %swap3A_210 = arith.constant 48 : index
    %swap3A_211 = tpu.vector_load %arg9[%swap3A_210] {strides = array<i32>} : memref<64xi32, #tpu.memory_space<vmem>>, vector<16xi32>,
    %swap3A_212 = vector.shape_cast %swap3A_211 : vector<16xi32> to vector<16xi32>
    %swap3A_213 = vector.shape_cast %get3A_209 : vector<16xi32> to vector<16xi32>
    tpu.vector_store %arg9[%swap3A_210], %swap3A_213 {strides = array<i32>} : memref<64xi32, #tpu.memory_space<vmem>>, vector<16xi32>,
    %dma_start3A_214 = arith.constant 0 : i32
    %dma_start3A_215 = tpu.memref_slice %arg7[%dma_start3A_214] : memref<5120xi32, #tpu.memory_space<vmem>> -> memref<64xi32, #tpu.memory_space<vmem>>
    %dma_start3A_216 = arith.constant 0 : i32
    %dma_start3A_217 = arith.constant 0 : i32
    %dma_start3A_218 = tpu.memref_slice %arg2[%dma_start3A_216, %dma_start3A_217] : memref<10000x128xf32, #tpu.memory_space<hbm>> -> memref<10000x128xf32, #tpu.memory_space<hbm>>
    tpu.enqueue_indirect_dma source(%dma_start3A_218 : memref<10000x128xf32, #tpu.memory_space<hbm>>) target(%arg13 : memref<64x128xf32, #tpu.memory_space<vmem>>) offsets(%dma_start3A_215 : memref<64xi32, #tpu.memory_space<vmem>>) semaphore(%arg18 : memref<!tpu.dma_semaphore, #tpu.memory_space<semaphore_mem>>)
    %dma_wait3A_219 = arith.constant 0 : i32
    %dma_wait3A_220 = arith.constant 0 : i32
    %dma_wait3A_221 = tpu.memref_slice %arg17[%dma_wait3A_219, %dma_wait3A_220] : memref<10112x128xf32, #tpu.memory_space<vmem_shared>> -> memref<10112x128xf32, #tpu.memory_space<vmem_shared>>
    tpu.wait_indirect_dma semaphore(%arg23 : memref<!tpu.dma_semaphore, #tpu.memory_space<semaphore_mem>>) src(%arg14 : memref<64x128xf32, #tpu.memory_space<vmem>>) dst(%dma_wait3A_221 : memref<10112x128xf32, #tpu.memory_space<vmem_shared>>)
    %get3A_222 = arith.constant 64 : index
    %get3A_223 = tpu.vector_load %arg8[%get3A_222] {strides = array<i32>} : memref<5120xi32, #tpu.memory_space<vmem>>, vector<16xi32>,
    %get3A_224 = vector.shape_cast %get3A_223 : vector<16xi32> to vector<16xi32>
    %swap3A_225 = arith.constant 0 : index
    %swap3A_226 = tpu.vector_load %arg10[%swap3A_225] {strides = array<i32>} : memref<64xi32, #tpu.memory_space<vmem>>, vector<16xi32>,
    %swap3A_227 = vector.shape_cast %swap3A_226 : vector<16xi32> to vector<16xi32>
    %swap3A_228 = vector.shape_cast %get3A_224 : vector<16xi32> to vector<16xi32>
    tpu.vector_store %arg10[%swap3A_225], %swap3A_228 {strides = array<i32>} : memref<64xi32, #tpu.memory_space<vmem>>, vector<16xi32>,
    %get3A_229 = arith.constant 80 : index
    %get3A_230 = tpu.vector_load %arg8[%get3A_229] {strides = array<i32>} : memref<5120xi32, #tpu.memory_space<vmem>>, vector<16xi32>,
    %get3A_231 = vector.shape_cast %get3A_230 : vector<16xi32> to vector<16xi32>
    %swap3A_232 = arith.constant 16 : index
    %swap3A_233 = tpu.vector_load %arg10[%swap3A_232] {strides = array<i32>} : memref<64xi32, #tpu.memory_space<vmem>>, vector<16xi32>,
    %swap3A_234 = vector.shape_cast %swap3A_233 : vector<16xi32> to vector<16xi32>
    %swap3A_235 = vector.shape_cast %get3A_231 : vector<16xi32> to vector<16xi32>
    tpu.vector_store %arg10[%swap3A_232], %swap3A_235 {strides = array<i32>} : memref<64xi32, #tpu.memory_space<vmem>>, vector<16xi32>,
    %get3A_236 = arith.constant 96 : index
    %get3A_237 = tpu.vector_load %arg8[%get3A_236] {strides = array<i32>} : memref<5120xi32, #tpu.memory_space<vmem>>, vector<16xi32>,
    %get3A_238 = vector.shape_cast %get3A_237 : vector<16xi32> to vector<16xi32>
    %swap3A_239 = arith.constant 32 : index
    %swap3A_240 = tpu.vector_load %arg10[%swap3A_239] {strides = array<i32>} : memref<64xi32, #tpu.memory_space<vmem>>, vector<16xi32>,
    %swap3A_241 = vector.shape_cast %swap3A_240 : vector<16xi32> to vector<16xi32>
    %swap3A_242 = vector.shape_cast %get3A_238 : vector<16xi32> to vector<16xi32>
    tpu.vector_store %arg10[%swap3A_239], %swap3A_242 {strides = array<i32>} : memref<64xi32, #tpu.memory_space<vmem>>, vector<16xi32>,
    %get3A_243 = arith.constant 112 : index
    %get3A_244 = tpu.vector_load %arg8[%get3A_243] {strides = array<i32>} : memref<5120xi32, #tpu.memory_space<vmem>>, vector<16xi32>,
    %get3A_245 = vector.shape_cast %get3A_244 : vector<16xi32> to vector<16xi32>
    %swap3A_246 = arith.constant 48 : index
    %swap3A_247 = tpu.vector_load %arg10[%swap3A_246] {strides = array<i32>} : memref<64xi32, #tpu.memory_space<vmem>>, vector<16xi32>,
    %swap3A_248 = vector.shape_cast %swap3A_247 : vector<16xi32> to vector<16xi32>
    %swap3A_249 = vector.shape_cast %get3A_245 : vector<16xi32> to vector<16xi32>
    tpu.vector_store %arg10[%swap3A_246], %swap3A_249 {strides = array<i32>} : memref<64xi32, #tpu.memory_space<vmem>>, vector<16xi32>,
    %dma_start3A_250 = arith.constant 64 : i32
    %dma_start3A_251 = tpu.memref_slice %arg7[%dma_start3A_250] : memref<5120xi32, #tpu.memory_space<vmem>> -> memref<64xi32, #tpu.memory_space<vmem>>
    %dma_start3A_252 = arith.constant 0 : i32
    %dma_start3A_253 = arith.constant 0 : i32
    %dma_start3A_254 = tpu.memref_slice %arg2[%dma_start3A_252, %dma_start3A_253] : memref<10000x128xf32, #tpu.memory_space<hbm>> -> memref<10000x128xf32, #tpu.memory_space<hbm>>
    tpu.enqueue_indirect_dma source(%dma_start3A_254 : memref<10000x128xf32, #tpu.memory_space<hbm>>) target(%arg14 : memref<64x128xf32, #tpu.memory_space<vmem>>) offsets(%dma_start3A_251 : memref<64xi32, #tpu.memory_space<vmem>>) semaphore(%arg19 : memref<!tpu.dma_semaphore, #tpu.memory_space<semaphore_mem>>)
    %dma_wait3A_255 = arith.constant 0 : i32
    %dma_wait3A_256 = arith.constant 0 : i32
    %dma_wait3A_257 = tpu.memref_slice %arg17[%dma_wait3A_255, %dma_wait3A_256] : memref<10112x128xf32, #tpu.memory_space<vmem_shared>> -> memref<10112x128xf32, #tpu.memory_space<vmem_shared>>
    tpu.wait_indirect_dma semaphore(%arg24 : memref<!tpu.dma_semaphore, #tpu.memory_space<semaphore_mem>>) src(%arg15 : memref<64x128xf32, #tpu.memory_space<vmem>>) dst(%dma_wait3A_257 : memref<10112x128xf32, #tpu.memory_space<vmem_shared>>)
    %get3A_258 = arith.constant 128 : index
    %get3A_259 = tpu.vector_load %arg8[%get3A_258] {strides = array<i32>} : memref<5120xi32, #tpu.memory_space<vmem>>, vector<16xi32>,
    %get3A_260 = vector.shape_cast %get3A_259 : vector<16xi32> to vector<16xi32>
    %swap3A_261 = arith.constant 0 : index
    %swap3A_262 = tpu.vector_load %arg11[%swap3A_261] {strides = array<i32>} : memref<64xi32, #tpu.memory_space<vmem>>, vector<16xi32>,
    %swap3A_263 = vector.shape_cast %swap3A_262 : vector<16xi32> to vector<16xi32>
    %swap3A_264 = vector.shape_cast %get3A_260 : vector<16xi32> to vector<16xi32>
    tpu.vector_store %arg11[%swap3A_261], %swap3A_264 {strides = array<i32>} : memref<64xi32, #tpu.memory_space<vmem>>, vector<16xi32>,
    %get3A_265 = arith.constant 144 : index
    %get3A_266 = tpu.vector_load %arg8[%get3A_265] {strides = array<i32>} : memref<5120xi32, #tpu.memory_space<vmem>>, vector<16xi32>,
    %get3A_267 = vector.shape_cast %get3A_266 : vector<16xi32> to vector<16xi32>
    %swap3A_268 = arith.constant 16 : index
    %swap3A_269 = tpu.vector_load %arg11[%swap3A_268] {strides = array<i32>} : memref<64xi32, #tpu.memory_space<vmem>>, vector<16xi32>,
    %swap3A_270 = vector.shape_cast %swap3A_269 : vector<16xi32> to vector<16xi32>
    %swap3A_271 = vector.shape_cast %get3A_267 : vector<16xi32> to vector<16xi32>
    tpu.vector_store %arg11[%swap3A_268], %swap3A_271 {strides = array<i32>} : memref<64xi32, #tpu.memory_space<vmem>>, vector<16xi32>,
    %get3A_272 = arith.constant 160 : index
    %get3A_273 = tpu.vector_load %arg8[%get3A_272] {strides = array<i32>} : memref<5120xi32, #tpu.memory_space<vmem>>, vector<16xi32>,
    %get3A_274 = vector.shape_cast %get3A_273 : vector<16xi32> to vector<16xi32>
    %swap3A_275 = arith.constant 32 : index
    %swap3A_276 = tpu.vector_load %arg11[%swap3A_275] {strides = array<i32>} : memref<64xi32, #tpu.memory_space<vmem>>, vector<16xi32>,
    %swap3A_277 = vector.shape_cast %swap3A_276 : vector<16xi32> to vector<16xi32>
    %swap3A_278 = vector.shape_cast %get3A_274 : vector<16xi32> to vector<16xi32>
    tpu.vector_store %arg11[%swap3A_275], %swap3A_278 {strides = array<i32>} : memref<64xi32, #tpu.memory_space<vmem>>, vector<16xi32>,
    %get3A_279 = arith.constant 176 : index
    %get3A_280 = tpu.vector_load %arg8[%get3A_279] {strides = array<i32>} : memref<5120xi32, #tpu.memory_space<vmem>>, vector<16xi32>,
    %get3A_281 = vector.shape_cast %get3A_280 : vector<16xi32> to vector<16xi32>
    %swap3A_282 = arith.constant 48 : index
    %swap3A_283 = tpu.vector_load %arg11[%swap3A_282] {strides = array<i32>} : memref<64xi32, #tpu.memory_space<vmem>>, vector<16xi32>,
    %swap3A_284 = vector.shape_cast %swap3A_283 : vector<16xi32> to vector<16xi32>
    %swap3A_285 = vector.shape_cast %get3A_281 : vector<16xi32> to vector<16xi32>
    tpu.vector_store %arg11[%swap3A_282], %swap3A_285 {strides = array<i32>} : memref<64xi32, #tpu.memory_space<vmem>>, vector<16xi32>,
    %dma_start3A_286 = arith.constant 128 : i32
    %dma_start3A_287 = tpu.memref_slice %arg7[%dma_start3A_286] : memref<5120xi32, #tpu.memory_space<vmem>> -> memref<64xi32, #tpu.memory_space<vmem>>
    %dma_start3A_288 = arith.constant 0 : i32
    %dma_start3A_289 = arith.constant 0 : i32
    %dma_start3A_290 = tpu.memref_slice %arg2[%dma_start3A_288, %dma_start3A_289] : memref<10000x128xf32, #tpu.memory_space<hbm>> -> memref<10000x128xf32, #tpu.memory_space<hbm>>
    tpu.enqueue_indirect_dma source(%dma_start3A_290 : memref<10000x128xf32, #tpu.memory_space<hbm>>) target(%arg15 : memref<64x128xf32, #tpu.memory_space<vmem>>) offsets(%dma_start3A_287 : memref<64xi32, #tpu.memory_space<vmem>>) semaphore(%arg20 : memref<!tpu.dma_semaphore, #tpu.memory_space<semaphore_mem>>)
    %dma_wait3A_291 = arith.constant 0 : i32
    %dma_wait3A_292 = arith.constant 0 : i32
    %dma_wait3A_293 = tpu.memref_slice %arg17[%dma_wait3A_291, %dma_wait3A_292] : memref<10112x128xf32, #tpu.memory_space<vmem_shared>> -> memref<10112x128xf32, #tpu.memory_space<vmem_shared>>
    tpu.wait_indirect_dma semaphore(%arg25 : memref<!tpu.dma_semaphore, #tpu.memory_space<semaphore_mem>>) src(%arg16 : memref<64x128xf32, #tpu.memory_space<vmem>>) dst(%dma_wait3A_293 : memref<10112x128xf32, #tpu.memory_space<vmem_shared>>)
    %get3A_294 = arith.constant 192 : index
    %get3A_295 = tpu.vector_load %arg8[%get3A_294] {strides = array<i32>} : memref<5120xi32, #tpu.memory_space<vmem>>, vector<16xi32>,
    %get3A_296 = vector.shape_cast %get3A_295 : vector<16xi32> to vector<16xi32>
    %swap3A_297 = arith.constant 0 : index
    %swap3A_298 = tpu.vector_load %arg12[%swap3A_297] {strides = array<i32>} : memref<64xi32, #tpu.memory_space<vmem>>, vector<16xi32>,
    %swap3A_299 = vector.shape_cast %swap3A_298 : vector<16xi32> to vector<16xi32>
    %swap3A_300 = vector.shape_cast %get3A_296 : vector<16xi32> to vector<16xi32>
    tpu.vector_store %arg12[%swap3A_297], %swap3A_300 {strides = array<i32>} : memref<64xi32, #tpu.memory_space<vmem>>, vector<16xi32>,
    %get3A_301 = arith.constant 208 : index
    %get3A_302 = tpu.vector_load %arg8[%get3A_301] {strides = array<i32>} : memref<5120xi32, #tpu.memory_space<vmem>>, vector<16xi32>,
    %get3A_303 = vector.shape_cast %get3A_302 : vector<16xi32> to vector<16xi32>
    %swap3A_304 = arith.constant 16 : index
    %swap3A_305 = tpu.vector_load %arg12[%swap3A_304] {strides = array<i32>} : memref<64xi32, #tpu.memory_space<vmem>>, vector<16xi32>,
    %swap3A_306 = vector.shape_cast %swap3A_305 : vector<16xi32> to vector<16xi32>
    %swap3A_307 = vector.shape_cast %get3A_303 : vector<16xi32> to vector<16xi32>
    tpu.vector_store %arg12[%swap3A_304], %swap3A_307 {strides = array<i32>} : memref<64xi32, #tpu.memory_space<vmem>>, vector<16xi32>,
    %get3A_308 = arith.constant 224 : index
    %get3A_309 = tpu.vector_load %arg8[%get3A_308] {strides = array<i32>} : memref<5120xi32, #tpu.memory_space<vmem>>, vector<16xi32>,
    %get3A_310 = vector.shape_cast %get3A_309 : vector<16xi32> to vector<16xi32>
    %swap3A_311 = arith.constant 32 : index
    %swap3A_312 = tpu.vector_load %arg12[%swap3A_311] {strides = array<i32>} : memref<64xi32, #tpu.memory_space<vmem>>, vector<16xi32>,
    %swap3A_313 = vector.shape_cast %swap3A_312 : vector<16xi32> to vector<16xi32>
    %swap3A_314 = vector.shape_cast %get3A_310 : vector<16xi32> to vector<16xi32>
    tpu.vector_store %arg12[%swap3A_311], %swap3A_314 {strides = array<i32>} : memref<64xi32, #tpu.memory_space<vmem>>, vector<16xi32>,
    %get3A_315 = arith.constant 240 : index
    %get3A_316 = tpu.vector_load %arg8[%get3A_315] {strides = array<i32>} : memref<5120xi32, #tpu.memory_space<vmem>>, vector<16xi32>,
    %get3A_317 = vector.shape_cast %get3A_316 : vector<16xi32> to vector<16xi32>
    %swap3A_318 = arith.constant 48 : index
    %swap3A_319 = tpu.vector_load %arg12[%swap3A_318] {strides = array<i32>} : memref<64xi32, #tpu.memory_space<vmem>>, vector<16xi32>,
    %swap3A_320 = vector.shape_cast %swap3A_319 : vector<16xi32> to vector<16xi32>
    %swap3A_321 = vector.shape_cast %get3A_317 : vector<16xi32> to vector<16xi32>
    tpu.vector_store %arg12[%swap3A_318], %swap3A_321 {strides = array<i32>} : memref<64xi32, #tpu.memory_space<vmem>>, vector<16xi32>,
    %dma_start3A_322 = arith.constant 192 : i32
    %dma_start3A_323 = tpu.memref_slice %arg7[%dma_start3A_322] : memref<5120xi32, #tpu.memory_space<vmem>> -> memref<64xi32, #tpu.memory_space<vmem>>
    %dma_start3A_324 = arith.constant 0 : i32
    %dma_start3A_325 = arith.constant 0 : i32
    %dma_start3A_326 = tpu.memref_slice %arg2[%dma_start3A_324, %dma_start3A_325] : memref<10000x128xf32, #tpu.memory_space<hbm>> -> memref<10000x128xf32, #tpu.memory_space<hbm>>
    tpu.enqueue_indirect_dma source(%dma_start3A_326 : memref<10000x128xf32, #tpu.memory_space<hbm>>) target(%arg16 : memref<64x128xf32, #tpu.memory_space<vmem>>) offsets(%dma_start3A_323 : memref<64xi32, #tpu.memory_space<vmem>>) semaphore(%arg21 : memref<!tpu.dma_semaphore, #tpu.memory_space<semaphore_mem>>)
    %dma_wait3A_327 = arith.constant 0 : i32
    %dma_wait3A_328 = tpu.memref_slice %arg7[%dma_wait3A_327] : memref<5120xi32, #tpu.memory_space<vmem>> -> memref<64xi32, #tpu.memory_space<vmem>>
    %dma_wait3A_329 = arith.constant 0 : i32
    %dma_wait3A_330 = arith.constant 0 : i32
    %dma_wait3A_331 = tpu.memref_slice %arg2[%dma_wait3A_329, %dma_wait3A_330] : memref<10000x128xf32, #tpu.memory_space<hbm>> -> memref<10000x128xf32, #tpu.memory_space<hbm>>
    tpu.wait_indirect_dma semaphore(%arg18 : memref<!tpu.dma_semaphore, #tpu.memory_space<semaphore_mem>>) src(%dma_wait3A_331 : memref<10000x128xf32, #tpu.memory_space<hbm>>) dst(%arg13 : memref<64x128xf32, #tpu.memory_space<vmem>>)
    %dma_start3A_332 = arith.constant 0 : i32
    %dma_start3A_333 = arith.constant 0 : i32
    %dma_start3A_334 = tpu.memref_slice %arg17[%dma_start3A_332, %dma_start3A_333] : memref<10112x128xf32, #tpu.memory_space<vmem_shared>> -> memref<10112x128xf32, #tpu.memory_space<vmem_shared>>
    tpu.enqueue_indirect_dma source(%arg13 : memref<64x128xf32, #tpu.memory_space<vmem>>) target(%dma_start3A_334 : memref<10112x128xf32, #tpu.memory_space<vmem_shared>>) offsets(%arg9 : memref<64xi32, #tpu.memory_space<vmem>>) semaphore(%arg22 : memref<!tpu.dma_semaphore, #tpu.memory_space<semaphore_mem>>) {add = true}
    %scan3A_335 = arith.constant 0 : i32
    %scan3A_336 = arith.constant 19 : i32
    %scan3A_337 = arith.addi %scan3A_335, %scan3A_336 : i32
    %scan3A_338 = arith.constant 1 : i32
    scf.for %scan3A_381 = %scan3A_335 to %scan3A_337 step %scan3A_338  : i32 {
      %mul3A_382 = arith.constant 1 : i32
      %mul3A_383 = arith.muli %scan3A_381, %mul3A_382 : i32
      %add3A_384 = arith.constant 1 : i32
      %add3A_385 = arith.addi %add3A_384, %mul3A_383 : i32
      %mul3A_386 = arith.constant 4 : i32
      %mul3A_387 = arith.muli %add3A_385, %mul3A_386 : i32
      %add3A_388 = arith.constant 0 : i32
      %add3A_389 = arith.addi %mul3A_387, %add3A_388 : i32
      %dma_wait3A_390 = arith.constant 0 : i32
      %dma_wait3A_391 = arith.constant 0 : i32
      %dma_wait3A_392 = tpu.memref_slice %arg17[%dma_wait3A_390, %dma_wait3A_391] : memref<10112x128xf32, #tpu.memory_space<vmem_shared>> -> memref<10112x128xf32, #tpu.memory_space<vmem_shared>>
      tpu.wait_indirect_dma semaphore(%arg22 : memref<!tpu.dma_semaphore, #tpu.memory_space<semaphore_mem>>) src(%arg13 : memref<64x128xf32, #tpu.memory_space<vmem>>) dst(%dma_wait3A_392 : memref<10112x128xf32, #tpu.memory_space<vmem_shared>>)
      %mul3A_393 = arith.constant 64 : i32
      %mul3A_394 = arith.muli %add3A_389, %mul3A_393 : i32
      %add3A_395 = arith.constant 0 : i32
      %add3A_396 = arith.addi %mul3A_394, %add3A_395 : i32
      %get3A_397 = arith.index_cast %add3A_396 : i32 to index
      %get3A_398 = tpu.vector_load %arg8[%get3A_397] {strides = array<i32>} : memref<5120xi32, #tpu.memory_space<vmem>>, vector<16xi32>,
      %get3A_399 = vector.shape_cast %get3A_398 : vector<16xi32> to vector<16xi32>
      %swap3A_400 = arith.constant 0 : index
      %swap3A_401 = tpu.vector_load %arg9[%swap3A_400] {strides = array<i32>} : memref<64xi32, #tpu.memory_space<vmem>>, vector<16xi32>,
      %swap3A_402 = vector.shape_cast %swap3A_401 : vector<16xi32> to vector<16xi32>
      %swap3A_403 = vector.shape_cast %get3A_399 : vector<16xi32> to vector<16xi32>
      tpu.vector_store %arg9[%swap3A_400], %swap3A_403 {strides = array<i32>} : memref<64xi32, #tpu.memory_space<vmem>>, vector<16xi32>,
      %mul3A_404 = arith.constant 64 : i32
      %mul3A_405 = arith.muli %add3A_389, %mul3A_404 : i32
      %add3A_406 = arith.constant 16 : i32
      %add3A_407 = arith.addi %mul3A_405, %add3A_406 : i32
      %get3A_408 = arith.index_cast %add3A_407 : i32 to index
      %get3A_409 = tpu.vector_load %arg8[%get3A_408] {strides = array<i32>} : memref<5120xi32, #tpu.memory_space<vmem>>, vector<16xi32>,
      %get3A_410 = vector.shape_cast %get3A_409 : vector<16xi32> to vector<16xi32>
      %swap3A_411 = arith.constant 16 : index
      %swap3A_412 = tpu.vector_load %arg9[%swap3A_411] {strides = array<i32>} : memref<64xi32, #tpu.memory_space<vmem>>, vector<16xi32>,
      %swap3A_413 = vector.shape_cast %swap3A_412 : vector<16xi32> to vector<16xi32>
      %swap3A_414 = vector.shape_cast %get3A_410 : vector<16xi32> to vector<16xi32>
      tpu.vector_store %arg9[%swap3A_411], %swap3A_414 {strides = array<i32>} : memref<64xi32, #tpu.memory_space<vmem>>, vector<16xi32>,
      %mul3A_415 = arith.constant 64 : i32
      %mul3A_416 = arith.muli %add3A_389, %mul3A_415 : i32
      %add3A_417 = arith.constant 32 : i32
      %add3A_418 = arith.addi %mul3A_416, %add3A_417 : i32
      %get3A_419 = arith.index_cast %add3A_418 : i32 to index
      %get3A_420 = tpu.vector_load %arg8[%get3A_419] {strides = array<i32>} : memref<5120xi32, #tpu.memory_space<vmem>>, vector<16xi32>,
      %get3A_421 = vector.shape_cast %get3A_420 : vector<16xi32> to vector<16xi32>
      %swap3A_422 = arith.constant 32 : index
      %swap3A_423 = tpu.vector_load %arg9[%swap3A_422] {strides = array<i32>} : memref<64xi32, #tpu.memory_space<vmem>>, vector<16xi32>,
      %swap3A_424 = vector.shape_cast %swap3A_423 : vector<16xi32> to vector<16xi32>
      %swap3A_425 = vector.shape_cast %get3A_421 : vector<16xi32> to vector<16xi32>
      tpu.vector_store %arg9[%swap3A_422], %swap3A_425 {strides = array<i32>} : memref<64xi32, #tpu.memory_space<vmem>>, vector<16xi32>,
      %mul3A_426 = arith.constant 64 : i32
      %mul3A_427 = arith.muli %add3A_389, %mul3A_426 : i32
      %add3A_428 = arith.constant 48 : i32
      %add3A_429 = arith.addi %mul3A_427, %add3A_428 : i32
      %get3A_430 = arith.index_cast %add3A_429 : i32 to index
      %get3A_431 = tpu.vector_load %arg8[%get3A_430] {strides = array<i32>} : memref<5120xi32, #tpu.memory_space<vmem>>, vector<16xi32>,
      %get3A_432 = vector.shape_cast %get3A_431 : vector<16xi32> to vector<16xi32>
      %swap3A_433 = arith.constant 48 : index
      %swap3A_434 = tpu.vector_load %arg9[%swap3A_433] {strides = array<i32>} : memref<64xi32, #tpu.memory_space<vmem>>, vector<16xi32>,
      %swap3A_435 = vector.shape_cast %swap3A_434 : vector<16xi32> to vector<16xi32>
      %swap3A_436 = vector.shape_cast %get3A_432 : vector<16xi32> to vector<16xi32>
      tpu.vector_store %arg9[%swap3A_433], %swap3A_436 {strides = array<i32>} : memref<64xi32, #tpu.memory_space<vmem>>, vector<16xi32>,
      %mul3A_437 = arith.constant 64 : i32
      %mul3A_438 = arith.muli %add3A_389, %mul3A_437 : i32
      %dma_start3A_439 = tpu.memref_slice %arg7[%mul3A_438] : memref<5120xi32, #tpu.memory_space<vmem>> -> memref<64xi32, #tpu.memory_space<vmem>>
      %dma_start3A_440 = arith.constant 0 : i32
      %dma_start3A_441 = arith.constant 0 : i32
      %dma_start3A_442 = tpu.memref_slice %arg2[%dma_start3A_440, %dma_start3A_441] : memref<10000x128xf32, #tpu.memory_space<hbm>> -> memref<10000x128xf32, #tpu.memory_space<hbm>>
      tpu.enqueue_indirect_dma source(%dma_start3A_442 : memref<10000x128xf32, #tpu.memory_space<hbm>>) target(%arg13 : memref<64x128xf32, #tpu.memory_space<vmem>>) offsets(%dma_start3A_439 : memref<64xi32, #tpu.memory_space<vmem>>) semaphore(%arg18 : memref<!tpu.dma_semaphore, #tpu.memory_space<semaphore_mem>>)
      %sub3A = arith.constant 3 : i32
      %sub3A_443 = arith.subi %add3A_389, %sub3A : i32
      %mul3A_444 = arith.constant 64 : i32
      %mul3A_445 = arith.muli %sub3A_443, %mul3A_444 : i32
      %dma_wait3A_446 = tpu.memref_slice %arg7[%mul3A_445] : memref<5120xi32, #tpu.memory_space<vmem>> -> memref<64xi32, #tpu.memory_space<vmem>>
      %dma_wait3A_447 = arith.constant 0 : i32
      %dma_wait3A_448 = arith.constant 0 : i32
      %dma_wait3A_449 = tpu.memref_slice %arg2[%dma_wait3A_447, %dma_wait3A_448] : memref<10000x128xf32, #tpu.memory_space<hbm>> -> memref<10000x128xf32, #tpu.memory_space<hbm>>
      tpu.wait_indirect_dma semaphore(%arg19 : memref<!tpu.dma_semaphore, #tpu.memory_space<semaphore_mem>>) src(%dma_wait3A_449 : memref<10000x128xf32, #tpu.memory_space<hbm>>) dst(%arg14 : memref<64x128xf32, #tpu.memory_space<vmem>>)
      %dma_start3A_450 = arith.constant 0 : i32
      %dma_start3A_451 = arith.constant 0 : i32
      %dma_start3A_452 = tpu.memref_slice %arg17[%dma_start3A_450, %dma_start3A_451] : memref<10112x128xf32, #tpu.memory_space<vmem_shared>> -> memref<10112x128xf32, #tpu.memory_space<vmem_shared>>
      tpu.enqueue_indirect_dma source(%arg14 : memref<64x128xf32, #tpu.memory_space<vmem>>) target(%dma_start3A_452 : memref<10112x128xf32, #tpu.memory_space<vmem_shared>>) offsets(%arg10 : memref<64xi32, #tpu.memory_space<vmem>>) semaphore(%arg23 : memref<!tpu.dma_semaphore, #tpu.memory_space<semaphore_mem>>) {add = true}
      %mul3A_453 = arith.constant 4 : i32
      %mul3A_454 = arith.muli %add3A_385, %mul3A_453 : i32
      %add3A_455 = arith.constant 1 : i32
      %add3A_456 = arith.addi %mul3A_454, %add3A_455 : i32
      %dma_wait3A_457 = arith.constant 0 : i32
      %dma_wait3A_458 = arith.constant 0 : i32
      %dma_wait3A_459 = tpu.memref_slice %arg17[%dma_wait3A_457, %dma_wait3A_458] : memref<10112x128xf32, #tpu.memory_space<vmem_shared>> -> memref<10112x128xf32, #tpu.memory_space<vmem_shared>>
      tpu.wait_indirect_dma semaphore(%arg23 : memref<!tpu.dma_semaphore, #tpu.memory_space<semaphore_mem>>) src(%arg14 : memref<64x128xf32, #tpu.memory_space<vmem>>) dst(%dma_wait3A_459 : memref<10112x128xf32, #tpu.memory_space<vmem_shared>>)
      %mul3A_460 = arith.constant 64 : i32
      %mul3A_461 = arith.muli %add3A_456, %mul3A_460 : i32
      %add3A_462 = arith.constant 0 : i32
      %add3A_463 = arith.addi %mul3A_461, %add3A_462 : i32
      %get3A_464 = arith.index_cast %add3A_463 : i32 to index
      %get3A_465 = tpu.vector_load %arg8[%get3A_464] {strides = array<i32>} : memref<5120xi32, #tpu.memory_space<vmem>>, vector<16xi32>,
      %get3A_466 = vector.shape_cast %get3A_465 : vector<16xi32> to vector<16xi32>
      %swap3A_467 = arith.constant 0 : index
      %swap3A_468 = tpu.vector_load %arg10[%swap3A_467] {strides = array<i32>} : memref<64xi32, #tpu.memory_space<vmem>>, vector<16xi32>,
      %swap3A_469 = vector.shape_cast %swap3A_468 : vector<16xi32> to vector<16xi32>
      %swap3A_470 = vector.shape_cast %get3A_466 : vector<16xi32> to vector<16xi32>
      tpu.vector_store %arg10[%swap3A_467], %swap3A_470 {strides = array<i32>} : memref<64xi32, #tpu.memory_space<vmem>>, vector<16xi32>,
      %mul3A_471 = arith.constant 64 : i32
      %mul3A_472 = arith.muli %add3A_456, %mul3A_471 : i32
      %add3A_473 = arith.constant 16 : i32
      %add3A_474 = arith.addi %mul3A_472, %add3A_473 : i32
      %get3A_475 = arith.index_cast %add3A_474 : i32 to index
      %get3A_476 = tpu.vector_load %arg8[%get3A_475] {strides = array<i32>} : memref<5120xi32, #tpu.memory_space<vmem>>, vector<16xi32>,
      %get3A_477 = vector.shape_cast %get3A_476 : vector<16xi32> to vector<16xi32>
      %swap3A_478 = arith.constant 16 : index
      %swap3A_479 = tpu.vector_load %arg10[%swap3A_478] {strides = array<i32>} : memref<64xi32, #tpu.memory_space<vmem>>, vector<16xi32>,
      %swap3A_480 = vector.shape_cast %swap3A_479 : vector<16xi32> to vector<16xi32>
      %swap3A_481 = vector.shape_cast %get3A_477 : vector<16xi32> to vector<16xi32>
      tpu.vector_store %arg10[%swap3A_478], %swap3A_481 {strides = array<i32>} : memref<64xi32, #tpu.memory_space<vmem>>, vector<16xi32>,
      %mul3A_482 = arith.constant 64 : i32
      %mul3A_483 = arith.muli %add3A_456, %mul3A_482 : i32
      %add3A_484 = arith.constant 32 : i32
      %add3A_485 = arith.addi %mul3A_483, %add3A_484 : i32
      %get3A_486 = arith.index_cast %add3A_485 : i32 to index
      %get3A_487 = tpu.vector_load %arg8[%get3A_486] {strides = array<i32>} : memref<5120xi32, #tpu.memory_space<vmem>>, vector<16xi32>,
      %get3A_488 = vector.shape_cast %get3A_487 : vector<16xi32> to vector<16xi32>
      %swap3A_489 = arith.constant 32 : index
      %swap3A_490 = tpu.vector_load %arg10[%swap3A_489] {strides = array<i32>} : memref<64xi32, #tpu.memory_space<vmem>>, vector<16xi32>,
      %swap3A_491 = vector.shape_cast %swap3A_490 : vector<16xi32> to vector<16xi32>
      %swap3A_492 = vector.shape_cast %get3A_488 : vector<16xi32> to vector<16xi32>
      tpu.vector_store %arg10[%swap3A_489], %swap3A_492 {strides = array<i32>} : memref<64xi32, #tpu.memory_space<vmem>>, vector<16xi32>,
      %mul3A_493 = arith.constant 64 : i32
      %mul3A_494 = arith.muli %add3A_456, %mul3A_493 : i32
      %add3A_495 = arith.constant 48 : i32
      %add3A_496 = arith.addi %mul3A_494, %add3A_495 : i32
      %get3A_497 = arith.index_cast %add3A_496 : i32 to index
      %get3A_498 = tpu.vector_load %arg8[%get3A_497] {strides = array<i32>} : memref<5120xi32, #tpu.memory_space<vmem>>, vector<16xi32>,
      %get3A_499 = vector.shape_cast %get3A_498 : vector<16xi32> to vector<16xi32>
      %swap3A_500 = arith.constant 48 : index
      %swap3A_501 = tpu.vector_load %arg10[%swap3A_500] {strides = array<i32>} : memref<64xi32, #tpu.memory_space<vmem>>, vector<16xi32>,
      %swap3A_502 = vector.shape_cast %swap3A_501 : vector<16xi32> to vector<16xi32>
      %swap3A_503 = vector.shape_cast %get3A_499 : vector<16xi32> to vector<16xi32>
      tpu.vector_store %arg10[%swap3A_500], %swap3A_503 {strides = array<i32>} : memref<64xi32, #tpu.memory_space<vmem>>, vector<16xi32>,
      %mul3A_504 = arith.constant 64 : i32
      %mul3A_505 = arith.muli %add3A_456, %mul3A_504 : i32
      %dma_start3A_506 = tpu.memref_slice %arg7[%mul3A_505] : memref<5120xi32, #tpu.memory_space<vmem>> -> memref<64xi32, #tpu.memory_space<vmem>>
      %dma_start3A_507 = arith.constant 0 : i32
      %dma_start3A_508 = arith.constant 0 : i32
      %dma_start3A_509 = tpu.memref_slice %arg2[%dma_start3A_507, %dma_start3A_508] : memref<10000x128xf32, #tpu.memory_space<hbm>> -> memref<10000x128xf32, #tpu.memory_space<hbm>>
      tpu.enqueue_indirect_dma source(%dma_start3A_509 : memref<10000x128xf32, #tpu.memory_space<hbm>>) target(%arg14 : memref<64x128xf32, #tpu.memory_space<vmem>>) offsets(%dma_start3A_506 : memref<64xi32, #tpu.memory_space<vmem>>) semaphore(%arg19 : memref<!tpu.dma_semaphore, #tpu.memory_space<semaphore_mem>>)
      %sub3A_510 = arith.constant 3 : i32
      %sub3A_511 = arith.subi %add3A_456, %sub3A_510 : i32
      %mul3A_512 = arith.constant 64 : i32
      %mul3A_513 = arith.muli %sub3A_511, %mul3A_512 : i32
      %dma_wait3A_514 = tpu.memref_slice %arg7[%mul3A_513] : memref<5120xi32, #tpu.memory_space<vmem>> -> memref<64xi32, #tpu.memory_space<vmem>>
      %dma_wait3A_515 = arith.constant 0 : i32
      %dma_wait3A_516 = arith.constant 0 : i32
      %dma_wait3A_517 = tpu.memref_slice %arg2[%dma_wait3A_515, %dma_wait3A_516] : memref<10000x128xf32, #tpu.memory_space<hbm>> -> memref<10000x128xf32, #tpu.memory_space<hbm>>
      tpu.wait_indirect_dma semaphore(%arg20 : memref<!tpu.dma_semaphore, #tpu.memory_space<semaphore_mem>>) src(%dma_wait3A_517 : memref<10000x128xf32, #tpu.memory_space<hbm>>) dst(%arg15 : memref<64x128xf32, #tpu.memory_space<vmem>>)
      %dma_start3A_518 = arith.constant 0 : i32
      %dma_start3A_519 = arith.constant 0 : i32
      %dma_start3A_520 = tpu.memref_slice %arg17[%dma_start3A_518, %dma_start3A_519] : memref<10112x128xf32, #tpu.memory_space<vmem_shared>> -> memref<10112x128xf32, #tpu.memory_space<vmem_shared>>
      tpu.enqueue_indirect_dma source(%arg15 : memref<64x128xf32, #tpu.memory_space<vmem>>) target(%dma_start3A_520 : memref<10112x128xf32, #tpu.memory_space<vmem_shared>>) offsets(%arg11 : memref<64xi32, #tpu.memory_space<vmem>>) semaphore(%arg24 : memref<!tpu.dma_semaphore, #tpu.memory_space<semaphore_mem>>) {add = true}
      %mul3A_521 = arith.constant 4 : i32
      %mul3A_522 = arith.muli %add3A_385, %mul3A_521 : i32
      %add3A_523 = arith.constant 2 : i32
      %add3A_524 = arith.addi %mul3A_522, %add3A_523 : i32
      %dma_wait3A_525 = arith.constant 0 : i32
      %dma_wait3A_526 = arith.constant 0 : i32
      %dma_wait3A_527 = tpu.memref_slice %arg17[%dma_wait3A_525, %dma_wait3A_526] : memref<10112x128xf32, #tpu.memory_space<vmem_shared>> -> memref<10112x128xf32, #tpu.memory_space<vmem_shared>>
      tpu.wait_indirect_dma semaphore(%arg24 : memref<!tpu.dma_semaphore, #tpu.memory_space<semaphore_mem>>) src(%arg15 : memref<64x128xf32, #tpu.memory_space<vmem>>) dst(%dma_wait3A_527 : memref<10112x128xf32, #tpu.memory_space<vmem_shared>>)
      %mul3A_528 = arith.constant 64 : i32
      %mul3A_529 = arith.muli %add3A_524, %mul3A_528 : i32
      %add3A_530 = arith.constant 0 : i32
      %add3A_531 = arith.addi %mul3A_529, %add3A_530 : i32
      %get3A_532 = arith.index_cast %add3A_531 : i32 to index
      %get3A_533 = tpu.vector_load %arg8[%get3A_532] {strides = array<i32>} : memref<5120xi32, #tpu.memory_space<vmem>>, vector<16xi32>,
      %get3A_534 = vector.shape_cast %get3A_533 : vector<16xi32> to vector<16xi32>
      %swap3A_535 = arith.constant 0 : index
      %swap3A_536 = tpu.vector_load %arg11[%swap3A_535] {strides = array<i32>} : memref<64xi32, #tpu.memory_space<vmem>>, vector<16xi32>,
      %swap3A_537 = vector.shape_cast %swap3A_536 : vector<16xi32> to vector<16xi32>
      %swap3A_538 = vector.shape_cast %get3A_534 : vector<16xi32> to vector<16xi32>
      tpu.vector_store %arg11[%swap3A_535], %swap3A_538 {strides = array<i32>} : memref<64xi32, #tpu.memory_space<vmem>>, vector<16xi32>,
      %mul3A_539 = arith.constant 64 : i32
      %mul3A_540 = arith.muli %add3A_524, %mul3A_539 : i32
      %add3A_541 = arith.constant 16 : i32
      %add3A_542 = arith.addi %mul3A_540, %add3A_541 : i32
      %get3A_543 = arith.index_cast %add3A_542 : i32 to index
      %get3A_544 = tpu.vector_load %arg8[%get3A_543] {strides = array<i32>} : memref<5120xi32, #tpu.memory_space<vmem>>, vector<16xi32>,
      %get3A_545 = vector.shape_cast %get3A_544 : vector<16xi32> to vector<16xi32>
      %swap3A_546 = arith.constant 16 : index
      %swap3A_547 = tpu.vector_load %arg11[%swap3A_546] {strides = array<i32>} : memref<64xi32, #tpu.memory_space<vmem>>, vector<16xi32>,
      %swap3A_548 = vector.shape_cast %swap3A_547 : vector<16xi32> to vector<16xi32>
      %swap3A_549 = vector.shape_cast %get3A_545 : vector<16xi32> to vector<16xi32>
      tpu.vector_store %arg11[%swap3A_546], %swap3A_549 {strides = array<i32>} : memref<64xi32, #tpu.memory_space<vmem>>, vector<16xi32>,
      %mul3A_550 = arith.constant 64 : i32
      %mul3A_551 = arith.muli %add3A_524, %mul3A_550 : i32
      %add3A_552 = arith.constant 32 : i32
      %add3A_553 = arith.addi %mul3A_551, %add3A_552 : i32
      %get3A_554 = arith.index_cast %add3A_553 : i32 to index
      %get3A_555 = tpu.vector_load %arg8[%get3A_554] {strides = array<i32>} : memref<5120xi32, #tpu.memory_space<vmem>>, vector<16xi32>,
      %get3A_556 = vector.shape_cast %get3A_555 : vector<16xi32> to vector<16xi32>
      %swap3A_557 = arith.constant 32 : index
      %swap3A_558 = tpu.vector_load %arg11[%swap3A_557] {strides = array<i32>} : memref<64xi32, #tpu.memory_space<vmem>>, vector<16xi32>,
      %swap3A_559 = vector.shape_cast %swap3A_558 : vector<16xi32> to vector<16xi32>
      %swap3A_560 = vector.shape_cast %get3A_556 : vector<16xi32> to vector<16xi32>
      tpu.vector_store %arg11[%swap3A_557], %swap3A_560 {strides = array<i32>} : memref<64xi32, #tpu.memory_space<vmem>>, vector<16xi32>,
      %mul3A_561 = arith.constant 64 : i32
      %mul3A_562 = arith.muli %add3A_524, %mul3A_561 : i32
      %add3A_563 = arith.constant 48 : i32
      %add3A_564 = arith.addi %mul3A_562, %add3A_563 : i32
      %get3A_565 = arith.index_cast %add3A_564 : i32 to index
      %get3A_566 = tpu.vector_load %arg8[%get3A_565] {strides = array<i32>} : memref<5120xi32, #tpu.memory_space<vmem>>, vector<16xi32>,
      %get3A_567 = vector.shape_cast %get3A_566 : vector<16xi32> to vector<16xi32>
      %swap3A_568 = arith.constant 48 : index
      %swap3A_569 = tpu.vector_load %arg11[%swap3A_568] {strides = array<i32>} : memref<64xi32, #tpu.memory_space<vmem>>, vector<16xi32>,
      %swap3A_570 = vector.shape_cast %swap3A_569 : vector<16xi32> to vector<16xi32>
      %swap3A_571 = vector.shape_cast %get3A_567 : vector<16xi32> to vector<16xi32>
      tpu.vector_store %arg11[%swap3A_568], %swap3A_571 {strides = array<i32>} : memref<64xi32, #tpu.memory_space<vmem>>, vector<16xi32>,
      %mul3A_572 = arith.constant 64 : i32
      %mul3A_573 = arith.muli %add3A_524, %mul3A_572 : i32
      %dma_start3A_574 = tpu.memref_slice %arg7[%mul3A_573] : memref<5120xi32, #tpu.memory_space<vmem>> -> memref<64xi32, #tpu.memory_space<vmem>>
      %dma_start3A_575 = arith.constant 0 : i32
      %dma_start3A_576 = arith.constant 0 : i32
      %dma_start3A_577 = tpu.memref_slice %arg2[%dma_start3A_575, %dma_start3A_576] : memref<10000x128xf32, #tpu.memory_space<hbm>> -> memref<10000x128xf32, #tpu.memory_space<hbm>>
      tpu.enqueue_indirect_dma source(%dma_start3A_577 : memref<10000x128xf32, #tpu.memory_space<hbm>>) target(%arg15 : memref<64x128xf32, #tpu.memory_space<vmem>>) offsets(%dma_start3A_574 : memref<64xi32, #tpu.memory_space<vmem>>) semaphore(%arg20 : memref<!tpu.dma_semaphore, #tpu.memory_space<semaphore_mem>>)
      %sub3A_578 = arith.constant 3 : i32
      %sub3A_579 = arith.subi %add3A_524, %sub3A_578 : i32
      %mul3A_580 = arith.constant 64 : i32
      %mul3A_581 = arith.muli %sub3A_579, %mul3A_580 : i32
      %dma_wait3A_582 = tpu.memref_slice %arg7[%mul3A_581] : memref<5120xi32, #tpu.memory_space<vmem>> -> memref<64xi32, #tpu.memory_space<vmem>>
      %dma_wait3A_583 = arith.constant 0 : i32
      %dma_wait3A_584 = arith.constant 0 : i32
      %dma_wait3A_585 = tpu.memref_slice %arg2[%dma_wait3A_583, %dma_wait3A_584] : memref<10000x128xf32, #tpu.memory_space<hbm>> -> memref<10000x128xf32, #tpu.memory_space<hbm>>
      tpu.wait_indirect_dma semaphore(%arg21 : memref<!tpu.dma_semaphore, #tpu.memory_space<semaphore_mem>>) src(%dma_wait3A_585 : memref<10000x128xf32, #tpu.memory_space<hbm>>) dst(%arg16 : memref<64x128xf32, #tpu.memory_space<vmem>>)
      %dma_start3A_586 = arith.constant 0 : i32
      %dma_start3A_587 = arith.constant 0 : i32
      %dma_start3A_588 = tpu.memref_slice %arg17[%dma_start3A_586, %dma_start3A_587] : memref<10112x128xf32, #tpu.memory_space<vmem_shared>> -> memref<10112x128xf32, #tpu.memory_space<vmem_shared>>
      tpu.enqueue_indirect_dma source(%arg16 : memref<64x128xf32, #tpu.memory_space<vmem>>) target(%dma_start3A_588 : memref<10112x128xf32, #tpu.memory_space<vmem_shared>>) offsets(%arg12 : memref<64xi32, #tpu.memory_space<vmem>>) semaphore(%arg25 : memref<!tpu.dma_semaphore, #tpu.memory_space<semaphore_mem>>) {add = true}
      %mul3A_589 = arith.constant 4 : i32
      %mul3A_590 = arith.muli %add3A_385, %mul3A_589 : i32
      %add3A_591 = arith.constant 3 : i32
      %add3A_592 = arith.addi %mul3A_590, %add3A_591 : i32
      %dma_wait3A_593 = arith.constant 0 : i32
      %dma_wait3A_594 = arith.constant 0 : i32
      %dma_wait3A_595 = tpu.memref_slice %arg17[%dma_wait3A_593, %dma_wait3A_594] : memref<10112x128xf32, #tpu.memory_space<vmem_shared>> -> memref<10112x128xf32, #tpu.memory_space<vmem_shared>>
      tpu.wait_indirect_dma semaphore(%arg25 : memref<!tpu.dma_semaphore, #tpu.memory_space<semaphore_mem>>) src(%arg16 : memref<64x128xf32, #tpu.memory_space<vmem>>) dst(%dma_wait3A_595 : memref<10112x128xf32, #tpu.memory_space<vmem_shared>>)
      %mul3A_596 = arith.constant 64 : i32
      %mul3A_597 = arith.muli %add3A_592, %mul3A_596 : i32
      %add3A_598 = arith.constant 0 : i32
      %add3A_599 = arith.addi %mul3A_597, %add3A_598 : i32
      %get3A_600 = arith.index_cast %add3A_599 : i32 to index
      %get3A_601 = tpu.vector_load %arg8[%get3A_600] {strides = array<i32>} : memref<5120xi32, #tpu.memory_space<vmem>>, vector<16xi32>,
      %get3A_602 = vector.shape_cast %get3A_601 : vector<16xi32> to vector<16xi32>
      %swap3A_603 = arith.constant 0 : index
      %swap3A_604 = tpu.vector_load %arg12[%swap3A_603] {strides = array<i32>} : memref<64xi32, #tpu.memory_space<vmem>>, vector<16xi32>,
      %swap3A_605 = vector.shape_cast %swap3A_604 : vector<16xi32> to vector<16xi32>
      %swap3A_606 = vector.shape_cast %get3A_602 : vector<16xi32> to vector<16xi32>
      tpu.vector_store %arg12[%swap3A_603], %swap3A_606 {strides = array<i32>} : memref<64xi32, #tpu.memory_space<vmem>>, vector<16xi32>,
      %mul3A_607 = arith.constant 64 : i32
      %mul3A_608 = arith.muli %add3A_592, %mul3A_607 : i32
      %add3A_609 = arith.constant 16 : i32
      %add3A_610 = arith.addi %mul3A_608, %add3A_609 : i32
      %get3A_611 = arith.index_cast %add3A_610 : i32 to index
      %get3A_612 = tpu.vector_load %arg8[%get3A_611] {strides = array<i32>} : memref<5120xi32, #tpu.memory_space<vmem>>, vector<16xi32>,
      %get3A_613 = vector.shape_cast %get3A_612 : vector<16xi32> to vector<16xi32>
      %swap3A_614 = arith.constant 16 : index
      %swap3A_615 = tpu.vector_load %arg12[%swap3A_614] {strides = array<i32>} : memref<64xi32, #tpu.memory_space<vmem>>, vector<16xi32>,
      %swap3A_616 = vector.shape_cast %swap3A_615 : vector<16xi32> to vector<16xi32>
      %swap3A_617 = vector.shape_cast %get3A_613 : vector<16xi32> to vector<16xi32>
      tpu.vector_store %arg12[%swap3A_614], %swap3A_617 {strides = array<i32>} : memref<64xi32, #tpu.memory_space<vmem>>, vector<16xi32>,
      %mul3A_618 = arith.constant 64 : i32
      %mul3A_619 = arith.muli %add3A_592, %mul3A_618 : i32
      %add3A_620 = arith.constant 32 : i32
      %add3A_621 = arith.addi %mul3A_619, %add3A_620 : i32
      %get3A_622 = arith.index_cast %add3A_621 : i32 to index
      %get3A_623 = tpu.vector_load %arg8[%get3A_622] {strides = array<i32>} : memref<5120xi32, #tpu.memory_space<vmem>>, vector<16xi32>,
      %get3A_624 = vector.shape_cast %get3A_623 : vector<16xi32> to vector<16xi32>
      %swap3A_625 = arith.constant 32 : index
      %swap3A_626 = tpu.vector_load %arg12[%swap3A_625] {strides = array<i32>} : memref<64xi32, #tpu.memory_space<vmem>>, vector<16xi32>,
      %swap3A_627 = vector.shape_cast %swap3A_626 : vector<16xi32> to vector<16xi32>
      %swap3A_628 = vector.shape_cast %get3A_624 : vector<16xi32> to vector<16xi32>
      tpu.vector_store %arg12[%swap3A_625], %swap3A_628 {strides = array<i32>} : memref<64xi32, #tpu.memory_space<vmem>>, vector<16xi32>,
      %mul3A_629 = arith.constant 64 : i32
      %mul3A_630 = arith.muli %add3A_592, %mul3A_629 : i32
      %add3A_631 = arith.constant 48 : i32
      %add3A_632 = arith.addi %mul3A_630, %add3A_631 : i32
      %get3A_633 = arith.index_cast %add3A_632 : i32 to index
      %get3A_634 = tpu.vector_load %arg8[%get3A_633] {strides = array<i32>} : memref<5120xi32, #tpu.memory_space<vmem>>, vector<16xi32>,
      %get3A_635 = vector.shape_cast %get3A_634 : vector<16xi32> to vector<16xi32>
      %swap3A_636 = arith.constant 48 : index
      %swap3A_637 = tpu.vector_load %arg12[%swap3A_636] {strides = array<i32>} : memref<64xi32, #tpu.memory_space<vmem>>, vector<16xi32>,
      %swap3A_638 = vector.shape_cast %swap3A_637 : vector<16xi32> to vector<16xi32>
      %swap3A_639 = vector.shape_cast %get3A_635 : vector<16xi32> to vector<16xi32>
      tpu.vector_store %arg12[%swap3A_636], %swap3A_639 {strides = array<i32>} : memref<64xi32, #tpu.memory_space<vmem>>, vector<16xi32>,
      %mul3A_640 = arith.constant 64 : i32
      %mul3A_641 = arith.muli %add3A_592, %mul3A_640 : i32
      %dma_start3A_642 = tpu.memref_slice %arg7[%mul3A_641] : memref<5120xi32, #tpu.memory_space<vmem>> -> memref<64xi32, #tpu.memory_space<vmem>>
      %dma_start3A_643 = arith.constant 0 : i32
      %dma_start3A_644 = arith.constant 0 : i32
      %dma_start3A_645 = tpu.memref_slice %arg2[%dma_start3A_643, %dma_start3A_644] : memref<10000x128xf32, #tpu.memory_space<hbm>> -> memref<10000x128xf32, #tpu.memory_space<hbm>>
      tpu.enqueue_indirect_dma source(%dma_start3A_645 : memref<10000x128xf32, #tpu.memory_space<hbm>>) target(%arg16 : memref<64x128xf32, #tpu.memory_space<vmem>>) offsets(%dma_start3A_642 : memref<64xi32, #tpu.memory_space<vmem>>) semaphore(%arg21 : memref<!tpu.dma_semaphore, #tpu.memory_space<semaphore_mem>>)
      %sub3A_646 = arith.constant 3 : i32
      %sub3A_647 = arith.subi %add3A_592, %sub3A_646 : i32
      %mul3A_648 = arith.constant 64 : i32
      %mul3A_649 = arith.muli %sub3A_647, %mul3A_648 : i32
      %dma_wait3A_650 = tpu.memref_slice %arg7[%mul3A_649] : memref<5120xi32, #tpu.memory_space<vmem>> -> memref<64xi32, #tpu.memory_space<vmem>>
      %dma_wait3A_651 = arith.constant 0 : i32
      %dma_wait3A_652 = arith.constant 0 : i32
      %dma_wait3A_653 = tpu.memref_slice %arg2[%dma_wait3A_651, %dma_wait3A_652] : memref<10000x128xf32, #tpu.memory_space<hbm>> -> memref<10000x128xf32, #tpu.memory_space<hbm>>
      tpu.wait_indirect_dma semaphore(%arg18 : memref<!tpu.dma_semaphore, #tpu.memory_space<semaphore_mem>>) src(%dma_wait3A_653 : memref<10000x128xf32, #tpu.memory_space<hbm>>) dst(%arg13 : memref<64x128xf32, #tpu.memory_space<vmem>>)
      %dma_start3A_654 = arith.constant 0 : i32
      %dma_start3A_655 = arith.constant 0 : i32
      %dma_start3A_656 = tpu.memref_slice %arg17[%dma_start3A_654, %dma_start3A_655] : memref<10112x128xf32, #tpu.memory_space<vmem_shared>> -> memref<10112x128xf32, #tpu.memory_space<vmem_shared>>
      tpu.enqueue_indirect_dma source(%arg13 : memref<64x128xf32, #tpu.memory_space<vmem>>) target(%dma_start3A_656 : memref<10112x128xf32, #tpu.memory_space<vmem_shared>>) offsets(%arg9 : memref<64xi32, #tpu.memory_space<vmem>>) semaphore(%arg22 : memref<!tpu.dma_semaphore, #tpu.memory_space<semaphore_mem>>) {add = true}
    }
    %scan3A_339 = arith.constant 19 : i32
    %dma_wait3A_340 = arith.constant 4928 : i32
    %dma_wait3A_341 = tpu.memref_slice %arg7[%dma_wait3A_340] : memref<5120xi32, #tpu.memory_space<vmem>> -> memref<64xi32, #tpu.memory_space<vmem>>
    %dma_wait3A_342 = arith.constant 0 : i32
    %dma_wait3A_343 = arith.constant 0 : i32
    %dma_wait3A_344 = tpu.memref_slice %arg2[%dma_wait3A_342, %dma_wait3A_343] : memref<10000x128xf32, #tpu.memory_space<hbm>> -> memref<10000x128xf32, #tpu.memory_space<hbm>>
    tpu.wait_indirect_dma semaphore(%arg19 : memref<!tpu.dma_semaphore, #tpu.memory_space<semaphore_mem>>) src(%dma_wait3A_344 : memref<10000x128xf32, #tpu.memory_space<hbm>>) dst(%arg14 : memref<64x128xf32, #tpu.memory_space<vmem>>)
    %dma_start3A_345 = arith.constant 0 : i32
    %dma_start3A_346 = arith.constant 0 : i32
    %dma_start3A_347 = tpu.memref_slice %arg17[%dma_start3A_345, %dma_start3A_346] : memref<10112x128xf32, #tpu.memory_space<vmem_shared>> -> memref<10112x128xf32, #tpu.memory_space<vmem_shared>>
    tpu.enqueue_indirect_dma source(%arg14 : memref<64x128xf32, #tpu.memory_space<vmem>>) target(%dma_start3A_347 : memref<10112x128xf32, #tpu.memory_space<vmem_shared>>) offsets(%arg10 : memref<64xi32, #tpu.memory_space<vmem>>) semaphore(%arg23 : memref<!tpu.dma_semaphore, #tpu.memory_space<semaphore_mem>>) {add = true}
    %dma_wait3A_348 = arith.constant 4992 : i32
    %dma_wait3A_349 = tpu.memref_slice %arg7[%dma_wait3A_348] : memref<5120xi32, #tpu.memory_space<vmem>> -> memref<64xi32, #tpu.memory_space<vmem>>
    %dma_wait3A_350 = arith.constant 0 : i32
    %dma_wait3A_351 = arith.constant 0 : i32
    %dma_wait3A_352 = tpu.memref_slice %arg2[%dma_wait3A_350, %dma_wait3A_351] : memref<10000x128xf32, #tpu.memory_space<hbm>> -> memref<10000x128xf32, #tpu.memory_space<hbm>>
    tpu.wait_indirect_dma semaphore(%arg20 : memref<!tpu.dma_semaphore, #tpu.memory_space<semaphore_mem>>) src(%dma_wait3A_352 : memref<10000x128xf32, #tpu.memory_space<hbm>>) dst(%arg15 : memref<64x128xf32, #tpu.memory_space<vmem>>)
    %dma_start3A_353 = arith.constant 0 : i32
    %dma_start3A_354 = arith.constant 0 : i32
    %dma_start3A_355 = tpu.memref_slice %arg17[%dma_start3A_353, %dma_start3A_354] : memref<10112x128xf32, #tpu.memory_space<vmem_shared>> -> memref<10112x128xf32, #tpu.memory_space<vmem_shared>>
    tpu.enqueue_indirect_dma source(%arg15 : memref<64x128xf32, #tpu.memory_space<vmem>>) target(%dma_start3A_355 : memref<10112x128xf32, #tpu.memory_space<vmem_shared>>) offsets(%arg11 : memref<64xi32, #tpu.memory_space<vmem>>) semaphore(%arg24 : memref<!tpu.dma_semaphore, #tpu.memory_space<semaphore_mem>>) {add = true}
    %dma_wait3A_356 = arith.constant 5056 : i32
    %dma_wait3A_357 = tpu.memref_slice %arg7[%dma_wait3A_356] : memref<5120xi32, #tpu.memory_space<vmem>> -> memref<64xi32, #tpu.memory_space<vmem>>
    %dma_wait3A_358 = arith.constant 0 : i32
    %dma_wait3A_359 = arith.constant 0 : i32
    %dma_wait3A_360 = tpu.memref_slice %arg2[%dma_wait3A_358, %dma_wait3A_359] : memref<10000x128xf32, #tpu.memory_space<hbm>> -> memref<10000x128xf32, #tpu.memory_space<hbm>>
    tpu.wait_indirect_dma semaphore(%arg21 : memref<!tpu.dma_semaphore, #tpu.memory_space<semaphore_mem>>) src(%dma_wait3A_360 : memref<10000x128xf32, #tpu.memory_space<hbm>>) dst(%arg16 : memref<64x128xf32, #tpu.memory_space<vmem>>)
    %dma_start3A_361 = arith.constant 0 : i32
    %dma_start3A_362 = arith.constant 0 : i32
    %dma_start3A_363 = tpu.memref_slice %arg17[%dma_start3A_361, %dma_start3A_362] : memref<10112x128xf32, #tpu.memory_space<vmem_shared>> -> memref<10112x128xf32, #tpu.memory_space<vmem_shared>>
    tpu.enqueue_indirect_dma source(%arg16 : memref<64x128xf32, #tpu.memory_space<vmem>>) target(%dma_start3A_363 : memref<10112x128xf32, #tpu.memory_space<vmem_shared>>) offsets(%arg12 : memref<64xi32, #tpu.memory_space<vmem>>) semaphore(%arg25 : memref<!tpu.dma_semaphore, #tpu.memory_space<semaphore_mem>>) {add = true}
    %dma_wait3A_364 = arith.constant 0 : i32
    %dma_wait3A_365 = arith.constant 0 : i32
    %dma_wait3A_366 = tpu.memref_slice %arg17[%dma_wait3A_364, %dma_wait3A_365] : memref<10112x128xf32, #tpu.memory_space<vmem_shared>> -> memref<10112x128xf32, #tpu.memory_space<vmem_shared>>
    tpu.wait_indirect_dma semaphore(%arg22 : memref<!tpu.dma_semaphore, #tpu.memory_space<semaphore_mem>>) src(%arg13 : memref<64x128xf32, #tpu.memory_space<vmem>>) dst(%dma_wait3A_366 : memref<10112x128xf32, #tpu.memory_space<vmem_shared>>)
    %dma_wait3A_367 = arith.constant 0 : i32
    %dma_wait3A_368 = arith.constant 0 : i32
    %dma_wait3A_369 = tpu.memref_slice %arg17[%dma_wait3A_367, %dma_wait3A_368] : memref<10112x128xf32, #tpu.memory_space<vmem_shared>> -> memref<10112x128xf32, #tpu.memory_space<vmem_shared>>
    tpu.wait_indirect_dma semaphore(%arg23 : memref<!tpu.dma_semaphore, #tpu.memory_space<semaphore_mem>>) src(%arg14 : memref<64x128xf32, #tpu.memory_space<vmem>>) dst(%dma_wait3A_369 : memref<10112x128xf32, #tpu.memory_space<vmem_shared>>)
    %dma_wait3A_370 = arith.constant 0 : i32
    %dma_wait3A_371 = arith.constant 0 : i32
    %dma_wait3A_372 = tpu.memref_slice %arg17[%dma_wait3A_370, %dma_wait3A_371] : memref<10112x128xf32, #tpu.memory_space<vmem_shared>> -> memref<10112x128xf32, #tpu.memory_space<vmem_shared>>
    tpu.wait_indirect_dma semaphore(%arg24 : memref<!tpu.dma_semaphore, #tpu.memory_space<semaphore_mem>>) src(%arg15 : memref<64x128xf32, #tpu.memory_space<vmem>>) dst(%dma_wait3A_372 : memref<10112x128xf32, #tpu.memory_space<vmem_shared>>)
    %dma_wait3A_373 = arith.constant 0 : i32
    %dma_wait3A_374 = arith.constant 0 : i32
    %dma_wait3A_375 = tpu.memref_slice %arg17[%dma_wait3A_373, %dma_wait3A_374] : memref<10112x128xf32, #tpu.memory_space<vmem_shared>> -> memref<10112x128xf32, #tpu.memory_space<vmem_shared>>
    tpu.wait_indirect_dma semaphore(%arg25 : memref<!tpu.dma_semaphore, #tpu.memory_space<semaphore_mem>>) src(%arg16 : memref<64x128xf32, #tpu.memory_space<vmem>>) dst(%dma_wait3A_375 : memref<10112x128xf32, #tpu.memory_space<vmem_shared>>)
    %barrier3A_376 = arith.constant 0 : index
    tpu.barrier barrier_id(%barrier3A_376)
    %mul3A_377 = arith.constant 632 : i32
    %mul3A_378 = arith.muli %arg1, %mul3A_377 : i32
    %mul3A_379 = arith.constant 632 : i32
    %mul3A_380 = arith.muli %arg1, %mul3A_379 : i32
    "tpu.region"() ({
      %run_scoped3A = tpu.sem_alloc : memref<!tpu.dma_semaphore, #tpu.memory_space<semaphore_mem>>
      %dma_start3A_381 = arith.constant 0 : i32
      %dma_start3A_382 = tpu.memref_slice %arg6[%arg0, %mul3A_380, %dma_start3A_381] : memref<2x10112x128xf32, #tpu.memory_space<hbm>> -> memref<1x632x128xf32, #tpu.memory_space<hbm>>
      %dma_start3A_383 = tpu.memref_squeeze %dma_start3A_382 : memref<1x632x128xf32, #tpu.memory_space<hbm>> -> memref<632x128xf32, #tpu.memory_space<hbm>>
      %dma_start3A_384 = arith.constant 0 : i32
      %dma_start3A_385 = tpu.memref_slice %arg17[%mul3A_378, %dma_start3A_384] : memref<10112x128xf32, #tpu.memory_space<vmem_shared>> -> memref<632x128xf32, #tpu.memory_space<vmem_shared>>
      tpu.enqueue_dma source(%dma_start3A_385 : memref<632x128xf32, #tpu.memory_space<vmem_shared>>) target(%dma_start3A_383 : memref<632x128xf32, #tpu.memory_space<hbm>>) target_semaphore(%run_scoped3A : memref<!tpu.dma_semaphore, #tpu.memory_space<semaphore_mem>>)
      %dma_wait3A_386 = arith.constant 0 : i32
      %dma_wait3A_387 = tpu.memref_slice %arg6[%arg0, %mul3A_380, %dma_wait3A_386] : memref<2x10112x128xf32, #tpu.memory_space<hbm>> -> memref<1x632x128xf32, #tpu.memory_space<hbm>>
      %dma_wait3A_388 = tpu.memref_squeeze %dma_wait3A_387 : memref<1x632x128xf32, #tpu.memory_space<hbm>> -> memref<632x128xf32, #tpu.memory_space<hbm>>
      %dma_wait3A_389 = arith.constant 0 : i32
      %dma_wait3A_390 = tpu.memref_slice %arg17[%mul3A_378, %dma_wait3A_389] : memref<10112x128xf32, #tpu.memory_space<vmem_shared>> -> memref<632x128xf32, #tpu.memory_space<vmem_shared>>
      tpu.wait_dma2 semaphore(%run_scoped3A : memref<!tpu.dma_semaphore, #tpu.memory_space<semaphore_mem>>) src(%dma_wait3A_390 : memref<632x128xf32, #tpu.memory_space<vmem_shared>>) dst(%dma_wait3A_388 : memref<632x128xf32, #tpu.memory_space<hbm>>)
      tpu.yield
    }) : () -> ()
    return
  }
}

module attributes {stable_mosaic.version = 14 : i64} {
  func.func @_mm_first_body(%arg0: memref<10000x128xf32, #tpu.memory_space<vmem>>, %arg1: memref<128x128xf32, #tpu.memory_space<vmem>>, %arg2: memref<1x128xf32, #tpu.memory_space<vmem>>, %arg3: memref<10000x128xf32, #tpu.memory_space<vmem>>) attributes {dimension_semantics = [], scalar_prefetch = 0 : i64, scratch_operands = 0 : i64, tpu.core_type = #tpu.core_type<tc>} {
    %get3A = arith.constant 0 : index
    %get3A_0 = arith.constant 0 : index
    %get3A_1 = vector.load %arg0[%get3A, %get3A_0] : memref<10000x128xf32, #tpu.memory_space<vmem>>, vector<10000x128xf32>
    %get3A_2 = arith.constant 0 : index
    %get3A_3 = arith.constant 0 : index
    %get3A_4 = vector.load %arg1[%get3A_2, %get3A_3] : memref<128x128xf32, #tpu.memory_space<vmem>>, vector<128x128xf32>
    %dot_general3A = arith.constant dense<0.000000e+00> : vector<10000x128xf32>
    %dot_general3A_5 = tpu.matmul %get3A_1, %get3A_4, %dot_general3A {dimension_numbers = #tpu.dot_dimension_numbers<[1], [1], [0], [0], [0, 0, 1, 0], [], []>, transpose_lhs_hint = false} : vector<10000x128xf32>, vector<128x128xf32>, vector<10000x128xf32> -> vector<10000x128xf32>
    %get3A_6 = arith.constant 0 : index
    %get3A_7 = arith.constant 0 : index
    %get3A_8 = vector.load %arg2[%get3A_6, %get3A_7] : memref<1x128xf32, #tpu.memory_space<vmem>>, vector<1x128xf32>
    %add3A = vector.broadcast %get3A_8 : vector<1x128xf32> to vector<10000x128xf32>
    %add3A_9 = arith.addf %dot_general3A_5, %add3A : vector<10000x128xf32>
    %swap3A = arith.constant 0 : index
    %swap3A_10 = arith.constant 0 : index
    %swap3A_11 = vector.load %arg3[%swap3A, %swap3A_10] : memref<10000x128xf32, #tpu.memory_space<vmem>>, vector<10000x128xf32>
    tpu.vector_store %arg3[%swap3A, %swap3A_10], %add3A_9 {strides = array<i32>} : memref<10000x128xf32, #tpu.memory_space<vmem>>, vector<10000x128xf32>,
    return
  }
}

module attributes {stable_mosaic.version = 14 : i64} {
  func.func @_mm_mid_body(%arg0: memref<2x10112x128xf32, #tpu.memory_space<vmem>>, %arg1: memref<128x128xf32, #tpu.memory_space<vmem>>, %arg2: memref<1x128xf32, #tpu.memory_space<vmem>>, %arg3: memref<10000x128xf32, #tpu.memory_space<vmem>>) attributes {dimension_semantics = [], scalar_prefetch = 0 : i64, scratch_operands = 0 : i64, tpu.core_type = #tpu.core_type<tc>} {
    %get3A = arith.constant 0 : index
    %get3A_0 = arith.constant 0 : index
    %get3A_1 = arith.constant 0 : index
    %get3A_2 = vector.load %arg0[%get3A, %get3A_0, %get3A_1] : memref<2x10112x128xf32, #tpu.memory_space<vmem>>, vector<1x10000x128xf32>
    %get3A_3 = vector.shape_cast %get3A_2 : vector<1x10000x128xf32> to vector<10000x128xf32>
    %get3A_4 = arith.constant 1 : index
    %get3A_5 = arith.constant 0 : index
    %get3A_6 = arith.constant 0 : index
    %get3A_7 = vector.load %arg0[%get3A_4, %get3A_5, %get3A_6] : memref<2x10112x128xf32, #tpu.memory_space<vmem>>, vector<1x10000x128xf32>
    %get3A_8 = vector.shape_cast %get3A_7 : vector<1x10000x128xf32> to vector<10000x128xf32>
    %add3A = arith.addf %get3A_3, %get3A_8 : vector<10000x128xf32>
    %max3A = arith.constant 0.000000e+00 : f32
    %max3A_9 = vector.broadcast %max3A : f32 to vector<10000x128xf32>
    %max3A_10 = arith.maximumf %add3A, %max3A_9 : vector<10000x128xf32>
    %get3A_11 = arith.constant 0 : index
    %get3A_12 = arith.constant 0 : index
    %get3A_13 = vector.load %arg1[%get3A_11, %get3A_12] : memref<128x128xf32, #tpu.memory_space<vmem>>, vector<128x128xf32>
    %dot_general3A = arith.constant dense<0.000000e+00> : vector<10000x128xf32>
    %dot_general3A_14 = tpu.matmul %max3A_10, %get3A_13, %dot_general3A {dimension_numbers = #tpu.dot_dimension_numbers<[1], [1], [0], [0], [0, 0, 1, 0], [], []>, transpose_lhs_hint = false} : vector<10000x128xf32>, vector<128x128xf32>, vector<10000x128xf32> -> vector<10000x128xf32>
    %get3A_15 = arith.constant 0 : index
    %get3A_16 = arith.constant 0 : index
    %get3A_17 = vector.load %arg2[%get3A_15, %get3A_16] : memref<1x128xf32, #tpu.memory_space<vmem>>, vector<1x128xf32>
    %add3A_18 = vector.broadcast %get3A_17 : vector<1x128xf32> to vector<10000x128xf32>
    %add3A_19 = arith.addf %dot_general3A_14, %add3A_18 : vector<10000x128xf32>
    %swap3A = arith.constant 0 : index
    %swap3A_20 = arith.constant 0 : index
    %swap3A_21 = vector.load %arg3[%swap3A, %swap3A_20] : memref<10000x128xf32, #tpu.memory_space<vmem>>, vector<10000x128xf32>
    tpu.vector_store %arg3[%swap3A, %swap3A_20], %add3A_19 {strides = array<i32>} : memref<10000x128xf32, #tpu.memory_space<vmem>>, vector<10000x128xf32>,
    return
  }
}

module attributes {stable_mosaic.version = 14 : i64} {
  func.func @_sum_body(%arg0: memref<2x10112x128xf32, #tpu.memory_space<vmem>>, %arg1: memref<10000x128xf32, #tpu.memory_space<vmem>>) attributes {dimension_semantics = [], scalar_prefetch = 0 : i64, scratch_operands = 0 : i64, tpu.core_type = #tpu.core_type<tc>} {
    %get3A = arith.constant 0 : index
    %get3A_0 = arith.constant 0 : index
    %get3A_1 = arith.constant 0 : index
    %get3A_2 = vector.load %arg0[%get3A, %get3A_0, %get3A_1] : memref<2x10112x128xf32, #tpu.memory_space<vmem>>, vector<1x10000x128xf32>
    %get3A_3 = vector.shape_cast %get3A_2 : vector<1x10000x128xf32> to vector<10000x128xf32>
    %get3A_4 = arith.constant 1 : index
    %get3A_5 = arith.constant 0 : index
    %get3A_6 = arith.constant 0 : index
    %get3A_7 = vector.load %arg0[%get3A_4, %get3A_5, %get3A_6] : memref<2x10112x128xf32, #tpu.memory_space<vmem>>, vector<1x10000x128xf32>
    %get3A_8 = vector.shape_cast %get3A_7 : vector<1x10000x128xf32> to vector<10000x128xf32>
    %add3A = arith.addf %get3A_3, %get3A_8 : vector<10000x128xf32>
    %swap3A = arith.constant 0 : index
    %swap3A_9 = arith.constant 0 : index
    %swap3A_10 = vector.load %arg1[%swap3A, %swap3A_9] : memref<10000x128xf32, #tpu.memory_space<vmem>>, vector<10000x128xf32>
    tpu.vector_store %arg1[%swap3A, %swap3A_9], %add3A {strides = array<i32>} : memref<10000x128xf32, #tpu.memory_space<vmem>>, vector<10000x128xf32>,
    return
  }
}

</mosaic_0001>

<sc_bundles>
// kernel: kernel.12.cloned.1.call-start
scs
__scs_entry_jumppad:
0x0: {  	(pc) =	sbr.rel $0x88, $3  }
0x1: {  	(tag) =	ssettag $0x0;
	lr =	simm.s32 $0x1  }
0x2: {  	[smem:$0x3F99] =	sst lr;
	_ =	strace $0xD0000000  }
0x3: {  	_ = 	snop  }
0x4: {  	_ = 	snop  }
0x5: {  	_ = 	snop  }
0x6: {  	_ = 	snop  }
0x7: {  	_ = 	snop  }
__scs_overlays_trampoline_lowered:
0x8: {  	[smem:$0x3FA8] =	sst s0  }
0x9: {  	[smem:$0x3FA9] =	sst s1  }
0xa: {  	[smem:$0x3FAA] =	sst s2  }
0xb: {  	[smem:$0x3FAB] =	sst s3  }
0xc: {  	[smem:$0x3FAC] =	sst s4  }
0xd: {  	[smem:$0x3FAD] =	sst s5  }
0xe: {  	[smem:$0x3FAE] =	sst s6  }
0xf: {  	[smem:$0x3FAF] =	sst s7  }
0x10: {  	[smem:$0x3FB0] =	sst s8  }
0x11: {  	[smem:$0x3FB1] =	sst s9;
	s0 =	simm.s32 @!p0 $0x0  }
0x12: {  	s1 =	sld [smem:$0x3F97];
	s0 =	simm.s32 @p0 $0x1  }
0x13: {  	[smem:$0x3FB2] =	sst s0;
	s0 =	simm.s32 @!p1 $0x0  }
0x14: {  	s2 =	sld [smem:$0x3F96];
	s0 =	simm.s32 @p1 $0x1  }
0x15: {  	[smem:$0x3FB3] =	sst s0;
	s0 =	simm.s32 @!p2 $0x0  }
0x16: {  	s3 =	sld [smem:$0x3FDB];
	s0 =	simm.s32 @p2 $0x1  }
0x17: {  	s4 =	simm.s32 $0x1BF5;
	[smem:$0x3FB5] =	sst s0  }
0x18: {  	s0 =	sld [smem:$0x3F98];
	_ =	swait.ge [sflag:s4], $0x0  }
0x19: {  	s7 =	sld [smem:$0x3F99]  }
0x1a: {  	s8 =	sadd.s32 $0xFFFFE003, lr  }
0x1b: {  	s9 =	sadd.s32 $0xFFFFFEF7, lr;
	s5 =	simm.s32 $0xFFFFFFFF;
	p2 =	slt.u32 s8, $0xFFFFF086  }
0x1c: {  	p1 =	slt.u32 s9, $0xF7A;
	s5 =	simm.s32 @!p2 $0x0  }
0x1d: {  	s5 =	simm.s32 @p1 $0x1;
	p0 =	seq.s32 s7, s2  }
0x1e: {  	s7 =	smul.u32 @!p0 $0xF7A, s2;
	p2 =	seq.s32 @!p0 s5, $0x0  }
0x1f: {  	s9 =	smul.u32 $0xF7A, s1;
	s8 =	simm.s32 @!p0 $0x1BF5;
	p2 =	por !p2, p0  }
0x20: {  	[sflag:s8] =	ssyncset.s32 @!p0 $0xFFFFF086;
	s6 =	sadd.s32 @!p0 s3, s7;
	s7 =	simm.s32 @!p0 $0x108  }
0x21: {  	s3 =	sadd.s32 s3, s9;
	s6 =	sadd.s32 @!p0 $0x88, s6;
	s7 =	simm.s32 @p2 $0x1082  }
0x22: {  	[simem:s7], [sflag:s8] =	dma.local @!p0 [hbm:s6], $0xF7A  }
0x23: {  	s9 =	sor.u32 $0xD0000000, s2;
	s6 =	simm.s32 $0x108;
	_ =	swait.ge @!p0 [sflag:s8], $0x0  }
0x24: {  	s3 =	sadd.s32 $0x88, s3;
	s6 =	simm.s32 @!p1 $0x1082;
	[sflag:s4] =	ssyncset.s32 $0xFFFFF086  }
0x25: {  	[simem:s6], [sflag:s4] =	dma.local [hbm:s3], $0xF7A  }
0x26: {  	[smem:$0x3F99] =	sst s1;
	(tag) =	ssettag s2;
	_ =	strace s9  }
0x27: {  	s1 =	sld [smem:$0x3FA9]  }
0x28: {  	s2 =	sld [smem:$0x3FAA]  }
0x29: {  	s4 =	sld [smem:$0x3FAC]  }
0x2a: {  	p0 =	seq.s32 s5, $0x0;
	s5 =	sld [smem:$0x3FAD]  }
0x2b: {  	s6 =	sld [smem:$0x3FAE]  }
0x2c: {  	s7 =	sld [smem:$0x3FAF]  }
0x2d: {  	s3 =	simm.s32 $0x108;
	s8 =	sld [smem:$0x3FB0]  }
0x2e: {  	s3 =	simm.s32 @!p0 $0x1082;
	s9 =	sld [smem:$0x3FB1]  }
0x2f: {  	lr =	sadd.s32 s0, s3;
	s0 =	sld [smem:$0x3FA8]  }
0x30: {  	s3 =	sld [smem:$0x3FAB]  }
0x31: {  	[smem:$0x3FB4] =	sst s10  }
0x32: {  	s10 =	sld [smem:$0x3FB2];
	_ =	sdelay $0x3  }
0x33: {  	p0 =	seq.s32 s10, $0x1;
	s10 =	sld [smem:$0x3FB4];
	_ =	sdelay $0x3  }
0x34: {  	[smem:$0x3FB4] =	sst s10  }
0x35: {  	s10 =	sld [smem:$0x3FB3];
	_ =	sdelay $0x3  }
0x36: {  	p1 =	seq.s32 s10, $0x1;
	s10 =	sld [smem:$0x3FB4];
	_ =	sdelay $0x3  }
0x37: {  	[smem:$0x3FB4] =	sst s10  }
0x38: {  	s10 =	sld [smem:$0x3FB5]  }
0x39: {  	_ = 	snop;
	(pc) =	sbr.ind lr, $3  }
0x3a: {  	_ = 	snop  }
0x3b: {  	_ = 	snop  }
0x3c: {  	p2 =	seq.s32 s10, $0x1;
	s10 =	sld [smem:$0x3FB4]  }
0x3d: {  	_ =	shalt  }
0x3e: {  	_ =	shalt  }
0x3f: {  	_ =	shalt  }
0x40: {  	_ =	shalt  }
0x41: {  	_ =	shalt  }
0x42: {  	_ =	shalt  }
0x43: {  	_ =	shalt  }
0x44: {  	_ =	shalt  }
0x45: {  	_ =	shalt  }
0x46: {  	_ =	shalt  }
0x47: {  	_ =	shalt  }
0x48: {  	_ =	shalt  }
0x49: {  	_ =	shalt  }
0x4a: {  	_ =	shalt  }
0x4b: {  	_ =	shalt  }
0x4c: {  	_ =	shalt  }
0x4d: {  	_ =	shalt  }
0x4e: {  	_ =	shalt  }
0x4f: {  	_ =	shalt  }
0x50: {  	_ =	shalt  }
0x51: {  	_ =	shalt  }
0x52: {  	_ =	shalt  }
0x53: {  	_ =	shalt  }
0x54: {  	_ =	shalt  }
0x55: {  	_ =	shalt  }
0x56: {  	_ =	shalt  }
0x57: {  	_ =	shalt  }
0x58: {  	_ =	shalt  }
0x59: {  	_ =	shalt  }
0x5a: {  	_ =	shalt  }
0x5b: {  	_ =	shalt  }
0x5c: {  	_ =	shalt  }
0x5d: {  	_ =	shalt  }
0x5e: {  	_ =	shalt  }
0x5f: {  	_ =	shalt  }
0x60: {  	_ =	shalt  }
0x61: {  	_ =	shalt  }
0x62: {  	_ =	shalt  }
0x63: {  	_ =	shalt  }
0x64: {  	_ =	shalt  }
0x65: {  	_ =	shalt  }
0x66: {  	_ =	shalt  }
0x67: {  	_ =	shalt  }
0x68: {  	_ =	shalt  }
0x69: {  	_ =	shalt  }
0x6a: {  	_ =	shalt  }
0x6b: {  	_ =	shalt  }
0x6c: {  	_ =	shalt  }
0x6d: {  	_ =	shalt  }
0x6e: {  	_ =	shalt  }
0x6f: {  	_ =	shalt  }
0x70: {  	_ =	shalt  }
0x71: {  	_ =	shalt  }
0x72: {  	_ =	shalt  }
0x73: {  	_ =	shalt  }
0x74: {  	_ =	shalt  }
0x75: {  	_ =	shalt  }
0x76: {  	_ =	shalt  }
0x77: {  	_ =	shalt  }
0x78: {  	_ =	shalt  }
0x79: {  	_ =	shalt  }
0x7a: {  	_ =	shalt  }
0x7b: {  	_ =	shalt  }
0x7c: {  	_ =	shalt  }
0x7d: {  	_ =	shalt  }
0x7e: {  	_ =	shalt  }
0x7f: {  	_ =	shalt  }
0x80: {  	_ =	shalt  }
0x81: {  	_ =	shalt  }
0x82: {  	_ =	shalt  }
0x83: {  	_ =	shalt  }
0x84: {  	_ =	shalt  }
0x85: {  	_ =	shalt  }
0x86: {  	_ =	shalt  }
0x87: {  	_ =	shalt  }
.Lfunc_end0:
.L_simem_size_0:
called_computation.1_lowered:
.L_overlay_start_0:
0x88: {  	s2 =	sld [smem:$0x3FD9]  }
0x89: {  	s3 =	sld [smem:$0x3FFE];
	_ =	sdelay $0x1  }
0x8a: {  	s1 =	srdreg.scid  }
0x8b: {  	s0 =	sand.u32 $0x1, s1  }
0x8c: {  	s17 =	sshll.u32 s0, $0xA;
	s2 =	sadd.s32 s3, s2  }
0x8d: {  	s2 =	sadd.s32 s2, s17  }
0x8e: {  	[smem:$0x3FC0] =	sst s2  }
0x8f: {  	_ = 	snop  }
0x90: {  	s2 =	sld [smem:$0x3FD0];
	(tm) =	ssettm $0x1  }
0x91: {  	s18 =	sld [smem:$0x3FFB];
	_ =	sdelay $0x3  }
0x92: {  	_ =	strace s18  }
0x93: {  	s3 =	sld [smem:$0x3FFC];
	_ =	sdelay $0x3  }
0x94: {  	_ =	strace s3  }
0x95: {  	s3 =	sld [smem:$0x3FFD];
	_ =	sdelay $0x3  }
0x96: {  	_ =	strace s3  }
0x97: {  	_ =	strace $0x8FFFFFFF  }
0x98: {  	s19 =	sld [smem:$0x3FDB];
	_ =	sdelay $0x1  }
0x99: {  	s4 =	simm.s32 $_scs_section_size  }
0x9a: {  	s5 =	simm.s32 $_size__tile_overlayer_lowered;
	s6 =	simm.s32 $_tile_overlayer_lowered  }
0x9b: {  	s22 =	simm.s32 $0x1BFF;
	s21 =	sshll.u32 s6, $0x1;
	s3 =	sadd.s32 s4, s19  }
0x9c: {  	s7 =	simm.s32 $0x0;
	s20 =	sshll.u32 s5, $0x1;
	s5 =	sadd.s32 s21, s3  }
0x9d: {  	[timem:s7], [sflag:s22] =	dma.local [hbm:s5], s20  }
0x9e: {  	_ =	swait.ge [sflag:s22], s20  }
0x9f: {  	s4 =	ssub.s32 $0x0, s20;
	[sflag:s22] =	ssyncset.done $0x0  }
0xa0: {  	[sflag:s22] =	ssyncadd.s32 s4;
	_ =	sdelay $0x1  }
0xa1: {  	s23 =	simm.s32 $0x1B8B  }
0xa2: {  	_ =	swait.ge [sflag:s23], $0x1  }
0xa3: {  	[sflag:s23] =	ssyncset.done $0x0  }
0xa4: {  	s25 =	simm.s32 $0x1B8E;
	s24 =	sld [smem:$0x3FFE];
	[sflag:s23] =	ssyncadd.s32 $0xFFFFFFFF  }
0xa5: {  	s26 =	simm.s32 $execute0_lowered;
	[smem:$0x3FD2] =	sst s25  }
0xa6: {  	s5 =	sshll.u32 s26, $0x1;
	_ =	strace $0x80000049;
	[dreg:$0x1] =	wrdreg $0xFFFFFFFF  }
0xa7: {  	s28 =	simm.s32 $_size_execute0_lowered;
	s3 =	sadd.s32 s3, s5;
	[dreg:$0x0] =	wrdreg $0x0  }
0xa8: {  	s5 =	sshll.u32 s28, $0x1;
	[dreg:$0x2] =	wrdreg s3  }
0xa9: {  	[dreg:$0x3] =	wrdreg s5  }
0xaa: {  	[dreg:$0x4] =	wrdreg $0xC0  }
0xab: {  	_ =	task [dreg:s7], $0x5FFFF  }
0xac: {  	[dreg:$0x1] =	wrdreg $0xFFFFFFFF  }
0xad: {  	[dreg:$0x0] =	wrdreg $0x60  }
0xae: {  	[dreg:$0x2] =	wrdreg s2  }
0xaf: {  	[dreg:$0x3] =	wrdreg s24  }
0xb0: {  	[dreg:$0x4] =	wrdreg $0xAA000  }
0xb1: {  	[dreg:$0x5] =	wrdreg $0x9  }
0xb2: {  	_ =	task.clear_ibuf [dreg:s7], $0x6FFFF;
	_ =	strace $0x90000049  }
0xb3: {  	s29 =	simm.s32 $0x9;
	_ =	strace $0x8000004B  }
0xb4: {  	_ =	swait.ge [sflag:s29], $0x1  }
0xb5: {  	[sflag:s29] =	ssyncadd.s32 $0xFFFFFFFF  }
0xb6: {  	_ =	strace $0x9000004B  }
0xb7: {  	_ =	sfence  }
0xb8: {  	s30 =	sld [smem:$0x0];
	_ =	sdelay $0x2  }
0xb9: {  	s31 =	sshll.u32 s1, $0xD;
	s1 =	sshrl.u32 s1, $0x2  }
0xba: {  	s3 =	sand.u32 $0x4000, s31;
	s1 =	sadd.s32 s1, s30  }
0xbb: {  	s0 =	sor.u32 s3, s0;
	s1 =	sshll.u32 s1, $0x11  }
0xbc: {  	s0 =	sor.u32 s1, s0  }
0xbd: {  	s0 =	sadd.s32 $0x8F2B, s0  }
0xbe: {  	[sflag:s0] =	ssyncadd.remote.s32 $0x1  }
0xbf: {  	_ =	sfence.sel $0xFFFF  }
0xc0: {  	[dreg:$0x0] =	wrdreg $0xFFFFFFFF;
	(pc) =	sbr.abs _section_cstart, $3  }
0xc1: {  	[dreg:$0x1] =	wrdreg $0xFFFFFFFF  }
0xc2: {  	_ =	task.clear_ibuf [dreg:s7], $0x2FFFF;
	_ =	strace $0x9FFFFFFF  }
0xc3: {  	(tm) =	ssettm $0x7FFFFFFF  }
tec
execute0_lowered:
.L_overlay_start_1:
0x0: {  	(tag) =	ssettag $0x1  }
0x1: {  	s1 =	rddreg [dreg:$0x0]  }
0x2: {  	s0 =	rddreg [dreg:$0x1]  }
0x3: {  	s2 =	rddreg [dreg:$0x2];
	s3 =	srdreg.scid  }
0x4: {  	s4 =	simm.s32 $0x0;
	s10 =	stileid.u32;
	s14 =	simm.s32 $0x9  }
0x5: {  	s16 =	simm.s32 $0x40;
	s17 =	simm.s32 $0x2A00;
	s18 =	simm.s32 $0x4A00  }
0x6: {  	s28 =	simm.s32 $0x2880;
	s29 =	simm.s32 $0x6;
	s30 =	simm.s32 $0x3  }
0x7: {  	s31 =	simm.s32 $0x2900;
	s15 =	simm.s32 $0x8;
	s3 =	sand.u32 $0x1, s3  }
0x8: {  	[smem:$0x7FF] =	sst s4;
	s6 =	smul.u32 $0x13C00, s10;
	s7 =	sadd.s32 $0xC400, s0  }
0x9: {  	s8 =	sadd.s32 $0x2400, s0;
	s20 =	sadd.s32 $0x16400, s0;
	s22 =	smul.u32 $0x4F000, s10  }
0xa: {  	s21 =	sshll.u32 s10, $0x1;
	s24 =	sshll.u32 s10, $0x6;
	s5 =	smul.u32 $0x13C000, s3  }
0xb: {  	_ =	strace $0x8000004A;
	[dreg:$0x4] =	wrdreg s20;
	s9 =	ssub.s32 $0x2, s3  }
0xc: {  	s3 =	sor.u32 s3, s21;
	s20 =	simm.s32 $0x6A00;
	s21 =	simm.s32 $0xC0  }
0xd: {  	s23 =	sshrl.u32 s9, $0x1;
	s3 =	smul.u32 $0x2800, s3;
	s5 =	sadd.s32 s6, s5  }
0xe: {  	s6 =	sshrl.u32 s22, $0x2;
	s22 =	simm.s32 $0x8A00;
	s5 =	sshrl.u32 s5, $0x3  }
0xf: {  	s13 =	sadd.s32 s6, s2;
	s6 =	sor.u32 $0x1C09, s24;
	s3 =	sshrl.u32 s3, $0x3  }
0x10: {  	s24 =	simm.s32 $0x2800;
	s0 =	sadd.s32 s5, s0;
	s5 =	ssub.s32 s9, s23  }
0x11: {  	s25 =	sadd.s32 s7, s3;
	s26 =	sadd.s32 s8, s3;
	s3 =	sadd.s32 $0x280, s3  }
0x12: {  	s13 =	sshrl.u32 s13, $0x3;
	s23 =	simm.s32 $0x1;
	[dreg:$0x5] =	wrdreg s25  }
0x13: {  	[dreg:$0x6] =	wrdreg s26;
	s7 =	sadd.s32 s7, s3;
	s10 =	sadd.s32 s8, s3  }
0x14: {  	s11 =	sadd.s32 $0x18C00, s0;
	s12 =	smax.u32 s5, $0x1;
	s25 =	simm.s32 $0x5  }
0x15: {  	s26 =	simm.s32 $0x2;
	s0 =	simm.s32 $0x7;
	s3 =	simm.s32 $0x4  }
0x16: {  	s5 =	simm.s32 $0x2980;
	[dreg:$0x7] =	wrdreg s7;
	s7 =	simm.s32 $0x0  }
.LBB2_1:
0x17: {  	s8 =	rddreg [dreg:$0x4]  }
0x18: {  	[spmem:s13], [sflag:s6] =	dma.local [hbm:s8], $0x2780  }
0x19: {  	_ =	swait.ge [sflag:s14], $0x2780  }
0x1a: {  	[sflag:s14] =	ssyncset.done $0x0  }
0x1b: {  	s9 =	rddreg [dreg:$0x5];
	[sflag:s14] =	ssyncadd.s32 $0xFFFFD880  }
0x1c: {  	[tilespmem:s4], [sflag:$0x9] =	stream.linear.gather [hbm4b:s9+s4], $0x1400, $0x38;
	[tilespmem:$0x1E600] =	vst v63  }
0x1d: {  	_ =	swait.ge [sflag:s14], $0x1400  }
0x1e: {  	[sflag:s14] =	ssyncset.done $0x0  }
0x1f: {  	s9 =	simm.s32 $0x1400;
	s19 =	rddreg [dreg:$0x6];
	[sflag:s14] =	ssyncadd.s32 $0xFFFFEC00  }
0x20: {  	[tilespmem:s9], [sflag:$0x9] =	stream.linear.gather [hbm4b:s19+s4], $0x1400, $0x38;
	[tilespmem:$0x1E600] =	vst v63  }
0x21: {  	_ =	swait.ge [sflag:s14], $0x1400  }
0x22: {  	[sflag:s14] =	ssyncset.done $0x0  }
0x23: {  	[sflag:s14] =	ssyncadd.s32 $0xFFFFEC00  }
0x24: {  	[bflag:$0x0] =	sbarrier.arrive $0xFFFF  }
0x25: {  	v0 =	vld [tilespmem:$0x1400]  }
0x26: {  	v1 =	vld [tilespmem:$0x1410]  }
0x27: {  	v2 =	vld [tilespmem:$0x1420]  }
0x28: {  	v3 =	vld [tilespmem:$0x1430];
	_ =	sdelay $0x1  }
0x29: {  	[tilespmem:$0x2800] =	vst v0  }
0x2a: {  	[tilespmem:$0x2810] =	vst v1  }
0x2b: {  	[tilespmem:$0x2820] =	vst v2  }
0x2c: {  	[tilespmem:$0x2830] =	vst v3  }
0x2d: {  	[tilespmem:s17], [sflag:$0x1] =	stream.indirect.gather [hbm4b:s1+s16], $0x80, s4, s16, $0xb8;
	[tilespmem:$0x1E600] =	vst v63  }
0x2e: {  	v48 =	vld [tilespmem:$0x1440]  }
0x2f: {  	v49 =	vld [tilespmem:$0x1450]  }
0x30: {  	v50 =	vld [tilespmem:$0x1460]  }
0x31: {  	v51 =	vld [tilespmem:$0x1470];
	_ =	sdelay $0x1  }
0x32: {  	[tilespmem:$0x2880] =	vst v48  }
0x33: {  	[tilespmem:$0x2890] =	vst v49  }
0x34: {  	[tilespmem:$0x28A0] =	vst v50  }
0x35: {  	[tilespmem:$0x28B0] =	vst v51  }
0x36: {  	[tilespmem:s18], [sflag:$0x2] =	stream.indirect.gather [hbm4b:s1+s16], $0x80, s16, s16, $0xb8;
	[tilespmem:$0x1E600] =	vst v63  }
0x37: {  	v52 =	vld [tilespmem:$0x1480]  }
0x38: {  	v53 =	vld [tilespmem:$0x1490]  }
0x39: {  	v54 =	vld [tilespmem:$0x14A0]  }
0x3a: {  	v55 =	vld [tilespmem:$0x14B0];
	_ =	sdelay $0x1  }
0x3b: {  	[tilespmem:$0x2900] =	vst v52  }
0x3c: {  	[tilespmem:$0x2910] =	vst v53  }
0x3d: {  	[tilespmem:$0x2920] =	vst v54  }
0x3e: {  	s19 =	simm.s32 $0x80;
	[tilespmem:$0x2930] =	vst v55  }
0x3f: {  	[tilespmem:s20], [sflag:$0x3] =	stream.indirect.gather [hbm4b:s1+s16], $0x80, s19, s16, $0xb8;
	[tilespmem:$0x1E600] =	vst v63  }
0x40: {  	v56 =	vld [tilespmem:$0x14C0]  }
0x41: {  	v57 =	vld [tilespmem:$0x14D0]  }
0x42: {  	v58 =	vld [tilespmem:$0x14E0]  }
0x43: {  	v59 =	vld [tilespmem:$0x14F0];
	_ =	sdelay $0x1  }
0x44: {  	[tilespmem:$0x2980] =	vst v56  }
0x45: {  	[tilespmem:$0x2990] =	vst v57  }
0x46: {  	[tilespmem:$0x29A0] =	vst v58  }
0x47: {  	[tilespmem:$0x29B0] =	vst v59  }
0x48: {  	[tilespmem:s22], [sflag:$0x4] =	stream.indirect.gather [hbm4b:s1+s16], $0x80, s21, s16, $0xb8;
	[tilespmem:$0x1E600] =	vst v63  }
0x49: {  	_ =	swait.ge [sflag:s23], $0x2000  }
0x4a: {  	[sflag:s23] =	ssyncset.done $0x0  }
0x4b: {  	[sflag:s23] =	ssyncadd.s32 $0xFFFFE000  }
0x4c: {  	[spmem:s2] =	stream.indirect.scatter.add.f32 [tilespmem:s17], [sflag:$0x5], $0x80, s24, s16, $0xb8;
	[tilespmem:$0x1E600] =	vst v63  }
0x4d: {  	_ =	swait.ge [sflag:s25], $0x2000  }
0x4e: {  	[sflag:s25] =	ssyncset.done $0x0  }
0x4f: {  	s8 =	simm.s32 $0x0;
	[sflag:s25] =	ssyncadd.s32 $0xFFFFE000  }
0x50: {  	v60 =	vld [tilespmem:s8+$0x1500];
	_ =	sdelay $0x4  }
0x51: {  	[tilespmem:$0x2800] =	vst v60  }
0x52: {  	v0 =	vld [tilespmem:s8+$0x1510];
	_ =	sdelay $0x4  }
0x53: {  	[tilespmem:$0x2810] =	vst v0  }
0x54: {  	v0 =	vld [tilespmem:s8+$0x1520];
	_ =	sdelay $0x4  }
0x55: {  	[tilespmem:$0x2820] =	vst v0  }
0x56: {  	v0 =	vld [tilespmem:s8+$0x1530];
	_ =	sdelay $0x4  }
0x57: {  	s19 =	simm.s32 $0x100;
	[tilespmem:$0x2830] =	vst v0  }
0x58: {  	[tilespmem:s17], [sflag:$0x1] =	stream.indirect.gather [hbm4b:s1+s16], $0x80, s19, s16, $0xb8;
	[tilespmem:$0x1E600] =	vst v63  }
0x59: {  	_ =	swait.ge [sflag:s26], $0x2000  }
0x5a: {  	[sflag:s26] =	ssyncset.done $0x0  }
0x5b: {  	[sflag:s26] =	ssyncadd.s32 $0xFFFFE000  }
0x5c: {  	[spmem:s2] =	stream.indirect.scatter.add.f32 [tilespmem:s18], [sflag:$0x6], $0x80, s28, s16, $0xb8;
	[tilespmem:$0x1E600] =	vst v63  }
0x5d: {  	_ =	swait.ge [sflag:s29], $0x2000  }
0x5e: {  	[sflag:s29] =	ssyncset.done $0x0  }
0x5f: {  	[sflag:s29] =	ssyncadd.s32 $0xFFFFE000  }
0x60: {  	v61 =	vld [tilespmem:s8+$0x1540];
	_ =	sdelay $0x4  }
0x61: {  	[tilespmem:$0x2880] =	vst v61  }
0x62: {  	v0 =	vld [tilespmem:s8+$0x1550];
	_ =	sdelay $0x4  }
0x63: {  	[tilespmem:$0x2890] =	vst v0  }
0x64: {  	v0 =	vld [tilespmem:s8+$0x1560];
	_ =	sdelay $0x4  }
0x65: {  	[tilespmem:$0x28A0] =	vst v0  }
0x66: {  	v0 =	vld [tilespmem:s8+$0x1570];
	_ =	sdelay $0x4  }
0x67: {  	s9 =	simm.s32 $0x140;
	[tilespmem:$0x28B0] =	vst v0  }
0x68: {  	[tilespmem:s18], [sflag:$0x2] =	stream.indirect.gather [hbm4b:s1+s16], $0x80, s9, s16, $0xb8;
	[tilespmem:$0x1E600] =	vst v63  }
0x69: {  	_ =	swait.ge [sflag:s30], $0x2000  }
0x6a: {  	[sflag:s30] =	ssyncset.done $0x0  }
0x6b: {  	[sflag:s30] =	ssyncadd.s32 $0xFFFFE000  }
0x6c: {  	[spmem:s2] =	stream.indirect.scatter.add.f32 [tilespmem:s20], [sflag:$0x7], $0x80, s31, s16, $0xb8;
	[tilespmem:$0x1E600] =	vst v63  }
0x6d: {  	_ =	swait.ge [sflag:s0], $0x2000  }
0x6e: {  	[sflag:s0] =	ssyncset.done $0x0  }
0x6f: {  	[sflag:s0] =	ssyncadd.s32 $0xFFFFE000  }
0x70: {  	v62 =	vld [tilespmem:s8+$0x1580];
	_ =	sdelay $0x4  }
0x71: {  	[tilespmem:$0x2900] =	vst v62  }
0x72: {  	v0 =	vld [tilespmem:s8+$0x1590];
	_ =	sdelay $0x4  }
0x73: {  	[tilespmem:$0x2910] =	vst v0  }
0x74: {  	v0 =	vld [tilespmem:s8+$0x15A0];
	_ =	sdelay $0x4  }
0x75: {  	[tilespmem:$0x2920] =	vst v0  }
0x76: {  	v0 =	vld [tilespmem:s8+$0x15B0];
	_ =	sdelay $0x4  }
0x77: {  	s9 =	simm.s32 $0x180;
	[tilespmem:$0x2930] =	vst v0  }
0x78: {  	[tilespmem:s20], [sflag:$0x3] =	stream.indirect.gather [hbm4b:s1+s16], $0x80, s9, s16, $0xb8;
	[tilespmem:$0x1E600] =	vst v63  }
0x79: {  	_ =	swait.ge [sflag:s3], $0x2000  }
0x7a: {  	[sflag:s3] =	ssyncset.done $0x0  }
0x7b: {  	[sflag:s3] =	ssyncadd.s32 $0xFFFFE000  }
0x7c: {  	[spmem:s2] =	stream.indirect.scatter.add.f32 [tilespmem:s22], [sflag:$0x8], $0x80, s5, s16, $0xb8;
	[tilespmem:$0x1E600] =	vst v63  }
0x7d: {  	_ =	swait.ge [sflag:s15], $0x2000  }
0x7e: {  	[sflag:s15] =	ssyncset.done $0x0  }
0x7f: {  	[sflag:s15] =	ssyncadd.s32 $0xFFFFE000  }
0x80: {  	v63 =	vld [tilespmem:s8+$0x15C0];
	_ =	sdelay $0x4  }
0x81: {  	[tilespmem:$0x2980] =	vst v63  }
0x82: {  	v0 =	vld [tilespmem:s8+$0x15D0];
	_ =	sdelay $0x4  }
0x83: {  	[tilespmem:$0x2990] =	vst v0  }
0x84: {  	v0 =	vld [tilespmem:s8+$0x15E0];
	_ =	sdelay $0x4  }
0x85: {  	[tilespmem:$0x29A0] =	vst v0  }
0x86: {  	v0 =	vld [tilespmem:s8+$0x15F0];
	_ =	sdelay $0x4  }
0x87: {  	s19 =	simm.s32 $0x1C0;
	[tilespmem:$0x29B0] =	vst v0  }
0x88: {  	[tilespmem:s22], [sflag:$0x4] =	stream.indirect.gather [hbm4b:s1+s16], $0x80, s19, s16, $0xb8;
	[tilespmem:$0x1E600] =	vst v63  }
0x89: {  	_ =	swait.ge [sflag:s23], $0x2000  }
0x8a: {  	[sflag:s23] =	ssyncset.done $0x0  }
0x8b: {  	s8 =	simm.s32 $0x400;
	[sflag:s23] =	ssyncadd.s32 $0xFFFFE000  }
.LBB2_2:
0x8c: {  	[spmem:s2] =	stream.indirect.scatter.add.f32 [tilespmem:s17], [sflag:$0x5], $0x80, s24, s16, $0xb8;
	[tilespmem:$0x1E600] =	vst v63  }
0x8d: {  	s19 =	smov.u32 s8  }
0x8e: {  	p0 =	sne.s32 s8, $0x4800;
	s8 =	sadd.s32 $0x400, s8;
	_ =	swait.ge [sflag:s25], $0x2000  }
0x8f: {  	[sflag:s25] =	ssyncset.done $0x0  }
0x90: {  	s19 =	sshra.s32 s19, $0x2;
	[sflag:s25] =	ssyncadd.s32 $0xFFFFE000  }
0x91: {  	v0 =	vld [tilespmem:s19+$0x1500];
	_ =	sdelay $0x4  }
0x92: {  	[tilespmem:$0x2800] =	vst v0  }
0x93: {  	v0 =	vld [tilespmem:s19+$0x1510];
	_ =	sdelay $0x4  }
0x94: {  	[tilespmem:$0x2810] =	vst v0  }
0x95: {  	v0 =	vld [tilespmem:s19+$0x1520];
	_ =	sdelay $0x4  }
0x96: {  	[tilespmem:$0x2820] =	vst v0  }
0x97: {  	v0 =	vld [tilespmem:s19+$0x1530];
	_ =	sdelay $0x4  }
0x98: {  	s9 =	sadd.s32 $0x100, s19;
	[tilespmem:$0x2830] =	vst v0  }
0x99: {  	[tilespmem:s17], [sflag:$0x1] =	stream.indirect.gather [hbm4b:s1+s16], $0x80, s9, s16, $0xb8;
	[tilespmem:$0x1E600] =	vst v63  }
0x9a: {  	_ =	swait.ge [sflag:s26], $0x2000  }
0x9b: {  	[sflag:s26] =	ssyncset.done $0x0  }
0x9c: {  	[sflag:s26] =	ssyncadd.s32 $0xFFFFE000  }
0x9d: {  	[spmem:s2] =	stream.indirect.scatter.add.f32 [tilespmem:s18], [sflag:$0x6], $0x80, s28, s16, $0xb8;
	[tilespmem:$0x1E600] =	vst v63  }
0x9e: {  	_ =	swait.ge [sflag:s29], $0x2000  }
0x9f: {  	[sflag:s29] =	ssyncset.done $0x0  }
0xa0: {  	[sflag:s29] =	ssyncadd.s32 $0xFFFFE000  }
0xa1: {  	v0 =	vld [tilespmem:s19+$0x1540];
	_ =	sdelay $0x4  }
0xa2: {  	[tilespmem:$0x2880] =	vst v0  }
0xa3: {  	v0 =	vld [tilespmem:s19+$0x1550];
	_ =	sdelay $0x4  }
0xa4: {  	[tilespmem:$0x2890] =	vst v0  }
0xa5: {  	v0 =	vld [tilespmem:s19+$0x1560];
	_ =	sdelay $0x4  }
0xa6: {  	[tilespmem:$0x28A0] =	vst v0  }
0xa7: {  	v0 =	vld [tilespmem:s19+$0x1570];
	_ =	sdelay $0x4  }
0xa8: {  	s9 =	sadd.s32 $0x140, s19;
	[tilespmem:$0x28B0] =	vst v0  }
0xa9: {  	[tilespmem:s18], [sflag:$0x2] =	stream.indirect.gather [hbm4b:s1+s16], $0x80, s9, s16, $0xb8;
	[tilespmem:$0x1E600] =	vst v63  }
0xaa: {  	_ =	swait.ge [sflag:s30], $0x2000  }
0xab: {  	[sflag:s30] =	ssyncset.done $0x0  }
0xac: {  	[sflag:s30] =	ssyncadd.s32 $0xFFFFE000  }
0xad: {  	[spmem:s2] =	stream.indirect.scatter.add.f32 [tilespmem:s20], [sflag:$0x7], $0x80, s31, s16, $0xb8;
	[tilespmem:$0x1E600] =	vst v63  }
0xae: {  	_ =	swait.ge [sflag:s0], $0x2000  }
0xaf: {  	[sflag:s0] =	ssyncset.done $0x0  }
0xb0: {  	[sflag:s0] =	ssyncadd.s32 $0xFFFFE000  }
0xb1: {  	v0 =	vld [tilespmem:s19+$0x1580];
	_ =	sdelay $0x4  }
0xb2: {  	[tilespmem:$0x2900] =	vst v0  }
0xb3: {  	v0 =	vld [tilespmem:s19+$0x1590];
	_ =	sdelay $0x4  }
0xb4: {  	[tilespmem:$0x2910] =	vst v0  }
0xb5: {  	v0 =	vld [tilespmem:s19+$0x15A0];
	_ =	sdelay $0x4  }
0xb6: {  	[tilespmem:$0x2920] =	vst v0  }
0xb7: {  	v0 =	vld [tilespmem:s19+$0x15B0];
	_ =	sdelay $0x4  }
0xb8: {  	s9 =	sadd.s32 $0x180, s19;
	[tilespmem:$0x2930] =	vst v0  }
0xb9: {  	[tilespmem:s20], [sflag:$0x3] =	stream.indirect.gather [hbm4b:s1+s16], $0x80, s9, s16, $0xb8;
	[tilespmem:$0x1E600] =	vst v63  }
0xba: {  	_ =	swait.ge [sflag:s3], $0x2000  }
0xbb: {  	[sflag:s3] =	ssyncset.done $0x0  }
0xbc: {  	[sflag:s3] =	ssyncadd.s32 $0xFFFFE000  }
0xbd: {  	[spmem:s2] =	stream.indirect.scatter.add.f32 [tilespmem:s22], [sflag:$0x8], $0x80, s5, s16, $0xb8;
	[tilespmem:$0x1E600] =	vst v63  }
0xbe: {  	_ =	swait.ge [sflag:s15], $0x2000  }
0xbf: {  	[sflag:s15] =	ssyncset.done $0x0  }
0xc0: {  	[sflag:s15] =	ssyncadd.s32 $0xFFFFE000  }
0xc1: {  	v0 =	vld [tilespmem:s19+$0x15C0];
	_ =	sdelay $0x4  }
0xc2: {  	[tilespmem:$0x2980] =	vst v0  }
0xc3: {  	v0 =	vld [tilespmem:s19+$0x15D0];
	_ =	sdelay $0x4  }
0xc4: {  	[tilespmem:$0x2990] =	vst v0  }
0xc5: {  	v0 =	vld [tilespmem:s19+$0x15E0];
	_ =	sdelay $0x4  }
0xc6: {  	[tilespmem:$0x29A0] =	vst v0  }
0xc7: {  	v0 =	vld [tilespmem:s19+$0x15F0];
	_ =	sdelay $0x4  }
.Ltmp0:
0xc8: {  	s9 =	sadd.s32 $0x1C0, s19;
	[tilespmem:$0x29B0] =	vst v0;
	(pc) =	sbr.rel @p0 .LBB2_2-.Ltmp0, $4  }
0xc9: {  	[tilespmem:s22], [sflag:$0x4] =	stream.indirect.gather [hbm4b:s1+s16], $0x80, s9, s16, $0xb8;
	[tilespmem:$0x1E600] =	vst v63  }
0xca: {  	_ =	swait.ge [sflag:s23], $0x2000  }
0xcb: {  	[sflag:s23] =	ssyncset.done $0x0  }
0xcc: {  	[sflag:s23] =	ssyncadd.s32 $0xFFFFE000  }
0xcd: {  	[spmem:s2] =	stream.indirect.scatter.add.f32 [tilespmem:s17], [sflag:$0x5], $0x80, s24, s16, $0xb8;
	[tilespmem:$0x1E600] =	vst v63  }
0xce: {  	_ =	swait.ge [sflag:s26], $0x2000  }
0xcf: {  	[sflag:s26] =	ssyncset.done $0x0  }
0xd0: {  	[sflag:s26] =	ssyncadd.s32 $0xFFFFE000  }
0xd1: {  	[spmem:s2] =	stream.indirect.scatter.add.f32 [tilespmem:s18], [sflag:$0x6], $0x80, s28, s16, $0xb8;
	[tilespmem:$0x1E600] =	vst v63  }
0xd2: {  	_ =	swait.ge [sflag:s30], $0x2000  }
0xd3: {  	[sflag:s30] =	ssyncset.done $0x0  }
0xd4: {  	[sflag:s30] =	ssyncadd.s32 $0xFFFFE000  }
0xd5: {  	[spmem:s2] =	stream.indirect.scatter.add.f32 [tilespmem:s20], [sflag:$0x7], $0x80, s31, s16, $0xb8;
	[tilespmem:$0x1E600] =	vst v63  }
0xd6: {  	_ =	swait.ge [sflag:s3], $0x2000  }
0xd7: {  	[sflag:s3] =	ssyncset.done $0x0  }
0xd8: {  	[sflag:s3] =	ssyncadd.s32 $0xFFFFE000  }
0xd9: {  	[spmem:s2] =	stream.indirect.scatter.add.f32 [tilespmem:s22], [sflag:$0x8], $0x80, s5, s16, $0xb8;
	[tilespmem:$0x1E600] =	vst v63  }
0xda: {  	s8 =	simm.s32 $0x0;
	s9 =	rddreg [dreg:$0x7]  }
0xdb: {  	[tilespmem:s8], [sflag:$0x9] =	stream.linear.gather [hbm4b:s9+s8], $0x1400, $0x38;
	[tilespmem:$0x1E600] =	vst v63  }
0xdc: {  	_ =	swait.ge [sflag:s14], $0x1400  }
0xdd: {  	[sflag:s14] =	ssyncset.done $0x0  }
0xde: {  	s19 =	simm.s32 $0x1400;
	[sflag:s14] =	ssyncadd.s32 $0xFFFFEC00  }
0xdf: {  	[tilespmem:s19], [sflag:$0x9] =	stream.linear.gather [hbm4b:s10+s8], $0x1400, $0x38;
	[tilespmem:$0x1E600] =	vst v63  }
0xe0: {  	_ =	swait.ge [sflag:s14], $0x1400  }
0xe1: {  	[sflag:s14] =	ssyncset.done $0x0  }
0xe2: {  	[sflag:s14] =	ssyncadd.s32 $0xFFFFEC00  }
0xe3: {  	_ =	swait.ge [sflag:s25], $0x2000  }
0xe4: {  	[sflag:s25] =	ssyncset.done $0x0  }
0xe5: {  	[sflag:s25] =	ssyncadd.s32 $0xFFFFE000  }
0xe6: {  	v0 =	vld [tilespmem:$0x1400]  }
0xe7: {  	v1 =	vld [tilespmem:$0x1410]  }
0xe8: {  	v2 =	vld [tilespmem:$0x1420]  }
0xe9: {  	v3 =	vld [tilespmem:$0x1430];
	_ =	sdelay $0x1  }
0xea: {  	[tilespmem:$0x2800] =	vst v0  }
0xeb: {  	[tilespmem:$0x2810] =	vst v1  }
0xec: {  	[tilespmem:$0x2820] =	vst v2  }
0xed: {  	[tilespmem:$0x2830] =	vst v3  }
0xee: {  	[tilespmem:s17], [sflag:$0x1] =	stream.indirect.gather [hbm4b:s1+s16], $0x80, s8, s16, $0xb8;
	[tilespmem:$0x1E600] =	vst v63  }
0xef: {  	_ =	swait.ge [sflag:s29], $0x2000  }
0xf0: {  	[sflag:s29] =	ssyncset.done $0x0  }
0xf1: {  	[sflag:s29] =	ssyncadd.s32 $0xFFFFE000  }
0xf2: {  	v48 =	vld [tilespmem:$0x1440]  }
0xf3: {  	v49 =	vld [tilespmem:$0x1450]  }
0xf4: {  	v50 =	vld [tilespmem:$0x1460]  }
0xf5: {  	v51 =	vld [tilespmem:$0x1470];
	_ =	sdelay $0x1  }
0xf6: {  	[tilespmem:$0x2880] =	vst v48  }
0xf7: {  	[tilespmem:$0x2890] =	vst v49  }
0xf8: {  	[tilespmem:$0x28A0] =	vst v50  }
0xf9: {  	[tilespmem:$0x28B0] =	vst v51  }
0xfa: {  	[tilespmem:s18], [sflag:$0x2] =	stream.indirect.gather [hbm4b:s1+s16], $0x80, s16, s16, $0xb8;
	[tilespmem:$0x1E600] =	vst v63  }
0xfb: {  	_ =	swait.ge [sflag:s0], $0x2000  }
0xfc: {  	[sflag:s0] =	ssyncset.done $0x0  }
0xfd: {  	[sflag:s0] =	ssyncadd.s32 $0xFFFFE000  }
0xfe: {  	v52 =	vld [tilespmem:$0x1480]  }
0xff: {  	v53 =	vld [tilespmem:$0x1490]  }
0x100: {  	v54 =	vld [tilespmem:$0x14A0]  }
0x101: {  	v55 =	vld [tilespmem:$0x14B0];
	_ =	sdelay $0x1  }
0x102: {  	[tilespmem:$0x2900] =	vst v52  }
0x103: {  	[tilespmem:$0x2910] =	vst v53  }
0x104: {  	[tilespmem:$0x2920] =	vst v54  }
0x105: {  	s9 =	simm.s32 $0x80;
	[tilespmem:$0x2930] =	vst v55  }
0x106: {  	[tilespmem:s20], [sflag:$0x3] =	stream.indirect.gather [hbm4b:s1+s16], $0x80, s9, s16, $0xb8;
	[tilespmem:$0x1E600] =	vst v63  }
0x107: {  	_ =	swait.ge [sflag:s15], $0x2000  }
0x108: {  	[sflag:s15] =	ssyncset.done $0x0  }
0x109: {  	[sflag:s15] =	ssyncadd.s32 $0xFFFFE000  }
0x10a: {  	v56 =	vld [tilespmem:$0x14C0]  }
0x10b: {  	v57 =	vld [tilespmem:$0x14D0]  }
0x10c: {  	v58 =	vld [tilespmem:$0x14E0]  }
0x10d: {  	v59 =	vld [tilespmem:$0x14F0];
	_ =	sdelay $0x1  }
0x10e: {  	[tilespmem:$0x2980] =	vst v56  }
0x10f: {  	[tilespmem:$0x2990] =	vst v57  }
0x110: {  	[tilespmem:$0x29A0] =	vst v58  }
0x111: {  	[tilespmem:$0x29B0] =	vst v59  }
0x112: {  	[tilespmem:s22], [sflag:$0x4] =	stream.indirect.gather [hbm4b:s1+s16], $0x80, s21, s16, $0xb8;
	[tilespmem:$0x1E600] =	vst v63  }
0x113: {  	_ =	swait.ge [sflag:s23], $0x2000  }
0x114: {  	[sflag:s23] =	ssyncset.done $0x0  }
0x115: {  	[sflag:s23] =	ssyncadd.s32 $0xFFFFE000  }
0x116: {  	[spmem:s2] =	stream.indirect.scatter.add.f32 [tilespmem:s17], [sflag:$0x5], $0x80, s24, s16, $0xb8;
	[tilespmem:$0x1E600] =	vst v63  }
0x117: {  	_ =	swait.ge [sflag:s25], $0x2000  }
0x118: {  	[sflag:s25] =	ssyncset.done $0x0  }
0x119: {  	s8 =	simm.s32 $0x0;
	[sflag:s25] =	ssyncadd.s32 $0xFFFFE000  }
0x11a: {  	v60 =	vld [tilespmem:s8+$0x1500];
	_ =	sdelay $0x4  }
0x11b: {  	[tilespmem:$0x2800] =	vst v60  }
0x11c: {  	v0 =	vld [tilespmem:s8+$0x1510];
	_ =	sdelay $0x4  }
0x11d: {  	[tilespmem:$0x2810] =	vst v0  }
0x11e: {  	v0 =	vld [tilespmem:s8+$0x1520];
	_ =	sdelay $0x4  }
0x11f: {  	[tilespmem:$0x2820] =	vst v0  }
0x120: {  	v0 =	vld [tilespmem:s8+$0x1530];
	_ =	sdelay $0x4  }
0x121: {  	s19 =	simm.s32 $0x100;
	[tilespmem:$0x2830] =	vst v0  }
0x122: {  	[tilespmem:s17], [sflag:$0x1] =	stream.indirect.gather [hbm4b:s1+s16], $0x80, s19, s16, $0xb8;
	[tilespmem:$0x1E600] =	vst v63  }
0x123: {  	_ =	swait.ge [sflag:s26], $0x2000  }
0x124: {  	[sflag:s26] =	ssyncset.done $0x0  }
0x125: {  	[sflag:s26] =	ssyncadd.s32 $0xFFFFE000  }
0x126: {  	[spmem:s2] =	stream.indirect.scatter.add.f32 [tilespmem:s18], [sflag:$0x6], $0x80, s28, s16, $0xb8;
	[tilespmem:$0x1E600] =	vst v63  }
0x127: {  	_ =	swait.ge [sflag:s29], $0x2000  }
0x128: {  	[sflag:s29] =	ssyncset.done $0x0  }
0x129: {  	[sflag:s29] =	ssyncadd.s32 $0xFFFFE000  }
0x12a: {  	v61 =	vld [tilespmem:s8+$0x1540];
	_ =	sdelay $0x4  }
0x12b: {  	[tilespmem:$0x2880] =	vst v61  }
0x12c: {  	v0 =	vld [tilespmem:s8+$0x1550];
	_ =	sdelay $0x4  }
0x12d: {  	[tilespmem:$0x2890] =	vst v0  }
0x12e: {  	v0 =	vld [tilespmem:s8+$0x1560];
	_ =	sdelay $0x4  }
0x12f: {  	[tilespmem:$0x28A0] =	vst v0  }
0x130: {  	v0 =	vld [tilespmem:s8+$0x1570];
	_ =	sdelay $0x4  }
0x131: {  	s19 =	simm.s32 $0x140;
	[tilespmem:$0x28B0] =	vst v0  }
0x132: {  	[tilespmem:s18], [sflag:$0x2] =	stream.indirect.gather [hbm4b:s1+s16], $0x80, s19, s16, $0xb8;
	[tilespmem:$0x1E600] =	vst v63  }
0x133: {  	_ =	swait.ge [sflag:s30], $0x2000  }
0x134: {  	[sflag:s30] =	ssyncset.done $0x0  }
0x135: {  	[sflag:s30] =	ssyncadd.s32 $0xFFFFE000  }
0x136: {  	[spmem:s2] =	stream.indirect.scatter.add.f32 [tilespmem:s20], [sflag:$0x7], $0x80, s31, s16, $0xb8;
	[tilespmem:$0x1E600] =	vst v63  }
0x137: {  	_ =	swait.ge [sflag:s0], $0x2000  }
0x138: {  	[sflag:s0] =	ssyncset.done $0x0  }
0x139: {  	[sflag:s0] =	ssyncadd.s32 $0xFFFFE000  }
0x13a: {  	v62 =	vld [tilespmem:s8+$0x1580];
	_ =	sdelay $0x4  }
0x13b: {  	[tilespmem:$0x2900] =	vst v62  }
0x13c: {  	v0 =	vld [tilespmem:s8+$0x1590];
	_ =	sdelay $0x4  }
0x13d: {  	[tilespmem:$0x2910] =	vst v0  }
0x13e: {  	v0 =	vld [tilespmem:s8+$0x15A0];
	_ =	sdelay $0x4  }
0x13f: {  	[tilespmem:$0x2920] =	vst v0  }
0x140: {  	v0 =	vld [tilespmem:s8+$0x15B0];
	_ =	sdelay $0x4  }
0x141: {  	s19 =	simm.s32 $0x180;
	[tilespmem:$0x2930] =	vst v0  }
0x142: {  	[tilespmem:s20], [sflag:$0x3] =	stream.indirect.gather [hbm4b:s1+s16], $0x80, s19, s16, $0xb8;
	[tilespmem:$0x1E600] =	vst v63  }
0x143: {  	_ =	swait.ge [sflag:s3], $0x2000  }
0x144: {  	[sflag:s3] =	ssyncset.done $0x0  }
0x145: {  	[sflag:s3] =	ssyncadd.s32 $0xFFFFE000  }
0x146: {  	[spmem:s2] =	stream.indirect.scatter.add.f32 [tilespmem:s22], [sflag:$0x8], $0x80, s5, s16, $0xb8;
	[tilespmem:$0x1E600] =	vst v63  }
0x147: {  	_ =	swait.ge [sflag:s15], $0x2000  }
0x148: {  	[sflag:s15] =	ssyncset.done $0x0  }
0x149: {  	[sflag:s15] =	ssyncadd.s32 $0xFFFFE000  }
0x14a: {  	v63 =	vld [tilespmem:s8+$0x15C0];
	_ =	sdelay $0x4  }
0x14b: {  	[tilespmem:$0x2980] =	vst v63  }
0x14c: {  	v0 =	vld [tilespmem:s8+$0x15D0];
	_ =	sdelay $0x4  }
0x14d: {  	[tilespmem:$0x2990] =	vst v0  }
0x14e: {  	v0 =	vld [tilespmem:s8+$0x15E0];
	_ =	sdelay $0x4  }
0x14f: {  	[tilespmem:$0x29A0] =	vst v0  }
0x150: {  	v0 =	vld [tilespmem:s8+$0x15F0];
	_ =	sdelay $0x4  }
0x151: {  	s19 =	simm.s32 $0x1C0;
	[tilespmem:$0x29B0] =	vst v0  }
0x152: {  	[tilespmem:s22], [sflag:$0x4] =	stream.indirect.gather [hbm4b:s1+s16], $0x80, s19, s16, $0xb8;
	[tilespmem:$0x1E600] =	vst v63  }
0x153: {  	_ =	swait.ge [sflag:s23], $0x2000  }
0x154: {  	[sflag:s23] =	ssyncset.done $0x0  }
0x155: {  	s8 =	simm.s32 $0x400;
	[sflag:s23] =	ssyncadd.s32 $0xFFFFE000  }
.LBB2_4:
0x156: {  	[spmem:s2] =	stream.indirect.scatter.add.f32 [tilespmem:s17], [sflag:$0x5], $0x80, s24, s16, $0xb8;
	[tilespmem:$0x1E600] =	vst v63  }
0x157: {  	s9 =	smov.u32 s8  }
0x158: {  	p0 =	sne.s32 s8, $0x4800;
	s8 =	sadd.s32 $0x400, s8;
	_ =	swait.ge [sflag:s25], $0x2000  }
0x159: {  	[sflag:s25] =	ssyncset.done $0x0  }
0x15a: {  	s19 =	sshra.s32 s9, $0x2;
	[sflag:s25] =	ssyncadd.s32 $0xFFFFE000  }
0x15b: {  	v0 =	vld [tilespmem:s19+$0x1500];
	_ =	sdelay $0x4  }
0x15c: {  	[tilespmem:$0x2800] =	vst v0  }
0x15d: {  	v0 =	vld [tilespmem:s19+$0x1510];
	_ =	sdelay $0x4  }
0x15e: {  	[tilespmem:$0x2810] =	vst v0  }
0x15f: {  	v0 =	vld [tilespmem:s19+$0x1520];
	_ =	sdelay $0x4  }
0x160: {  	[tilespmem:$0x2820] =	vst v0  }
0x161: {  	v0 =	vld [tilespmem:s19+$0x1530];
	_ =	sdelay $0x4  }
0x162: {  	s9 =	sadd.s32 $0x100, s19;
	[tilespmem:$0x2830] =	vst v0  }
0x163: {  	[tilespmem:s17], [sflag:$0x1] =	stream.indirect.gather [hbm4b:s1+s16], $0x80, s9, s16, $0xb8;
	[tilespmem:$0x1E600] =	vst v63  }
0x164: {  	_ =	swait.ge [sflag:s26], $0x2000  }
0x165: {  	[sflag:s26] =	ssyncset.done $0x0  }
0x166: {  	[sflag:s26] =	ssyncadd.s32 $0xFFFFE000  }
0x167: {  	[spmem:s2] =	stream.indirect.scatter.add.f32 [tilespmem:s18], [sflag:$0x6], $0x80, s28, s16, $0xb8;
	[tilespmem:$0x1E600] =	vst v63  }
0x168: {  	_ =	swait.ge [sflag:s29], $0x2000  }
0x169: {  	[sflag:s29] =	ssyncset.done $0x0  }
0x16a: {  	[sflag:s29] =	ssyncadd.s32 $0xFFFFE000  }
0x16b: {  	v0 =	vld [tilespmem:s19+$0x1540];
	_ =	sdelay $0x4  }
0x16c: {  	[tilespmem:$0x2880] =	vst v0  }
0x16d: {  	v0 =	vld [tilespmem:s19+$0x1550];
	_ =	sdelay $0x4  }
0x16e: {  	[tilespmem:$0x2890] =	vst v0  }
0x16f: {  	v0 =	vld [tilespmem:s19+$0x1560];
	_ =	sdelay $0x4  }
0x170: {  	[tilespmem:$0x28A0] =	vst v0  }
0x171: {  	v0 =	vld [tilespmem:s19+$0x1570];
	_ =	sdelay $0x4  }
0x172: {  	s9 =	sadd.s32 $0x140, s19;
	[tilespmem:$0x28B0] =	vst v0  }
0x173: {  	[tilespmem:s18], [sflag:$0x2] =	stream.indirect.gather [hbm4b:s1+s16], $0x80, s9, s16, $0xb8;
	[tilespmem:$0x1E600] =	vst v63  }
0x174: {  	_ =	swait.ge [sflag:s30], $0x2000  }
0x175: {  	[sflag:s30] =	ssyncset.done $0x0  }
0x176: {  	[sflag:s30] =	ssyncadd.s32 $0xFFFFE000  }
0x177: {  	[spmem:s2] =	stream.indirect.scatter.add.f32 [tilespmem:s20], [sflag:$0x7], $0x80, s31, s16, $0xb8;
	[tilespmem:$0x1E600] =	vst v63  }
0x178: {  	_ =	swait.ge [sflag:s0], $0x2000  }
0x179: {  	[sflag:s0] =	ssyncset.done $0x0  }
0x17a: {  	[sflag:s0] =	ssyncadd.s32 $0xFFFFE000  }
0x17b: {  	v0 =	vld [tilespmem:s19+$0x1580];
	_ =	sdelay $0x4  }
0x17c: {  	[tilespmem:$0x2900] =	vst v0  }
0x17d: {  	v0 =	vld [tilespmem:s19+$0x1590];
	_ =	sdelay $0x4  }
0x17e: {  	[tilespmem:$0x2910] =	vst v0  }
0x17f: {  	v0 =	vld [tilespmem:s19+$0x15A0];
	_ =	sdelay $0x4  }
0x180: {  	[tilespmem:$0x2920] =	vst v0  }
0x181: {  	v0 =	vld [tilespmem:s19+$0x15B0];
	_ =	sdelay $0x4  }
0x182: {  	s9 =	sadd.s32 $0x180, s19;
	[tilespmem:$0x2930] =	vst v0  }
0x183: {  	[tilespmem:s20], [sflag:$0x3] =	stream.indirect.gather [hbm4b:s1+s16], $0x80, s9, s16, $0xb8;
	[tilespmem:$0x1E600] =	vst v63  }
0x184: {  	_ =	swait.ge [sflag:s3], $0x2000  }
0x185: {  	[sflag:s3] =	ssyncset.done $0x0  }
0x186: {  	[sflag:s3] =	ssyncadd.s32 $0xFFFFE000  }
0x187: {  	[spmem:s2] =	stream.indirect.scatter.add.f32 [tilespmem:s22], [sflag:$0x8], $0x80, s5, s16, $0xb8;
	[tilespmem:$0x1E600] =	vst v63  }
0x188: {  	_ =	swait.ge [sflag:s15], $0x2000  }
0x189: {  	[sflag:s15] =	ssyncset.done $0x0  }
0x18a: {  	[sflag:s15] =	ssyncadd.s32 $0xFFFFE000  }
0x18b: {  	v0 =	vld [tilespmem:s19+$0x15C0];
	_ =	sdelay $0x4  }
0x18c: {  	[tilespmem:$0x2980] =	vst v0  }
0x18d: {  	v0 =	vld [tilespmem:s19+$0x15D0];
	_ =	sdelay $0x4  }
0x18e: {  	[tilespmem:$0x2990] =	vst v0  }
0x18f: {  	v0 =	vld [tilespmem:s19+$0x15E0];
	_ =	sdelay $0x4  }
0x190: {  	[tilespmem:$0x29A0] =	vst v0  }
0x191: {  	v0 =	vld [tilespmem:s19+$0x15F0];
	_ =	sdelay $0x4  }
.Ltmp1:
0x192: {  	s9 =	sadd.s32 $0x1C0, s19;
	[tilespmem:$0x29B0] =	vst v0;
	(pc) =	sbr.rel @p0 .LBB2_4-.Ltmp1, $4  }
0x193: {  	[tilespmem:s22], [sflag:$0x4] =	stream.indirect.gather [hbm4b:s1+s16], $0x80, s9, s16, $0xb8;
	[tilespmem:$0x1E600] =	vst v63  }
0x194: {  	_ =	swait.ge [sflag:s23], $0x2000  }
0x195: {  	[sflag:s23] =	ssyncset.done $0x0  }
0x196: {  	[sflag:s23] =	ssyncadd.s32 $0xFFFFE000  }
0x197: {  	[spmem:s2] =	stream.indirect.scatter.add.f32 [tilespmem:s17], [sflag:$0x5], $0x80, s24, s16, $0xb8;
	[tilespmem:$0x1E600] =	vst v63  }
0x198: {  	_ =	swait.ge [sflag:s26], $0x2000  }
0x199: {  	[sflag:s26] =	ssyncset.done $0x0  }
0x19a: {  	[sflag:s26] =	ssyncadd.s32 $0xFFFFE000  }
0x19b: {  	[spmem:s2] =	stream.indirect.scatter.add.f32 [tilespmem:s18], [sflag:$0x6], $0x80, s28, s16, $0xb8;
	[tilespmem:$0x1E600] =	vst v63  }
0x19c: {  	_ =	swait.ge [sflag:s30], $0x2000  }
0x19d: {  	[sflag:s30] =	ssyncset.done $0x0  }
0x19e: {  	[sflag:s30] =	ssyncadd.s32 $0xFFFFE000  }
0x19f: {  	[spmem:s2] =	stream.indirect.scatter.add.f32 [tilespmem:s20], [sflag:$0x7], $0x80, s31, s16, $0xb8;
	[tilespmem:$0x1E600] =	vst v63  }
0x1a0: {  	_ =	swait.ge [sflag:s3], $0x2000  }
0x1a1: {  	[sflag:s3] =	ssyncset.done $0x0  }
0x1a2: {  	[sflag:s3] =	ssyncadd.s32 $0xFFFFE000  }
0x1a3: {  	[spmem:s2] =	stream.indirect.scatter.add.f32 [tilespmem:s22], [sflag:$0x8], $0x80, s5, s16, $0xb8;
	[tilespmem:$0x1E600] =	vst v63  }
0x1a4: {  	_ =	swait.ge [sflag:s25], $0x2000  }
0x1a5: {  	[sflag:s25] =	ssyncset.done $0x0  }
0x1a6: {  	[sflag:s25] =	ssyncadd.s32 $0xFFFFE000  }
0x1a7: {  	_ =	swait.ge [sflag:s29], $0x2000  }
0x1a8: {  	[sflag:s29] =	ssyncset.done $0x0  }
0x1a9: {  	[sflag:s29] =	ssyncadd.s32 $0xFFFFE000  }
0x1aa: {  	_ =	swait.ge [sflag:s0], $0x2000  }
0x1ab: {  	[sflag:s0] =	ssyncset.done $0x0  }
0x1ac: {  	[sflag:s0] =	ssyncadd.s32 $0xFFFFE000  }
0x1ad: {  	_ =	swait.ge [sflag:s15], $0x2000  }
0x1ae: {  	s7 =	sadd.s32 $0x1, s7;
	[sflag:s15] =	ssyncset.done $0x0  }
0x1af: {  	p0 =	sne.s32 s7, s12;
	[sflag:s15] =	ssyncadd.s32 $0xFFFFE000  }
.Ltmp2:
0x1b0: {  	[bflag:$0x0] =	sbarrier.arrive $0xFFFF;
	(pc) =	sbr.rel @p0 .LBB2_1-.Ltmp2, $4  }
0x1b1: {  	[hbm:s11], [sflag:s6] =	dma.local [spmem:s13], $0x2780  }
0x1b2: {  	_ =	swait.ge [sflag:s14], $0x2780  }
0x1b3: {  	[sflag:s14] =	ssyncset.done $0x0  }
0x1b4: {  	[sflag:s14] =	ssyncadd.s32 $0xFFFFD880  }
0x1b5: {  	_ =	sfence.sel $0x180000  }
0x1b6: {  	[bflag:$0x0] =	sbarrier.arrive $0xFFFF  }
0x1b7: {  	_ =	strace $0x9000004A  }
0x1b8: {  	s0 =	stileid.u32;
	[bflag:$0x2] =	sbarrier.arrive $0xFFFF  }
0x1b9: {  	p0 =	sne.s32 s0, $0x0;
	s0 =	rddreg [dreg:$0x3]  }
0x1ba: {  	s0 =	sadd.s32 @!p0 $0x100000, s0  }
0x1bb: {  	[sflag:s0] =	ssyncadd.tile.s32 @!p0 $0x1;
	_ =	shalt  }
.Lfunc_end2:
_tile_overlayer_lowered:
.L_overlay_start_2:
0x1bc: {  	(tag) =	ssettag $0x2  }
0x1bd: {  	s0 =	rddreg [dreg:$0x0];
	s2 =	stileid.u32  }
0x1be: {  	s1 =	rddreg [dreg:$0x1];
	p0 =	sne.s32 s2, $0x0  }
0x1bf: {  	s3 =	rddreg [dreg:$0x2];
	[bflag:$0x3] =	sbarrier.arrive $0xFFFF;
	s2 =	simm.s32 @!p0 $0x1C09  }
0x1c0: {  	[timem:s3], [sflag:s2] =	dma.local @!p0 [hbm:s0], s1  }
0x1c1: {  	s0 =	simm.s32 @!p0 $0x9  }
0x1c2: {  	_ =	swait.ge @!p0 [sflag:s0], s1  }
0x1c3: {  	s1 =	ssub.s32 @!p0 $0x0, s1;
	[sflag:s0] =	ssyncset.done @!p0 $0x0  }
0x1c4: {  	[sflag:s0] =	ssyncadd.s32 @!p0 s1  }
0x1c5: {  	[bflag:$0x3] =	sbarrier.arrive $0xFFFF  }
0x1c6: {  	_ =	shalt  }

// kernel: kernel.15.cloned.1.call-start
scs
__scs_entry_jumppad:
0x0: {  	(pc) =	sbr.rel $0x88, $3  }
0x1: {  	(tag) =	ssettag $0x0;
	lr =	simm.s32 $0x1  }
0x2: {  	[smem:$0x3F99] =	sst lr;
	_ =	strace $0xD0000000  }
0x3: {  	_ = 	snop  }
0x4: {  	_ = 	snop  }
0x5: {  	_ = 	snop  }
0x6: {  	_ = 	snop  }
0x7: {  	_ = 	snop  }
__scs_overlays_trampoline_lowered:
0x8: {  	[smem:$0x3FA8] =	sst s0  }
0x9: {  	[smem:$0x3FA9] =	sst s1  }
0xa: {  	[smem:$0x3FAA] =	sst s2  }
0xb: {  	[smem:$0x3FAB] =	sst s3  }
0xc: {  	[smem:$0x3FAC] =	sst s4  }
0xd: {  	[smem:$0x3FAD] =	sst s5  }
0xe: {  	[smem:$0x3FAE] =	sst s6  }
0xf: {  	[smem:$0x3FAF] =	sst s7  }
0x10: {  	[smem:$0x3FB0] =	sst s8  }
0x11: {  	[smem:$0x3FB1] =	sst s9;
	s0 =	simm.s32 @!p0 $0x0  }
0x12: {  	s1 =	sld [smem:$0x3F97];
	s0 =	simm.s32 @p0 $0x1  }
0x13: {  	[smem:$0x3FB2] =	sst s0;
	s0 =	simm.s32 @!p1 $0x0  }
0x14: {  	s2 =	sld [smem:$0x3F96];
	s0 =	simm.s32 @p1 $0x1  }
0x15: {  	[smem:$0x3FB3] =	sst s0;
	s0 =	simm.s32 @!p2 $0x0  }
0x16: {  	s3 =	sld [smem:$0x3FDB];
	s0 =	simm.s32 @p2 $0x1  }
0x17: {  	s4 =	simm.s32 $0x1BF5;
	[smem:$0x3FB5] =	sst s0  }
0x18: {  	s0 =	sld [smem:$0x3F98];
	_ =	swait.ge [sflag:s4], $0x0  }
0x19: {  	s7 =	sld [smem:$0x3F99]  }
0x1a: {  	s8 =	sadd.s32 $0xFFFFE003, lr  }
0x1b: {  	s9 =	sadd.s32 $0xFFFFFEF7, lr;
	s5 =	simm.s32 $0xFFFFFFFF;
	p2 =	slt.u32 s8, $0xFFFFF086  }
0x1c: {  	p1 =	slt.u32 s9, $0xF7A;
	s5 =	simm.s32 @!p2 $0x0  }
0x1d: {  	s5 =	simm.s32 @p1 $0x1;
	p0 =	seq.s32 s7, s2  }
0x1e: {  	s7 =	smul.u32 @!p0 $0xF7A, s2;
	p2 =	seq.s32 @!p0 s5, $0x0  }
0x1f: {  	s9 =	smul.u32 $0xF7A, s1;
	s8 =	simm.s32 @!p0 $0x1BF5;
	p2 =	por !p2, p0  }
0x20: {  	[sflag:s8] =	ssyncset.s32 @!p0 $0xFFFFF086;
	s6 =	sadd.s32 @!p0 s3, s7;
	s7 =	simm.s32 @!p0 $0x108  }
0x21: {  	s3 =	sadd.s32 s3, s9;
	s6 =	sadd.s32 @!p0 $0x88, s6;
	s7 =	simm.s32 @p2 $0x1082  }
0x22: {  	[simem:s7], [sflag:s8] =	dma.local @!p0 [hbm:s6], $0xF7A  }
0x23: {  	s9 =	sor.u32 $0xD0000000, s2;
	s6 =	simm.s32 $0x108;
	_ =	swait.ge @!p0 [sflag:s8], $0x0  }
0x24: {  	s3 =	sadd.s32 $0x88, s3;
	s6 =	simm.s32 @!p1 $0x1082;
	[sflag:s4] =	ssyncset.s32 $0xFFFFF086  }
0x25: {  	[simem:s6], [sflag:s4] =	dma.local [hbm:s3], $0xF7A  }
0x26: {  	[smem:$0x3F99] =	sst s1;
	(tag) =	ssettag s2;
	_ =	strace s9  }
0x27: {  	s1 =	sld [smem:$0x3FA9]  }
0x28: {  	s2 =	sld [smem:$0x3FAA]  }
0x29: {  	s4 =	sld [smem:$0x3FAC]  }
0x2a: {  	p0 =	seq.s32 s5, $0x0;
	s5 =	sld [smem:$0x3FAD]  }
0x2b: {  	s6 =	sld [smem:$0x3FAE]  }
0x2c: {  	s7 =	sld [smem:$0x3FAF]  }
0x2d: {  	s3 =	simm.s32 $0x108;
	s8 =	sld [smem:$0x3FB0]  }
0x2e: {  	s3 =	simm.s32 @!p0 $0x1082;
	s9 =	sld [smem:$0x3FB1]  }
0x2f: {  	lr =	sadd.s32 s0, s3;
	s0 =	sld [smem:$0x3FA8]  }
0x30: {  	s3 =	sld [smem:$0x3FAB]  }
0x31: {  	[smem:$0x3FB4] =	sst s10  }
0x32: {  	s10 =	sld [smem:$0x3FB2];
	_ =	sdelay $0x3  }
0x33: {  	p0 =	seq.s32 s10, $0x1;
	s10 =	sld [smem:$0x3FB4];
	_ =	sdelay $0x3  }
0x34: {  	[smem:$0x3FB4] =	sst s10  }
0x35: {  	s10 =	sld [smem:$0x3FB3];
	_ =	sdelay $0x3  }
0x36: {  	p1 =	seq.s32 s10, $0x1;
	s10 =	sld [smem:$0x3FB4];
	_ =	sdelay $0x3  }
0x37: {  	[smem:$0x3FB4] =	sst s10  }
0x38: {  	s10 =	sld [smem:$0x3FB5]  }
0x39: {  	_ = 	snop;
	(pc) =	sbr.ind lr, $3  }
0x3a: {  	_ = 	snop  }
0x3b: {  	_ = 	snop  }
0x3c: {  	p2 =	seq.s32 s10, $0x1;
	s10 =	sld [smem:$0x3FB4]  }
0x3d: {  	_ =	shalt  }
0x3e: {  	_ =	shalt  }
0x3f: {  	_ =	shalt  }
0x40: {  	_ =	shalt  }
0x41: {  	_ =	shalt  }
0x42: {  	_ =	shalt  }
0x43: {  	_ =	shalt  }
0x44: {  	_ =	shalt  }
0x45: {  	_ =	shalt  }
0x46: {  	_ =	shalt  }
0x47: {  	_ =	shalt  }
0x48: {  	_ =	shalt  }
0x49: {  	_ =	shalt  }
0x4a: {  	_ =	shalt  }
0x4b: {  	_ =	shalt  }
0x4c: {  	_ =	shalt  }
0x4d: {  	_ =	shalt  }
0x4e: {  	_ =	shalt  }
0x4f: {  	_ =	shalt  }
0x50: {  	_ =	shalt  }
0x51: {  	_ =	shalt  }
0x52: {  	_ =	shalt  }
0x53: {  	_ =	shalt  }
0x54: {  	_ =	shalt  }
0x55: {  	_ =	shalt  }
0x56: {  	_ =	shalt  }
0x57: {  	_ =	shalt  }
0x58: {  	_ =	shalt  }
0x59: {  	_ =	shalt  }
0x5a: {  	_ =	shalt  }
0x5b: {  	_ =	shalt  }
0x5c: {  	_ =	shalt  }
0x5d: {  	_ =	shalt  }
0x5e: {  	_ =	shalt  }
0x5f: {  	_ =	shalt  }
0x60: {  	_ =	shalt  }
0x61: {  	_ =	shalt  }
0x62: {  	_ =	shalt  }
0x63: {  	_ =	shalt  }
0x64: {  	_ =	shalt  }
0x65: {  	_ =	shalt  }
0x66: {  	_ =	shalt  }
0x67: {  	_ =	shalt  }
0x68: {  	_ =	shalt  }
0x69: {  	_ =	shalt  }
0x6a: {  	_ =	shalt  }
0x6b: {  	_ =	shalt  }
0x6c: {  	_ =	shalt  }
0x6d: {  	_ =	shalt  }
0x6e: {  	_ =	shalt  }
0x6f: {  	_ =	shalt  }
0x70: {  	_ =	shalt  }
0x71: {  	_ =	shalt  }
0x72: {  	_ =	shalt  }
0x73: {  	_ =	shalt  }
0x74: {  	_ =	shalt  }
0x75: {  	_ =	shalt  }
0x76: {  	_ =	shalt  }
0x77: {  	_ =	shalt  }
0x78: {  	_ =	shalt  }
0x79: {  	_ =	shalt  }
0x7a: {  	_ =	shalt  }
0x7b: {  	_ =	shalt  }
0x7c: {  	_ =	shalt  }
0x7d: {  	_ =	shalt  }
0x7e: {  	_ =	shalt  }
0x7f: {  	_ =	shalt  }
0x80: {  	_ =	shalt  }
0x81: {  	_ =	shalt  }
0x82: {  	_ =	shalt  }
0x83: {  	_ =	shalt  }
0x84: {  	_ =	shalt  }
0x85: {  	_ =	shalt  }
0x86: {  	_ =	shalt  }
0x87: {  	_ =	shalt  }
.Lfunc_end0:
.L_simem_size_0:
called_computation.2_lowered:
.L_overlay_start_0:
0x88: {  	s2 =	sld [smem:$0x3FD9]  }
0x89: {  	s3 =	sld [smem:$0x3FFE];
	_ =	sdelay $0x1  }
0x8a: {  	s1 =	srdreg.scid  }
0x8b: {  	s0 =	sand.u32 $0x1, s1  }
0x8c: {  	s17 =	sshll.u32 s0, $0xA;
	s2 =	sadd.s32 s3, s2  }
0x8d: {  	s2 =	sadd.s32 s2, s17  }
0x8e: {  	[smem:$0x3FC0] =	sst s2  }
0x8f: {  	_ = 	snop  }
0x90: {  	s2 =	sld [smem:$0x3FD0];
	(tm) =	ssettm $0x1  }
0x91: {  	s18 =	sld [smem:$0x3FFB];
	_ =	sdelay $0x3  }
0x92: {  	_ =	strace s18  }
0x93: {  	s3 =	sld [smem:$0x3FFC];
	_ =	sdelay $0x3  }
0x94: {  	_ =	strace s3  }
0x95: {  	s3 =	sld [smem:$0x3FFD];
	_ =	sdelay $0x3  }
0x96: {  	_ =	strace s3  }
0x97: {  	_ =	strace $0x8FFFFFFF  }
0x98: {  	s19 =	sld [smem:$0x3FDB];
	_ =	sdelay $0x1  }
0x99: {  	s4 =	simm.s32 $_scs_section_size  }
0x9a: {  	s5 =	simm.s32 $_size__tile_overlayer_lowered;
	s6 =	simm.s32 $_tile_overlayer_lowered  }
0x9b: {  	s22 =	simm.s32 $0x1BFF;
	s21 =	sshll.u32 s6, $0x1;
	s3 =	sadd.s32 s4, s19  }
0x9c: {  	s7 =	simm.s32 $0x0;
	s20 =	sshll.u32 s5, $0x1;
	s5 =	sadd.s32 s21, s3  }
0x9d: {  	[timem:s7], [sflag:s22] =	dma.local [hbm:s5], s20  }
0x9e: {  	_ =	swait.ge [sflag:s22], s20  }
0x9f: {  	s4 =	ssub.s32 $0x0, s20;
	[sflag:s22] =	ssyncset.done $0x0  }
0xa0: {  	[sflag:s22] =	ssyncadd.s32 s4;
	_ =	sdelay $0x1  }
0xa1: {  	s23 =	simm.s32 $0x1B8B  }
0xa2: {  	_ =	swait.ge [sflag:s23], $0x1  }
0xa3: {  	[sflag:s23] =	ssyncset.done $0x0  }
0xa4: {  	s25 =	simm.s32 $0x1B8E;
	s24 =	sld [smem:$0x3FFE];
	[sflag:s23] =	ssyncadd.s32 $0xFFFFFFFF  }
0xa5: {  	s26 =	simm.s32 $execute0_lowered;
	[smem:$0x3FD2] =	sst s25  }
0xa6: {  	s5 =	sshll.u32 s26, $0x1;
	_ =	strace $0x8000004C;
	[dreg:$0x1] =	wrdreg $0xFFFFFFFF  }
0xa7: {  	s28 =	simm.s32 $_size_execute0_lowered;
	s3 =	sadd.s32 s3, s5;
	[dreg:$0x0] =	wrdreg $0x0  }
0xa8: {  	s5 =	sshll.u32 s28, $0x1;
	[dreg:$0x2] =	wrdreg s3  }
0xa9: {  	[dreg:$0x3] =	wrdreg s5  }
0xaa: {  	[dreg:$0x4] =	wrdreg $0xC0  }
0xab: {  	_ =	task [dreg:s7], $0x5FFFF  }
0xac: {  	[dreg:$0x1] =	wrdreg $0xFFFFFFFF  }
0xad: {  	[dreg:$0x0] =	wrdreg $0x60  }
0xae: {  	[dreg:$0x2] =	wrdreg s2  }
0xaf: {  	[dreg:$0x3] =	wrdreg s24  }
0xb0: {  	[dreg:$0x4] =	wrdreg $0xAA000  }
0xb1: {  	[dreg:$0x5] =	wrdreg $0x9  }
0xb2: {  	_ =	task.clear_ibuf [dreg:s7], $0x6FFFF;
	_ =	strace $0x9000004C  }
0xb3: {  	s29 =	simm.s32 $0x9;
	_ =	strace $0x8000004E  }
0xb4: {  	_ =	swait.ge [sflag:s29], $0x1  }
0xb5: {  	[sflag:s29] =	ssyncadd.s32 $0xFFFFFFFF  }
0xb6: {  	_ =	strace $0x9000004E  }
0xb7: {  	_ =	sfence  }
0xb8: {  	s30 =	sld [smem:$0x0];
	_ =	sdelay $0x2  }
0xb9: {  	s31 =	sshll.u32 s1, $0xD;
	s1 =	sshrl.u32 s1, $0x2  }
0xba: {  	s3 =	sand.u32 $0x4000, s31;
	s1 =	sadd.s32 s1, s30  }
0xbb: {  	s0 =	sor.u32 s3, s0;
	s1 =	sshll.u32 s1, $0x11  }
0xbc: {  	s0 =	sor.u32 s1, s0  }
0xbd: {  	s0 =	sadd.s32 $0x8F2B, s0  }
0xbe: {  	[sflag:s0] =	ssyncadd.remote.s32 $0x1  }
0xbf: {  	_ =	sfence.sel $0xFFFF  }
0xc0: {  	[dreg:$0x0] =	wrdreg $0xFFFFFFFF;
	(pc) =	sbr.abs _section_cstart, $3  }
0xc1: {  	[dreg:$0x1] =	wrdreg $0xFFFFFFFF  }
0xc2: {  	_ =	task.clear_ibuf [dreg:s7], $0x2FFFF;
	_ =	strace $0x9FFFFFFF  }
0xc3: {  	(tm) =	ssettm $0x7FFFFFFF  }
tec
execute0_lowered:
.L_overlay_start_1:
0x0: {  	(tag) =	ssettag $0x1  }
0x1: {  	s1 =	rddreg [dreg:$0x0]  }
0x2: {  	s0 =	rddreg [dreg:$0x1]  }
0x3: {  	s2 =	rddreg [dreg:$0x2];
	s3 =	srdreg.scid  }
0x4: {  	s4 =	simm.s32 $0x0;
	s10 =	stileid.u32;
	s14 =	simm.s32 $0x9  }
0x5: {  	s16 =	simm.s32 $0x40;
	s17 =	simm.s32 $0x2A00;
	s18 =	simm.s32 $0x4A00  }
0x6: {  	s28 =	simm.s32 $0x2880;
	s29 =	simm.s32 $0x6;
	s30 =	simm.s32 $0x3  }
0x7: {  	s31 =	simm.s32 $0x2900;
	s15 =	simm.s32 $0x8;
	s3 =	sand.u32 $0x1, s3  }
0x8: {  	[smem:$0x7FF] =	sst s4;
	s6 =	smul.u32 $0x13C00, s10;
	s7 =	sadd.s32 $0xC400, s0  }
0x9: {  	s8 =	sadd.s32 $0x2400, s0;
	s20 =	sadd.s32 $0x16400, s0;
	s22 =	smul.u32 $0x4F000, s10  }
0xa: {  	s21 =	sshll.u32 s10, $0x1;
	s24 =	sshll.u32 s10, $0x6;
	s5 =	smul.u32 $0x13C000, s3  }
0xb: {  	_ =	strace $0x8000004D;
	[dreg:$0x4] =	wrdreg s20;
	s9 =	ssub.s32 $0x2, s3  }
0xc: {  	s3 =	sor.u32 s3, s21;
	s20 =	simm.s32 $0x6A00;
	s21 =	simm.s32 $0xC0  }
0xd: {  	s23 =	sshrl.u32 s9, $0x1;
	s3 =	smul.u32 $0x2800, s3;
	s5 =	sadd.s32 s6, s5  }
0xe: {  	s6 =	sshrl.u32 s22, $0x2;
	s22 =	simm.s32 $0x8A00;
	s5 =	sshrl.u32 s5, $0x3  }
0xf: {  	s13 =	sadd.s32 s6, s2;
	s6 =	sor.u32 $0x1C09, s24;
	s3 =	sshrl.u32 s3, $0x3  }
0x10: {  	s24 =	simm.s32 $0x2800;
	s0 =	sadd.s32 s5, s0;
	s5 =	ssub.s32 s9, s23  }
0x11: {  	s25 =	sadd.s32 s7, s3;
	s26 =	sadd.s32 s8, s3;
	s3 =	sadd.s32 $0x280, s3  }
0x12: {  	s13 =	sshrl.u32 s13, $0x3;
	s23 =	simm.s32 $0x1;
	[dreg:$0x5] =	wrdreg s25  }
0x13: {  	[dreg:$0x6] =	wrdreg s26;
	s7 =	sadd.s32 s7, s3;
	s10 =	sadd.s32 s8, s3  }
0x14: {  	s11 =	sadd.s32 $0x18C00, s0;
	s12 =	smax.u32 s5, $0x1;
	s25 =	simm.s32 $0x5  }
0x15: {  	s26 =	simm.s32 $0x2;
	s0 =	simm.s32 $0x7;
	s3 =	simm.s32 $0x4  }
0x16: {  	s5 =	simm.s32 $0x2980;
	[dreg:$0x7] =	wrdreg s7;
	s7 =	simm.s32 $0x0  }
.LBB2_1:
0x17: {  	s8 =	rddreg [dreg:$0x4]  }
0x18: {  	[spmem:s13], [sflag:s6] =	dma.local [hbm:s8], $0x2780  }
0x19: {  	_ =	swait.ge [sflag:s14], $0x2780  }
0x1a: {  	[sflag:s14] =	ssyncset.done $0x0  }
0x1b: {  	s9 =	rddreg [dreg:$0x5];
	[sflag:s14] =	ssyncadd.s32 $0xFFFFD880  }
0x1c: {  	[tilespmem:s4], [sflag:$0x9] =	stream.linear.gather [hbm4b:s9+s4], $0x1400, $0x38;
	[tilespmem:$0x1E600] =	vst v63  }
0x1d: {  	_ =	swait.ge [sflag:s14], $0x1400  }
0x1e: {  	[sflag:s14] =	ssyncset.done $0x0  }
0x1f: {  	s9 =	simm.s32 $0x1400;
	s19 =	rddreg [dreg:$0x6];
	[sflag:s14] =	ssyncadd.s32 $0xFFFFEC00  }
0x20: {  	[tilespmem:s9], [sflag:$0x9] =	stream.linear.gather [hbm4b:s19+s4], $0x1400, $0x38;
	[tilespmem:$0x1E600] =	vst v63  }
0x21: {  	_ =	swait.ge [sflag:s14], $0x1400  }
0x22: {  	[sflag:s14] =	ssyncset.done $0x0  }
0x23: {  	[sflag:s14] =	ssyncadd.s32 $0xFFFFEC00  }
0x24: {  	[bflag:$0x0] =	sbarrier.arrive $0xFFFF  }
0x25: {  	v0 =	vld [tilespmem:$0x1400]  }
0x26: {  	v1 =	vld [tilespmem:$0x1410]  }
0x27: {  	v2 =	vld [tilespmem:$0x1420]  }
0x28: {  	v3 =	vld [tilespmem:$0x1430];
	_ =	sdelay $0x1  }
0x29: {  	[tilespmem:$0x2800] =	vst v0  }
0x2a: {  	[tilespmem:$0x2810] =	vst v1  }
0x2b: {  	[tilespmem:$0x2820] =	vst v2  }
0x2c: {  	[tilespmem:$0x2830] =	vst v3  }
0x2d: {  	[tilespmem:s17], [sflag:$0x1] =	stream.indirect.gather [hbm4b:s1+s16], $0x80, s4, s16, $0xb8;
	[tilespmem:$0x1E600] =	vst v63  }
0x2e: {  	v48 =	vld [tilespmem:$0x1440]  }
0x2f: {  	v49 =	vld [tilespmem:$0x1450]  }
0x30: {  	v50 =	vld [tilespmem:$0x1460]  }
0x31: {  	v51 =	vld [tilespmem:$0x1470];
	_ =	sdelay $0x1  }
0x32: {  	[tilespmem:$0x2880] =	vst v48  }
0x33: {  	[tilespmem:$0x2890] =	vst v49  }
0x34: {  	[tilespmem:$0x28A0] =	vst v50  }
0x35: {  	[tilespmem:$0x28B0] =	vst v51  }
0x36: {  	[tilespmem:s18], [sflag:$0x2] =	stream.indirect.gather [hbm4b:s1+s16], $0x80, s16, s16, $0xb8;
	[tilespmem:$0x1E600] =	vst v63  }
0x37: {  	v52 =	vld [tilespmem:$0x1480]  }
0x38: {  	v53 =	vld [tilespmem:$0x1490]  }
0x39: {  	v54 =	vld [tilespmem:$0x14A0]  }
0x3a: {  	v55 =	vld [tilespmem:$0x14B0];
	_ =	sdelay $0x1  }
0x3b: {  	[tilespmem:$0x2900] =	vst v52  }
0x3c: {  	[tilespmem:$0x2910] =	vst v53  }
0x3d: {  	[tilespmem:$0x2920] =	vst v54  }
0x3e: {  	s19 =	simm.s32 $0x80;
	[tilespmem:$0x2930] =	vst v55  }
0x3f: {  	[tilespmem:s20], [sflag:$0x3] =	stream.indirect.gather [hbm4b:s1+s16], $0x80, s19, s16, $0xb8;
	[tilespmem:$0x1E600] =	vst v63  }
0x40: {  	v56 =	vld [tilespmem:$0x14C0]  }
0x41: {  	v57 =	vld [tilespmem:$0x14D0]  }
0x42: {  	v58 =	vld [tilespmem:$0x14E0]  }
0x43: {  	v59 =	vld [tilespmem:$0x14F0];
	_ =	sdelay $0x1  }
0x44: {  	[tilespmem:$0x2980] =	vst v56  }
0x45: {  	[tilespmem:$0x2990] =	vst v57  }
0x46: {  	[tilespmem:$0x29A0] =	vst v58  }
0x47: {  	[tilespmem:$0x29B0] =	vst v59  }
0x48: {  	[tilespmem:s22], [sflag:$0x4] =	stream.indirect.gather [hbm4b:s1+s16], $0x80, s21, s16, $0xb8;
	[tilespmem:$0x1E600] =	vst v63  }
0x49: {  	_ =	swait.ge [sflag:s23], $0x2000  }
0x4a: {  	[sflag:s23] =	ssyncset.done $0x0  }
0x4b: {  	[sflag:s23] =	ssyncadd.s32 $0xFFFFE000  }
0x4c: {  	[spmem:s2] =	stream.indirect.scatter.add.f32 [tilespmem:s17], [sflag:$0x5], $0x80, s24, s16, $0xb8;
	[tilespmem:$0x1E600] =	vst v63  }
0x4d: {  	_ =	swait.ge [sflag:s25], $0x2000  }
0x4e: {  	[sflag:s25] =	ssyncset.done $0x0  }
0x4f: {  	s8 =	simm.s32 $0x0;
	[sflag:s25] =	ssyncadd.s32 $0xFFFFE000  }
0x50: {  	v60 =	vld [tilespmem:s8+$0x1500];
	_ =	sdelay $0x4  }
0x51: {  	[tilespmem:$0x2800] =	vst v60  }
0x52: {  	v0 =	vld [tilespmem:s8+$0x1510];
	_ =	sdelay $0x4  }
0x53: {  	[tilespmem:$0x2810] =	vst v0  }
0x54: {  	v0 =	vld [tilespmem:s8+$0x1520];
	_ =	sdelay $0x4  }
0x55: {  	[tilespmem:$0x2820] =	vst v0  }
0x56: {  	v0 =	vld [tilespmem:s8+$0x1530];
	_ =	sdelay $0x4  }
0x57: {  	s19 =	simm.s32 $0x100;
	[tilespmem:$0x2830] =	vst v0  }
0x58: {  	[tilespmem:s17], [sflag:$0x1] =	stream.indirect.gather [hbm4b:s1+s16], $0x80, s19, s16, $0xb8;
	[tilespmem:$0x1E600] =	vst v63  }
0x59: {  	_ =	swait.ge [sflag:s26], $0x2000  }
0x5a: {  	[sflag:s26] =	ssyncset.done $0x0  }
0x5b: {  	[sflag:s26] =	ssyncadd.s32 $0xFFFFE000  }
0x5c: {  	[spmem:s2] =	stream.indirect.scatter.add.f32 [tilespmem:s18], [sflag:$0x6], $0x80, s28, s16, $0xb8;
	[tilespmem:$0x1E600] =	vst v63  }
0x5d: {  	_ =	swait.ge [sflag:s29], $0x2000  }
0x5e: {  	[sflag:s29] =	ssyncset.done $0x0  }
0x5f: {  	[sflag:s29] =	ssyncadd.s32 $0xFFFFE000  }
0x60: {  	v61 =	vld [tilespmem:s8+$0x1540];
	_ =	sdelay $0x4  }
0x61: {  	[tilespmem:$0x2880] =	vst v61  }
0x62: {  	v0 =	vld [tilespmem:s8+$0x1550];
	_ =	sdelay $0x4  }
0x63: {  	[tilespmem:$0x2890] =	vst v0  }
0x64: {  	v0 =	vld [tilespmem:s8+$0x1560];
	_ =	sdelay $0x4  }
0x65: {  	[tilespmem:$0x28A0] =	vst v0  }
0x66: {  	v0 =	vld [tilespmem:s8+$0x1570];
	_ =	sdelay $0x4  }
0x67: {  	s9 =	simm.s32 $0x140;
	[tilespmem:$0x28B0] =	vst v0  }
0x68: {  	[tilespmem:s18], [sflag:$0x2] =	stream.indirect.gather [hbm4b:s1+s16], $0x80, s9, s16, $0xb8;
	[tilespmem:$0x1E600] =	vst v63  }
0x69: {  	_ =	swait.ge [sflag:s30], $0x2000  }
0x6a: {  	[sflag:s30] =	ssyncset.done $0x0  }
0x6b: {  	[sflag:s30] =	ssyncadd.s32 $0xFFFFE000  }
0x6c: {  	[spmem:s2] =	stream.indirect.scatter.add.f32 [tilespmem:s20], [sflag:$0x7], $0x80, s31, s16, $0xb8;
	[tilespmem:$0x1E600] =	vst v63  }
0x6d: {  	_ =	swait.ge [sflag:s0], $0x2000  }
0x6e: {  	[sflag:s0] =	ssyncset.done $0x0  }
0x6f: {  	[sflag:s0] =	ssyncadd.s32 $0xFFFFE000  }
0x70: {  	v62 =	vld [tilespmem:s8+$0x1580];
	_ =	sdelay $0x4  }
0x71: {  	[tilespmem:$0x2900] =	vst v62  }
0x72: {  	v0 =	vld [tilespmem:s8+$0x1590];
	_ =	sdelay $0x4  }
0x73: {  	[tilespmem:$0x2910] =	vst v0  }
0x74: {  	v0 =	vld [tilespmem:s8+$0x15A0];
	_ =	sdelay $0x4  }
0x75: {  	[tilespmem:$0x2920] =	vst v0  }
0x76: {  	v0 =	vld [tilespmem:s8+$0x15B0];
	_ =	sdelay $0x4  }
0x77: {  	s9 =	simm.s32 $0x180;
	[tilespmem:$0x2930] =	vst v0  }
0x78: {  	[tilespmem:s20], [sflag:$0x3] =	stream.indirect.gather [hbm4b:s1+s16], $0x80, s9, s16, $0xb8;
	[tilespmem:$0x1E600] =	vst v63  }
0x79: {  	_ =	swait.ge [sflag:s3], $0x2000  }
0x7a: {  	[sflag:s3] =	ssyncset.done $0x0  }
0x7b: {  	[sflag:s3] =	ssyncadd.s32 $0xFFFFE000  }
0x7c: {  	[spmem:s2] =	stream.indirect.scatter.add.f32 [tilespmem:s22], [sflag:$0x8], $0x80, s5, s16, $0xb8;
	[tilespmem:$0x1E600] =	vst v63  }
0x7d: {  	_ =	swait.ge [sflag:s15], $0x2000  }
0x7e: {  	[sflag:s15] =	ssyncset.done $0x0  }
0x7f: {  	[sflag:s15] =	ssyncadd.s32 $0xFFFFE000  }
0x80: {  	v63 =	vld [tilespmem:s8+$0x15C0];
	_ =	sdelay $0x4  }
0x81: {  	[tilespmem:$0x2980] =	vst v63  }
0x82: {  	v0 =	vld [tilespmem:s8+$0x15D0];
	_ =	sdelay $0x4  }
0x83: {  	[tilespmem:$0x2990] =	vst v0  }
0x84: {  	v0 =	vld [tilespmem:s8+$0x15E0];
	_ =	sdelay $0x4  }
0x85: {  	[tilespmem:$0x29A0] =	vst v0  }
0x86: {  	v0 =	vld [tilespmem:s8+$0x15F0];
	_ =	sdelay $0x4  }
0x87: {  	s19 =	simm.s32 $0x1C0;
	[tilespmem:$0x29B0] =	vst v0  }
0x88: {  	[tilespmem:s22], [sflag:$0x4] =	stream.indirect.gather [hbm4b:s1+s16], $0x80, s19, s16, $0xb8;
	[tilespmem:$0x1E600] =	vst v63  }
0x89: {  	_ =	swait.ge [sflag:s23], $0x2000  }
0x8a: {  	[sflag:s23] =	ssyncset.done $0x0  }
0x8b: {  	s8 =	simm.s32 $0x400;
	[sflag:s23] =	ssyncadd.s32 $0xFFFFE000  }
.LBB2_2:
0x8c: {  	[spmem:s2] =	stream.indirect.scatter.add.f32 [tilespmem:s17], [sflag:$0x5], $0x80, s24, s16, $0xb8;
	[tilespmem:$0x1E600] =	vst v63  }
0x8d: {  	s19 =	smov.u32 s8  }
0x8e: {  	p0 =	sne.s32 s8, $0x4800;
	s8 =	sadd.s32 $0x400, s8;
	_ =	swait.ge [sflag:s25], $0x2000  }
0x8f: {  	[sflag:s25] =	ssyncset.done $0x0  }
0x90: {  	s19 =	sshra.s32 s19, $0x2;
	[sflag:s25] =	ssyncadd.s32 $0xFFFFE000  }
0x91: {  	v0 =	vld [tilespmem:s19+$0x1500];
	_ =	sdelay $0x4  }
0x92: {  	[tilespmem:$0x2800] =	vst v0  }
0x93: {  	v0 =	vld [tilespmem:s19+$0x1510];
	_ =	sdelay $0x4  }
0x94: {  	[tilespmem:$0x2810] =	vst v0  }
0x95: {  	v0 =	vld [tilespmem:s19+$0x1520];
	_ =	sdelay $0x4  }
0x96: {  	[tilespmem:$0x2820] =	vst v0  }
0x97: {  	v0 =	vld [tilespmem:s19+$0x1530];
	_ =	sdelay $0x4  }
0x98: {  	s9 =	sadd.s32 $0x100, s19;
	[tilespmem:$0x2830] =	vst v0  }
0x99: {  	[tilespmem:s17], [sflag:$0x1] =	stream.indirect.gather [hbm4b:s1+s16], $0x80, s9, s16, $0xb8;
	[tilespmem:$0x1E600] =	vst v63  }
0x9a: {  	_ =	swait.ge [sflag:s26], $0x2000  }
0x9b: {  	[sflag:s26] =	ssyncset.done $0x0  }
0x9c: {  	[sflag:s26] =	ssyncadd.s32 $0xFFFFE000  }
0x9d: {  	[spmem:s2] =	stream.indirect.scatter.add.f32 [tilespmem:s18], [sflag:$0x6], $0x80, s28, s16, $0xb8;
	[tilespmem:$0x1E600] =	vst v63  }
0x9e: {  	_ =	swait.ge [sflag:s29], $0x2000  }
0x9f: {  	[sflag:s29] =	ssyncset.done $0x0  }
0xa0: {  	[sflag:s29] =	ssyncadd.s32 $0xFFFFE000  }
0xa1: {  	v0 =	vld [tilespmem:s19+$0x1540];
	_ =	sdelay $0x4  }
0xa2: {  	[tilespmem:$0x2880] =	vst v0  }
0xa3: {  	v0 =	vld [tilespmem:s19+$0x1550];
	_ =	sdelay $0x4  }
0xa4: {  	[tilespmem:$0x2890] =	vst v0  }
0xa5: {  	v0 =	vld [tilespmem:s19+$0x1560];
	_ =	sdelay $0x4  }
0xa6: {  	[tilespmem:$0x28A0] =	vst v0  }
0xa7: {  	v0 =	vld [tilespmem:s19+$0x1570];
	_ =	sdelay $0x4  }
0xa8: {  	s9 =	sadd.s32 $0x140, s19;
	[tilespmem:$0x28B0] =	vst v0  }
0xa9: {  	[tilespmem:s18], [sflag:$0x2] =	stream.indirect.gather [hbm4b:s1+s16], $0x80, s9, s16, $0xb8;
	[tilespmem:$0x1E600] =	vst v63  }
0xaa: {  	_ =	swait.ge [sflag:s30], $0x2000  }
0xab: {  	[sflag:s30] =	ssyncset.done $0x0  }
0xac: {  	[sflag:s30] =	ssyncadd.s32 $0xFFFFE000  }
0xad: {  	[spmem:s2] =	stream.indirect.scatter.add.f32 [tilespmem:s20], [sflag:$0x7], $0x80, s31, s16, $0xb8;
	[tilespmem:$0x1E600] =	vst v63  }
0xae: {  	_ =	swait.ge [sflag:s0], $0x2000  }
0xaf: {  	[sflag:s0] =	ssyncset.done $0x0  }
0xb0: {  	[sflag:s0] =	ssyncadd.s32 $0xFFFFE000  }
0xb1: {  	v0 =	vld [tilespmem:s19+$0x1580];
	_ =	sdelay $0x4  }
0xb2: {  	[tilespmem:$0x2900] =	vst v0  }
0xb3: {  	v0 =	vld [tilespmem:s19+$0x1590];
	_ =	sdelay $0x4  }
0xb4: {  	[tilespmem:$0x2910] =	vst v0  }
0xb5: {  	v0 =	vld [tilespmem:s19+$0x15A0];
	_ =	sdelay $0x4  }
0xb6: {  	[tilespmem:$0x2920] =	vst v0  }
0xb7: {  	v0 =	vld [tilespmem:s19+$0x15B0];
	_ =	sdelay $0x4  }
0xb8: {  	s9 =	sadd.s32 $0x180, s19;
	[tilespmem:$0x2930] =	vst v0  }
0xb9: {  	[tilespmem:s20], [sflag:$0x3] =	stream.indirect.gather [hbm4b:s1+s16], $0x80, s9, s16, $0xb8;
	[tilespmem:$0x1E600] =	vst v63  }
0xba: {  	_ =	swait.ge [sflag:s3], $0x2000  }
0xbb: {  	[sflag:s3] =	ssyncset.done $0x0  }
0xbc: {  	[sflag:s3] =	ssyncadd.s32 $0xFFFFE000  }
0xbd: {  	[spmem:s2] =	stream.indirect.scatter.add.f32 [tilespmem:s22], [sflag:$0x8], $0x80, s5, s16, $0xb8;
	[tilespmem:$0x1E600] =	vst v63  }
0xbe: {  	_ =	swait.ge [sflag:s15], $0x2000  }
0xbf: {  	[sflag:s15] =	ssyncset.done $0x0  }
0xc0: {  	[sflag:s15] =	ssyncadd.s32 $0xFFFFE000  }
0xc1: {  	v0 =	vld [tilespmem:s19+$0x15C0];
	_ =	sdelay $0x4  }
0xc2: {  	[tilespmem:$0x2980] =	vst v0  }
0xc3: {  	v0 =	vld [tilespmem:s19+$0x15D0];
	_ =	sdelay $0x4  }
0xc4: {  	[tilespmem:$0x2990] =	vst v0  }
0xc5: {  	v0 =	vld [tilespmem:s19+$0x15E0];
	_ =	sdelay $0x4  }
0xc6: {  	[tilespmem:$0x29A0] =	vst v0  }
0xc7: {  	v0 =	vld [tilespmem:s19+$0x15F0];
	_ =	sdelay $0x4  }
.Ltmp0:
0xc8: {  	s9 =	sadd.s32 $0x1C0, s19;
	[tilespmem:$0x29B0] =	vst v0;
	(pc) =	sbr.rel @p0 .LBB2_2-.Ltmp0, $4  }
0xc9: {  	[tilespmem:s22], [sflag:$0x4] =	stream.indirect.gather [hbm4b:s1+s16], $0x80, s9, s16, $0xb8;
	[tilespmem:$0x1E600] =	vst v63  }
0xca: {  	_ =	swait.ge [sflag:s23], $0x2000  }
0xcb: {  	[sflag:s23] =	ssyncset.done $0x0  }
0xcc: {  	[sflag:s23] =	ssyncadd.s32 $0xFFFFE000  }
0xcd: {  	[spmem:s2] =	stream.indirect.scatter.add.f32 [tilespmem:s17], [sflag:$0x5], $0x80, s24, s16, $0xb8;
	[tilespmem:$0x1E600] =	vst v63  }
0xce: {  	_ =	swait.ge [sflag:s26], $0x2000  }
0xcf: {  	[sflag:s26] =	ssyncset.done $0x0  }
0xd0: {  	[sflag:s26] =	ssyncadd.s32 $0xFFFFE000  }
0xd1: {  	[spmem:s2] =	stream.indirect.scatter.add.f32 [tilespmem:s18], [sflag:$0x6], $0x80, s28, s16, $0xb8;
	[tilespmem:$0x1E600] =	vst v63  }
0xd2: {  	_ =	swait.ge [sflag:s30], $0x2000  }
0xd3: {  	[sflag:s30] =	ssyncset.done $0x0  }
0xd4: {  	[sflag:s30] =	ssyncadd.s32 $0xFFFFE000  }
0xd5: {  	[spmem:s2] =	stream.indirect.scatter.add.f32 [tilespmem:s20], [sflag:$0x7], $0x80, s31, s16, $0xb8;
	[tilespmem:$0x1E600] =	vst v63  }
0xd6: {  	_ =	swait.ge [sflag:s3], $0x2000  }
0xd7: {  	[sflag:s3] =	ssyncset.done $0x0  }
0xd8: {  	[sflag:s3] =	ssyncadd.s32 $0xFFFFE000  }
0xd9: {  	[spmem:s2] =	stream.indirect.scatter.add.f32 [tilespmem:s22], [sflag:$0x8], $0x80, s5, s16, $0xb8;
	[tilespmem:$0x1E600] =	vst v63  }
0xda: {  	s8 =	simm.s32 $0x0;
	s9 =	rddreg [dreg:$0x7]  }
0xdb: {  	[tilespmem:s8], [sflag:$0x9] =	stream.linear.gather [hbm4b:s9+s8], $0x1400, $0x38;
	[tilespmem:$0x1E600] =	vst v63  }
0xdc: {  	_ =	swait.ge [sflag:s14], $0x1400  }
0xdd: {  	[sflag:s14] =	ssyncset.done $0x0  }
0xde: {  	s19 =	simm.s32 $0x1400;
	[sflag:s14] =	ssyncadd.s32 $0xFFFFEC00  }
0xdf: {  	[tilespmem:s19], [sflag:$0x9] =	stream.linear.gather [hbm4b:s10+s8], $0x1400, $0x38;
	[tilespmem:$0x1E600] =	vst v63  }
0xe0: {  	_ =	swait.ge [sflag:s14], $0x1400  }
0xe1: {  	[sflag:s14] =	ssyncset.done $0x0  }
0xe2: {  	[sflag:s14] =	ssyncadd.s32 $0xFFFFEC00  }
0xe3: {  	_ =	swait.ge [sflag:s25], $0x2000  }
0xe4: {  	[sflag:s25] =	ssyncset.done $0x0  }
0xe5: {  	[sflag:s25] =	ssyncadd.s32 $0xFFFFE000  }
0xe6: {  	v0 =	vld [tilespmem:$0x1400]  }
0xe7: {  	v1 =	vld [tilespmem:$0x1410]  }
0xe8: {  	v2 =	vld [tilespmem:$0x1420]  }
0xe9: {  	v3 =	vld [tilespmem:$0x1430];
	_ =	sdelay $0x1  }
0xea: {  	[tilespmem:$0x2800] =	vst v0  }
0xeb: {  	[tilespmem:$0x2810] =	vst v1  }
0xec: {  	[tilespmem:$0x2820] =	vst v2  }
0xed: {  	[tilespmem:$0x2830] =	vst v3  }
0xee: {  	[tilespmem:s17], [sflag:$0x1] =	stream.indirect.gather [hbm4b:s1+s16], $0x80, s8, s16, $0xb8;
	[tilespmem:$0x1E600] =	vst v63  }
0xef: {  	_ =	swait.ge [sflag:s29], $0x2000  }
0xf0: {  	[sflag:s29] =	ssyncset.done $0x0  }
0xf1: {  	[sflag:s29] =	ssyncadd.s32 $0xFFFFE000  }
0xf2: {  	v48 =	vld [tilespmem:$0x1440]  }
0xf3: {  	v49 =	vld [tilespmem:$0x1450]  }
0xf4: {  	v50 =	vld [tilespmem:$0x1460]  }
0xf5: {  	v51 =	vld [tilespmem:$0x1470];
	_ =	sdelay $0x1  }
0xf6: {  	[tilespmem:$0x2880] =	vst v48  }
0xf7: {  	[tilespmem:$0x2890] =	vst v49  }
0xf8: {  	[tilespmem:$0x28A0] =	vst v50  }
0xf9: {  	[tilespmem:$0x28B0] =	vst v51  }
0xfa: {  	[tilespmem:s18], [sflag:$0x2] =	stream.indirect.gather [hbm4b:s1+s16], $0x80, s16, s16, $0xb8;
	[tilespmem:$0x1E600] =	vst v63  }
0xfb: {  	_ =	swait.ge [sflag:s0], $0x2000  }
0xfc: {  	[sflag:s0] =	ssyncset.done $0x0  }
0xfd: {  	[sflag:s0] =	ssyncadd.s32 $0xFFFFE000  }
0xfe: {  	v52 =	vld [tilespmem:$0x1480]  }
0xff: {  	v53 =	vld [tilespmem:$0x1490]  }
0x100: {  	v54 =	vld [tilespmem:$0x14A0]  }
0x101: {  	v55 =	vld [tilespmem:$0x14B0];
	_ =	sdelay $0x1  }
0x102: {  	[tilespmem:$0x2900] =	vst v52  }
0x103: {  	[tilespmem:$0x2910] =	vst v53  }
0x104: {  	[tilespmem:$0x2920] =	vst v54  }
0x105: {  	s9 =	simm.s32 $0x80;
	[tilespmem:$0x2930] =	vst v55  }
0x106: {  	[tilespmem:s20], [sflag:$0x3] =	stream.indirect.gather [hbm4b:s1+s16], $0x80, s9, s16, $0xb8;
	[tilespmem:$0x1E600] =	vst v63  }
0x107: {  	_ =	swait.ge [sflag:s15], $0x2000  }
0x108: {  	[sflag:s15] =	ssyncset.done $0x0  }
0x109: {  	[sflag:s15] =	ssyncadd.s32 $0xFFFFE000  }
0x10a: {  	v56 =	vld [tilespmem:$0x14C0]  }
0x10b: {  	v57 =	vld [tilespmem:$0x14D0]  }
0x10c: {  	v58 =	vld [tilespmem:$0x14E0]  }
0x10d: {  	v59 =	vld [tilespmem:$0x14F0];
	_ =	sdelay $0x1  }
0x10e: {  	[tilespmem:$0x2980] =	vst v56  }
0x10f: {  	[tilespmem:$0x2990] =	vst v57  }
0x110: {  	[tilespmem:$0x29A0] =	vst v58  }
0x111: {  	[tilespmem:$0x29B0] =	vst v59  }
0x112: {  	[tilespmem:s22], [sflag:$0x4] =	stream.indirect.gather [hbm4b:s1+s16], $0x80, s21, s16, $0xb8;
	[tilespmem:$0x1E600] =	vst v63  }
0x113: {  	_ =	swait.ge [sflag:s23], $0x2000  }
0x114: {  	[sflag:s23] =	ssyncset.done $0x0  }
0x115: {  	[sflag:s23] =	ssyncadd.s32 $0xFFFFE000  }
0x116: {  	[spmem:s2] =	stream.indirect.scatter.add.f32 [tilespmem:s17], [sflag:$0x5], $0x80, s24, s16, $0xb8;
	[tilespmem:$0x1E600] =	vst v63  }
0x117: {  	_ =	swait.ge [sflag:s25], $0x2000  }
0x118: {  	[sflag:s25] =	ssyncset.done $0x0  }
0x119: {  	s8 =	simm.s32 $0x0;
	[sflag:s25] =	ssyncadd.s32 $0xFFFFE000  }
0x11a: {  	v60 =	vld [tilespmem:s8+$0x1500];
	_ =	sdelay $0x4  }
0x11b: {  	[tilespmem:$0x2800] =	vst v60  }
0x11c: {  	v0 =	vld [tilespmem:s8+$0x1510];
	_ =	sdelay $0x4  }
0x11d: {  	[tilespmem:$0x2810] =	vst v0  }
0x11e: {  	v0 =	vld [tilespmem:s8+$0x1520];
	_ =	sdelay $0x4  }
0x11f: {  	[tilespmem:$0x2820] =	vst v0  }
0x120: {  	v0 =	vld [tilespmem:s8+$0x1530];
	_ =	sdelay $0x4  }
0x121: {  	s19 =	simm.s32 $0x100;
	[tilespmem:$0x2830] =	vst v0  }
0x122: {  	[tilespmem:s17], [sflag:$0x1] =	stream.indirect.gather [hbm4b:s1+s16], $0x80, s19, s16, $0xb8;
	[tilespmem:$0x1E600] =	vst v63  }
0x123: {  	_ =	swait.ge [sflag:s26], $0x2000  }
0x124: {  	[sflag:s26] =	ssyncset.done $0x0  }
0x125: {  	[sflag:s26] =	ssyncadd.s32 $0xFFFFE000  }
0x126: {  	[spmem:s2] =	stream.indirect.scatter.add.f32 [tilespmem:s18], [sflag:$0x6], $0x80, s28, s16, $0xb8;
	[tilespmem:$0x1E600] =	vst v63  }
0x127: {  	_ =	swait.ge [sflag:s29], $0x2000  }
0x128: {  	[sflag:s29] =	ssyncset.done $0x0  }
0x129: {  	[sflag:s29] =	ssyncadd.s32 $0xFFFFE000  }
0x12a: {  	v61 =	vld [tilespmem:s8+$0x1540];
	_ =	sdelay $0x4  }
0x12b: {  	[tilespmem:$0x2880] =	vst v61  }
0x12c: {  	v0 =	vld [tilespmem:s8+$0x1550];
	_ =	sdelay $0x4  }
0x12d: {  	[tilespmem:$0x2890] =	vst v0  }
0x12e: {  	v0 =	vld [tilespmem:s8+$0x1560];
	_ =	sdelay $0x4  }
0x12f: {  	[tilespmem:$0x28A0] =	vst v0  }
0x130: {  	v0 =	vld [tilespmem:s8+$0x1570];
	_ =	sdelay $0x4  }
0x131: {  	s19 =	simm.s32 $0x140;
	[tilespmem:$0x28B0] =	vst v0  }
0x132: {  	[tilespmem:s18], [sflag:$0x2] =	stream.indirect.gather [hbm4b:s1+s16], $0x80, s19, s16, $0xb8;
	[tilespmem:$0x1E600] =	vst v63  }
0x133: {  	_ =	swait.ge [sflag:s30], $0x2000  }
0x134: {  	[sflag:s30] =	ssyncset.done $0x0  }
0x135: {  	[sflag:s30] =	ssyncadd.s32 $0xFFFFE000  }
0x136: {  	[spmem:s2] =	stream.indirect.scatter.add.f32 [tilespmem:s20], [sflag:$0x7], $0x80, s31, s16, $0xb8;
	[tilespmem:$0x1E600] =	vst v63  }
0x137: {  	_ =	swait.ge [sflag:s0], $0x2000  }
0x138: {  	[sflag:s0] =	ssyncset.done $0x0  }
0x139: {  	[sflag:s0] =	ssyncadd.s32 $0xFFFFE000  }
0x13a: {  	v62 =	vld [tilespmem:s8+$0x1580];
	_ =	sdelay $0x4  }
0x13b: {  	[tilespmem:$0x2900] =	vst v62  }
0x13c: {  	v0 =	vld [tilespmem:s8+$0x1590];
	_ =	sdelay $0x4  }
0x13d: {  	[tilespmem:$0x2910] =	vst v0  }
0x13e: {  	v0 =	vld [tilespmem:s8+$0x15A0];
	_ =	sdelay $0x4  }
0x13f: {  	[tilespmem:$0x2920] =	vst v0  }
0x140: {  	v0 =	vld [tilespmem:s8+$0x15B0];
	_ =	sdelay $0x4  }
0x141: {  	s19 =	simm.s32 $0x180;
	[tilespmem:$0x2930] =	vst v0  }
0x142: {  	[tilespmem:s20], [sflag:$0x3] =	stream.indirect.gather [hbm4b:s1+s16], $0x80, s19, s16, $0xb8;
	[tilespmem:$0x1E600] =	vst v63  }
0x143: {  	_ =	swait.ge [sflag:s3], $0x2000  }
0x144: {  	[sflag:s3] =	ssyncset.done $0x0  }
0x145: {  	[sflag:s3] =	ssyncadd.s32 $0xFFFFE000  }
0x146: {  	[spmem:s2] =	stream.indirect.scatter.add.f32 [tilespmem:s22], [sflag:$0x8], $0x80, s5, s16, $0xb8;
	[tilespmem:$0x1E600] =	vst v63  }
0x147: {  	_ =	swait.ge [sflag:s15], $0x2000  }
0x148: {  	[sflag:s15] =	ssyncset.done $0x0  }
0x149: {  	[sflag:s15] =	ssyncadd.s32 $0xFFFFE000  }
0x14a: {  	v63 =	vld [tilespmem:s8+$0x15C0];
	_ =	sdelay $0x4  }
0x14b: {  	[tilespmem:$0x2980] =	vst v63  }
0x14c: {  	v0 =	vld [tilespmem:s8+$0x15D0];
	_ =	sdelay $0x4  }
0x14d: {  	[tilespmem:$0x2990] =	vst v0  }
0x14e: {  	v0 =	vld [tilespmem:s8+$0x15E0];
	_ =	sdelay $0x4  }
0x14f: {  	[tilespmem:$0x29A0] =	vst v0  }
0x150: {  	v0 =	vld [tilespmem:s8+$0x15F0];
	_ =	sdelay $0x4  }
0x151: {  	s19 =	simm.s32 $0x1C0;
	[tilespmem:$0x29B0] =	vst v0  }
0x152: {  	[tilespmem:s22], [sflag:$0x4] =	stream.indirect.gather [hbm4b:s1+s16], $0x80, s19, s16, $0xb8;
	[tilespmem:$0x1E600] =	vst v63  }
0x153: {  	_ =	swait.ge [sflag:s23], $0x2000  }
0x154: {  	[sflag:s23] =	ssyncset.done $0x0  }
0x155: {  	s8 =	simm.s32 $0x400;
	[sflag:s23] =	ssyncadd.s32 $0xFFFFE000  }
.LBB2_4:
0x156: {  	[spmem:s2] =	stream.indirect.scatter.add.f32 [tilespmem:s17], [sflag:$0x5], $0x80, s24, s16, $0xb8;
	[tilespmem:$0x1E600] =	vst v63  }
0x157: {  	s9 =	smov.u32 s8  }
0x158: {  	p0 =	sne.s32 s8, $0x4800;
	s8 =	sadd.s32 $0x400, s8;
	_ =	swait.ge [sflag:s25], $0x2000  }
0x159: {  	[sflag:s25] =	ssyncset.done $0x0  }
0x15a: {  	s19 =	sshra.s32 s9, $0x2;
	[sflag:s25] =	ssyncadd.s32 $0xFFFFE000  }
0x15b: {  	v0 =	vld [tilespmem:s19+$0x1500];
	_ =	sdelay $0x4  }
0x15c: {  	[tilespmem:$0x2800] =	vst v0  }
0x15d: {  	v0 =	vld [tilespmem:s19+$0x1510];
	_ =	sdelay $0x4  }
0x15e: {  	[tilespmem:$0x2810] =	vst v0  }
0x15f: {  	v0 =	vld [tilespmem:s19+$0x1520];
	_ =	sdelay $0x4  }
0x160: {  	[tilespmem:$0x2820] =	vst v0  }
0x161: {  	v0 =	vld [tilespmem:s19+$0x1530];
	_ =	sdelay $0x4  }
0x162: {  	s9 =	sadd.s32 $0x100, s19;
	[tilespmem:$0x2830] =	vst v0  }
0x163: {  	[tilespmem:s17], [sflag:$0x1] =	stream.indirect.gather [hbm4b:s1+s16], $0x80, s9, s16, $0xb8;
	[tilespmem:$0x1E600] =	vst v63  }
0x164: {  	_ =	swait.ge [sflag:s26], $0x2000  }
0x165: {  	[sflag:s26] =	ssyncset.done $0x0  }
0x166: {  	[sflag:s26] =	ssyncadd.s32 $0xFFFFE000  }
0x167: {  	[spmem:s2] =	stream.indirect.scatter.add.f32 [tilespmem:s18], [sflag:$0x6], $0x80, s28, s16, $0xb8;
	[tilespmem:$0x1E600] =	vst v63  }
0x168: {  	_ =	swait.ge [sflag:s29], $0x2000  }
0x169: {  	[sflag:s29] =	ssyncset.done $0x0  }
0x16a: {  	[sflag:s29] =	ssyncadd.s32 $0xFFFFE000  }
0x16b: {  	v0 =	vld [tilespmem:s19+$0x1540];
	_ =	sdelay $0x4  }
0x16c: {  	[tilespmem:$0x2880] =	vst v0  }
0x16d: {  	v0 =	vld [tilespmem:s19+$0x1550];
	_ =	sdelay $0x4  }
0x16e: {  	[tilespmem:$0x2890] =	vst v0  }
0x16f: {  	v0 =	vld [tilespmem:s19+$0x1560];
	_ =	sdelay $0x4  }
0x170: {  	[tilespmem:$0x28A0] =	vst v0  }
0x171: {  	v0 =	vld [tilespmem:s19+$0x1570];
	_ =	sdelay $0x4  }
0x172: {  	s9 =	sadd.s32 $0x140, s19;
	[tilespmem:$0x28B0] =	vst v0  }
0x173: {  	[tilespmem:s18], [sflag:$0x2] =	stream.indirect.gather [hbm4b:s1+s16], $0x80, s9, s16, $0xb8;
	[tilespmem:$0x1E600] =	vst v63  }
0x174: {  	_ =	swait.ge [sflag:s30], $0x2000  }
0x175: {  	[sflag:s30] =	ssyncset.done $0x0  }
0x176: {  	[sflag:s30] =	ssyncadd.s32 $0xFFFFE000  }
0x177: {  	[spmem:s2] =	stream.indirect.scatter.add.f32 [tilespmem:s20], [sflag:$0x7], $0x80, s31, s16, $0xb8;
	[tilespmem:$0x1E600] =	vst v63  }
0x178: {  	_ =	swait.ge [sflag:s0], $0x2000  }
0x179: {  	[sflag:s0] =	ssyncset.done $0x0  }
0x17a: {  	[sflag:s0] =	ssyncadd.s32 $0xFFFFE000  }
0x17b: {  	v0 =	vld [tilespmem:s19+$0x1580];
	_ =	sdelay $0x4  }
0x17c: {  	[tilespmem:$0x2900] =	vst v0  }
0x17d: {  	v0 =	vld [tilespmem:s19+$0x1590];
	_ =	sdelay $0x4  }
0x17e: {  	[tilespmem:$0x2910] =	vst v0  }
0x17f: {  	v0 =	vld [tilespmem:s19+$0x15A0];
	_ =	sdelay $0x4  }
0x180: {  	[tilespmem:$0x2920] =	vst v0  }
0x181: {  	v0 =	vld [tilespmem:s19+$0x15B0];
	_ =	sdelay $0x4  }
0x182: {  	s9 =	sadd.s32 $0x180, s19;
	[tilespmem:$0x2930] =	vst v0  }
0x183: {  	[tilespmem:s20], [sflag:$0x3] =	stream.indirect.gather [hbm4b:s1+s16], $0x80, s9, s16, $0xb8;
	[tilespmem:$0x1E600] =	vst v63  }
0x184: {  	_ =	swait.ge [sflag:s3], $0x2000  }
0x185: {  	[sflag:s3] =	ssyncset.done $0x0  }
0x186: {  	[sflag:s3] =	ssyncadd.s32 $0xFFFFE000  }
0x187: {  	[spmem:s2] =	stream.indirect.scatter.add.f32 [tilespmem:s22], [sflag:$0x8], $0x80, s5, s16, $0xb8;
	[tilespmem:$0x1E600] =	vst v63  }
0x188: {  	_ =	swait.ge [sflag:s15], $0x2000  }
0x189: {  	[sflag:s15] =	ssyncset.done $0x0  }
0x18a: {  	[sflag:s15] =	ssyncadd.s32 $0xFFFFE000  }
0x18b: {  	v0 =	vld [tilespmem:s19+$0x15C0];
	_ =	sdelay $0x4  }
0x18c: {  	[tilespmem:$0x2980] =	vst v0  }
0x18d: {  	v0 =	vld [tilespmem:s19+$0x15D0];
	_ =	sdelay $0x4  }
0x18e: {  	[tilespmem:$0x2990] =	vst v0  }
0x18f: {  	v0 =	vld [tilespmem:s19+$0x15E0];
	_ =	sdelay $0x4  }
0x190: {  	[tilespmem:$0x29A0] =	vst v0  }
0x191: {  	v0 =	vld [tilespmem:s19+$0x15F0];
	_ =	sdelay $0x4  }
.Ltmp1:
0x192: {  	s9 =	sadd.s32 $0x1C0, s19;
	[tilespmem:$0x29B0] =	vst v0;
	(pc) =	sbr.rel @p0 .LBB2_4-.Ltmp1, $4  }
0x193: {  	[tilespmem:s22], [sflag:$0x4] =	stream.indirect.gather [hbm4b:s1+s16], $0x80, s9, s16, $0xb8;
	[tilespmem:$0x1E600] =	vst v63  }
0x194: {  	_ =	swait.ge [sflag:s23], $0x2000  }
0x195: {  	[sflag:s23] =	ssyncset.done $0x0  }
0x196: {  	[sflag:s23] =	ssyncadd.s32 $0xFFFFE000  }
0x197: {  	[spmem:s2] =	stream.indirect.scatter.add.f32 [tilespmem:s17], [sflag:$0x5], $0x80, s24, s16, $0xb8;
	[tilespmem:$0x1E600] =	vst v63  }
0x198: {  	_ =	swait.ge [sflag:s26], $0x2000  }
0x199: {  	[sflag:s26] =	ssyncset.done $0x0  }
0x19a: {  	[sflag:s26] =	ssyncadd.s32 $0xFFFFE000  }
0x19b: {  	[spmem:s2] =	stream.indirect.scatter.add.f32 [tilespmem:s18], [sflag:$0x6], $0x80, s28, s16, $0xb8;
	[tilespmem:$0x1E600] =	vst v63  }
0x19c: {  	_ =	swait.ge [sflag:s30], $0x2000  }
0x19d: {  	[sflag:s30] =	ssyncset.done $0x0  }
0x19e: {  	[sflag:s30] =	ssyncadd.s32 $0xFFFFE000  }
0x19f: {  	[spmem:s2] =	stream.indirect.scatter.add.f32 [tilespmem:s20], [sflag:$0x7], $0x80, s31, s16, $0xb8;
	[tilespmem:$0x1E600] =	vst v63  }
0x1a0: {  	_ =	swait.ge [sflag:s3], $0x2000  }
0x1a1: {  	[sflag:s3] =	ssyncset.done $0x0  }
0x1a2: {  	[sflag:s3] =	ssyncadd.s32 $0xFFFFE000  }
0x1a3: {  	[spmem:s2] =	stream.indirect.scatter.add.f32 [tilespmem:s22], [sflag:$0x8], $0x80, s5, s16, $0xb8;
	[tilespmem:$0x1E600] =	vst v63  }
0x1a4: {  	_ =	swait.ge [sflag:s25], $0x2000  }
0x1a5: {  	[sflag:s25] =	ssyncset.done $0x0  }
0x1a6: {  	[sflag:s25] =	ssyncadd.s32 $0xFFFFE000  }
0x1a7: {  	_ =	swait.ge [sflag:s29], $0x2000  }
0x1a8: {  	[sflag:s29] =	ssyncset.done $0x0  }
0x1a9: {  	[sflag:s29] =	ssyncadd.s32 $0xFFFFE000  }
0x1aa: {  	_ =	swait.ge [sflag:s0], $0x2000  }
0x1ab: {  	[sflag:s0] =	ssyncset.done $0x0  }
0x1ac: {  	[sflag:s0] =	ssyncadd.s32 $0xFFFFE000  }
0x1ad: {  	_ =	swait.ge [sflag:s15], $0x2000  }
0x1ae: {  	s7 =	sadd.s32 $0x1, s7;
	[sflag:s15] =	ssyncset.done $0x0  }
0x1af: {  	p0 =	sne.s32 s7, s12;
	[sflag:s15] =	ssyncadd.s32 $0xFFFFE000  }
.Ltmp2:
0x1b0: {  	[bflag:$0x0] =	sbarrier.arrive $0xFFFF;
	(pc) =	sbr.rel @p0 .LBB2_1-.Ltmp2, $4  }
0x1b1: {  	[hbm:s11], [sflag:s6] =	dma.local [spmem:s13], $0x2780  }
0x1b2: {  	_ =	swait.ge [sflag:s14], $0x2780  }
0x1b3: {  	[sflag:s14] =	ssyncset.done $0x0  }
0x1b4: {  	[sflag:s14] =	ssyncadd.s32 $0xFFFFD880  }
0x1b5: {  	_ =	sfence.sel $0x180000  }
0x1b6: {  	[bflag:$0x0] =	sbarrier.arrive $0xFFFF  }
0x1b7: {  	_ =	strace $0x9000004D  }
0x1b8: {  	s0 =	stileid.u32;
	[bflag:$0x2] =	sbarrier.arrive $0xFFFF  }
0x1b9: {  	p0 =	sne.s32 s0, $0x0;
	s0 =	rddreg [dreg:$0x3]  }
0x1ba: {  	s0 =	sadd.s32 @!p0 $0x100000, s0  }
0x1bb: {  	[sflag:s0] =	ssyncadd.tile.s32 @!p0 $0x1;
	_ =	shalt  }
.Lfunc_end2:
_tile_overlayer_lowered:
.L_overlay_start_2:
0x1bc: {  	(tag) =	ssettag $0x2  }
0x1bd: {  	s0 =	rddreg [dreg:$0x0];
	s2 =	stileid.u32  }
0x1be: {  	s1 =	rddreg [dreg:$0x1];
	p0 =	sne.s32 s2, $0x0  }
0x1bf: {  	s3 =	rddreg [dreg:$0x2];
	[bflag:$0x3] =	sbarrier.arrive $0xFFFF;
	s2 =	simm.s32 @!p0 $0x1C09  }
0x1c0: {  	[timem:s3], [sflag:s2] =	dma.local @!p0 [hbm:s0], s1  }
0x1c1: {  	s0 =	simm.s32 @!p0 $0x9  }
0x1c2: {  	_ =	swait.ge @!p0 [sflag:s0], s1  }
0x1c3: {  	s1 =	ssub.s32 @!p0 $0x0, s1;
	[sflag:s0] =	ssyncset.done @!p0 $0x0  }
0x1c4: {  	[sflag:s0] =	ssyncadd.s32 @!p0 s1  }
0x1c5: {  	[bflag:$0x3] =	sbarrier.arrive $0xFFFF  }
0x1c6: {  	_ =	shalt  }

// kernel: kernel.9.cloned.1.call-start
scs
__scs_entry_jumppad:
0x0: {  	(pc) =	sbr.rel $0x88, $3  }
0x1: {  	(tag) =	ssettag $0x0;
	lr =	simm.s32 $0x1  }
0x2: {  	[smem:$0x3F99] =	sst lr;
	_ =	strace $0xD0000000  }
0x3: {  	_ = 	snop  }
0x4: {  	_ = 	snop  }
0x5: {  	_ = 	snop  }
0x6: {  	_ = 	snop  }
0x7: {  	_ = 	snop  }
__scs_overlays_trampoline_lowered:
0x8: {  	[smem:$0x3FA8] =	sst s0  }
0x9: {  	[smem:$0x3FA9] =	sst s1  }
0xa: {  	[smem:$0x3FAA] =	sst s2  }
0xb: {  	[smem:$0x3FAB] =	sst s3  }
0xc: {  	[smem:$0x3FAC] =	sst s4  }
0xd: {  	[smem:$0x3FAD] =	sst s5  }
0xe: {  	[smem:$0x3FAE] =	sst s6  }
0xf: {  	[smem:$0x3FAF] =	sst s7  }
0x10: {  	[smem:$0x3FB0] =	sst s8  }
0x11: {  	[smem:$0x3FB1] =	sst s9;
	s0 =	simm.s32 @!p0 $0x0  }
0x12: {  	s1 =	sld [smem:$0x3F97];
	s0 =	simm.s32 @p0 $0x1  }
0x13: {  	[smem:$0x3FB2] =	sst s0;
	s0 =	simm.s32 @!p1 $0x0  }
0x14: {  	s2 =	sld [smem:$0x3F96];
	s0 =	simm.s32 @p1 $0x1  }
0x15: {  	[smem:$0x3FB3] =	sst s0;
	s0 =	simm.s32 @!p2 $0x0  }
0x16: {  	s3 =	sld [smem:$0x3FDB];
	s0 =	simm.s32 @p2 $0x1  }
0x17: {  	s4 =	simm.s32 $0x1BF5;
	[smem:$0x3FB5] =	sst s0  }
0x18: {  	s0 =	sld [smem:$0x3F98];
	_ =	swait.ge [sflag:s4], $0x0  }
0x19: {  	s7 =	sld [smem:$0x3F99]  }
0x1a: {  	s8 =	sadd.s32 $0xFFFFE003, lr  }
0x1b: {  	s9 =	sadd.s32 $0xFFFFFEF7, lr;
	s5 =	simm.s32 $0xFFFFFFFF;
	p2 =	slt.u32 s8, $0xFFFFF086  }
0x1c: {  	p1 =	slt.u32 s9, $0xF7A;
	s5 =	simm.s32 @!p2 $0x0  }
0x1d: {  	s5 =	simm.s32 @p1 $0x1;
	p0 =	seq.s32 s7, s2  }
0x1e: {  	s7 =	smul.u32 @!p0 $0xF7A, s2;
	p2 =	seq.s32 @!p0 s5, $0x0  }
0x1f: {  	s9 =	smul.u32 $0xF7A, s1;
	s8 =	simm.s32 @!p0 $0x1BF5;
	p2 =	por !p2, p0  }
0x20: {  	[sflag:s8] =	ssyncset.s32 @!p0 $0xFFFFF086;
	s6 =	sadd.s32 @!p0 s3, s7;
	s7 =	simm.s32 @!p0 $0x108  }
0x21: {  	s3 =	sadd.s32 s3, s9;
	s6 =	sadd.s32 @!p0 $0x88, s6;
	s7 =	simm.s32 @p2 $0x1082  }
0x22: {  	[simem:s7], [sflag:s8] =	dma.local @!p0 [hbm:s6], $0xF7A  }
0x23: {  	s9 =	sor.u32 $0xD0000000, s2;
	s6 =	simm.s32 $0x108;
	_ =	swait.ge @!p0 [sflag:s8], $0x0  }
0x24: {  	s3 =	sadd.s32 $0x88, s3;
	s6 =	simm.s32 @!p1 $0x1082;
	[sflag:s4] =	ssyncset.s32 $0xFFFFF086  }
0x25: {  	[simem:s6], [sflag:s4] =	dma.local [hbm:s3], $0xF7A  }
0x26: {  	[smem:$0x3F99] =	sst s1;
	(tag) =	ssettag s2;
	_ =	strace s9  }
0x27: {  	s1 =	sld [smem:$0x3FA9]  }
0x28: {  	s2 =	sld [smem:$0x3FAA]  }
0x29: {  	s4 =	sld [smem:$0x3FAC]  }
0x2a: {  	p0 =	seq.s32 s5, $0x0;
	s5 =	sld [smem:$0x3FAD]  }
0x2b: {  	s6 =	sld [smem:$0x3FAE]  }
0x2c: {  	s7 =	sld [smem:$0x3FAF]  }
0x2d: {  	s3 =	simm.s32 $0x108;
	s8 =	sld [smem:$0x3FB0]  }
0x2e: {  	s3 =	simm.s32 @!p0 $0x1082;
	s9 =	sld [smem:$0x3FB1]  }
0x2f: {  	lr =	sadd.s32 s0, s3;
	s0 =	sld [smem:$0x3FA8]  }
0x30: {  	s3 =	sld [smem:$0x3FAB]  }
0x31: {  	[smem:$0x3FB4] =	sst s10  }
0x32: {  	s10 =	sld [smem:$0x3FB2];
	_ =	sdelay $0x3  }
0x33: {  	p0 =	seq.s32 s10, $0x1;
	s10 =	sld [smem:$0x3FB4];
	_ =	sdelay $0x3  }
0x34: {  	[smem:$0x3FB4] =	sst s10  }
0x35: {  	s10 =	sld [smem:$0x3FB3];
	_ =	sdelay $0x3  }
0x36: {  	p1 =	seq.s32 s10, $0x1;
	s10 =	sld [smem:$0x3FB4];
	_ =	sdelay $0x3  }
0x37: {  	[smem:$0x3FB4] =	sst s10  }
0x38: {  	s10 =	sld [smem:$0x3FB5]  }
0x39: {  	_ = 	snop;
	(pc) =	sbr.ind lr, $3  }
0x3a: {  	_ = 	snop  }
0x3b: {  	_ = 	snop  }
0x3c: {  	p2 =	seq.s32 s10, $0x1;
	s10 =	sld [smem:$0x3FB4]  }
0x3d: {  	_ =	shalt  }
0x3e: {  	_ =	shalt  }
0x3f: {  	_ =	shalt  }
0x40: {  	_ =	shalt  }
0x41: {  	_ =	shalt  }
0x42: {  	_ =	shalt  }
0x43: {  	_ =	shalt  }
0x44: {  	_ =	shalt  }
0x45: {  	_ =	shalt  }
0x46: {  	_ =	shalt  }
0x47: {  	_ =	shalt  }
0x48: {  	_ =	shalt  }
0x49: {  	_ =	shalt  }
0x4a: {  	_ =	shalt  }
0x4b: {  	_ =	shalt  }
0x4c: {  	_ =	shalt  }
0x4d: {  	_ =	shalt  }
0x4e: {  	_ =	shalt  }
0x4f: {  	_ =	shalt  }
0x50: {  	_ =	shalt  }
0x51: {  	_ =	shalt  }
0x52: {  	_ =	shalt  }
0x53: {  	_ =	shalt  }
0x54: {  	_ =	shalt  }
0x55: {  	_ =	shalt  }
0x56: {  	_ =	shalt  }
0x57: {  	_ =	shalt  }
0x58: {  	_ =	shalt  }
0x59: {  	_ =	shalt  }
0x5a: {  	_ =	shalt  }
0x5b: {  	_ =	shalt  }
0x5c: {  	_ =	shalt  }
0x5d: {  	_ =	shalt  }
0x5e: {  	_ =	shalt  }
0x5f: {  	_ =	shalt  }
0x60: {  	_ =	shalt  }
0x61: {  	_ =	shalt  }
0x62: {  	_ =	shalt  }
0x63: {  	_ =	shalt  }
0x64: {  	_ =	shalt  }
0x65: {  	_ =	shalt  }
0x66: {  	_ =	shalt  }
0x67: {  	_ =	shalt  }
0x68: {  	_ =	shalt  }
0x69: {  	_ =	shalt  }
0x6a: {  	_ =	shalt  }
0x6b: {  	_ =	shalt  }
0x6c: {  	_ =	shalt  }
0x6d: {  	_ =	shalt  }
0x6e: {  	_ =	shalt  }
0x6f: {  	_ =	shalt  }
0x70: {  	_ =	shalt  }
0x71: {  	_ =	shalt  }
0x72: {  	_ =	shalt  }
0x73: {  	_ =	shalt  }
0x74: {  	_ =	shalt  }
0x75: {  	_ =	shalt  }
0x76: {  	_ =	shalt  }
0x77: {  	_ =	shalt  }
0x78: {  	_ =	shalt  }
0x79: {  	_ =	shalt  }
0x7a: {  	_ =	shalt  }
0x7b: {  	_ =	shalt  }
0x7c: {  	_ =	shalt  }
0x7d: {  	_ =	shalt  }
0x7e: {  	_ =	shalt  }
0x7f: {  	_ =	shalt  }
0x80: {  	_ =	shalt  }
0x81: {  	_ =	shalt  }
0x82: {  	_ =	shalt  }
0x83: {  	_ =	shalt  }
0x84: {  	_ =	shalt  }
0x85: {  	_ =	shalt  }
0x86: {  	_ =	shalt  }
0x87: {  	_ =	shalt  }
.Lfunc_end0:
.L_simem_size_0:
called_computation_lowered:
.L_overlay_start_0:
0x88: {  	s2 =	sld [smem:$0x3FD9]  }
0x89: {  	s3 =	sld [smem:$0x3FFE];
	_ =	sdelay $0x1  }
0x8a: {  	s1 =	srdreg.scid  }
0x8b: {  	s0 =	sand.u32 $0x1, s1  }
0x8c: {  	s17 =	sshll.u32 s0, $0xA;
	s2 =	sadd.s32 s3, s2  }
0x8d: {  	s2 =	sadd.s32 s2, s17  }
0x8e: {  	[smem:$0x3FC0] =	sst s2  }
0x8f: {  	_ = 	snop  }
0x90: {  	s2 =	sld [smem:$0x3FD0];
	(tm) =	ssettm $0x1  }
0x91: {  	s18 =	sld [smem:$0x3FFB];
	_ =	sdelay $0x3  }
0x92: {  	_ =	strace s18  }
0x93: {  	s3 =	sld [smem:$0x3FFC];
	_ =	sdelay $0x3  }
0x94: {  	_ =	strace s3  }
0x95: {  	s3 =	sld [smem:$0x3FFD];
	_ =	sdelay $0x3  }
0x96: {  	_ =	strace s3  }
0x97: {  	_ =	strace $0x8FFFFFFF  }
0x98: {  	s19 =	sld [smem:$0x3FDB];
	_ =	sdelay $0x1  }
0x99: {  	s4 =	simm.s32 $_scs_section_size  }
0x9a: {  	s5 =	simm.s32 $_size__tile_overlayer_lowered;
	s6 =	simm.s32 $_tile_overlayer_lowered  }
0x9b: {  	s22 =	simm.s32 $0x1BFF;
	s21 =	sshll.u32 s6, $0x1;
	s3 =	sadd.s32 s4, s19  }
0x9c: {  	s7 =	simm.s32 $0x0;
	s20 =	sshll.u32 s5, $0x1;
	s5 =	sadd.s32 s21, s3  }
0x9d: {  	[timem:s7], [sflag:s22] =	dma.local [hbm:s5], s20  }
0x9e: {  	_ =	swait.ge [sflag:s22], s20  }
0x9f: {  	s4 =	ssub.s32 $0x0, s20;
	[sflag:s22] =	ssyncset.done $0x0  }
0xa0: {  	[sflag:s22] =	ssyncadd.s32 s4;
	_ =	sdelay $0x1  }
0xa1: {  	s23 =	simm.s32 $0x1B8B  }
0xa2: {  	_ =	swait.ge [sflag:s23], $0x1  }
0xa3: {  	[sflag:s23] =	ssyncset.done $0x0  }
0xa4: {  	s25 =	simm.s32 $0x1B8E;
	s24 =	sld [smem:$0x3FFE];
	[sflag:s23] =	ssyncadd.s32 $0xFFFFFFFF  }
0xa5: {  	s26 =	simm.s32 $execute0_lowered;
	[smem:$0x3FD2] =	sst s25  }
0xa6: {  	s5 =	sshll.u32 s26, $0x1;
	_ =	strace $0x80000046;
	[dreg:$0x1] =	wrdreg $0xFFFFFFFF  }
0xa7: {  	s28 =	simm.s32 $_size_execute0_lowered;
	s3 =	sadd.s32 s3, s5;
	[dreg:$0x0] =	wrdreg $0x0  }
0xa8: {  	s5 =	sshll.u32 s28, $0x1;
	[dreg:$0x2] =	wrdreg s3  }
0xa9: {  	[dreg:$0x3] =	wrdreg s5  }
0xaa: {  	[dreg:$0x4] =	wrdreg $0xC0  }
0xab: {  	_ =	task [dreg:s7], $0x5FFFF  }
0xac: {  	[dreg:$0x1] =	wrdreg $0xFFFFFFFF  }
0xad: {  	[dreg:$0x0] =	wrdreg $0x60  }
0xae: {  	[dreg:$0x2] =	wrdreg s2  }
0xaf: {  	[dreg:$0x3] =	wrdreg s24  }
0xb0: {  	[dreg:$0x4] =	wrdreg $0xAA000  }
0xb1: {  	[dreg:$0x5] =	wrdreg $0x9  }
0xb2: {  	_ =	task.clear_ibuf [dreg:s7], $0x6FFFF;
	_ =	strace $0x90000046  }
0xb3: {  	s29 =	simm.s32 $0x9;
	_ =	strace $0x80000048  }
0xb4: {  	_ =	swait.ge [sflag:s29], $0x1  }
0xb5: {  	[sflag:s29] =	ssyncadd.s32 $0xFFFFFFFF  }
0xb6: {  	_ =	strace $0x90000048  }
0xb7: {  	_ =	sfence  }
0xb8: {  	s30 =	sld [smem:$0x0];
	_ =	sdelay $0x2  }
0xb9: {  	s31 =	sshll.u32 s1, $0xD;
	s1 =	sshrl.u32 s1, $0x2  }
0xba: {  	s3 =	sand.u32 $0x4000, s31;
	s1 =	sadd.s32 s1, s30  }
0xbb: {  	s0 =	sor.u32 s3, s0;
	s1 =	sshll.u32 s1, $0x11  }
0xbc: {  	s0 =	sor.u32 s1, s0  }
0xbd: {  	s0 =	sadd.s32 $0x8F2B, s0  }
0xbe: {  	[sflag:s0] =	ssyncadd.remote.s32 $0x1  }
0xbf: {  	_ =	sfence.sel $0xFFFF  }
0xc0: {  	[dreg:$0x0] =	wrdreg $0xFFFFFFFF;
	(pc) =	sbr.abs _section_cstart, $3  }
0xc1: {  	[dreg:$0x1] =	wrdreg $0xFFFFFFFF  }
0xc2: {  	_ =	task.clear_ibuf [dreg:s7], $0x2FFFF;
	_ =	strace $0x9FFFFFFF  }
0xc3: {  	(tm) =	ssettm $0x7FFFFFFF  }
tec
execute0_lowered:
.L_overlay_start_1:
0x0: {  	(tag) =	ssettag $0x1  }
0x1: {  	s1 =	rddreg [dreg:$0x0]  }
0x2: {  	s0 =	rddreg [dreg:$0x1]  }
0x3: {  	s2 =	rddreg [dreg:$0x2];
	s3 =	srdreg.scid  }
0x4: {  	s4 =	simm.s32 $0x0;
	s10 =	stileid.u32;
	s14 =	simm.s32 $0x9  }
0x5: {  	s16 =	simm.s32 $0x40;
	s17 =	simm.s32 $0x2A00;
	s18 =	simm.s32 $0x4A00  }
0x6: {  	s28 =	simm.s32 $0x2880;
	s29 =	simm.s32 $0x6;
	s30 =	simm.s32 $0x3  }
0x7: {  	s31 =	simm.s32 $0x2900;
	s15 =	simm.s32 $0x8;
	s3 =	sand.u32 $0x1, s3  }
0x8: {  	[smem:$0x7FF] =	sst s4;
	s6 =	smul.u32 $0x13C00, s10;
	s7 =	sadd.s32 $0xC400, s0  }
0x9: {  	s8 =	sadd.s32 $0x2400, s0;
	s20 =	sadd.s32 $0x16400, s0;
	s22 =	smul.u32 $0x4F000, s10  }
0xa: {  	s21 =	sshll.u32 s10, $0x1;
	s24 =	sshll.u32 s10, $0x6;
	s5 =	smul.u32 $0x13C000, s3  }
0xb: {  	_ =	strace $0x80000047;
	[dreg:$0x4] =	wrdreg s20;
	s9 =	ssub.s32 $0x2, s3  }
0xc: {  	s3 =	sor.u32 s3, s21;
	s20 =	simm.s32 $0x6A00;
	s21 =	simm.s32 $0xC0  }
0xd: {  	s23 =	sshrl.u32 s9, $0x1;
	s3 =	smul.u32 $0x2800, s3;
	s5 =	sadd.s32 s6, s5  }
0xe: {  	s6 =	sshrl.u32 s22, $0x2;
	s22 =	simm.s32 $0x8A00;
	s5 =	sshrl.u32 s5, $0x3  }
0xf: {  	s13 =	sadd.s32 s6, s2;
	s6 =	sor.u32 $0x1C09, s24;
	s3 =	sshrl.u32 s3, $0x3  }
0x10: {  	s24 =	simm.s32 $0x2800;
	s0 =	sadd.s32 s5, s0;
	s5 =	ssub.s32 s9, s23  }
0x11: {  	s25 =	sadd.s32 s7, s3;
	s26 =	sadd.s32 s8, s3;
	s3 =	sadd.s32 $0x280, s3  }
0x12: {  	s13 =	sshrl.u32 s13, $0x3;
	s23 =	simm.s32 $0x1;
	[dreg:$0x5] =	wrdreg s25  }
0x13: {  	[dreg:$0x6] =	wrdreg s26;
	s7 =	sadd.s32 s7, s3;
	s10 =	sadd.s32 s8, s3  }
0x14: {  	s11 =	sadd.s32 $0x18C00, s0;
	s12 =	smax.u32 s5, $0x1;
	s25 =	simm.s32 $0x5  }
0x15: {  	s26 =	simm.s32 $0x2;
	s0 =	simm.s32 $0x7;
	s3 =	simm.s32 $0x4  }
0x16: {  	s5 =	simm.s32 $0x2980;
	[dreg:$0x7] =	wrdreg s7;
	s7 =	simm.s32 $0x0  }
.LBB2_1:
0x17: {  	s8 =	rddreg [dreg:$0x4]  }
0x18: {  	[spmem:s13], [sflag:s6] =	dma.local [hbm:s8], $0x2780  }
0x19: {  	_ =	swait.ge [sflag:s14], $0x2780  }
0x1a: {  	[sflag:s14] =	ssyncset.done $0x0  }
0x1b: {  	s9 =	rddreg [dreg:$0x5];
	[sflag:s14] =	ssyncadd.s32 $0xFFFFD880  }
0x1c: {  	[tilespmem:s4], [sflag:$0x9] =	stream.linear.gather [hbm4b:s9+s4], $0x1400, $0x38;
	[tilespmem:$0x1E600] =	vst v63  }
0x1d: {  	_ =	swait.ge [sflag:s14], $0x1400  }
0x1e: {  	[sflag:s14] =	ssyncset.done $0x0  }
0x1f: {  	s9 =	simm.s32 $0x1400;
	s19 =	rddreg [dreg:$0x6];
	[sflag:s14] =	ssyncadd.s32 $0xFFFFEC00  }
0x20: {  	[tilespmem:s9], [sflag:$0x9] =	stream.linear.gather [hbm4b:s19+s4], $0x1400, $0x38;
	[tilespmem:$0x1E600] =	vst v63  }
0x21: {  	_ =	swait.ge [sflag:s14], $0x1400  }
0x22: {  	[sflag:s14] =	ssyncset.done $0x0  }
0x23: {  	[sflag:s14] =	ssyncadd.s32 $0xFFFFEC00  }
0x24: {  	[bflag:$0x0] =	sbarrier.arrive $0xFFFF  }
0x25: {  	v0 =	vld [tilespmem:$0x1400]  }
0x26: {  	v1 =	vld [tilespmem:$0x1410]  }
0x27: {  	v2 =	vld [tilespmem:$0x1420]  }
0x28: {  	v3 =	vld [tilespmem:$0x1430];
	_ =	sdelay $0x1  }
0x29: {  	[tilespmem:$0x2800] =	vst v0  }
0x2a: {  	[tilespmem:$0x2810] =	vst v1  }
0x2b: {  	[tilespmem:$0x2820] =	vst v2  }
0x2c: {  	[tilespmem:$0x2830] =	vst v3  }
0x2d: {  	[tilespmem:s17], [sflag:$0x1] =	stream.indirect.gather [hbm4b:s1+s16], $0x80, s4, s16, $0xb8;
	[tilespmem:$0x1E600] =	vst v63  }
0x2e: {  	v48 =	vld [tilespmem:$0x1440]  }
0x2f: {  	v49 =	vld [tilespmem:$0x1450]  }
0x30: {  	v50 =	vld [tilespmem:$0x1460]  }
0x31: {  	v51 =	vld [tilespmem:$0x1470];
	_ =	sdelay $0x1  }
0x32: {  	[tilespmem:$0x2880] =	vst v48  }
0x33: {  	[tilespmem:$0x2890] =	vst v49  }
0x34: {  	[tilespmem:$0x28A0] =	vst v50  }
0x35: {  	[tilespmem:$0x28B0] =	vst v51  }
0x36: {  	[tilespmem:s18], [sflag:$0x2] =	stream.indirect.gather [hbm4b:s1+s16], $0x80, s16, s16, $0xb8;
	[tilespmem:$0x1E600] =	vst v63  }
0x37: {  	v52 =	vld [tilespmem:$0x1480]  }
0x38: {  	v53 =	vld [tilespmem:$0x1490]  }
0x39: {  	v54 =	vld [tilespmem:$0x14A0]  }
0x3a: {  	v55 =	vld [tilespmem:$0x14B0];
	_ =	sdelay $0x1  }
0x3b: {  	[tilespmem:$0x2900] =	vst v52  }
0x3c: {  	[tilespmem:$0x2910] =	vst v53  }
0x3d: {  	[tilespmem:$0x2920] =	vst v54  }
0x3e: {  	s19 =	simm.s32 $0x80;
	[tilespmem:$0x2930] =	vst v55  }
0x3f: {  	[tilespmem:s20], [sflag:$0x3] =	stream.indirect.gather [hbm4b:s1+s16], $0x80, s19, s16, $0xb8;
	[tilespmem:$0x1E600] =	vst v63  }
0x40: {  	v56 =	vld [tilespmem:$0x14C0]  }
0x41: {  	v57 =	vld [tilespmem:$0x14D0]  }
0x42: {  	v58 =	vld [tilespmem:$0x14E0]  }
0x43: {  	v59 =	vld [tilespmem:$0x14F0];
	_ =	sdelay $0x1  }
0x44: {  	[tilespmem:$0x2980] =	vst v56  }
0x45: {  	[tilespmem:$0x2990] =	vst v57  }
0x46: {  	[tilespmem:$0x29A0] =	vst v58  }
0x47: {  	[tilespmem:$0x29B0] =	vst v59  }
0x48: {  	[tilespmem:s22], [sflag:$0x4] =	stream.indirect.gather [hbm4b:s1+s16], $0x80, s21, s16, $0xb8;
	[tilespmem:$0x1E600] =	vst v63  }
0x49: {  	_ =	swait.ge [sflag:s23], $0x2000  }
0x4a: {  	[sflag:s23] =	ssyncset.done $0x0  }
0x4b: {  	[sflag:s23] =	ssyncadd.s32 $0xFFFFE000  }
0x4c: {  	[spmem:s2] =	stream.indirect.scatter.add.f32 [tilespmem:s17], [sflag:$0x5], $0x80, s24, s16, $0xb8;
	[tilespmem:$0x1E600] =	vst v63  }
0x4d: {  	_ =	swait.ge [sflag:s25], $0x2000  }
0x4e: {  	[sflag:s25] =	ssyncset.done $0x0  }
0x4f: {  	s8 =	simm.s32 $0x0;
	[sflag:s25] =	ssyncadd.s32 $0xFFFFE000  }
0x50: {  	v60 =	vld [tilespmem:s8+$0x1500];
	_ =	sdelay $0x4  }
0x51: {  	[tilespmem:$0x2800] =	vst v60  }
0x52: {  	v0 =	vld [tilespmem:s8+$0x1510];
	_ =	sdelay $0x4  }
0x53: {  	[tilespmem:$0x2810] =	vst v0  }
0x54: {  	v0 =	vld [tilespmem:s8+$0x1520];
	_ =	sdelay $0x4  }
0x55: {  	[tilespmem:$0x2820] =	vst v0  }
0x56: {  	v0 =	vld [tilespmem:s8+$0x1530];
	_ =	sdelay $0x4  }
0x57: {  	s19 =	simm.s32 $0x100;
	[tilespmem:$0x2830] =	vst v0  }
0x58: {  	[tilespmem:s17], [sflag:$0x1] =	stream.indirect.gather [hbm4b:s1+s16], $0x80, s19, s16, $0xb8;
	[tilespmem:$0x1E600] =	vst v63  }
0x59: {  	_ =	swait.ge [sflag:s26], $0x2000  }
0x5a: {  	[sflag:s26] =	ssyncset.done $0x0  }
0x5b: {  	[sflag:s26] =	ssyncadd.s32 $0xFFFFE000  }
0x5c: {  	[spmem:s2] =	stream.indirect.scatter.add.f32 [tilespmem:s18], [sflag:$0x6], $0x80, s28, s16, $0xb8;
	[tilespmem:$0x1E600] =	vst v63  }
0x5d: {  	_ =	swait.ge [sflag:s29], $0x2000  }
0x5e: {  	[sflag:s29] =	ssyncset.done $0x0  }
0x5f: {  	[sflag:s29] =	ssyncadd.s32 $0xFFFFE000  }
0x60: {  	v61 =	vld [tilespmem:s8+$0x1540];
	_ =	sdelay $0x4  }
0x61: {  	[tilespmem:$0x2880] =	vst v61  }
0x62: {  	v0 =	vld [tilespmem:s8+$0x1550];
	_ =	sdelay $0x4  }
0x63: {  	[tilespmem:$0x2890] =	vst v0  }
0x64: {  	v0 =	vld [tilespmem:s8+$0x1560];
	_ =	sdelay $0x4  }
0x65: {  	[tilespmem:$0x28A0] =	vst v0  }
0x66: {  	v0 =	vld [tilespmem:s8+$0x1570];
	_ =	sdelay $0x4  }
0x67: {  	s9 =	simm.s32 $0x140;
	[tilespmem:$0x28B0] =	vst v0  }
0x68: {  	[tilespmem:s18], [sflag:$0x2] =	stream.indirect.gather [hbm4b:s1+s16], $0x80, s9, s16, $0xb8;
	[tilespmem:$0x1E600] =	vst v63  }
0x69: {  	_ =	swait.ge [sflag:s30], $0x2000  }
0x6a: {  	[sflag:s30] =	ssyncset.done $0x0  }
0x6b: {  	[sflag:s30] =	ssyncadd.s32 $0xFFFFE000  }
0x6c: {  	[spmem:s2] =	stream.indirect.scatter.add.f32 [tilespmem:s20], [sflag:$0x7], $0x80, s31, s16, $0xb8;
	[tilespmem:$0x1E600] =	vst v63  }
0x6d: {  	_ =	swait.ge [sflag:s0], $0x2000  }
0x6e: {  	[sflag:s0] =	ssyncset.done $0x0  }
0x6f: {  	[sflag:s0] =	ssyncadd.s32 $0xFFFFE000  }
0x70: {  	v62 =	vld [tilespmem:s8+$0x1580];
	_ =	sdelay $0x4  }
0x71: {  	[tilespmem:$0x2900] =	vst v62  }
0x72: {  	v0 =	vld [tilespmem:s8+$0x1590];
	_ =	sdelay $0x4  }
0x73: {  	[tilespmem:$0x2910] =	vst v0  }
0x74: {  	v0 =	vld [tilespmem:s8+$0x15A0];
	_ =	sdelay $0x4  }
0x75: {  	[tilespmem:$0x2920] =	vst v0  }
0x76: {  	v0 =	vld [tilespmem:s8+$0x15B0];
	_ =	sdelay $0x4  }
0x77: {  	s9 =	simm.s32 $0x180;
	[tilespmem:$0x2930] =	vst v0  }
0x78: {  	[tilespmem:s20], [sflag:$0x3] =	stream.indirect.gather [hbm4b:s1+s16], $0x80, s9, s16, $0xb8;
	[tilespmem:$0x1E600] =	vst v63  }
0x79: {  	_ =	swait.ge [sflag:s3], $0x2000  }
0x7a: {  	[sflag:s3] =	ssyncset.done $0x0  }
0x7b: {  	[sflag:s3] =	ssyncadd.s32 $0xFFFFE000  }
0x7c: {  	[spmem:s2] =	stream.indirect.scatter.add.f32 [tilespmem:s22], [sflag:$0x8], $0x80, s5, s16, $0xb8;
	[tilespmem:$0x1E600] =	vst v63  }
0x7d: {  	_ =	swait.ge [sflag:s15], $0x2000  }
0x7e: {  	[sflag:s15] =	ssyncset.done $0x0  }
0x7f: {  	[sflag:s15] =	ssyncadd.s32 $0xFFFFE000  }
0x80: {  	v63 =	vld [tilespmem:s8+$0x15C0];
	_ =	sdelay $0x4  }
0x81: {  	[tilespmem:$0x2980] =	vst v63  }
0x82: {  	v0 =	vld [tilespmem:s8+$0x15D0];
	_ =	sdelay $0x4  }
0x83: {  	[tilespmem:$0x2990] =	vst v0  }
0x84: {  	v0 =	vld [tilespmem:s8+$0x15E0];
	_ =	sdelay $0x4  }
0x85: {  	[tilespmem:$0x29A0] =	vst v0  }
0x86: {  	v0 =	vld [tilespmem:s8+$0x15F0];
	_ =	sdelay $0x4  }
0x87: {  	s19 =	simm.s32 $0x1C0;
	[tilespmem:$0x29B0] =	vst v0  }
0x88: {  	[tilespmem:s22], [sflag:$0x4] =	stream.indirect.gather [hbm4b:s1+s16], $0x80, s19, s16, $0xb8;
	[tilespmem:$0x1E600] =	vst v63  }
0x89: {  	_ =	swait.ge [sflag:s23], $0x2000  }
0x8a: {  	[sflag:s23] =	ssyncset.done $0x0  }
0x8b: {  	s8 =	simm.s32 $0x400;
	[sflag:s23] =	ssyncadd.s32 $0xFFFFE000  }
.LBB2_2:
0x8c: {  	[spmem:s2] =	stream.indirect.scatter.add.f32 [tilespmem:s17], [sflag:$0x5], $0x80, s24, s16, $0xb8;
	[tilespmem:$0x1E600] =	vst v63  }
0x8d: {  	s19 =	smov.u32 s8  }
0x8e: {  	p0 =	sne.s32 s8, $0x4800;
	s8 =	sadd.s32 $0x400, s8;
	_ =	swait.ge [sflag:s25], $0x2000  }
0x8f: {  	[sflag:s25] =	ssyncset.done $0x0  }
0x90: {  	s19 =	sshra.s32 s19, $0x2;
	[sflag:s25] =	ssyncadd.s32 $0xFFFFE000  }
0x91: {  	v0 =	vld [tilespmem:s19+$0x1500];
	_ =	sdelay $0x4  }
0x92: {  	[tilespmem:$0x2800] =	vst v0  }
0x93: {  	v0 =	vld [tilespmem:s19+$0x1510];
	_ =	sdelay $0x4  }
0x94: {  	[tilespmem:$0x2810] =	vst v0  }
0x95: {  	v0 =	vld [tilespmem:s19+$0x1520];
	_ =	sdelay $0x4  }
0x96: {  	[tilespmem:$0x2820] =	vst v0  }
0x97: {  	v0 =	vld [tilespmem:s19+$0x1530];
	_ =	sdelay $0x4  }
0x98: {  	s9 =	sadd.s32 $0x100, s19;
	[tilespmem:$0x2830] =	vst v0  }
0x99: {  	[tilespmem:s17], [sflag:$0x1] =	stream.indirect.gather [hbm4b:s1+s16], $0x80, s9, s16, $0xb8;
	[tilespmem:$0x1E600] =	vst v63  }
0x9a: {  	_ =	swait.ge [sflag:s26], $0x2000  }
0x9b: {  	[sflag:s26] =	ssyncset.done $0x0  }
0x9c: {  	[sflag:s26] =	ssyncadd.s32 $0xFFFFE000  }
0x9d: {  	[spmem:s2] =	stream.indirect.scatter.add.f32 [tilespmem:s18], [sflag:$0x6], $0x80, s28, s16, $0xb8;
	[tilespmem:$0x1E600] =	vst v63  }
0x9e: {  	_ =	swait.ge [sflag:s29], $0x2000  }
0x9f: {  	[sflag:s29] =	ssyncset.done $0x0  }
0xa0: {  	[sflag:s29] =	ssyncadd.s32 $0xFFFFE000  }
0xa1: {  	v0 =	vld [tilespmem:s19+$0x1540];
	_ =	sdelay $0x4  }
0xa2: {  	[tilespmem:$0x2880] =	vst v0  }
0xa3: {  	v0 =	vld [tilespmem:s19+$0x1550];
	_ =	sdelay $0x4  }
0xa4: {  	[tilespmem:$0x2890] =	vst v0  }
0xa5: {  	v0 =	vld [tilespmem:s19+$0x1560];
	_ =	sdelay $0x4  }
0xa6: {  	[tilespmem:$0x28A0] =	vst v0  }
0xa7: {  	v0 =	vld [tilespmem:s19+$0x1570];
	_ =	sdelay $0x4  }
0xa8: {  	s9 =	sadd.s32 $0x140, s19;
	[tilespmem:$0x28B0] =	vst v0  }
0xa9: {  	[tilespmem:s18], [sflag:$0x2] =	stream.indirect.gather [hbm4b:s1+s16], $0x80, s9, s16, $0xb8;
	[tilespmem:$0x1E600] =	vst v63  }
0xaa: {  	_ =	swait.ge [sflag:s30], $0x2000  }
0xab: {  	[sflag:s30] =	ssyncset.done $0x0  }
0xac: {  	[sflag:s30] =	ssyncadd.s32 $0xFFFFE000  }
0xad: {  	[spmem:s2] =	stream.indirect.scatter.add.f32 [tilespmem:s20], [sflag:$0x7], $0x80, s31, s16, $0xb8;
	[tilespmem:$0x1E600] =	vst v63  }
0xae: {  	_ =	swait.ge [sflag:s0], $0x2000  }
0xaf: {  	[sflag:s0] =	ssyncset.done $0x0  }
0xb0: {  	[sflag:s0] =	ssyncadd.s32 $0xFFFFE000  }
0xb1: {  	v0 =	vld [tilespmem:s19+$0x1580];
	_ =	sdelay $0x4  }
0xb2: {  	[tilespmem:$0x2900] =	vst v0  }
0xb3: {  	v0 =	vld [tilespmem:s19+$0x1590];
	_ =	sdelay $0x4  }
0xb4: {  	[tilespmem:$0x2910] =	vst v0  }
0xb5: {  	v0 =	vld [tilespmem:s19+$0x15A0];
	_ =	sdelay $0x4  }
0xb6: {  	[tilespmem:$0x2920] =	vst v0  }
0xb7: {  	v0 =	vld [tilespmem:s19+$0x15B0];
	_ =	sdelay $0x4  }
0xb8: {  	s9 =	sadd.s32 $0x180, s19;
	[tilespmem:$0x2930] =	vst v0  }
0xb9: {  	[tilespmem:s20], [sflag:$0x3] =	stream.indirect.gather [hbm4b:s1+s16], $0x80, s9, s16, $0xb8;
	[tilespmem:$0x1E600] =	vst v63  }
0xba: {  	_ =	swait.ge [sflag:s3], $0x2000  }
0xbb: {  	[sflag:s3] =	ssyncset.done $0x0  }
0xbc: {  	[sflag:s3] =	ssyncadd.s32 $0xFFFFE000  }
0xbd: {  	[spmem:s2] =	stream.indirect.scatter.add.f32 [tilespmem:s22], [sflag:$0x8], $0x80, s5, s16, $0xb8;
	[tilespmem:$0x1E600] =	vst v63  }
0xbe: {  	_ =	swait.ge [sflag:s15], $0x2000  }
0xbf: {  	[sflag:s15] =	ssyncset.done $0x0  }
0xc0: {  	[sflag:s15] =	ssyncadd.s32 $0xFFFFE000  }
0xc1: {  	v0 =	vld [tilespmem:s19+$0x15C0];
	_ =	sdelay $0x4  }
0xc2: {  	[tilespmem:$0x2980] =	vst v0  }
0xc3: {  	v0 =	vld [tilespmem:s19+$0x15D0];
	_ =	sdelay $0x4  }
0xc4: {  	[tilespmem:$0x2990] =	vst v0  }
0xc5: {  	v0 =	vld [tilespmem:s19+$0x15E0];
	_ =	sdelay $0x4  }
0xc6: {  	[tilespmem:$0x29A0] =	vst v0  }
0xc7: {  	v0 =	vld [tilespmem:s19+$0x15F0];
	_ =	sdelay $0x4  }
.Ltmp0:
0xc8: {  	s9 =	sadd.s32 $0x1C0, s19;
	[tilespmem:$0x29B0] =	vst v0;
	(pc) =	sbr.rel @p0 .LBB2_2-.Ltmp0, $4  }
0xc9: {  	[tilespmem:s22], [sflag:$0x4] =	stream.indirect.gather [hbm4b:s1+s16], $0x80, s9, s16, $0xb8;
	[tilespmem:$0x1E600] =	vst v63  }
0xca: {  	_ =	swait.ge [sflag:s23], $0x2000  }
0xcb: {  	[sflag:s23] =	ssyncset.done $0x0  }
0xcc: {  	[sflag:s23] =	ssyncadd.s32 $0xFFFFE000  }
0xcd: {  	[spmem:s2] =	stream.indirect.scatter.add.f32 [tilespmem:s17], [sflag:$0x5], $0x80, s24, s16, $0xb8;
	[tilespmem:$0x1E600] =	vst v63  }
0xce: {  	_ =	swait.ge [sflag:s26], $0x2000  }
0xcf: {  	[sflag:s26] =	ssyncset.done $0x0  }
0xd0: {  	[sflag:s26] =	ssyncadd.s32 $0xFFFFE000  }
0xd1: {  	[spmem:s2] =	stream.indirect.scatter.add.f32 [tilespmem:s18], [sflag:$0x6], $0x80, s28, s16, $0xb8;
	[tilespmem:$0x1E600] =	vst v63  }
0xd2: {  	_ =	swait.ge [sflag:s30], $0x2000  }
0xd3: {  	[sflag:s30] =	ssyncset.done $0x0  }
0xd4: {  	[sflag:s30] =	ssyncadd.s32 $0xFFFFE000  }
0xd5: {  	[spmem:s2] =	stream.indirect.scatter.add.f32 [tilespmem:s20], [sflag:$0x7], $0x80, s31, s16, $0xb8;
	[tilespmem:$0x1E600] =	vst v63  }
0xd6: {  	_ =	swait.ge [sflag:s3], $0x2000  }
0xd7: {  	[sflag:s3] =	ssyncset.done $0x0  }
0xd8: {  	[sflag:s3] =	ssyncadd.s32 $0xFFFFE000  }
0xd9: {  	[spmem:s2] =	stream.indirect.scatter.add.f32 [tilespmem:s22], [sflag:$0x8], $0x80, s5, s16, $0xb8;
	[tilespmem:$0x1E600] =	vst v63  }
0xda: {  	s8 =	simm.s32 $0x0;
	s9 =	rddreg [dreg:$0x7]  }
0xdb: {  	[tilespmem:s8], [sflag:$0x9] =	stream.linear.gather [hbm4b:s9+s8], $0x1400, $0x38;
	[tilespmem:$0x1E600] =	vst v63  }
0xdc: {  	_ =	swait.ge [sflag:s14], $0x1400  }
0xdd: {  	[sflag:s14] =	ssyncset.done $0x0  }
0xde: {  	s19 =	simm.s32 $0x1400;
	[sflag:s14] =	ssyncadd.s32 $0xFFFFEC00  }
0xdf: {  	[tilespmem:s19], [sflag:$0x9] =	stream.linear.gather [hbm4b:s10+s8], $0x1400, $0x38;
	[tilespmem:$0x1E600] =	vst v63  }
0xe0: {  	_ =	swait.ge [sflag:s14], $0x1400  }
0xe1: {  	[sflag:s14] =	ssyncset.done $0x0  }
0xe2: {  	[sflag:s14] =	ssyncadd.s32 $0xFFFFEC00  }
0xe3: {  	_ =	swait.ge [sflag:s25], $0x2000  }
0xe4: {  	[sflag:s25] =	ssyncset.done $0x0  }
0xe5: {  	[sflag:s25] =	ssyncadd.s32 $0xFFFFE000  }
0xe6: {  	v0 =	vld [tilespmem:$0x1400]  }
0xe7: {  	v1 =	vld [tilespmem:$0x1410]  }
0xe8: {  	v2 =	vld [tilespmem:$0x1420]  }
0xe9: {  	v3 =	vld [tilespmem:$0x1430];
	_ =	sdelay $0x1  }
0xea: {  	[tilespmem:$0x2800] =	vst v0  }
0xeb: {  	[tilespmem:$0x2810] =	vst v1  }
0xec: {  	[tilespmem:$0x2820] =	vst v2  }
0xed: {  	[tilespmem:$0x2830] =	vst v3  }
0xee: {  	[tilespmem:s17], [sflag:$0x1] =	stream.indirect.gather [hbm4b:s1+s16], $0x80, s8, s16, $0xb8;
	[tilespmem:$0x1E600] =	vst v63  }
0xef: {  	_ =	swait.ge [sflag:s29], $0x2000  }
0xf0: {  	[sflag:s29] =	ssyncset.done $0x0  }
0xf1: {  	[sflag:s29] =	ssyncadd.s32 $0xFFFFE000  }
0xf2: {  	v48 =	vld [tilespmem:$0x1440]  }
0xf3: {  	v49 =	vld [tilespmem:$0x1450]  }
0xf4: {  	v50 =	vld [tilespmem:$0x1460]  }
0xf5: {  	v51 =	vld [tilespmem:$0x1470];
	_ =	sdelay $0x1  }
0xf6: {  	[tilespmem:$0x2880] =	vst v48  }
0xf7: {  	[tilespmem:$0x2890] =	vst v49  }
0xf8: {  	[tilespmem:$0x28A0] =	vst v50  }
0xf9: {  	[tilespmem:$0x28B0] =	vst v51  }
0xfa: {  	[tilespmem:s18], [sflag:$0x2] =	stream.indirect.gather [hbm4b:s1+s16], $0x80, s16, s16, $0xb8;
	[tilespmem:$0x1E600] =	vst v63  }
0xfb: {  	_ =	swait.ge [sflag:s0], $0x2000  }
0xfc: {  	[sflag:s0] =	ssyncset.done $0x0  }
0xfd: {  	[sflag:s0] =	ssyncadd.s32 $0xFFFFE000  }
0xfe: {  	v52 =	vld [tilespmem:$0x1480]  }
0xff: {  	v53 =	vld [tilespmem:$0x1490]  }
0x100: {  	v54 =	vld [tilespmem:$0x14A0]  }
0x101: {  	v55 =	vld [tilespmem:$0x14B0];
	_ =	sdelay $0x1  }
0x102: {  	[tilespmem:$0x2900] =	vst v52  }
0x103: {  	[tilespmem:$0x2910] =	vst v53  }
0x104: {  	[tilespmem:$0x2920] =	vst v54  }
0x105: {  	s9 =	simm.s32 $0x80;
	[tilespmem:$0x2930] =	vst v55  }
0x106: {  	[tilespmem:s20], [sflag:$0x3] =	stream.indirect.gather [hbm4b:s1+s16], $0x80, s9, s16, $0xb8;
	[tilespmem:$0x1E600] =	vst v63  }
0x107: {  	_ =	swait.ge [sflag:s15], $0x2000  }
0x108: {  	[sflag:s15] =	ssyncset.done $0x0  }
0x109: {  	[sflag:s15] =	ssyncadd.s32 $0xFFFFE000  }
0x10a: {  	v56 =	vld [tilespmem:$0x14C0]  }
0x10b: {  	v57 =	vld [tilespmem:$0x14D0]  }
0x10c: {  	v58 =	vld [tilespmem:$0x14E0]  }
0x10d: {  	v59 =	vld [tilespmem:$0x14F0];
	_ =	sdelay $0x1  }
0x10e: {  	[tilespmem:$0x2980] =	vst v56  }
0x10f: {  	[tilespmem:$0x2990] =	vst v57  }
0x110: {  	[tilespmem:$0x29A0] =	vst v58  }
0x111: {  	[tilespmem:$0x29B0] =	vst v59  }
0x112: {  	[tilespmem:s22], [sflag:$0x4] =	stream.indirect.gather [hbm4b:s1+s16], $0x80, s21, s16, $0xb8;
	[tilespmem:$0x1E600] =	vst v63  }
0x113: {  	_ =	swait.ge [sflag:s23], $0x2000  }
0x114: {  	[sflag:s23] =	ssyncset.done $0x0  }
0x115: {  	[sflag:s23] =	ssyncadd.s32 $0xFFFFE000  }
0x116: {  	[spmem:s2] =	stream.indirect.scatter.add.f32 [tilespmem:s17], [sflag:$0x5], $0x80, s24, s16, $0xb8;
	[tilespmem:$0x1E600] =	vst v63  }
0x117: {  	_ =	swait.ge [sflag:s25], $0x2000  }
0x118: {  	[sflag:s25] =	ssyncset.done $0x0  }
0x119: {  	s8 =	simm.s32 $0x0;
	[sflag:s25] =	ssyncadd.s32 $0xFFFFE000  }
0x11a: {  	v60 =	vld [tilespmem:s8+$0x1500];
	_ =	sdelay $0x4  }
0x11b: {  	[tilespmem:$0x2800] =	vst v60  }
0x11c: {  	v0 =	vld [tilespmem:s8+$0x1510];
	_ =	sdelay $0x4  }
0x11d: {  	[tilespmem:$0x2810] =	vst v0  }
0x11e: {  	v0 =	vld [tilespmem:s8+$0x1520];
	_ =	sdelay $0x4  }
0x11f: {  	[tilespmem:$0x2820] =	vst v0  }
0x120: {  	v0 =	vld [tilespmem:s8+$0x1530];
	_ =	sdelay $0x4  }
0x121: {  	s19 =	simm.s32 $0x100;
	[tilespmem:$0x2830] =	vst v0  }
0x122: {  	[tilespmem:s17], [sflag:$0x1] =	stream.indirect.gather [hbm4b:s1+s16], $0x80, s19, s16, $0xb8;
	[tilespmem:$0x1E600] =	vst v63  }
0x123: {  	_ =	swait.ge [sflag:s26], $0x2000  }
0x124: {  	[sflag:s26] =	ssyncset.done $0x0  }
0x125: {  	[sflag:s26] =	ssyncadd.s32 $0xFFFFE000  }
0x126: {  	[spmem:s2] =	stream.indirect.scatter.add.f32 [tilespmem:s18], [sflag:$0x6], $0x80, s28, s16, $0xb8;
	[tilespmem:$0x1E600] =	vst v63  }
0x127: {  	_ =	swait.ge [sflag:s29], $0x2000  }
0x128: {  	[sflag:s29] =	ssyncset.done $0x0  }
0x129: {  	[sflag:s29] =	ssyncadd.s32 $0xFFFFE000  }
0x12a: {  	v61 =	vld [tilespmem:s8+$0x1540];
	_ =	sdelay $0x4  }
0x12b: {  	[tilespmem:$0x2880] =	vst v61  }
0x12c: {  	v0 =	vld [tilespmem:s8+$0x1550];
	_ =	sdelay $0x4  }
0x12d: {  	[tilespmem:$0x2890] =	vst v0  }
0x12e: {  	v0 =	vld [tilespmem:s8+$0x1560];
	_ =	sdelay $0x4  }
0x12f: {  	[tilespmem:$0x28A0] =	vst v0  }
0x130: {  	v0 =	vld [tilespmem:s8+$0x1570];
	_ =	sdelay $0x4  }
0x131: {  	s19 =	simm.s32 $0x140;
	[tilespmem:$0x28B0] =	vst v0  }
0x132: {  	[tilespmem:s18], [sflag:$0x2] =	stream.indirect.gather [hbm4b:s1+s16], $0x80, s19, s16, $0xb8;
	[tilespmem:$0x1E600] =	vst v63  }
0x133: {  	_ =	swait.ge [sflag:s30], $0x2000  }
0x134: {  	[sflag:s30] =	ssyncset.done $0x0  }
0x135: {  	[sflag:s30] =	ssyncadd.s32 $0xFFFFE000  }
0x136: {  	[spmem:s2] =	stream.indirect.scatter.add.f32 [tilespmem:s20], [sflag:$0x7], $0x80, s31, s16, $0xb8;
	[tilespmem:$0x1E600] =	vst v63  }
0x137: {  	_ =	swait.ge [sflag:s0], $0x2000  }
0x138: {  	[sflag:s0] =	ssyncset.done $0x0  }
0x139: {  	[sflag:s0] =	ssyncadd.s32 $0xFFFFE000  }
0x13a: {  	v62 =	vld [tilespmem:s8+$0x1580];
	_ =	sdelay $0x4  }
0x13b: {  	[tilespmem:$0x2900] =	vst v62  }
0x13c: {  	v0 =	vld [tilespmem:s8+$0x1590];
	_ =	sdelay $0x4  }
0x13d: {  	[tilespmem:$0x2910] =	vst v0  }
0x13e: {  	v0 =	vld [tilespmem:s8+$0x15A0];
	_ =	sdelay $0x4  }
0x13f: {  	[tilespmem:$0x2920] =	vst v0  }
0x140: {  	v0 =	vld [tilespmem:s8+$0x15B0];
	_ =	sdelay $0x4  }
0x141: {  	s19 =	simm.s32 $0x180;
	[tilespmem:$0x2930] =	vst v0  }
0x142: {  	[tilespmem:s20], [sflag:$0x3] =	stream.indirect.gather [hbm4b:s1+s16], $0x80, s19, s16, $0xb8;
	[tilespmem:$0x1E600] =	vst v63  }
0x143: {  	_ =	swait.ge [sflag:s3], $0x2000  }
0x144: {  	[sflag:s3] =	ssyncset.done $0x0  }
0x145: {  	[sflag:s3] =	ssyncadd.s32 $0xFFFFE000  }
0x146: {  	[spmem:s2] =	stream.indirect.scatter.add.f32 [tilespmem:s22], [sflag:$0x8], $0x80, s5, s16, $0xb8;
	[tilespmem:$0x1E600] =	vst v63  }
0x147: {  	_ =	swait.ge [sflag:s15], $0x2000  }
0x148: {  	[sflag:s15] =	ssyncset.done $0x0  }
0x149: {  	[sflag:s15] =	ssyncadd.s32 $0xFFFFE000  }
0x14a: {  	v63 =	vld [tilespmem:s8+$0x15C0];
	_ =	sdelay $0x4  }
0x14b: {  	[tilespmem:$0x2980] =	vst v63  }
0x14c: {  	v0 =	vld [tilespmem:s8+$0x15D0];
	_ =	sdelay $0x4  }
0x14d: {  	[tilespmem:$0x2990] =	vst v0  }
0x14e: {  	v0 =	vld [tilespmem:s8+$0x15E0];
	_ =	sdelay $0x4  }
0x14f: {  	[tilespmem:$0x29A0] =	vst v0  }
0x150: {  	v0 =	vld [tilespmem:s8+$0x15F0];
	_ =	sdelay $0x4  }
0x151: {  	s19 =	simm.s32 $0x1C0;
	[tilespmem:$0x29B0] =	vst v0  }
0x152: {  	[tilespmem:s22], [sflag:$0x4] =	stream.indirect.gather [hbm4b:s1+s16], $0x80, s19, s16, $0xb8;
	[tilespmem:$0x1E600] =	vst v63  }
0x153: {  	_ =	swait.ge [sflag:s23], $0x2000  }
0x154: {  	[sflag:s23] =	ssyncset.done $0x0  }
0x155: {  	s8 =	simm.s32 $0x400;
	[sflag:s23] =	ssyncadd.s32 $0xFFFFE000  }
.LBB2_4:
0x156: {  	[spmem:s2] =	stream.indirect.scatter.add.f32 [tilespmem:s17], [sflag:$0x5], $0x80, s24, s16, $0xb8;
	[tilespmem:$0x1E600] =	vst v63  }
0x157: {  	s9 =	smov.u32 s8  }
0x158: {  	p0 =	sne.s32 s8, $0x4800;
	s8 =	sadd.s32 $0x400, s8;
	_ =	swait.ge [sflag:s25], $0x2000  }
0x159: {  	[sflag:s25] =	ssyncset.done $0x0  }
0x15a: {  	s19 =	sshra.s32 s9, $0x2;
	[sflag:s25] =	ssyncadd.s32 $0xFFFFE000  }
0x15b: {  	v0 =	vld [tilespmem:s19+$0x1500];
	_ =	sdelay $0x4  }
0x15c: {  	[tilespmem:$0x2800] =	vst v0  }
0x15d: {  	v0 =	vld [tilespmem:s19+$0x1510];
	_ =	sdelay $0x4  }
0x15e: {  	[tilespmem:$0x2810] =	vst v0  }
0x15f: {  	v0 =	vld [tilespmem:s19+$0x1520];
	_ =	sdelay $0x4  }
0x160: {  	[tilespmem:$0x2820] =	vst v0  }
0x161: {  	v0 =	vld [tilespmem:s19+$0x1530];
	_ =	sdelay $0x4  }
0x162: {  	s9 =	sadd.s32 $0x100, s19;
	[tilespmem:$0x2830] =	vst v0  }
0x163: {  	[tilespmem:s17], [sflag:$0x1] =	stream.indirect.gather [hbm4b:s1+s16], $0x80, s9, s16, $0xb8;
	[tilespmem:$0x1E600] =	vst v63  }
0x164: {  	_ =	swait.ge [sflag:s26], $0x2000  }
0x165: {  	[sflag:s26] =	ssyncset.done $0x0  }
0x166: {  	[sflag:s26] =	ssyncadd.s32 $0xFFFFE000  }
0x167: {  	[spmem:s2] =	stream.indirect.scatter.add.f32 [tilespmem:s18], [sflag:$0x6], $0x80, s28, s16, $0xb8;
	[tilespmem:$0x1E600] =	vst v63  }
0x168: {  	_ =	swait.ge [sflag:s29], $0x2000  }
0x169: {  	[sflag:s29] =	ssyncset.done $0x0  }
0x16a: {  	[sflag:s29] =	ssyncadd.s32 $0xFFFFE000  }
0x16b: {  	v0 =	vld [tilespmem:s19+$0x1540];
	_ =	sdelay $0x4  }
0x16c: {  	[tilespmem:$0x2880] =	vst v0  }
0x16d: {  	v0 =	vld [tilespmem:s19+$0x1550];
	_ =	sdelay $0x4  }
0x16e: {  	[tilespmem:$0x2890] =	vst v0  }
0x16f: {  	v0 =	vld [tilespmem:s19+$0x1560];
	_ =	sdelay $0x4  }
0x170: {  	[tilespmem:$0x28A0] =	vst v0  }
0x171: {  	v0 =	vld [tilespmem:s19+$0x1570];
	_ =	sdelay $0x4  }
0x172: {  	s9 =	sadd.s32 $0x140, s19;
	[tilespmem:$0x28B0] =	vst v0  }
0x173: {  	[tilespmem:s18], [sflag:$0x2] =	stream.indirect.gather [hbm4b:s1+s16], $0x80, s9, s16, $0xb8;
	[tilespmem:$0x1E600] =	vst v63  }
0x174: {  	_ =	swait.ge [sflag:s30], $0x2000  }
0x175: {  	[sflag:s30] =	ssyncset.done $0x0  }
0x176: {  	[sflag:s30] =	ssyncadd.s32 $0xFFFFE000  }
0x177: {  	[spmem:s2] =	stream.indirect.scatter.add.f32 [tilespmem:s20], [sflag:$0x7], $0x80, s31, s16, $0xb8;
	[tilespmem:$0x1E600] =	vst v63  }
0x178: {  	_ =	swait.ge [sflag:s0], $0x2000  }
0x179: {  	[sflag:s0] =	ssyncset.done $0x0  }
0x17a: {  	[sflag:s0] =	ssyncadd.s32 $0xFFFFE000  }
0x17b: {  	v0 =	vld [tilespmem:s19+$0x1580];
	_ =	sdelay $0x4  }
0x17c: {  	[tilespmem:$0x2900] =	vst v0  }
0x17d: {  	v0 =	vld [tilespmem:s19+$0x1590];
	_ =	sdelay $0x4  }
0x17e: {  	[tilespmem:$0x2910] =	vst v0  }
0x17f: {  	v0 =	vld [tilespmem:s19+$0x15A0];
	_ =	sdelay $0x4  }
0x180: {  	[tilespmem:$0x2920] =	vst v0  }
0x181: {  	v0 =	vld [tilespmem:s19+$0x15B0];
	_ =	sdelay $0x4  }
0x182: {  	s9 =	sadd.s32 $0x180, s19;
	[tilespmem:$0x2930] =	vst v0  }
0x183: {  	[tilespmem:s20], [sflag:$0x3] =	stream.indirect.gather [hbm4b:s1+s16], $0x80, s9, s16, $0xb8;
	[tilespmem:$0x1E600] =	vst v63  }
0x184: {  	_ =	swait.ge [sflag:s3], $0x2000  }
0x185: {  	[sflag:s3] =	ssyncset.done $0x0  }
0x186: {  	[sflag:s3] =	ssyncadd.s32 $0xFFFFE000  }
0x187: {  	[spmem:s2] =	stream.indirect.scatter.add.f32 [tilespmem:s22], [sflag:$0x8], $0x80, s5, s16, $0xb8;
	[tilespmem:$0x1E600] =	vst v63  }
0x188: {  	_ =	swait.ge [sflag:s15], $0x2000  }
0x189: {  	[sflag:s15] =	ssyncset.done $0x0  }
0x18a: {  	[sflag:s15] =	ssyncadd.s32 $0xFFFFE000  }
0x18b: {  	v0 =	vld [tilespmem:s19+$0x15C0];
	_ =	sdelay $0x4  }
0x18c: {  	[tilespmem:$0x2980] =	vst v0  }
0x18d: {  	v0 =	vld [tilespmem:s19+$0x15D0];
	_ =	sdelay $0x4  }
0x18e: {  	[tilespmem:$0x2990] =	vst v0  }
0x18f: {  	v0 =	vld [tilespmem:s19+$0x15E0];
	_ =	sdelay $0x4  }
0x190: {  	[tilespmem:$0x29A0] =	vst v0  }
0x191: {  	v0 =	vld [tilespmem:s19+$0x15F0];
	_ =	sdelay $0x4  }
.Ltmp1:
0x192: {  	s9 =	sadd.s32 $0x1C0, s19;
	[tilespmem:$0x29B0] =	vst v0;
	(pc) =	sbr.rel @p0 .LBB2_4-.Ltmp1, $4  }
0x193: {  	[tilespmem:s22], [sflag:$0x4] =	stream.indirect.gather [hbm4b:s1+s16], $0x80, s9, s16, $0xb8;
	[tilespmem:$0x1E600] =	vst v63  }
0x194: {  	_ =	swait.ge [sflag:s23], $0x2000  }
0x195: {  	[sflag:s23] =	ssyncset.done $0x0  }
0x196: {  	[sflag:s23] =	ssyncadd.s32 $0xFFFFE000  }
0x197: {  	[spmem:s2] =	stream.indirect.scatter.add.f32 [tilespmem:s17], [sflag:$0x5], $0x80, s24, s16, $0xb8;
	[tilespmem:$0x1E600] =	vst v63  }
0x198: {  	_ =	swait.ge [sflag:s26], $0x2000  }
0x199: {  	[sflag:s26] =	ssyncset.done $0x0  }
0x19a: {  	[sflag:s26] =	ssyncadd.s32 $0xFFFFE000  }
0x19b: {  	[spmem:s2] =	stream.indirect.scatter.add.f32 [tilespmem:s18], [sflag:$0x6], $0x80, s28, s16, $0xb8;
	[tilespmem:$0x1E600] =	vst v63  }
0x19c: {  	_ =	swait.ge [sflag:s30], $0x2000  }
0x19d: {  	[sflag:s30] =	ssyncset.done $0x0  }
0x19e: {  	[sflag:s30] =	ssyncadd.s32 $0xFFFFE000  }
0x19f: {  	[spmem:s2] =	stream.indirect.scatter.add.f32 [tilespmem:s20], [sflag:$0x7], $0x80, s31, s16, $0xb8;
	[tilespmem:$0x1E600] =	vst v63  }
0x1a0: {  	_ =	swait.ge [sflag:s3], $0x2000  }
0x1a1: {  	[sflag:s3] =	ssyncset.done $0x0  }
0x1a2: {  	[sflag:s3] =	ssyncadd.s32 $0xFFFFE000  }
0x1a3: {  	[spmem:s2] =	stream.indirect.scatter.add.f32 [tilespmem:s22], [sflag:$0x8], $0x80, s5, s16, $0xb8;
	[tilespmem:$0x1E600] =	vst v63  }
0x1a4: {  	_ =	swait.ge [sflag:s25], $0x2000  }
0x1a5: {  	[sflag:s25] =	ssyncset.done $0x0  }
0x1a6: {  	[sflag:s25] =	ssyncadd.s32 $0xFFFFE000  }
0x1a7: {  	_ =	swait.ge [sflag:s29], $0x2000  }
0x1a8: {  	[sflag:s29] =	ssyncset.done $0x0  }
0x1a9: {  	[sflag:s29] =	ssyncadd.s32 $0xFFFFE000  }
0x1aa: {  	_ =	swait.ge [sflag:s0], $0x2000  }
0x1ab: {  	[sflag:s0] =	ssyncset.done $0x0  }
0x1ac: {  	[sflag:s0] =	ssyncadd.s32 $0xFFFFE000  }
0x1ad: {  	_ =	swait.ge [sflag:s15], $0x2000  }
0x1ae: {  	s7 =	sadd.s32 $0x1, s7;
	[sflag:s15] =	ssyncset.done $0x0  }
0x1af: {  	p0 =	sne.s32 s7, s12;
	[sflag:s15] =	ssyncadd.s32 $0xFFFFE000  }
.Ltmp2:
0x1b0: {  	[bflag:$0x0] =	sbarrier.arrive $0xFFFF;
	(pc) =	sbr.rel @p0 .LBB2_1-.Ltmp2, $4  }
0x1b1: {  	[hbm:s11], [sflag:s6] =	dma.local [spmem:s13], $0x2780  }
0x1b2: {  	_ =	swait.ge [sflag:s14], $0x2780  }
0x1b3: {  	[sflag:s14] =	ssyncset.done $0x0  }
0x1b4: {  	[sflag:s14] =	ssyncadd.s32 $0xFFFFD880  }
0x1b5: {  	_ =	sfence.sel $0x180000  }
0x1b6: {  	[bflag:$0x0] =	sbarrier.arrive $0xFFFF  }
0x1b7: {  	_ =	strace $0x90000047  }
0x1b8: {  	s0 =	stileid.u32;
	[bflag:$0x2] =	sbarrier.arrive $0xFFFF  }
0x1b9: {  	p0 =	sne.s32 s0, $0x0;
	s0 =	rddreg [dreg:$0x3]  }
0x1ba: {  	s0 =	sadd.s32 @!p0 $0x100000, s0  }
0x1bb: {  	[sflag:s0] =	ssyncadd.tile.s32 @!p0 $0x1;
	_ =	shalt  }
.Lfunc_end2:
_tile_overlayer_lowered:
.L_overlay_start_2:
0x1bc: {  	(tag) =	ssettag $0x2  }
0x1bd: {  	s0 =	rddreg [dreg:$0x0];
	s2 =	stileid.u32  }
0x1be: {  	s1 =	rddreg [dreg:$0x1];
	p0 =	sne.s32 s2, $0x0  }
0x1bf: {  	s3 =	rddreg [dreg:$0x2];
	[bflag:$0x3] =	sbarrier.arrive $0xFFFF;
	s2 =	simm.s32 @!p0 $0x1C09  }
0x1c0: {  	[timem:s3], [sflag:s2] =	dma.local @!p0 [hbm:s0], s1  }
0x1c1: {  	s0 =	simm.s32 @!p0 $0x9  }
0x1c2: {  	_ =	swait.ge @!p0 [sflag:s0], s1  }
0x1c3: {  	s1 =	ssub.s32 @!p0 $0x0, s1;
	[sflag:s0] =	ssyncset.done @!p0 $0x0  }
0x1c4: {  	[sflag:s0] =	ssyncadd.s32 @!p0 s1  }
0x1c5: {  	[bflag:$0x3] =	sbarrier.arrive $0xFFFF  }
0x1c6: {  	_ =	shalt  }

</sc_bundles>
